<compile_context>
chip_gen: v7x
topology: tpu7x:2x2x1
jax: 0.10.2.dev20260603
libtpu: 0.0.44.dev20260713+nightly
codegen_flags: <defaults>
</compile_context>

<pallas_src>
import functools

import jax
import jax.numpy as jnp
from jax import lax
from jax.experimental import pallas as pl
from jax.experimental.pallas import tpu as pltpu
from jax.experimental.pallas import tpu_sc as plsc

LANES = 16
CHUNK_BAGS = 4
SPLIT = 104
NBUF = 8


def _sc_pooled_sum(xf, table, batch, seq, dim):
    info = plsc.get_sparse_core_info()
    nc, ns = info.num_cores, info.num_subcores
    nw = nc * ns
    bags_w = batch // nw
    rpc = CHUNK_BAGS * seq
    nchunks_w = bags_w // CHUNK_BAGS
    idx_w = bags_w * seq
    mesh = plsc.VectorSubcoreMesh(core_axis_name="c", subcore_axis_name="s")

    @functools.partial(
        pl.kernel,
        mesh=mesh,
        compiler_params=pltpu.CompilerParams(use_tc_tiling_on_sc=False),
        out_type=jax.ShapeDtypeStruct((batch, dim), jnp.float32),
        scratch_types=[
            pltpu.VMEM((idx_w,), jnp.int32),
            pltpu.VMEM((NBUF, SPLIT, dim), jnp.float32),
            pltpu.VMEM((NBUF, rpc - SPLIT, dim), jnp.float32),
            pltpu.VMEM((bags_w, dim), jnp.float32),
            pltpu.SemaphoreType.DMA,
        ],
    )
    def sc_kernel(x_hbm, table_hbm, out_hbm, idx_v, rows_a, rows_b, out_v, sem):
        wid = lax.axis_index("s") * nc + lax.axis_index("c")
        pltpu.sync_copy(x_hbm.at[pl.ds(wid * idx_w, idx_w)], idx_v)

        def descs(chunk, slot):
            base = chunk * rpc
            da = pltpu.make_async_copy(
                table_hbm.at[idx_v.at[pl.ds(base, SPLIT)]],
                rows_a.at[slot], sem)
            db = pltpu.make_async_copy(
                table_hbm.at[idx_v.at[pl.ds(base + SPLIT, rpc - SPLIT)]],
                rows_b.at[slot], sem)
            return da, db

        def gather(chunk, slot):
            da, db = descs(chunk, slot)
            da.start()
            db.start()

        def wait_slot(chunk, slot):
            da, db = descs(chunk, slot)
            da.wait()
            db.wait()

        for b in range(NBUF):
            gather(b, b)

        def body(j, carry):
            slot = lax.rem(j, NBUF)
            wait_slot(j, slot)
            ra = rows_a.at[slot]
            rb = rows_b.at[slot]
            for bag in range(CHUNK_BAGS):
                for h in range(dim // LANES):
                    sl = pl.ds(h * LANES, LANES)

                    def ld(gr):
                        if gr < SPLIT:
                            return ra[gr, sl]
                        return rb[gr - SPLIT, sl]

                    base = bag * seq
                    s0 = ld(base)
                    s1 = ld(base + 1)
                    for l in range(2, seq, 2):
                        s0 = s0 + ld(base + l)
                        s1 = s1 + ld(base + l + 1)
                    out_v[j * CHUNK_BAGS + bag, sl] = s0 + s1
            nj = j + NBUF

            @pl.when(nj < nchunks_w)
            def _():
                gather(nj, slot)

            return carry

        lax.fori_loop(0, nchunks_w, body, 0)
        pltpu.sync_copy(out_v, out_hbm.at[pl.ds(wid * bags_w, bags_w)])

    return sc_kernel(xf, table)


def _tc_head(pooled_sum, gamma, beta, w, bias, seq):
    batch, dim = pooled_sum.shape
    out_dim = w.shape[0]
    blk = 2048
    inv_n = 1.0 / seq

    def body(ps_ref, g_ref, bt_ref, w_ref, bias_ref, o_ref):
        ps = ps_ref[...] * inv_n
        mu = jnp.mean(ps, axis=1, keepdims=True)
        xc = ps - mu
        var = jnp.mean(xc * xc, axis=1, keepdims=True)
        h = xc * lax.rsqrt(var + 1e-5) * g_ref[...] + bt_ref[...]
        h = jnp.maximum(h, 0.0)
        o_ref[...] = (
            lax.dot_general(
                h, w_ref[...], (((1,), (1,)), ((), ())),
                preferred_element_type=jnp.float32,
            )
            + bias_ref[...]
        )

    return pl.pallas_call(
        body,
        grid=(batch // blk,),
        in_specs=[
            pl.BlockSpec((blk, dim), lambda i: (i, 0)),
            pl.BlockSpec((1, dim), lambda i: (0, 0)),
            pl.BlockSpec((1, dim), lambda i: (0, 0)),
            pl.BlockSpec((out_dim, dim), lambda i: (0, 0)),
            pl.BlockSpec((1, out_dim), lambda i: (0, 0)),
        ],
        out_specs=pl.BlockSpec((blk, out_dim), lambda i: (i, 0)),
        out_shape=jax.ShapeDtypeStruct((batch, out_dim), jnp.float32),
    )(
        pooled_sum,
        gamma.reshape(1, dim),
        beta.reshape(1, dim),
        w,
        bias.reshape(1, out_dim),
    )


def kernel(x, table, ln_gamma, ln_beta, W, b):
    batch, seq = x.shape
    dim = table.shape[1]
    xf = x.reshape(-1)
    pooled_sum = _sc_pooled_sum(xf, table, batch, seq, dim)
    return _tc_head(pooled_sum, ln_gamma, ln_beta, W, b, seq)

# --- scband reference (transcript-rebuilt; emitter-appended) ---
"""Pipeline reference for scband-embedding-bag-model-1640677507200 (READ-ONLY COPY).

The authoritative reference and input builder live on the scoring server;
editing this copy changes nothing except your own understanding.
"""

import jax, jax.numpy as jnp
import numpy as np

VOCAB = 1000000
EMBED_DIM = 32
OUT_DIM = 16
BATCH = 16384
SEQ = 50


def setup_inputs(seed: int = 0) -> dict:
    key = jax.random.key(seed)
    k1, k2, k3, k4, k5, k6 = jax.random.split(key, 6)
    x = jax.random.randint(k1, (BATCH, SEQ), 0, VOCAB, dtype=jnp.int32)
    table = jax.random.normal(k2, (VOCAB, EMBED_DIM), dtype=jnp.float32) * 0.02
    ln_gamma = jnp.ones((EMBED_DIM,), dtype=jnp.float32)
    ln_beta = jnp.zeros((EMBED_DIM,), dtype=jnp.float32)
    W = jax.random.normal(k3, (OUT_DIM, EMBED_DIM), dtype=jnp.float32) * (1.0 / np.sqrt(EMBED_DIM))
    b = jax.random.normal(k4, (OUT_DIM,), dtype=jnp.float32) * 0.01
    return {"x": x, "table": table, "ln_gamma": ln_gamma, "ln_beta": ln_beta, "W": W, "b": b}


def reference(x, table, ln_gamma, ln_beta, W, b):
    # EmbeddingBag(mode='mean') with fixed-length bags of length SEQ
    emb = jnp.take(table, x, axis=0)            # [B, L, D] gather
    pooled = jnp.mean(emb, axis=1)              # [B, D] mean pooling per bag
    # LayerNorm (eps=1e-5, biased variance, matching torch)
    mu = jnp.mean(pooled, axis=-1, keepdims=True)
    var = jnp.var(pooled, axis=-1, keepdims=True)
    h = (pooled - mu) / jnp.sqrt(var + 1e-5) * ln_gamma + ln_beta
    h = jax.nn.relu(h)
    out = h @ W.T + b                           # Linear
    return out

if __name__ == "__main__":
    import jax
    _d = setup_inputs()
    print(jax.jit(kernel)(*tuple(_d.values())))

</pallas_src>

<mosaic_0001>
#map = affine_map<(d0, d1) -> (0)>
#map1 = affine_map<(d0, d1) -> (0, 0)>
module attributes {stable_mosaic.version = 14 : i64} {
  func.func @sc_kernel(%arg0: i32, %arg1: i32, %arg2: memref<819200xi32, #tpu.memory_space<hbm>>, %arg3: memref<1000000x32xf32, #tpu.memory_space<hbm>>, %arg4: memref<16384x32xf32, #tpu.memory_space<hbm>>, %arg5: memref<25600xi32, #tpu.memory_space<vmem>>, %arg6: memref<8x104x32xf32, #tpu.memory_space<vmem>>, %arg7: memref<8x96x32xf32, #tpu.memory_space<vmem>>, %arg8: memref<512x32xf32, #tpu.memory_space<vmem>>, %arg9: memref<!tpu.dma_semaphore, #tpu.memory_space<semaphore_mem>>) attributes {dimension_semantics = [#tpu.dimension_semantics<core_parallel>, #tpu.dimension_semantics<subcore_parallel>], iteration_bounds = array<i64: 2, 16>, scalar_prefetch = 0 : i64, scratch_operands = 5 : i64, tpu.core_type = #tpu.core_type<sc_vector_subcore>, window_params = [{transform_indices = #map}, {transform_indices = #map1}, {transform_indices = #map1}]} {
    %mul3A = arith.constant 2 : i32
    %mul3A_0 = arith.muli %arg1, %mul3A : i32
    %add3A = arith.addi %mul3A_0, %arg0 : i32
    %mul3A_1 = arith.constant 25600 : i32
    %mul3A_2 = arith.muli %add3A, %mul3A_1 : i32
    "tpu.region"() ({
      %run_scoped3A = tpu.sem_alloc : memref<!tpu.dma_semaphore, #tpu.memory_space<semaphore_mem>>
      %dma_start3A_169 = tpu.memref_slice %arg2[%mul3A_2] : memref<819200xi32, #tpu.memory_space<hbm>> -> memref<25600xi32, #tpu.memory_space<hbm>>
      %dma_start3A_170 = tpu.memref_slice %arg2[%mul3A_2] : memref<819200xi32, #tpu.memory_space<hbm>> -> memref<25600xi32, #tpu.memory_space<hbm>>
      tpu.enqueue_dma source(%dma_start3A_170 : memref<25600xi32, #tpu.memory_space<hbm>>) target(%arg5 : memref<25600xi32, #tpu.memory_space<vmem>>) target_semaphore(%run_scoped3A : memref<!tpu.dma_semaphore, #tpu.memory_space<semaphore_mem>>)
      %dma_wait3A = tpu.memref_slice %arg2[%mul3A_2] : memref<819200xi32, #tpu.memory_space<hbm>> -> memref<25600xi32, #tpu.memory_space<hbm>>
      %dma_wait3A_171 = tpu.memref_slice %arg2[%mul3A_2] : memref<819200xi32, #tpu.memory_space<hbm>> -> memref<25600xi32, #tpu.memory_space<hbm>>
      tpu.wait_dma2 semaphore(%run_scoped3A : memref<!tpu.dma_semaphore, #tpu.memory_space<semaphore_mem>>) src(%dma_wait3A_171 : memref<25600xi32, #tpu.memory_space<hbm>>) dst(%arg5 : memref<25600xi32, #tpu.memory_space<vmem>>)
      tpu.yield
    }) : () -> ()
    %dma_start3A = arith.constant 0 : i32
    %dma_start3A_3 = arith.constant 0 : i32
    %dma_start3A_4 = arith.constant 0 : i32
    %dma_start3A_5 = tpu.memref_slice %arg6[%dma_start3A, %dma_start3A_3, %dma_start3A_4] : memref<8x104x32xf32, #tpu.memory_space<vmem>> -> memref<1x104x32xf32, #tpu.memory_space<vmem>>
    %dma_start3A_6 = tpu.memref_squeeze %dma_start3A_5 : memref<1x104x32xf32, #tpu.memory_space<vmem>> -> memref<104x32xf32, #tpu.memory_space<vmem>>
    %dma_start3A_7 = arith.constant 0 : i32
    %dma_start3A_8 = tpu.memref_slice %arg5[%dma_start3A_7] : memref<25600xi32, #tpu.memory_space<vmem>> -> memref<104xi32, #tpu.memory_space<vmem>>
    %dma_start3A_9 = arith.constant 0 : i32
    %dma_start3A_10 = arith.constant 0 : i32
    %dma_start3A_11 = tpu.memref_slice %arg3[%dma_start3A_9, %dma_start3A_10] : memref<1000000x32xf32, #tpu.memory_space<hbm>> -> memref<1000000x32xf32, #tpu.memory_space<hbm>>
    tpu.enqueue_indirect_dma source(%dma_start3A_11 : memref<1000000x32xf32, #tpu.memory_space<hbm>>) target(%dma_start3A_6 : memref<104x32xf32, #tpu.memory_space<vmem>>) offsets(%dma_start3A_8 : memref<104xi32, #tpu.memory_space<vmem>>) semaphore(%arg9 : memref<!tpu.dma_semaphore, #tpu.memory_space<semaphore_mem>>)
    %dma_start3A_12 = arith.constant 0 : i32
    %dma_start3A_13 = arith.constant 0 : i32
    %dma_start3A_14 = arith.constant 0 : i32
    %dma_start3A_15 = tpu.memref_slice %arg7[%dma_start3A_12, %dma_start3A_13, %dma_start3A_14] : memref<8x96x32xf32, #tpu.memory_space<vmem>> -> memref<1x96x32xf32, #tpu.memory_space<vmem>>
    %dma_start3A_16 = tpu.memref_squeeze %dma_start3A_15 : memref<1x96x32xf32, #tpu.memory_space<vmem>> -> memref<96x32xf32, #tpu.memory_space<vmem>>
    %dma_start3A_17 = arith.constant 104 : i32
    %dma_start3A_18 = tpu.memref_slice %arg5[%dma_start3A_17] : memref<25600xi32, #tpu.memory_space<vmem>> -> memref<96xi32, #tpu.memory_space<vmem>>
    %dma_start3A_19 = arith.constant 0 : i32
    %dma_start3A_20 = arith.constant 0 : i32
    %dma_start3A_21 = tpu.memref_slice %arg3[%dma_start3A_19, %dma_start3A_20] : memref<1000000x32xf32, #tpu.memory_space<hbm>> -> memref<1000000x32xf32, #tpu.memory_space<hbm>>
    tpu.enqueue_indirect_dma source(%dma_start3A_21 : memref<1000000x32xf32, #tpu.memory_space<hbm>>) target(%dma_start3A_16 : memref<96x32xf32, #tpu.memory_space<vmem>>) offsets(%dma_start3A_18 : memref<96xi32, #tpu.memory_space<vmem>>) semaphore(%arg9 : memref<!tpu.dma_semaphore, #tpu.memory_space<semaphore_mem>>)
    %dma_start3A_22 = arith.constant 1 : i32
    %dma_start3A_23 = arith.constant 0 : i32
    %dma_start3A_24 = arith.constant 0 : i32
    %dma_start3A_25 = tpu.memref_slice %arg6[%dma_start3A_22, %dma_start3A_23, %dma_start3A_24] : memref<8x104x32xf32, #tpu.memory_space<vmem>> -> memref<1x104x32xf32, #tpu.memory_space<vmem>>
    %dma_start3A_26 = tpu.memref_squeeze %dma_start3A_25 : memref<1x104x32xf32, #tpu.memory_space<vmem>> -> memref<104x32xf32, #tpu.memory_space<vmem>>
    %dma_start3A_27 = arith.constant 200 : i32
    %dma_start3A_28 = tpu.memref_slice %arg5[%dma_start3A_27] : memref<25600xi32, #tpu.memory_space<vmem>> -> memref<104xi32, #tpu.memory_space<vmem>>
    %dma_start3A_29 = arith.constant 0 : i32
    %dma_start3A_30 = arith.constant 0 : i32
    %dma_start3A_31 = tpu.memref_slice %arg3[%dma_start3A_29, %dma_start3A_30] : memref<1000000x32xf32, #tpu.memory_space<hbm>> -> memref<1000000x32xf32, #tpu.memory_space<hbm>>
    tpu.enqueue_indirect_dma source(%dma_start3A_31 : memref<1000000x32xf32, #tpu.memory_space<hbm>>) target(%dma_start3A_26 : memref<104x32xf32, #tpu.memory_space<vmem>>) offsets(%dma_start3A_28 : memref<104xi32, #tpu.memory_space<vmem>>) semaphore(%arg9 : memref<!tpu.dma_semaphore, #tpu.memory_space<semaphore_mem>>)
    %dma_start3A_32 = arith.constant 1 : i32
    %dma_start3A_33 = arith.constant 0 : i32
    %dma_start3A_34 = arith.constant 0 : i32
    %dma_start3A_35 = tpu.memref_slice %arg7[%dma_start3A_32, %dma_start3A_33, %dma_start3A_34] : memref<8x96x32xf32, #tpu.memory_space<vmem>> -> memref<1x96x32xf32, #tpu.memory_space<vmem>>
    %dma_start3A_36 = tpu.memref_squeeze %dma_start3A_35 : memref<1x96x32xf32, #tpu.memory_space<vmem>> -> memref<96x32xf32, #tpu.memory_space<vmem>>
    %dma_start3A_37 = arith.constant 304 : i32
    %dma_start3A_38 = tpu.memref_slice %arg5[%dma_start3A_37] : memref<25600xi32, #tpu.memory_space<vmem>> -> memref<96xi32, #tpu.memory_space<vmem>>
    %dma_start3A_39 = arith.constant 0 : i32
    %dma_start3A_40 = arith.constant 0 : i32
    %dma_start3A_41 = tpu.memref_slice %arg3[%dma_start3A_39, %dma_start3A_40] : memref<1000000x32xf32, #tpu.memory_space<hbm>> -> memref<1000000x32xf32, #tpu.memory_space<hbm>>
    tpu.enqueue_indirect_dma source(%dma_start3A_41 : memref<1000000x32xf32, #tpu.memory_space<hbm>>) target(%dma_start3A_36 : memref<96x32xf32, #tpu.memory_space<vmem>>) offsets(%dma_start3A_38 : memref<96xi32, #tpu.memory_space<vmem>>) semaphore(%arg9 : memref<!tpu.dma_semaphore, #tpu.memory_space<semaphore_mem>>)
    %dma_start3A_42 = arith.constant 2 : i32
    %dma_start3A_43 = arith.constant 0 : i32
    %dma_start3A_44 = arith.constant 0 : i32
    %dma_start3A_45 = tpu.memref_slice %arg6[%dma_start3A_42, %dma_start3A_43, %dma_start3A_44] : memref<8x104x32xf32, #tpu.memory_space<vmem>> -> memref<1x104x32xf32, #tpu.memory_space<vmem>>
    %dma_start3A_46 = tpu.memref_squeeze %dma_start3A_45 : memref<1x104x32xf32, #tpu.memory_space<vmem>> -> memref<104x32xf32, #tpu.memory_space<vmem>>
    %dma_start3A_47 = arith.constant 400 : i32
    %dma_start3A_48 = tpu.memref_slice %arg5[%dma_start3A_47] : memref<25600xi32, #tpu.memory_space<vmem>> -> memref<104xi32, #tpu.memory_space<vmem>>
    %dma_start3A_49 = arith.constant 0 : i32
    %dma_start3A_50 = arith.constant 0 : i32
    %dma_start3A_51 = tpu.memref_slice %arg3[%dma_start3A_49, %dma_start3A_50] : memref<1000000x32xf32, #tpu.memory_space<hbm>> -> memref<1000000x32xf32, #tpu.memory_space<hbm>>
    tpu.enqueue_indirect_dma source(%dma_start3A_51 : memref<1000000x32xf32, #tpu.memory_space<hbm>>) target(%dma_start3A_46 : memref<104x32xf32, #tpu.memory_space<vmem>>) offsets(%dma_start3A_48 : memref<104xi32, #tpu.memory_space<vmem>>) semaphore(%arg9 : memref<!tpu.dma_semaphore, #tpu.memory_space<semaphore_mem>>)
    %dma_start3A_52 = arith.constant 2 : i32
    %dma_start3A_53 = arith.constant 0 : i32
    %dma_start3A_54 = arith.constant 0 : i32
    %dma_start3A_55 = tpu.memref_slice %arg7[%dma_start3A_52, %dma_start3A_53, %dma_start3A_54] : memref<8x96x32xf32, #tpu.memory_space<vmem>> -> memref<1x96x32xf32, #tpu.memory_space<vmem>>
    %dma_start3A_56 = tpu.memref_squeeze %dma_start3A_55 : memref<1x96x32xf32, #tpu.memory_space<vmem>> -> memref<96x32xf32, #tpu.memory_space<vmem>>
    %dma_start3A_57 = arith.constant 504 : i32
    %dma_start3A_58 = tpu.memref_slice %arg5[%dma_start3A_57] : memref<25600xi32, #tpu.memory_space<vmem>> -> memref<96xi32, #tpu.memory_space<vmem>>
    %dma_start3A_59 = arith.constant 0 : i32
    %dma_start3A_60 = arith.constant 0 : i32
    %dma_start3A_61 = tpu.memref_slice %arg3[%dma_start3A_59, %dma_start3A_60] : memref<1000000x32xf32, #tpu.memory_space<hbm>> -> memref<1000000x32xf32, #tpu.memory_space<hbm>>
    tpu.enqueue_indirect_dma source(%dma_start3A_61 : memref<1000000x32xf32, #tpu.memory_space<hbm>>) target(%dma_start3A_56 : memref<96x32xf32, #tpu.memory_space<vmem>>) offsets(%dma_start3A_58 : memref<96xi32, #tpu.memory_space<vmem>>) semaphore(%arg9 : memref<!tpu.dma_semaphore, #tpu.memory_space<semaphore_mem>>)
    %dma_start3A_62 = arith.constant 3 : i32
    %dma_start3A_63 = arith.constant 0 : i32
    %dma_start3A_64 = arith.constant 0 : i32
    %dma_start3A_65 = tpu.memref_slice %arg6[%dma_start3A_62, %dma_start3A_63, %dma_start3A_64] : memref<8x104x32xf32, #tpu.memory_space<vmem>> -> memref<1x104x32xf32, #tpu.memory_space<vmem>>
    %dma_start3A_66 = tpu.memref_squeeze %dma_start3A_65 : memref<1x104x32xf32, #tpu.memory_space<vmem>> -> memref<104x32xf32, #tpu.memory_space<vmem>>
    %dma_start3A_67 = arith.constant 600 : i32
    %dma_start3A_68 = tpu.memref_slice %arg5[%dma_start3A_67] : memref<25600xi32, #tpu.memory_space<vmem>> -> memref<104xi32, #tpu.memory_space<vmem>>
    %dma_start3A_69 = arith.constant 0 : i32
    %dma_start3A_70 = arith.constant 0 : i32
    %dma_start3A_71 = tpu.memref_slice %arg3[%dma_start3A_69, %dma_start3A_70] : memref<1000000x32xf32, #tpu.memory_space<hbm>> -> memref<1000000x32xf32, #tpu.memory_space<hbm>>
    tpu.enqueue_indirect_dma source(%dma_start3A_71 : memref<1000000x32xf32, #tpu.memory_space<hbm>>) target(%dma_start3A_66 : memref<104x32xf32, #tpu.memory_space<vmem>>) offsets(%dma_start3A_68 : memref<104xi32, #tpu.memory_space<vmem>>) semaphore(%arg9 : memref<!tpu.dma_semaphore, #tpu.memory_space<semaphore_mem>>)
    %dma_start3A_72 = arith.constant 3 : i32
    %dma_start3A_73 = arith.constant 0 : i32
    %dma_start3A_74 = arith.constant 0 : i32
    %dma_start3A_75 = tpu.memref_slice %arg7[%dma_start3A_72, %dma_start3A_73, %dma_start3A_74] : memref<8x96x32xf32, #tpu.memory_space<vmem>> -> memref<1x96x32xf32, #tpu.memory_space<vmem>>
    %dma_start3A_76 = tpu.memref_squeeze %dma_start3A_75 : memref<1x96x32xf32, #tpu.memory_space<vmem>> -> memref<96x32xf32, #tpu.memory_space<vmem>>
    %dma_start3A_77 = arith.constant 704 : i32
    %dma_start3A_78 = tpu.memref_slice %arg5[%dma_start3A_77] : memref<25600xi32, #tpu.memory_space<vmem>> -> memref<96xi32, #tpu.memory_space<vmem>>
    %dma_start3A_79 = arith.constant 0 : i32
    %dma_start3A_80 = arith.constant 0 : i32
    %dma_start3A_81 = tpu.memref_slice %arg3[%dma_start3A_79, %dma_start3A_80] : memref<1000000x32xf32, #tpu.memory_space<hbm>> -> memref<1000000x32xf32, #tpu.memory_space<hbm>>
    tpu.enqueue_indirect_dma source(%dma_start3A_81 : memref<1000000x32xf32, #tpu.memory_space<hbm>>) target(%dma_start3A_76 : memref<96x32xf32, #tpu.memory_space<vmem>>) offsets(%dma_start3A_78 : memref<96xi32, #tpu.memory_space<vmem>>) semaphore(%arg9 : memref<!tpu.dma_semaphore, #tpu.memory_space<semaphore_mem>>)
    %dma_start3A_82 = arith.constant 4 : i32
    %dma_start3A_83 = arith.constant 0 : i32
    %dma_start3A_84 = arith.constant 0 : i32
    %dma_start3A_85 = tpu.memref_slice %arg6[%dma_start3A_82, %dma_start3A_83, %dma_start3A_84] : memref<8x104x32xf32, #tpu.memory_space<vmem>> -> memref<1x104x32xf32, #tpu.memory_space<vmem>>
    %dma_start3A_86 = tpu.memref_squeeze %dma_start3A_85 : memref<1x104x32xf32, #tpu.memory_space<vmem>> -> memref<104x32xf32, #tpu.memory_space<vmem>>
    %dma_start3A_87 = arith.constant 800 : i32
    %dma_start3A_88 = tpu.memref_slice %arg5[%dma_start3A_87] : memref<25600xi32, #tpu.memory_space<vmem>> -> memref<104xi32, #tpu.memory_space<vmem>>
    %dma_start3A_89 = arith.constant 0 : i32
    %dma_start3A_90 = arith.constant 0 : i32
    %dma_start3A_91 = tpu.memref_slice %arg3[%dma_start3A_89, %dma_start3A_90] : memref<1000000x32xf32, #tpu.memory_space<hbm>> -> memref<1000000x32xf32, #tpu.memory_space<hbm>>
    tpu.enqueue_indirect_dma source(%dma_start3A_91 : memref<1000000x32xf32, #tpu.memory_space<hbm>>) target(%dma_start3A_86 : memref<104x32xf32, #tpu.memory_space<vmem>>) offsets(%dma_start3A_88 : memref<104xi32, #tpu.memory_space<vmem>>) semaphore(%arg9 : memref<!tpu.dma_semaphore, #tpu.memory_space<semaphore_mem>>)
    %dma_start3A_92 = arith.constant 4 : i32
    %dma_start3A_93 = arith.constant 0 : i32
    %dma_start3A_94 = arith.constant 0 : i32
    %dma_start3A_95 = tpu.memref_slice %arg7[%dma_start3A_92, %dma_start3A_93, %dma_start3A_94] : memref<8x96x32xf32, #tpu.memory_space<vmem>> -> memref<1x96x32xf32, #tpu.memory_space<vmem>>
    %dma_start3A_96 = tpu.memref_squeeze %dma_start3A_95 : memref<1x96x32xf32, #tpu.memory_space<vmem>> -> memref<96x32xf32, #tpu.memory_space<vmem>>
    %dma_start3A_97 = arith.constant 904 : i32
    %dma_start3A_98 = tpu.memref_slice %arg5[%dma_start3A_97] : memref<25600xi32, #tpu.memory_space<vmem>> -> memref<96xi32, #tpu.memory_space<vmem>>
    %dma_start3A_99 = arith.constant 0 : i32
    %dma_start3A_100 = arith.constant 0 : i32
    %dma_start3A_101 = tpu.memref_slice %arg3[%dma_start3A_99, %dma_start3A_100] : memref<1000000x32xf32, #tpu.memory_space<hbm>> -> memref<1000000x32xf32, #tpu.memory_space<hbm>>
    tpu.enqueue_indirect_dma source(%dma_start3A_101 : memref<1000000x32xf32, #tpu.memory_space<hbm>>) target(%dma_start3A_96 : memref<96x32xf32, #tpu.memory_space<vmem>>) offsets(%dma_start3A_98 : memref<96xi32, #tpu.memory_space<vmem>>) semaphore(%arg9 : memref<!tpu.dma_semaphore, #tpu.memory_space<semaphore_mem>>)
    %dma_start3A_102 = arith.constant 5 : i32
    %dma_start3A_103 = arith.constant 0 : i32
    %dma_start3A_104 = arith.constant 0 : i32
    %dma_start3A_105 = tpu.memref_slice %arg6[%dma_start3A_102, %dma_start3A_103, %dma_start3A_104] : memref<8x104x32xf32, #tpu.memory_space<vmem>> -> memref<1x104x32xf32, #tpu.memory_space<vmem>>
    %dma_start3A_106 = tpu.memref_squeeze %dma_start3A_105 : memref<1x104x32xf32, #tpu.memory_space<vmem>> -> memref<104x32xf32, #tpu.memory_space<vmem>>
    %dma_start3A_107 = arith.constant 1000 : i32
    %dma_start3A_108 = tpu.memref_slice %arg5[%dma_start3A_107] : memref<25600xi32, #tpu.memory_space<vmem>> -> memref<104xi32, #tpu.memory_space<vmem>>
    %dma_start3A_109 = arith.constant 0 : i32
    %dma_start3A_110 = arith.constant 0 : i32
    %dma_start3A_111 = tpu.memref_slice %arg3[%dma_start3A_109, %dma_start3A_110] : memref<1000000x32xf32, #tpu.memory_space<hbm>> -> memref<1000000x32xf32, #tpu.memory_space<hbm>>
    tpu.enqueue_indirect_dma source(%dma_start3A_111 : memref<1000000x32xf32, #tpu.memory_space<hbm>>) target(%dma_start3A_106 : memref<104x32xf32, #tpu.memory_space<vmem>>) offsets(%dma_start3A_108 : memref<104xi32, #tpu.memory_space<vmem>>) semaphore(%arg9 : memref<!tpu.dma_semaphore, #tpu.memory_space<semaphore_mem>>)
    %dma_start3A_112 = arith.constant 5 : i32
    %dma_start3A_113 = arith.constant 0 : i32
    %dma_start3A_114 = arith.constant 0 : i32
    %dma_start3A_115 = tpu.memref_slice %arg7[%dma_start3A_112, %dma_start3A_113, %dma_start3A_114] : memref<8x96x32xf32, #tpu.memory_space<vmem>> -> memref<1x96x32xf32, #tpu.memory_space<vmem>>
    %dma_start3A_116 = tpu.memref_squeeze %dma_start3A_115 : memref<1x96x32xf32, #tpu.memory_space<vmem>> -> memref<96x32xf32, #tpu.memory_space<vmem>>
    %dma_start3A_117 = arith.constant 1104 : i32
    %dma_start3A_118 = tpu.memref_slice %arg5[%dma_start3A_117] : memref<25600xi32, #tpu.memory_space<vmem>> -> memref<96xi32, #tpu.memory_space<vmem>>
    %dma_start3A_119 = arith.constant 0 : i32
    %dma_start3A_120 = arith.constant 0 : i32
    %dma_start3A_121 = tpu.memref_slice %arg3[%dma_start3A_119, %dma_start3A_120] : memref<1000000x32xf32, #tpu.memory_space<hbm>> -> memref<1000000x32xf32, #tpu.memory_space<hbm>>
    tpu.enqueue_indirect_dma source(%dma_start3A_121 : memref<1000000x32xf32, #tpu.memory_space<hbm>>) target(%dma_start3A_116 : memref<96x32xf32, #tpu.memory_space<vmem>>) offsets(%dma_start3A_118 : memref<96xi32, #tpu.memory_space<vmem>>) semaphore(%arg9 : memref<!tpu.dma_semaphore, #tpu.memory_space<semaphore_mem>>)
    %dma_start3A_122 = arith.constant 6 : i32
    %dma_start3A_123 = arith.constant 0 : i32
    %dma_start3A_124 = arith.constant 0 : i32
    %dma_start3A_125 = tpu.memref_slice %arg6[%dma_start3A_122, %dma_start3A_123, %dma_start3A_124] : memref<8x104x32xf32, #tpu.memory_space<vmem>> -> memref<1x104x32xf32, #tpu.memory_space<vmem>>
    %dma_start3A_126 = tpu.memref_squeeze %dma_start3A_125 : memref<1x104x32xf32, #tpu.memory_space<vmem>> -> memref<104x32xf32, #tpu.memory_space<vmem>>
    %dma_start3A_127 = arith.constant 1200 : i32
    %dma_start3A_128 = tpu.memref_slice %arg5[%dma_start3A_127] : memref<25600xi32, #tpu.memory_space<vmem>> -> memref<104xi32, #tpu.memory_space<vmem>>
    %dma_start3A_129 = arith.constant 0 : i32
    %dma_start3A_130 = arith.constant 0 : i32
    %dma_start3A_131 = tpu.memref_slice %arg3[%dma_start3A_129, %dma_start3A_130] : memref<1000000x32xf32, #tpu.memory_space<hbm>> -> memref<1000000x32xf32, #tpu.memory_space<hbm>>
    tpu.enqueue_indirect_dma source(%dma_start3A_131 : memref<1000000x32xf32, #tpu.memory_space<hbm>>) target(%dma_start3A_126 : memref<104x32xf32, #tpu.memory_space<vmem>>) offsets(%dma_start3A_128 : memref<104xi32, #tpu.memory_space<vmem>>) semaphore(%arg9 : memref<!tpu.dma_semaphore, #tpu.memory_space<semaphore_mem>>)
    %dma_start3A_132 = arith.constant 6 : i32
    %dma_start3A_133 = arith.constant 0 : i32
    %dma_start3A_134 = arith.constant 0 : i32
    %dma_start3A_135 = tpu.memref_slice %arg7[%dma_start3A_132, %dma_start3A_133, %dma_start3A_134] : memref<8x96x32xf32, #tpu.memory_space<vmem>> -> memref<1x96x32xf32, #tpu.memory_space<vmem>>
    %dma_start3A_136 = tpu.memref_squeeze %dma_start3A_135 : memref<1x96x32xf32, #tpu.memory_space<vmem>> -> memref<96x32xf32, #tpu.memory_space<vmem>>
    %dma_start3A_137 = arith.constant 1304 : i32
    %dma_start3A_138 = tpu.memref_slice %arg5[%dma_start3A_137] : memref<25600xi32, #tpu.memory_space<vmem>> -> memref<96xi32, #tpu.memory_space<vmem>>
    %dma_start3A_139 = arith.constant 0 : i32
    %dma_start3A_140 = arith.constant 0 : i32
    %dma_start3A_141 = tpu.memref_slice %arg3[%dma_start3A_139, %dma_start3A_140] : memref<1000000x32xf32, #tpu.memory_space<hbm>> -> memref<1000000x32xf32, #tpu.memory_space<hbm>>
    tpu.enqueue_indirect_dma source(%dma_start3A_141 : memref<1000000x32xf32, #tpu.memory_space<hbm>>) target(%dma_start3A_136 : memref<96x32xf32, #tpu.memory_space<vmem>>) offsets(%dma_start3A_138 : memref<96xi32, #tpu.memory_space<vmem>>) semaphore(%arg9 : memref<!tpu.dma_semaphore, #tpu.memory_space<semaphore_mem>>)
    %dma_start3A_142 = arith.constant 7 : i32
    %dma_start3A_143 = arith.constant 0 : i32
    %dma_start3A_144 = arith.constant 0 : i32
    %dma_start3A_145 = tpu.memref_slice %arg6[%dma_start3A_142, %dma_start3A_143, %dma_start3A_144] : memref<8x104x32xf32, #tpu.memory_space<vmem>> -> memref<1x104x32xf32, #tpu.memory_space<vmem>>
    %dma_start3A_146 = tpu.memref_squeeze %dma_start3A_145 : memref<1x104x32xf32, #tpu.memory_space<vmem>> -> memref<104x32xf32, #tpu.memory_space<vmem>>
    %dma_start3A_147 = arith.constant 1400 : i32
    %dma_start3A_148 = tpu.memref_slice %arg5[%dma_start3A_147] : memref<25600xi32, #tpu.memory_space<vmem>> -> memref<104xi32, #tpu.memory_space<vmem>>
    %dma_start3A_149 = arith.constant 0 : i32
    %dma_start3A_150 = arith.constant 0 : i32
    %dma_start3A_151 = tpu.memref_slice %arg3[%dma_start3A_149, %dma_start3A_150] : memref<1000000x32xf32, #tpu.memory_space<hbm>> -> memref<1000000x32xf32, #tpu.memory_space<hbm>>
    tpu.enqueue_indirect_dma source(%dma_start3A_151 : memref<1000000x32xf32, #tpu.memory_space<hbm>>) target(%dma_start3A_146 : memref<104x32xf32, #tpu.memory_space<vmem>>) offsets(%dma_start3A_148 : memref<104xi32, #tpu.memory_space<vmem>>) semaphore(%arg9 : memref<!tpu.dma_semaphore, #tpu.memory_space<semaphore_mem>>)
    %dma_start3A_152 = arith.constant 7 : i32
    %dma_start3A_153 = arith.constant 0 : i32
    %dma_start3A_154 = arith.constant 0 : i32
    %dma_start3A_155 = tpu.memref_slice %arg7[%dma_start3A_152, %dma_start3A_153, %dma_start3A_154] : memref<8x96x32xf32, #tpu.memory_space<vmem>> -> memref<1x96x32xf32, #tpu.memory_space<vmem>>
    %dma_start3A_156 = tpu.memref_squeeze %dma_start3A_155 : memref<1x96x32xf32, #tpu.memory_space<vmem>> -> memref<96x32xf32, #tpu.memory_space<vmem>>
    %dma_start3A_157 = arith.constant 1504 : i32
    %dma_start3A_158 = tpu.memref_slice %arg5[%dma_start3A_157] : memref<25600xi32, #tpu.memory_space<vmem>> -> memref<96xi32, #tpu.memory_space<vmem>>
    %dma_start3A_159 = arith.constant 0 : i32
    %dma_start3A_160 = arith.constant 0 : i32
    %dma_start3A_161 = tpu.memref_slice %arg3[%dma_start3A_159, %dma_start3A_160] : memref<1000000x32xf32, #tpu.memory_space<hbm>> -> memref<1000000x32xf32, #tpu.memory_space<hbm>>
    tpu.enqueue_indirect_dma source(%dma_start3A_161 : memref<1000000x32xf32, #tpu.memory_space<hbm>>) target(%dma_start3A_156 : memref<96x32xf32, #tpu.memory_space<vmem>>) offsets(%dma_start3A_158 : memref<96xi32, #tpu.memory_space<vmem>>) semaphore(%arg9 : memref<!tpu.dma_semaphore, #tpu.memory_space<semaphore_mem>>)
    %scan3A = arith.constant 0 : i32
    %scan3A_162 = arith.constant 0 : i32
    %scan3A_163 = arith.constant 128 : i32
    %scan3A_164 = arith.addi %scan3A_162, %scan3A_163 : i32
    %scan3A_165 = arith.constant 1 : i32
    scf.for %scan3A_169 = %scan3A_162 to %scan3A_164 step %scan3A_165  : i32 {
      %rem3A = arith.constant 8 : i32
      %rem3A_170 = arith.remsi %scan3A_169, %rem3A : i32
      %mul3A_171 = arith.constant 200 : i32
      %mul3A_172 = arith.muli %scan3A_169, %mul3A_171 : i32
      %add3A_173 = arith.constant 104 : i32
      %add3A_174 = arith.addi %mul3A_172, %add3A_173 : i32
      %dma_wait3A = arith.constant 0 : i32
      %dma_wait3A_175 = arith.constant 0 : i32
      %dma_wait3A_176 = tpu.memref_slice %arg6[%rem3A_170, %dma_wait3A, %dma_wait3A_175] : memref<8x104x32xf32, #tpu.memory_space<vmem>> -> memref<1x104x32xf32, #tpu.memory_space<vmem>>
      %dma_wait3A_177 = tpu.memref_squeeze %dma_wait3A_176 : memref<1x104x32xf32, #tpu.memory_space<vmem>> -> memref<104x32xf32, #tpu.memory_space<vmem>>
      %dma_wait3A_178 = tpu.memref_slice %arg5[%mul3A_172] : memref<25600xi32, #tpu.memory_space<vmem>> -> memref<104xi32, #tpu.memory_space<vmem>>
      %dma_wait3A_179 = arith.constant 0 : i32
      %dma_wait3A_180 = arith.constant 0 : i32
      %dma_wait3A_181 = tpu.memref_slice %arg3[%dma_wait3A_179, %dma_wait3A_180] : memref<1000000x32xf32, #tpu.memory_space<hbm>> -> memref<1000000x32xf32, #tpu.memory_space<hbm>>
      tpu.wait_indirect_dma semaphore(%arg9 : memref<!tpu.dma_semaphore, #tpu.memory_space<semaphore_mem>>) src(%dma_wait3A_181 : memref<1000000x32xf32, #tpu.memory_space<hbm>>) dst(%dma_wait3A_177 : memref<104x32xf32, #tpu.memory_space<vmem>>)
      %dma_wait3A_182 = arith.constant 0 : i32
      %dma_wait3A_183 = arith.constant 0 : i32
      %dma_wait3A_184 = tpu.memref_slice %arg7[%rem3A_170, %dma_wait3A_182, %dma_wait3A_183] : memref<8x96x32xf32, #tpu.memory_space<vmem>> -> memref<1x96x32xf32, #tpu.memory_space<vmem>>
      %dma_wait3A_185 = tpu.memref_squeeze %dma_wait3A_184 : memref<1x96x32xf32, #tpu.memory_space<vmem>> -> memref<96x32xf32, #tpu.memory_space<vmem>>
      %dma_wait3A_186 = tpu.memref_slice %arg5[%add3A_174] : memref<25600xi32, #tpu.memory_space<vmem>> -> memref<96xi32, #tpu.memory_space<vmem>>
      %dma_wait3A_187 = arith.constant 0 : i32
      %dma_wait3A_188 = arith.constant 0 : i32
      %dma_wait3A_189 = tpu.memref_slice %arg3[%dma_wait3A_187, %dma_wait3A_188] : memref<1000000x32xf32, #tpu.memory_space<hbm>> -> memref<1000000x32xf32, #tpu.memory_space<hbm>>
      tpu.wait_indirect_dma semaphore(%arg9 : memref<!tpu.dma_semaphore, #tpu.memory_space<semaphore_mem>>) src(%dma_wait3A_189 : memref<1000000x32xf32, #tpu.memory_space<hbm>>) dst(%dma_wait3A_185 : memref<96x32xf32, #tpu.memory_space<vmem>>)
      %get3A = arith.constant 0 : i32
      %get3A_190 = arith.constant 0 : i32
      %get3A_191 = arith.constant 0 : i32
      %get3A_192 = tpu.memref_slice %arg6[%rem3A_170, %get3A_190, %get3A_191] : memref<8x104x32xf32, #tpu.memory_space<vmem>> -> memref<1x104x32xf32, #tpu.memory_space<vmem>>
      %get3A_193 = tpu.memref_squeeze %get3A_192 : memref<1x104x32xf32, #tpu.memory_space<vmem>> -> memref<104x32xf32, #tpu.memory_space<vmem>>
      %get3A_194 = arith.index_cast %get3A : i32 to index
      %get3A_195 = arith.constant 0 : index
      %get3A_196 = tpu.vector_load %get3A_193[%get3A_194, %get3A_195] {strides = array<i32>} : memref<104x32xf32, #tpu.memory_space<vmem>>, vector<1x16xf32>,
      %get3A_197 = vector.shape_cast %get3A_196 : vector<1x16xf32> to vector<16xf32>
      %get3A_198 = arith.constant 1 : i32
      %get3A_199 = arith.constant 0 : i32
      %get3A_200 = arith.constant 0 : i32
      %get3A_201 = tpu.memref_slice %arg6[%rem3A_170, %get3A_199, %get3A_200] : memref<8x104x32xf32, #tpu.memory_space<vmem>> -> memref<1x104x32xf32, #tpu.memory_space<vmem>>
      %get3A_202 = tpu.memref_squeeze %get3A_201 : memref<1x104x32xf32, #tpu.memory_space<vmem>> -> memref<104x32xf32, #tpu.memory_space<vmem>>
      %get3A_203 = arith.index_cast %get3A_198 : i32 to index
      %get3A_204 = arith.constant 0 : index
      %get3A_205 = tpu.vector_load %get3A_202[%get3A_203, %get3A_204] {strides = array<i32>} : memref<104x32xf32, #tpu.memory_space<vmem>>, vector<1x16xf32>,
      %get3A_206 = vector.shape_cast %get3A_205 : vector<1x16xf32> to vector<16xf32>
      %get3A_207 = arith.constant 2 : i32
      %get3A_208 = arith.constant 0 : i32
      %get3A_209 = arith.constant 0 : i32
      %get3A_210 = tpu.memref_slice %arg6[%rem3A_170, %get3A_208, %get3A_209] : memref<8x104x32xf32, #tpu.memory_space<vmem>> -> memref<1x104x32xf32, #tpu.memory_space<vmem>>
      %get3A_211 = tpu.memref_squeeze %get3A_210 : memref<1x104x32xf32, #tpu.memory_space<vmem>> -> memref<104x32xf32, #tpu.memory_space<vmem>>
      %get3A_212 = arith.index_cast %get3A_207 : i32 to index
      %get3A_213 = arith.constant 0 : index
      %get3A_214 = tpu.vector_load %get3A_211[%get3A_212, %get3A_213] {strides = array<i32>} : memref<104x32xf32, #tpu.memory_space<vmem>>, vector<1x16xf32>,
      %get3A_215 = vector.shape_cast %get3A_214 : vector<1x16xf32> to vector<16xf32>
      %add3A_216 = arith.addf %get3A_197, %get3A_215 : vector<16xf32>
      %get3A_217 = arith.constant 3 : i32
      %get3A_218 = arith.constant 0 : i32
      %get3A_219 = arith.constant 0 : i32
      %get3A_220 = tpu.memref_slice %arg6[%rem3A_170, %get3A_218, %get3A_219] : memref<8x104x32xf32, #tpu.memory_space<vmem>> -> memref<1x104x32xf32, #tpu.memory_space<vmem>>
      %get3A_221 = tpu.memref_squeeze %get3A_220 : memref<1x104x32xf32, #tpu.memory_space<vmem>> -> memref<104x32xf32, #tpu.memory_space<vmem>>
      %get3A_222 = arith.index_cast %get3A_217 : i32 to index
      %get3A_223 = arith.constant 0 : index
      %get3A_224 = tpu.vector_load %get3A_221[%get3A_222, %get3A_223] {strides = array<i32>} : memref<104x32xf32, #tpu.memory_space<vmem>>, vector<1x16xf32>,
      %get3A_225 = vector.shape_cast %get3A_224 : vector<1x16xf32> to vector<16xf32>
      %add3A_226 = arith.addf %get3A_206, %get3A_225 : vector<16xf32>
      %get3A_227 = arith.constant 4 : i32
      %get3A_228 = arith.constant 0 : i32
      %get3A_229 = arith.constant 0 : i32
      %get3A_230 = tpu.memref_slice %arg6[%rem3A_170, %get3A_228, %get3A_229] : memref<8x104x32xf32, #tpu.memory_space<vmem>> -> memref<1x104x32xf32, #tpu.memory_space<vmem>>
      %get3A_231 = tpu.memref_squeeze %get3A_230 : memref<1x104x32xf32, #tpu.memory_space<vmem>> -> memref<104x32xf32, #tpu.memory_space<vmem>>
      %get3A_232 = arith.index_cast %get3A_227 : i32 to index
      %get3A_233 = arith.constant 0 : index
      %get3A_234 = tpu.vector_load %get3A_231[%get3A_232, %get3A_233] {strides = array<i32>} : memref<104x32xf32, #tpu.memory_space<vmem>>, vector<1x16xf32>,
      %get3A_235 = vector.shape_cast %get3A_234 : vector<1x16xf32> to vector<16xf32>
      %add3A_236 = arith.addf %add3A_216, %get3A_235 : vector<16xf32>
      %get3A_237 = arith.constant 5 : i32
      %get3A_238 = arith.constant 0 : i32
      %get3A_239 = arith.constant 0 : i32
      %get3A_240 = tpu.memref_slice %arg6[%rem3A_170, %get3A_238, %get3A_239] : memref<8x104x32xf32, #tpu.memory_space<vmem>> -> memref<1x104x32xf32, #tpu.memory_space<vmem>>
      %get3A_241 = tpu.memref_squeeze %get3A_240 : memref<1x104x32xf32, #tpu.memory_space<vmem>> -> memref<104x32xf32, #tpu.memory_space<vmem>>
      %get3A_242 = arith.index_cast %get3A_237 : i32 to index
      %get3A_243 = arith.constant 0 : index
      %get3A_244 = tpu.vector_load %get3A_241[%get3A_242, %get3A_243] {strides = array<i32>} : memref<104x32xf32, #tpu.memory_space<vmem>>, vector<1x16xf32>,
      %get3A_245 = vector.shape_cast %get3A_244 : vector<1x16xf32> to vector<16xf32>
      %add3A_246 = arith.addf %add3A_226, %get3A_245 : vector<16xf32>
      %get3A_247 = arith.constant 6 : i32
      %get3A_248 = arith.constant 0 : i32
      %get3A_249 = arith.constant 0 : i32
      %get3A_250 = tpu.memref_slice %arg6[%rem3A_170, %get3A_248, %get3A_249] : memref<8x104x32xf32, #tpu.memory_space<vmem>> -> memref<1x104x32xf32, #tpu.memory_space<vmem>>
      %get3A_251 = tpu.memref_squeeze %get3A_250 : memref<1x104x32xf32, #tpu.memory_space<vmem>> -> memref<104x32xf32, #tpu.memory_space<vmem>>
      %get3A_252 = arith.index_cast %get3A_247 : i32 to index
      %get3A_253 = arith.constant 0 : index
      %get3A_254 = tpu.vector_load %get3A_251[%get3A_252, %get3A_253] {strides = array<i32>} : memref<104x32xf32, #tpu.memory_space<vmem>>, vector<1x16xf32>,
      %get3A_255 = vector.shape_cast %get3A_254 : vector<1x16xf32> to vector<16xf32>
      %add3A_256 = arith.addf %add3A_236, %get3A_255 : vector<16xf32>
      %get3A_257 = arith.constant 7 : i32
      %get3A_258 = arith.constant 0 : i32
      %get3A_259 = arith.constant 0 : i32
      %get3A_260 = tpu.memref_slice %arg6[%rem3A_170, %get3A_258, %get3A_259] : memref<8x104x32xf32, #tpu.memory_space<vmem>> -> memref<1x104x32xf32, #tpu.memory_space<vmem>>
      %get3A_261 = tpu.memref_squeeze %get3A_260 : memref<1x104x32xf32, #tpu.memory_space<vmem>> -> memref<104x32xf32, #tpu.memory_space<vmem>>
      %get3A_262 = arith.index_cast %get3A_257 : i32 to index
      %get3A_263 = arith.constant 0 : index
      %get3A_264 = tpu.vector_load %get3A_261[%get3A_262, %get3A_263] {strides = array<i32>} : memref<104x32xf32, #tpu.memory_space<vmem>>, vector<1x16xf32>,
      %get3A_265 = vector.shape_cast %get3A_264 : vector<1x16xf32> to vector<16xf32>
      %add3A_266 = arith.addf %add3A_246, %get3A_265 : vector<16xf32>
      %get3A_267 = arith.constant 8 : i32
      %get3A_268 = arith.constant 0 : i32
      %get3A_269 = arith.constant 0 : i32
      %get3A_270 = tpu.memref_slice %arg6[%rem3A_170, %get3A_268, %get3A_269] : memref<8x104x32xf32, #tpu.memory_space<vmem>> -> memref<1x104x32xf32, #tpu.memory_space<vmem>>
      %get3A_271 = tpu.memref_squeeze %get3A_270 : memref<1x104x32xf32, #tpu.memory_space<vmem>> -> memref<104x32xf32, #tpu.memory_space<vmem>>
      %get3A_272 = arith.index_cast %get3A_267 : i32 to index
      %get3A_273 = arith.constant 0 : index
      %get3A_274 = tpu.vector_load %get3A_271[%get3A_272, %get3A_273] {strides = array<i32>} : memref<104x32xf32, #tpu.memory_space<vmem>>, vector<1x16xf32>,
      %get3A_275 = vector.shape_cast %get3A_274 : vector<1x16xf32> to vector<16xf32>
      %add3A_276 = arith.addf %add3A_256, %get3A_275 : vector<16xf32>
      %get3A_277 = arith.constant 9 : i32
      %get3A_278 = arith.constant 0 : i32
      %get3A_279 = arith.constant 0 : i32
      %get3A_280 = tpu.memref_slice %arg6[%rem3A_170, %get3A_278, %get3A_279] : memref<8x104x32xf32, #tpu.memory_space<vmem>> -> memref<1x104x32xf32, #tpu.memory_space<vmem>>
      %get3A_281 = tpu.memref_squeeze %get3A_280 : memref<1x104x32xf32, #tpu.memory_space<vmem>> -> memref<104x32xf32, #tpu.memory_space<vmem>>
      %get3A_282 = arith.index_cast %get3A_277 : i32 to index
      %get3A_283 = arith.constant 0 : index
      %get3A_284 = tpu.vector_load %get3A_281[%get3A_282, %get3A_283] {strides = array<i32>} : memref<104x32xf32, #tpu.memory_space<vmem>>, vector<1x16xf32>,
      %get3A_285 = vector.shape_cast %get3A_284 : vector<1x16xf32> to vector<16xf32>
      %add3A_286 = arith.addf %add3A_266, %get3A_285 : vector<16xf32>
      %get3A_287 = arith.constant 10 : i32
      %get3A_288 = arith.constant 0 : i32
      %get3A_289 = arith.constant 0 : i32
      %get3A_290 = tpu.memref_slice %arg6[%rem3A_170, %get3A_288, %get3A_289] : memref<8x104x32xf32, #tpu.memory_space<vmem>> -> memref<1x104x32xf32, #tpu.memory_space<vmem>>
      %get3A_291 = tpu.memref_squeeze %get3A_290 : memref<1x104x32xf32, #tpu.memory_space<vmem>> -> memref<104x32xf32, #tpu.memory_space<vmem>>
      %get3A_292 = arith.index_cast %get3A_287 : i32 to index
      %get3A_293 = arith.constant 0 : index
      %get3A_294 = tpu.vector_load %get3A_291[%get3A_292, %get3A_293] {strides = array<i32>} : memref<104x32xf32, #tpu.memory_space<vmem>>, vector<1x16xf32>,
      %get3A_295 = vector.shape_cast %get3A_294 : vector<1x16xf32> to vector<16xf32>
      %add3A_296 = arith.addf %add3A_276, %get3A_295 : vector<16xf32>
      %get3A_297 = arith.constant 11 : i32
      %get3A_298 = arith.constant 0 : i32
      %get3A_299 = arith.constant 0 : i32
      %get3A_300 = tpu.memref_slice %arg6[%rem3A_170, %get3A_298, %get3A_299] : memref<8x104x32xf32, #tpu.memory_space<vmem>> -> memref<1x104x32xf32, #tpu.memory_space<vmem>>
      %get3A_301 = tpu.memref_squeeze %get3A_300 : memref<1x104x32xf32, #tpu.memory_space<vmem>> -> memref<104x32xf32, #tpu.memory_space<vmem>>
      %get3A_302 = arith.index_cast %get3A_297 : i32 to index
      %get3A_303 = arith.constant 0 : index
      %get3A_304 = tpu.vector_load %get3A_301[%get3A_302, %get3A_303] {strides = array<i32>} : memref<104x32xf32, #tpu.memory_space<vmem>>, vector<1x16xf32>,
      %get3A_305 = vector.shape_cast %get3A_304 : vector<1x16xf32> to vector<16xf32>
      %add3A_306 = arith.addf %add3A_286, %get3A_305 : vector<16xf32>
      %get3A_307 = arith.constant 12 : i32
      %get3A_308 = arith.constant 0 : i32
      %get3A_309 = arith.constant 0 : i32
      %get3A_310 = tpu.memref_slice %arg6[%rem3A_170, %get3A_308, %get3A_309] : memref<8x104x32xf32, #tpu.memory_space<vmem>> -> memref<1x104x32xf32, #tpu.memory_space<vmem>>
      %get3A_311 = tpu.memref_squeeze %get3A_310 : memref<1x104x32xf32, #tpu.memory_space<vmem>> -> memref<104x32xf32, #tpu.memory_space<vmem>>
      %get3A_312 = arith.index_cast %get3A_307 : i32 to index
      %get3A_313 = arith.constant 0 : index
      %get3A_314 = tpu.vector_load %get3A_311[%get3A_312, %get3A_313] {strides = array<i32>} : memref<104x32xf32, #tpu.memory_space<vmem>>, vector<1x16xf32>,
      %get3A_315 = vector.shape_cast %get3A_314 : vector<1x16xf32> to vector<16xf32>
      %add3A_316 = arith.addf %add3A_296, %get3A_315 : vector<16xf32>
      %get3A_317 = arith.constant 13 : i32
      %get3A_318 = arith.constant 0 : i32
      %get3A_319 = arith.constant 0 : i32
      %get3A_320 = tpu.memref_slice %arg6[%rem3A_170, %get3A_318, %get3A_319] : memref<8x104x32xf32, #tpu.memory_space<vmem>> -> memref<1x104x32xf32, #tpu.memory_space<vmem>>
      %get3A_321 = tpu.memref_squeeze %get3A_320 : memref<1x104x32xf32, #tpu.memory_space<vmem>> -> memref<104x32xf32, #tpu.memory_space<vmem>>
      %get3A_322 = arith.index_cast %get3A_317 : i32 to index
      %get3A_323 = arith.constant 0 : index
      %get3A_324 = tpu.vector_load %get3A_321[%get3A_322, %get3A_323] {strides = array<i32>} : memref<104x32xf32, #tpu.memory_space<vmem>>, vector<1x16xf32>,
      %get3A_325 = vector.shape_cast %get3A_324 : vector<1x16xf32> to vector<16xf32>
      %add3A_326 = arith.addf %add3A_306, %get3A_325 : vector<16xf32>
      %get3A_327 = arith.constant 14 : i32
      %get3A_328 = arith.constant 0 : i32
      %get3A_329 = arith.constant 0 : i32
      %get3A_330 = tpu.memref_slice %arg6[%rem3A_170, %get3A_328, %get3A_329] : memref<8x104x32xf32, #tpu.memory_space<vmem>> -> memref<1x104x32xf32, #tpu.memory_space<vmem>>
      %get3A_331 = tpu.memref_squeeze %get3A_330 : memref<1x104x32xf32, #tpu.memory_space<vmem>> -> memref<104x32xf32, #tpu.memory_space<vmem>>
      %get3A_332 = arith.index_cast %get3A_327 : i32 to index
      %get3A_333 = arith.constant 0 : index
      %get3A_334 = tpu.vector_load %get3A_331[%get3A_332, %get3A_333] {strides = array<i32>} : memref<104x32xf32, #tpu.memory_space<vmem>>, vector<1x16xf32>,
      %get3A_335 = vector.shape_cast %get3A_334 : vector<1x16xf32> to vector<16xf32>
      %add3A_336 = arith.addf %add3A_316, %get3A_335 : vector<16xf32>
      %get3A_337 = arith.constant 15 : i32
      %get3A_338 = arith.constant 0 : i32
      %get3A_339 = arith.constant 0 : i32
      %get3A_340 = tpu.memref_slice %arg6[%rem3A_170, %get3A_338, %get3A_339] : memref<8x104x32xf32, #tpu.memory_space<vmem>> -> memref<1x104x32xf32, #tpu.memory_space<vmem>>
      %get3A_341 = tpu.memref_squeeze %get3A_340 : memref<1x104x32xf32, #tpu.memory_space<vmem>> -> memref<104x32xf32, #tpu.memory_space<vmem>>
      %get3A_342 = arith.index_cast %get3A_337 : i32 to index
      %get3A_343 = arith.constant 0 : index
      %get3A_344 = tpu.vector_load %get3A_341[%get3A_342, %get3A_343] {strides = array<i32>} : memref<104x32xf32, #tpu.memory_space<vmem>>, vector<1x16xf32>,
      %get3A_345 = vector.shape_cast %get3A_344 : vector<1x16xf32> to vector<16xf32>
      %add3A_346 = arith.addf %add3A_326, %get3A_345 : vector<16xf32>
      %get3A_347 = arith.constant 16 : i32
      %get3A_348 = arith.constant 0 : i32
      %get3A_349 = arith.constant 0 : i32
      %get3A_350 = tpu.memref_slice %arg6[%rem3A_170, %get3A_348, %get3A_349] : memref<8x104x32xf32, #tpu.memory_space<vmem>> -> memref<1x104x32xf32, #tpu.memory_space<vmem>>
      %get3A_351 = tpu.memref_squeeze %get3A_350 : memref<1x104x32xf32, #tpu.memory_space<vmem>> -> memref<104x32xf32, #tpu.memory_space<vmem>>
      %get3A_352 = arith.index_cast %get3A_347 : i32 to index
      %get3A_353 = arith.constant 0 : index
      %get3A_354 = tpu.vector_load %get3A_351[%get3A_352, %get3A_353] {strides = array<i32>} : memref<104x32xf32, #tpu.memory_space<vmem>>, vector<1x16xf32>,
      %get3A_355 = vector.shape_cast %get3A_354 : vector<1x16xf32> to vector<16xf32>
      %add3A_356 = arith.addf %add3A_336, %get3A_355 : vector<16xf32>
      %get3A_357 = arith.constant 17 : i32
      %get3A_358 = arith.constant 0 : i32
      %get3A_359 = arith.constant 0 : i32
      %get3A_360 = tpu.memref_slice %arg6[%rem3A_170, %get3A_358, %get3A_359] : memref<8x104x32xf32, #tpu.memory_space<vmem>> -> memref<1x104x32xf32, #tpu.memory_space<vmem>>
      %get3A_361 = tpu.memref_squeeze %get3A_360 : memref<1x104x32xf32, #tpu.memory_space<vmem>> -> memref<104x32xf32, #tpu.memory_space<vmem>>
      %get3A_362 = arith.index_cast %get3A_357 : i32 to index
      %get3A_363 = arith.constant 0 : index
      %get3A_364 = tpu.vector_load %get3A_361[%get3A_362, %get3A_363] {strides = array<i32>} : memref<104x32xf32, #tpu.memory_space<vmem>>, vector<1x16xf32>,
      %get3A_365 = vector.shape_cast %get3A_364 : vector<1x16xf32> to vector<16xf32>
      %add3A_366 = arith.addf %add3A_346, %get3A_365 : vector<16xf32>
      %get3A_367 = arith.constant 18 : i32
      %get3A_368 = arith.constant 0 : i32
      %get3A_369 = arith.constant 0 : i32
      %get3A_370 = tpu.memref_slice %arg6[%rem3A_170, %get3A_368, %get3A_369] : memref<8x104x32xf32, #tpu.memory_space<vmem>> -> memref<1x104x32xf32, #tpu.memory_space<vmem>>
      %get3A_371 = tpu.memref_squeeze %get3A_370 : memref<1x104x32xf32, #tpu.memory_space<vmem>> -> memref<104x32xf32, #tpu.memory_space<vmem>>
      %get3A_372 = arith.index_cast %get3A_367 : i32 to index
      %get3A_373 = arith.constant 0 : index
      %get3A_374 = tpu.vector_load %get3A_371[%get3A_372, %get3A_373] {strides = array<i32>} : memref<104x32xf32, #tpu.memory_space<vmem>>, vector<1x16xf32>,
      %get3A_375 = vector.shape_cast %get3A_374 : vector<1x16xf32> to vector<16xf32>
      %add3A_376 = arith.addf %add3A_356, %get3A_375 : vector<16xf32>
      %get3A_377 = arith.constant 19 : i32
      %get3A_378 = arith.constant 0 : i32
      %get3A_379 = arith.constant 0 : i32
      %get3A_380 = tpu.memref_slice %arg6[%rem3A_170, %get3A_378, %get3A_379] : memref<8x104x32xf32, #tpu.memory_space<vmem>> -> memref<1x104x32xf32, #tpu.memory_space<vmem>>
      %get3A_381 = tpu.memref_squeeze %get3A_380 : memref<1x104x32xf32, #tpu.memory_space<vmem>> -> memref<104x32xf32, #tpu.memory_space<vmem>>
      %get3A_382 = arith.index_cast %get3A_377 : i32 to index
      %get3A_383 = arith.constant 0 : index
      %get3A_384 = tpu.vector_load %get3A_381[%get3A_382, %get3A_383] {strides = array<i32>} : memref<104x32xf32, #tpu.memory_space<vmem>>, vector<1x16xf32>,
      %get3A_385 = vector.shape_cast %get3A_384 : vector<1x16xf32> to vector<16xf32>
      %add3A_386 = arith.addf %add3A_366, %get3A_385 : vector<16xf32>
      %get3A_387 = arith.constant 20 : i32
      %get3A_388 = arith.constant 0 : i32
      %get3A_389 = arith.constant 0 : i32
      %get3A_390 = tpu.memref_slice %arg6[%rem3A_170, %get3A_388, %get3A_389] : memref<8x104x32xf32, #tpu.memory_space<vmem>> -> memref<1x104x32xf32, #tpu.memory_space<vmem>>
      %get3A_391 = tpu.memref_squeeze %get3A_390 : memref<1x104x32xf32, #tpu.memory_space<vmem>> -> memref<104x32xf32, #tpu.memory_space<vmem>>
      %get3A_392 = arith.index_cast %get3A_387 : i32 to index
      %get3A_393 = arith.constant 0 : index
      %get3A_394 = tpu.vector_load %get3A_391[%get3A_392, %get3A_393] {strides = array<i32>} : memref<104x32xf32, #tpu.memory_space<vmem>>, vector<1x16xf32>,
      %get3A_395 = vector.shape_cast %get3A_394 : vector<1x16xf32> to vector<16xf32>
      %add3A_396 = arith.addf %add3A_376, %get3A_395 : vector<16xf32>
      %get3A_397 = arith.constant 21 : i32
      %get3A_398 = arith.constant 0 : i32
      %get3A_399 = arith.constant 0 : i32
      %get3A_400 = tpu.memref_slice %arg6[%rem3A_170, %get3A_398, %get3A_399] : memref<8x104x32xf32, #tpu.memory_space<vmem>> -> memref<1x104x32xf32, #tpu.memory_space<vmem>>
      %get3A_401 = tpu.memref_squeeze %get3A_400 : memref<1x104x32xf32, #tpu.memory_space<vmem>> -> memref<104x32xf32, #tpu.memory_space<vmem>>
      %get3A_402 = arith.index_cast %get3A_397 : i32 to index
      %get3A_403 = arith.constant 0 : index
      %get3A_404 = tpu.vector_load %get3A_401[%get3A_402, %get3A_403] {strides = array<i32>} : memref<104x32xf32, #tpu.memory_space<vmem>>, vector<1x16xf32>,
      %get3A_405 = vector.shape_cast %get3A_404 : vector<1x16xf32> to vector<16xf32>
      %add3A_406 = arith.addf %add3A_386, %get3A_405 : vector<16xf32>
      %get3A_407 = arith.constant 22 : i32
      %get3A_408 = arith.constant 0 : i32
      %get3A_409 = arith.constant 0 : i32
      %get3A_410 = tpu.memref_slice %arg6[%rem3A_170, %get3A_408, %get3A_409] : memref<8x104x32xf32, #tpu.memory_space<vmem>> -> memref<1x104x32xf32, #tpu.memory_space<vmem>>
      %get3A_411 = tpu.memref_squeeze %get3A_410 : memref<1x104x32xf32, #tpu.memory_space<vmem>> -> memref<104x32xf32, #tpu.memory_space<vmem>>
      %get3A_412 = arith.index_cast %get3A_407 : i32 to index
      %get3A_413 = arith.constant 0 : index
      %get3A_414 = tpu.vector_load %get3A_411[%get3A_412, %get3A_413] {strides = array<i32>} : memref<104x32xf32, #tpu.memory_space<vmem>>, vector<1x16xf32>,
      %get3A_415 = vector.shape_cast %get3A_414 : vector<1x16xf32> to vector<16xf32>
      %add3A_416 = arith.addf %add3A_396, %get3A_415 : vector<16xf32>
      %get3A_417 = arith.constant 23 : i32
      %get3A_418 = arith.constant 0 : i32
      %get3A_419 = arith.constant 0 : i32
      %get3A_420 = tpu.memref_slice %arg6[%rem3A_170, %get3A_418, %get3A_419] : memref<8x104x32xf32, #tpu.memory_space<vmem>> -> memref<1x104x32xf32, #tpu.memory_space<vmem>>
      %get3A_421 = tpu.memref_squeeze %get3A_420 : memref<1x104x32xf32, #tpu.memory_space<vmem>> -> memref<104x32xf32, #tpu.memory_space<vmem>>
      %get3A_422 = arith.index_cast %get3A_417 : i32 to index
      %get3A_423 = arith.constant 0 : index
      %get3A_424 = tpu.vector_load %get3A_421[%get3A_422, %get3A_423] {strides = array<i32>} : memref<104x32xf32, #tpu.memory_space<vmem>>, vector<1x16xf32>,
      %get3A_425 = vector.shape_cast %get3A_424 : vector<1x16xf32> to vector<16xf32>
      %add3A_426 = arith.addf %add3A_406, %get3A_425 : vector<16xf32>
      %get3A_427 = arith.constant 24 : i32
      %get3A_428 = arith.constant 0 : i32
      %get3A_429 = arith.constant 0 : i32
      %get3A_430 = tpu.memref_slice %arg6[%rem3A_170, %get3A_428, %get3A_429] : memref<8x104x32xf32, #tpu.memory_space<vmem>> -> memref<1x104x32xf32, #tpu.memory_space<vmem>>
      %get3A_431 = tpu.memref_squeeze %get3A_430 : memref<1x104x32xf32, #tpu.memory_space<vmem>> -> memref<104x32xf32, #tpu.memory_space<vmem>>
      %get3A_432 = arith.index_cast %get3A_427 : i32 to index
      %get3A_433 = arith.constant 0 : index
      %get3A_434 = tpu.vector_load %get3A_431[%get3A_432, %get3A_433] {strides = array<i32>} : memref<104x32xf32, #tpu.memory_space<vmem>>, vector<1x16xf32>,
      %get3A_435 = vector.shape_cast %get3A_434 : vector<1x16xf32> to vector<16xf32>
      %add3A_436 = arith.addf %add3A_416, %get3A_435 : vector<16xf32>
      %get3A_437 = arith.constant 25 : i32
      %get3A_438 = arith.constant 0 : i32
      %get3A_439 = arith.constant 0 : i32
      %get3A_440 = tpu.memref_slice %arg6[%rem3A_170, %get3A_438, %get3A_439] : memref<8x104x32xf32, #tpu.memory_space<vmem>> -> memref<1x104x32xf32, #tpu.memory_space<vmem>>
      %get3A_441 = tpu.memref_squeeze %get3A_440 : memref<1x104x32xf32, #tpu.memory_space<vmem>> -> memref<104x32xf32, #tpu.memory_space<vmem>>
      %get3A_442 = arith.index_cast %get3A_437 : i32 to index
      %get3A_443 = arith.constant 0 : index
      %get3A_444 = tpu.vector_load %get3A_441[%get3A_442, %get3A_443] {strides = array<i32>} : memref<104x32xf32, #tpu.memory_space<vmem>>, vector<1x16xf32>,
      %get3A_445 = vector.shape_cast %get3A_444 : vector<1x16xf32> to vector<16xf32>
      %add3A_446 = arith.addf %add3A_426, %get3A_445 : vector<16xf32>
      %get3A_447 = arith.constant 26 : i32
      %get3A_448 = arith.constant 0 : i32
      %get3A_449 = arith.constant 0 : i32
      %get3A_450 = tpu.memref_slice %arg6[%rem3A_170, %get3A_448, %get3A_449] : memref<8x104x32xf32, #tpu.memory_space<vmem>> -> memref<1x104x32xf32, #tpu.memory_space<vmem>>
      %get3A_451 = tpu.memref_squeeze %get3A_450 : memref<1x104x32xf32, #tpu.memory_space<vmem>> -> memref<104x32xf32, #tpu.memory_space<vmem>>
      %get3A_452 = arith.index_cast %get3A_447 : i32 to index
      %get3A_453 = arith.constant 0 : index
      %get3A_454 = tpu.vector_load %get3A_451[%get3A_452, %get3A_453] {strides = array<i32>} : memref<104x32xf32, #tpu.memory_space<vmem>>, vector<1x16xf32>,
      %get3A_455 = vector.shape_cast %get3A_454 : vector<1x16xf32> to vector<16xf32>
      %add3A_456 = arith.addf %add3A_436, %get3A_455 : vector<16xf32>
      %get3A_457 = arith.constant 27 : i32
      %get3A_458 = arith.constant 0 : i32
      %get3A_459 = arith.constant 0 : i32
      %get3A_460 = tpu.memref_slice %arg6[%rem3A_170, %get3A_458, %get3A_459] : memref<8x104x32xf32, #tpu.memory_space<vmem>> -> memref<1x104x32xf32, #tpu.memory_space<vmem>>
      %get3A_461 = tpu.memref_squeeze %get3A_460 : memref<1x104x32xf32, #tpu.memory_space<vmem>> -> memref<104x32xf32, #tpu.memory_space<vmem>>
      %get3A_462 = arith.index_cast %get3A_457 : i32 to index
      %get3A_463 = arith.constant 0 : index
      %get3A_464 = tpu.vector_load %get3A_461[%get3A_462, %get3A_463] {strides = array<i32>} : memref<104x32xf32, #tpu.memory_space<vmem>>, vector<1x16xf32>,
      %get3A_465 = vector.shape_cast %get3A_464 : vector<1x16xf32> to vector<16xf32>
      %add3A_466 = arith.addf %add3A_446, %get3A_465 : vector<16xf32>
      %get3A_467 = arith.constant 28 : i32
      %get3A_468 = arith.constant 0 : i32
      %get3A_469 = arith.constant 0 : i32
      %get3A_470 = tpu.memref_slice %arg6[%rem3A_170, %get3A_468, %get3A_469] : memref<8x104x32xf32, #tpu.memory_space<vmem>> -> memref<1x104x32xf32, #tpu.memory_space<vmem>>
      %get3A_471 = tpu.memref_squeeze %get3A_470 : memref<1x104x32xf32, #tpu.memory_space<vmem>> -> memref<104x32xf32, #tpu.memory_space<vmem>>
      %get3A_472 = arith.index_cast %get3A_467 : i32 to index
      %get3A_473 = arith.constant 0 : index
      %get3A_474 = tpu.vector_load %get3A_471[%get3A_472, %get3A_473] {strides = array<i32>} : memref<104x32xf32, #tpu.memory_space<vmem>>, vector<1x16xf32>,
      %get3A_475 = vector.shape_cast %get3A_474 : vector<1x16xf32> to vector<16xf32>
      %add3A_476 = arith.addf %add3A_456, %get3A_475 : vector<16xf32>
      %get3A_477 = arith.constant 29 : i32
      %get3A_478 = arith.constant 0 : i32
      %get3A_479 = arith.constant 0 : i32
      %get3A_480 = tpu.memref_slice %arg6[%rem3A_170, %get3A_478, %get3A_479] : memref<8x104x32xf32, #tpu.memory_space<vmem>> -> memref<1x104x32xf32, #tpu.memory_space<vmem>>
      %get3A_481 = tpu.memref_squeeze %get3A_480 : memref<1x104x32xf32, #tpu.memory_space<vmem>> -> memref<104x32xf32, #tpu.memory_space<vmem>>
      %get3A_482 = arith.index_cast %get3A_477 : i32 to index
      %get3A_483 = arith.constant 0 : index
      %get3A_484 = tpu.vector_load %get3A_481[%get3A_482, %get3A_483] {strides = array<i32>} : memref<104x32xf32, #tpu.memory_space<vmem>>, vector<1x16xf32>,
      %get3A_485 = vector.shape_cast %get3A_484 : vector<1x16xf32> to vector<16xf32>
      %add3A_486 = arith.addf %add3A_466, %get3A_485 : vector<16xf32>
      %get3A_487 = arith.constant 30 : i32
      %get3A_488 = arith.constant 0 : i32
      %get3A_489 = arith.constant 0 : i32
      %get3A_490 = tpu.memref_slice %arg6[%rem3A_170, %get3A_488, %get3A_489] : memref<8x104x32xf32, #tpu.memory_space<vmem>> -> memref<1x104x32xf32, #tpu.memory_space<vmem>>
      %get3A_491 = tpu.memref_squeeze %get3A_490 : memref<1x104x32xf32, #tpu.memory_space<vmem>> -> memref<104x32xf32, #tpu.memory_space<vmem>>
      %get3A_492 = arith.index_cast %get3A_487 : i32 to index
      %get3A_493 = arith.constant 0 : index
      %get3A_494 = tpu.vector_load %get3A_491[%get3A_492, %get3A_493] {strides = array<i32>} : memref<104x32xf32, #tpu.memory_space<vmem>>, vector<1x16xf32>,
      %get3A_495 = vector.shape_cast %get3A_494 : vector<1x16xf32> to vector<16xf32>
      %add3A_496 = arith.addf %add3A_476, %get3A_495 : vector<16xf32>
      %get3A_497 = arith.constant 31 : i32
      %get3A_498 = arith.constant 0 : i32
      %get3A_499 = arith.constant 0 : i32
      %get3A_500 = tpu.memref_slice %arg6[%rem3A_170, %get3A_498, %get3A_499] : memref<8x104x32xf32, #tpu.memory_space<vmem>> -> memref<1x104x32xf32, #tpu.memory_space<vmem>>
      %get3A_501 = tpu.memref_squeeze %get3A_500 : memref<1x104x32xf32, #tpu.memory_space<vmem>> -> memref<104x32xf32, #tpu.memory_space<vmem>>
      %get3A_502 = arith.index_cast %get3A_497 : i32 to index
      %get3A_503 = arith.constant 0 : index
      %get3A_504 = tpu.vector_load %get3A_501[%get3A_502, %get3A_503] {strides = array<i32>} : memref<104x32xf32, #tpu.memory_space<vmem>>, vector<1x16xf32>,
      %get3A_505 = vector.shape_cast %get3A_504 : vector<1x16xf32> to vector<16xf32>
      %add3A_506 = arith.addf %add3A_486, %get3A_505 : vector<16xf32>
      %get3A_507 = arith.constant 32 : i32
      %get3A_508 = arith.constant 0 : i32
      %get3A_509 = arith.constant 0 : i32
      %get3A_510 = tpu.memref_slice %arg6[%rem3A_170, %get3A_508, %get3A_509] : memref<8x104x32xf32, #tpu.memory_space<vmem>> -> memref<1x104x32xf32, #tpu.memory_space<vmem>>
      %get3A_511 = tpu.memref_squeeze %get3A_510 : memref<1x104x32xf32, #tpu.memory_space<vmem>> -> memref<104x32xf32, #tpu.memory_space<vmem>>
      %get3A_512 = arith.index_cast %get3A_507 : i32 to index
      %get3A_513 = arith.constant 0 : index
      %get3A_514 = tpu.vector_load %get3A_511[%get3A_512, %get3A_513] {strides = array<i32>} : memref<104x32xf32, #tpu.memory_space<vmem>>, vector<1x16xf32>,
      %get3A_515 = vector.shape_cast %get3A_514 : vector<1x16xf32> to vector<16xf32>
      %add3A_516 = arith.addf %add3A_496, %get3A_515 : vector<16xf32>
      %get3A_517 = arith.constant 33 : i32
      %get3A_518 = arith.constant 0 : i32
      %get3A_519 = arith.constant 0 : i32
      %get3A_520 = tpu.memref_slice %arg6[%rem3A_170, %get3A_518, %get3A_519] : memref<8x104x32xf32, #tpu.memory_space<vmem>> -> memref<1x104x32xf32, #tpu.memory_space<vmem>>
      %get3A_521 = tpu.memref_squeeze %get3A_520 : memref<1x104x32xf32, #tpu.memory_space<vmem>> -> memref<104x32xf32, #tpu.memory_space<vmem>>
      %get3A_522 = arith.index_cast %get3A_517 : i32 to index
      %get3A_523 = arith.constant 0 : index
      %get3A_524 = tpu.vector_load %get3A_521[%get3A_522, %get3A_523] {strides = array<i32>} : memref<104x32xf32, #tpu.memory_space<vmem>>, vector<1x16xf32>,
      %get3A_525 = vector.shape_cast %get3A_524 : vector<1x16xf32> to vector<16xf32>
      %add3A_526 = arith.addf %add3A_506, %get3A_525 : vector<16xf32>
      %get3A_527 = arith.constant 34 : i32
      %get3A_528 = arith.constant 0 : i32
      %get3A_529 = arith.constant 0 : i32
      %get3A_530 = tpu.memref_slice %arg6[%rem3A_170, %get3A_528, %get3A_529] : memref<8x104x32xf32, #tpu.memory_space<vmem>> -> memref<1x104x32xf32, #tpu.memory_space<vmem>>
      %get3A_531 = tpu.memref_squeeze %get3A_530 : memref<1x104x32xf32, #tpu.memory_space<vmem>> -> memref<104x32xf32, #tpu.memory_space<vmem>>
      %get3A_532 = arith.index_cast %get3A_527 : i32 to index
      %get3A_533 = arith.constant 0 : index
      %get3A_534 = tpu.vector_load %get3A_531[%get3A_532, %get3A_533] {strides = array<i32>} : memref<104x32xf32, #tpu.memory_space<vmem>>, vector<1x16xf32>,
      %get3A_535 = vector.shape_cast %get3A_534 : vector<1x16xf32> to vector<16xf32>
      %add3A_536 = arith.addf %add3A_516, %get3A_535 : vector<16xf32>
      %get3A_537 = arith.constant 35 : i32
      %get3A_538 = arith.constant 0 : i32
      %get3A_539 = arith.constant 0 : i32
      %get3A_540 = tpu.memref_slice %arg6[%rem3A_170, %get3A_538, %get3A_539] : memref<8x104x32xf32, #tpu.memory_space<vmem>> -> memref<1x104x32xf32, #tpu.memory_space<vmem>>
      %get3A_541 = tpu.memref_squeeze %get3A_540 : memref<1x104x32xf32, #tpu.memory_space<vmem>> -> memref<104x32xf32, #tpu.memory_space<vmem>>
      %get3A_542 = arith.index_cast %get3A_537 : i32 to index
      %get3A_543 = arith.constant 0 : index
      %get3A_544 = tpu.vector_load %get3A_541[%get3A_542, %get3A_543] {strides = array<i32>} : memref<104x32xf32, #tpu.memory_space<vmem>>, vector<1x16xf32>,
      %get3A_545 = vector.shape_cast %get3A_544 : vector<1x16xf32> to vector<16xf32>
      %add3A_546 = arith.addf %add3A_526, %get3A_545 : vector<16xf32>
      %get3A_547 = arith.constant 36 : i32
      %get3A_548 = arith.constant 0 : i32
      %get3A_549 = arith.constant 0 : i32
      %get3A_550 = tpu.memref_slice %arg6[%rem3A_170, %get3A_548, %get3A_549] : memref<8x104x32xf32, #tpu.memory_space<vmem>> -> memref<1x104x32xf32, #tpu.memory_space<vmem>>
      %get3A_551 = tpu.memref_squeeze %get3A_550 : memref<1x104x32xf32, #tpu.memory_space<vmem>> -> memref<104x32xf32, #tpu.memory_space<vmem>>
      %get3A_552 = arith.index_cast %get3A_547 : i32 to index
      %get3A_553 = arith.constant 0 : index
      %get3A_554 = tpu.vector_load %get3A_551[%get3A_552, %get3A_553] {strides = array<i32>} : memref<104x32xf32, #tpu.memory_space<vmem>>, vector<1x16xf32>,
      %get3A_555 = vector.shape_cast %get3A_554 : vector<1x16xf32> to vector<16xf32>
      %add3A_556 = arith.addf %add3A_536, %get3A_555 : vector<16xf32>
      %get3A_557 = arith.constant 37 : i32
      %get3A_558 = arith.constant 0 : i32
      %get3A_559 = arith.constant 0 : i32
      %get3A_560 = tpu.memref_slice %arg6[%rem3A_170, %get3A_558, %get3A_559] : memref<8x104x32xf32, #tpu.memory_space<vmem>> -> memref<1x104x32xf32, #tpu.memory_space<vmem>>
      %get3A_561 = tpu.memref_squeeze %get3A_560 : memref<1x104x32xf32, #tpu.memory_space<vmem>> -> memref<104x32xf32, #tpu.memory_space<vmem>>
      %get3A_562 = arith.index_cast %get3A_557 : i32 to index
      %get3A_563 = arith.constant 0 : index
      %get3A_564 = tpu.vector_load %get3A_561[%get3A_562, %get3A_563] {strides = array<i32>} : memref<104x32xf32, #tpu.memory_space<vmem>>, vector<1x16xf32>,
      %get3A_565 = vector.shape_cast %get3A_564 : vector<1x16xf32> to vector<16xf32>
      %add3A_566 = arith.addf %add3A_546, %get3A_565 : vector<16xf32>
      %get3A_567 = arith.constant 38 : i32
      %get3A_568 = arith.constant 0 : i32
      %get3A_569 = arith.constant 0 : i32
      %get3A_570 = tpu.memref_slice %arg6[%rem3A_170, %get3A_568, %get3A_569] : memref<8x104x32xf32, #tpu.memory_space<vmem>> -> memref<1x104x32xf32, #tpu.memory_space<vmem>>
      %get3A_571 = tpu.memref_squeeze %get3A_570 : memref<1x104x32xf32, #tpu.memory_space<vmem>> -> memref<104x32xf32, #tpu.memory_space<vmem>>
      %get3A_572 = arith.index_cast %get3A_567 : i32 to index
      %get3A_573 = arith.constant 0 : index
      %get3A_574 = tpu.vector_load %get3A_571[%get3A_572, %get3A_573] {strides = array<i32>} : memref<104x32xf32, #tpu.memory_space<vmem>>, vector<1x16xf32>,
      %get3A_575 = vector.shape_cast %get3A_574 : vector<1x16xf32> to vector<16xf32>
      %add3A_576 = arith.addf %add3A_556, %get3A_575 : vector<16xf32>
      %get3A_577 = arith.constant 39 : i32
      %get3A_578 = arith.constant 0 : i32
      %get3A_579 = arith.constant 0 : i32
      %get3A_580 = tpu.memref_slice %arg6[%rem3A_170, %get3A_578, %get3A_579] : memref<8x104x32xf32, #tpu.memory_space<vmem>> -> memref<1x104x32xf32, #tpu.memory_space<vmem>>
      %get3A_581 = tpu.memref_squeeze %get3A_580 : memref<1x104x32xf32, #tpu.memory_space<vmem>> -> memref<104x32xf32, #tpu.memory_space<vmem>>
      %get3A_582 = arith.index_cast %get3A_577 : i32 to index
      %get3A_583 = arith.constant 0 : index
      %get3A_584 = tpu.vector_load %get3A_581[%get3A_582, %get3A_583] {strides = array<i32>} : memref<104x32xf32, #tpu.memory_space<vmem>>, vector<1x16xf32>,
      %get3A_585 = vector.shape_cast %get3A_584 : vector<1x16xf32> to vector<16xf32>
      %add3A_586 = arith.addf %add3A_566, %get3A_585 : vector<16xf32>
      %get3A_587 = arith.constant 40 : i32
      %get3A_588 = arith.constant 0 : i32
      %get3A_589 = arith.constant 0 : i32
      %get3A_590 = tpu.memref_slice %arg6[%rem3A_170, %get3A_588, %get3A_589] : memref<8x104x32xf32, #tpu.memory_space<vmem>> -> memref<1x104x32xf32, #tpu.memory_space<vmem>>
      %get3A_591 = tpu.memref_squeeze %get3A_590 : memref<1x104x32xf32, #tpu.memory_space<vmem>> -> memref<104x32xf32, #tpu.memory_space<vmem>>
      %get3A_592 = arith.index_cast %get3A_587 : i32 to index
      %get3A_593 = arith.constant 0 : index
      %get3A_594 = tpu.vector_load %get3A_591[%get3A_592, %get3A_593] {strides = array<i32>} : memref<104x32xf32, #tpu.memory_space<vmem>>, vector<1x16xf32>,
      %get3A_595 = vector.shape_cast %get3A_594 : vector<1x16xf32> to vector<16xf32>
      %add3A_596 = arith.addf %add3A_576, %get3A_595 : vector<16xf32>
      %get3A_597 = arith.constant 41 : i32
      %get3A_598 = arith.constant 0 : i32
      %get3A_599 = arith.constant 0 : i32
      %get3A_600 = tpu.memref_slice %arg6[%rem3A_170, %get3A_598, %get3A_599] : memref<8x104x32xf32, #tpu.memory_space<vmem>> -> memref<1x104x32xf32, #tpu.memory_space<vmem>>
      %get3A_601 = tpu.memref_squeeze %get3A_600 : memref<1x104x32xf32, #tpu.memory_space<vmem>> -> memref<104x32xf32, #tpu.memory_space<vmem>>
      %get3A_602 = arith.index_cast %get3A_597 : i32 to index
      %get3A_603 = arith.constant 0 : index
      %get3A_604 = tpu.vector_load %get3A_601[%get3A_602, %get3A_603] {strides = array<i32>} : memref<104x32xf32, #tpu.memory_space<vmem>>, vector<1x16xf32>,
      %get3A_605 = vector.shape_cast %get3A_604 : vector<1x16xf32> to vector<16xf32>
      %add3A_606 = arith.addf %add3A_586, %get3A_605 : vector<16xf32>
      %get3A_607 = arith.constant 42 : i32
      %get3A_608 = arith.constant 0 : i32
      %get3A_609 = arith.constant 0 : i32
      %get3A_610 = tpu.memref_slice %arg6[%rem3A_170, %get3A_608, %get3A_609] : memref<8x104x32xf32, #tpu.memory_space<vmem>> -> memref<1x104x32xf32, #tpu.memory_space<vmem>>
      %get3A_611 = tpu.memref_squeeze %get3A_610 : memref<1x104x32xf32, #tpu.memory_space<vmem>> -> memref<104x32xf32, #tpu.memory_space<vmem>>
      %get3A_612 = arith.index_cast %get3A_607 : i32 to index
      %get3A_613 = arith.constant 0 : index
      %get3A_614 = tpu.vector_load %get3A_611[%get3A_612, %get3A_613] {strides = array<i32>} : memref<104x32xf32, #tpu.memory_space<vmem>>, vector<1x16xf32>,
      %get3A_615 = vector.shape_cast %get3A_614 : vector<1x16xf32> to vector<16xf32>
      %add3A_616 = arith.addf %add3A_596, %get3A_615 : vector<16xf32>
      %get3A_617 = arith.constant 43 : i32
      %get3A_618 = arith.constant 0 : i32
      %get3A_619 = arith.constant 0 : i32
      %get3A_620 = tpu.memref_slice %arg6[%rem3A_170, %get3A_618, %get3A_619] : memref<8x104x32xf32, #tpu.memory_space<vmem>> -> memref<1x104x32xf32, #tpu.memory_space<vmem>>
      %get3A_621 = tpu.memref_squeeze %get3A_620 : memref<1x104x32xf32, #tpu.memory_space<vmem>> -> memref<104x32xf32, #tpu.memory_space<vmem>>
      %get3A_622 = arith.index_cast %get3A_617 : i32 to index
      %get3A_623 = arith.constant 0 : index
      %get3A_624 = tpu.vector_load %get3A_621[%get3A_622, %get3A_623] {strides = array<i32>} : memref<104x32xf32, #tpu.memory_space<vmem>>, vector<1x16xf32>,
      %get3A_625 = vector.shape_cast %get3A_624 : vector<1x16xf32> to vector<16xf32>
      %add3A_626 = arith.addf %add3A_606, %get3A_625 : vector<16xf32>
      %get3A_627 = arith.constant 44 : i32
      %get3A_628 = arith.constant 0 : i32
      %get3A_629 = arith.constant 0 : i32
      %get3A_630 = tpu.memref_slice %arg6[%rem3A_170, %get3A_628, %get3A_629] : memref<8x104x32xf32, #tpu.memory_space<vmem>> -> memref<1x104x32xf32, #tpu.memory_space<vmem>>
      %get3A_631 = tpu.memref_squeeze %get3A_630 : memref<1x104x32xf32, #tpu.memory_space<vmem>> -> memref<104x32xf32, #tpu.memory_space<vmem>>
      %get3A_632 = arith.index_cast %get3A_627 : i32 to index
      %get3A_633 = arith.constant 0 : index
      %get3A_634 = tpu.vector_load %get3A_631[%get3A_632, %get3A_633] {strides = array<i32>} : memref<104x32xf32, #tpu.memory_space<vmem>>, vector<1x16xf32>,
      %get3A_635 = vector.shape_cast %get3A_634 : vector<1x16xf32> to vector<16xf32>
      %add3A_636 = arith.addf %add3A_616, %get3A_635 : vector<16xf32>
      %get3A_637 = arith.constant 45 : i32
      %get3A_638 = arith.constant 0 : i32
      %get3A_639 = arith.constant 0 : i32
      %get3A_640 = tpu.memref_slice %arg6[%rem3A_170, %get3A_638, %get3A_639] : memref<8x104x32xf32, #tpu.memory_space<vmem>> -> memref<1x104x32xf32, #tpu.memory_space<vmem>>
      %get3A_641 = tpu.memref_squeeze %get3A_640 : memref<1x104x32xf32, #tpu.memory_space<vmem>> -> memref<104x32xf32, #tpu.memory_space<vmem>>
      %get3A_642 = arith.index_cast %get3A_637 : i32 to index
      %get3A_643 = arith.constant 0 : index
      %get3A_644 = tpu.vector_load %get3A_641[%get3A_642, %get3A_643] {strides = array<i32>} : memref<104x32xf32, #tpu.memory_space<vmem>>, vector<1x16xf32>,
      %get3A_645 = vector.shape_cast %get3A_644 : vector<1x16xf32> to vector<16xf32>
      %add3A_646 = arith.addf %add3A_626, %get3A_645 : vector<16xf32>
      %get3A_647 = arith.constant 46 : i32
      %get3A_648 = arith.constant 0 : i32
      %get3A_649 = arith.constant 0 : i32
      %get3A_650 = tpu.memref_slice %arg6[%rem3A_170, %get3A_648, %get3A_649] : memref<8x104x32xf32, #tpu.memory_space<vmem>> -> memref<1x104x32xf32, #tpu.memory_space<vmem>>
      %get3A_651 = tpu.memref_squeeze %get3A_650 : memref<1x104x32xf32, #tpu.memory_space<vmem>> -> memref<104x32xf32, #tpu.memory_space<vmem>>
      %get3A_652 = arith.index_cast %get3A_647 : i32 to index
      %get3A_653 = arith.constant 0 : index
      %get3A_654 = tpu.vector_load %get3A_651[%get3A_652, %get3A_653] {strides = array<i32>} : memref<104x32xf32, #tpu.memory_space<vmem>>, vector<1x16xf32>,
      %get3A_655 = vector.shape_cast %get3A_654 : vector<1x16xf32> to vector<16xf32>
      %add3A_656 = arith.addf %add3A_636, %get3A_655 : vector<16xf32>
      %get3A_657 = arith.constant 47 : i32
      %get3A_658 = arith.constant 0 : i32
      %get3A_659 = arith.constant 0 : i32
      %get3A_660 = tpu.memref_slice %arg6[%rem3A_170, %get3A_658, %get3A_659] : memref<8x104x32xf32, #tpu.memory_space<vmem>> -> memref<1x104x32xf32, #tpu.memory_space<vmem>>
      %get3A_661 = tpu.memref_squeeze %get3A_660 : memref<1x104x32xf32, #tpu.memory_space<vmem>> -> memref<104x32xf32, #tpu.memory_space<vmem>>
      %get3A_662 = arith.index_cast %get3A_657 : i32 to index
      %get3A_663 = arith.constant 0 : index
      %get3A_664 = tpu.vector_load %get3A_661[%get3A_662, %get3A_663] {strides = array<i32>} : memref<104x32xf32, #tpu.memory_space<vmem>>, vector<1x16xf32>,
      %get3A_665 = vector.shape_cast %get3A_664 : vector<1x16xf32> to vector<16xf32>
      %add3A_666 = arith.addf %add3A_646, %get3A_665 : vector<16xf32>
      %get3A_667 = arith.constant 48 : i32
      %get3A_668 = arith.constant 0 : i32
      %get3A_669 = arith.constant 0 : i32
      %get3A_670 = tpu.memref_slice %arg6[%rem3A_170, %get3A_668, %get3A_669] : memref<8x104x32xf32, #tpu.memory_space<vmem>> -> memref<1x104x32xf32, #tpu.memory_space<vmem>>
      %get3A_671 = tpu.memref_squeeze %get3A_670 : memref<1x104x32xf32, #tpu.memory_space<vmem>> -> memref<104x32xf32, #tpu.memory_space<vmem>>
      %get3A_672 = arith.index_cast %get3A_667 : i32 to index
      %get3A_673 = arith.constant 0 : index
      %get3A_674 = tpu.vector_load %get3A_671[%get3A_672, %get3A_673] {strides = array<i32>} : memref<104x32xf32, #tpu.memory_space<vmem>>, vector<1x16xf32>,
      %get3A_675 = vector.shape_cast %get3A_674 : vector<1x16xf32> to vector<16xf32>
      %add3A_676 = arith.addf %add3A_656, %get3A_675 : vector<16xf32>
      %get3A_677 = arith.constant 49 : i32
      %get3A_678 = arith.constant 0 : i32
      %get3A_679 = arith.constant 0 : i32
      %get3A_680 = tpu.memref_slice %arg6[%rem3A_170, %get3A_678, %get3A_679] : memref<8x104x32xf32, #tpu.memory_space<vmem>> -> memref<1x104x32xf32, #tpu.memory_space<vmem>>
      %get3A_681 = tpu.memref_squeeze %get3A_680 : memref<1x104x32xf32, #tpu.memory_space<vmem>> -> memref<104x32xf32, #tpu.memory_space<vmem>>
      %get3A_682 = arith.index_cast %get3A_677 : i32 to index
      %get3A_683 = arith.constant 0 : index
      %get3A_684 = tpu.vector_load %get3A_681[%get3A_682, %get3A_683] {strides = array<i32>} : memref<104x32xf32, #tpu.memory_space<vmem>>, vector<1x16xf32>,
      %get3A_685 = vector.shape_cast %get3A_684 : vector<1x16xf32> to vector<16xf32>
      %add3A_686 = arith.addf %add3A_666, %get3A_685 : vector<16xf32>
      %add3A_687 = arith.addf %add3A_676, %add3A_686 : vector<16xf32>
      %mul3A_688 = arith.constant 4 : i32
      %mul3A_689 = arith.muli %scan3A_169, %mul3A_688 : i32
      %add3A_690 = arith.constant 0 : i32
      %add3A_691 = arith.addi %mul3A_689, %add3A_690 : i32
      %swap3A = arith.index_cast %add3A_691 : i32 to index
      %swap3A_692 = arith.constant 0 : index
      %swap3A_693 = tpu.vector_load %arg8[%swap3A, %swap3A_692] {strides = array<i32>} : memref<512x32xf32, #tpu.memory_space<vmem>>, vector<1x16xf32>,
      %swap3A_694 = vector.shape_cast %swap3A_693 : vector<1x16xf32> to vector<16xf32>
      %swap3A_695 = vector.shape_cast %add3A_687 : vector<16xf32> to vector<1x16xf32>
      tpu.vector_store %arg8[%swap3A, %swap3A_692], %swap3A_695 {strides = array<i32>} : memref<512x32xf32, #tpu.memory_space<vmem>>, vector<1x16xf32>,
      %get3A_696 = arith.constant 0 : i32
      %get3A_697 = arith.constant 0 : i32
      %get3A_698 = arith.constant 0 : i32
      %get3A_699 = tpu.memref_slice %arg6[%rem3A_170, %get3A_697, %get3A_698] : memref<8x104x32xf32, #tpu.memory_space<vmem>> -> memref<1x104x32xf32, #tpu.memory_space<vmem>>
      %get3A_700 = tpu.memref_squeeze %get3A_699 : memref<1x104x32xf32, #tpu.memory_space<vmem>> -> memref<104x32xf32, #tpu.memory_space<vmem>>
      %get3A_701 = arith.index_cast %get3A_696 : i32 to index
      %get3A_702 = arith.constant 16 : index
      %get3A_703 = tpu.vector_load %get3A_700[%get3A_701, %get3A_702] {strides = array<i32>} : memref<104x32xf32, #tpu.memory_space<vmem>>, vector<1x16xf32>,
      %get3A_704 = vector.shape_cast %get3A_703 : vector<1x16xf32> to vector<16xf32>
      %get3A_705 = arith.constant 1 : i32
      %get3A_706 = arith.constant 0 : i32
      %get3A_707 = arith.constant 0 : i32
      %get3A_708 = tpu.memref_slice %arg6[%rem3A_170, %get3A_706, %get3A_707] : memref<8x104x32xf32, #tpu.memory_space<vmem>> -> memref<1x104x32xf32, #tpu.memory_space<vmem>>
      %get3A_709 = tpu.memref_squeeze %get3A_708 : memref<1x104x32xf32, #tpu.memory_space<vmem>> -> memref<104x32xf32, #tpu.memory_space<vmem>>
      %get3A_710 = arith.index_cast %get3A_705 : i32 to index
      %get3A_711 = arith.constant 16 : index
      %get3A_712 = tpu.vector_load %get3A_709[%get3A_710, %get3A_711] {strides = array<i32>} : memref<104x32xf32, #tpu.memory_space<vmem>>, vector<1x16xf32>,
      %get3A_713 = vector.shape_cast %get3A_712 : vector<1x16xf32> to vector<16xf32>
      %get3A_714 = arith.constant 2 : i32
      %get3A_715 = arith.constant 0 : i32
      %get3A_716 = arith.constant 0 : i32
      %get3A_717 = tpu.memref_slice %arg6[%rem3A_170, %get3A_715, %get3A_716] : memref<8x104x32xf32, #tpu.memory_space<vmem>> -> memref<1x104x32xf32, #tpu.memory_space<vmem>>
      %get3A_718 = tpu.memref_squeeze %get3A_717 : memref<1x104x32xf32, #tpu.memory_space<vmem>> -> memref<104x32xf32, #tpu.memory_space<vmem>>
      %get3A_719 = arith.index_cast %get3A_714 : i32 to index
      %get3A_720 = arith.constant 16 : index
      %get3A_721 = tpu.vector_load %get3A_718[%get3A_719, %get3A_720] {strides = array<i32>} : memref<104x32xf32, #tpu.memory_space<vmem>>, vector<1x16xf32>,
      %get3A_722 = vector.shape_cast %get3A_721 : vector<1x16xf32> to vector<16xf32>
      %add3A_723 = arith.addf %get3A_704, %get3A_722 : vector<16xf32>
      %get3A_724 = arith.constant 3 : i32
      %get3A_725 = arith.constant 0 : i32
      %get3A_726 = arith.constant 0 : i32
      %get3A_727 = tpu.memref_slice %arg6[%rem3A_170, %get3A_725, %get3A_726] : memref<8x104x32xf32, #tpu.memory_space<vmem>> -> memref<1x104x32xf32, #tpu.memory_space<vmem>>
      %get3A_728 = tpu.memref_squeeze %get3A_727 : memref<1x104x32xf32, #tpu.memory_space<vmem>> -> memref<104x32xf32, #tpu.memory_space<vmem>>
      %get3A_729 = arith.index_cast %get3A_724 : i32 to index
      %get3A_730 = arith.constant 16 : index
      %get3A_731 = tpu.vector_load %get3A_728[%get3A_729, %get3A_730] {strides = array<i32>} : memref<104x32xf32, #tpu.memory_space<vmem>>, vector<1x16xf32>,
      %get3A_732 = vector.shape_cast %get3A_731 : vector<1x16xf32> to vector<16xf32>
      %add3A_733 = arith.addf %get3A_713, %get3A_732 : vector<16xf32>
      %get3A_734 = arith.constant 4 : i32
      %get3A_735 = arith.constant 0 : i32
      %get3A_736 = arith.constant 0 : i32
      %get3A_737 = tpu.memref_slice %arg6[%rem3A_170, %get3A_735, %get3A_736] : memref<8x104x32xf32, #tpu.memory_space<vmem>> -> memref<1x104x32xf32, #tpu.memory_space<vmem>>
      %get3A_738 = tpu.memref_squeeze %get3A_737 : memref<1x104x32xf32, #tpu.memory_space<vmem>> -> memref<104x32xf32, #tpu.memory_space<vmem>>
      %get3A_739 = arith.index_cast %get3A_734 : i32 to index
      %get3A_740 = arith.constant 16 : index
      %get3A_741 = tpu.vector_load %get3A_738[%get3A_739, %get3A_740] {strides = array<i32>} : memref<104x32xf32, #tpu.memory_space<vmem>>, vector<1x16xf32>,
      %get3A_742 = vector.shape_cast %get3A_741 : vector<1x16xf32> to vector<16xf32>
      %add3A_743 = arith.addf %add3A_723, %get3A_742 : vector<16xf32>
      %get3A_744 = arith.constant 5 : i32
      %get3A_745 = arith.constant 0 : i32
      %get3A_746 = arith.constant 0 : i32
      %get3A_747 = tpu.memref_slice %arg6[%rem3A_170, %get3A_745, %get3A_746] : memref<8x104x32xf32, #tpu.memory_space<vmem>> -> memref<1x104x32xf32, #tpu.memory_space<vmem>>
      %get3A_748 = tpu.memref_squeeze %get3A_747 : memref<1x104x32xf32, #tpu.memory_space<vmem>> -> memref<104x32xf32, #tpu.memory_space<vmem>>
      %get3A_749 = arith.index_cast %get3A_744 : i32 to index
      %get3A_750 = arith.constant 16 : index
      %get3A_751 = tpu.vector_load %get3A_748[%get3A_749, %get3A_750] {strides = array<i32>} : memref<104x32xf32, #tpu.memory_space<vmem>>, vector<1x16xf32>,
      %get3A_752 = vector.shape_cast %get3A_751 : vector<1x16xf32> to vector<16xf32>
      %add3A_753 = arith.addf %add3A_733, %get3A_752 : vector<16xf32>
      %get3A_754 = arith.constant 6 : i32
      %get3A_755 = arith.constant 0 : i32
      %get3A_756 = arith.constant 0 : i32
      %get3A_757 = tpu.memref_slice %arg6[%rem3A_170, %get3A_755, %get3A_756] : memref<8x104x32xf32, #tpu.memory_space<vmem>> -> memref<1x104x32xf32, #tpu.memory_space<vmem>>
      %get3A_758 = tpu.memref_squeeze %get3A_757 : memref<1x104x32xf32, #tpu.memory_space<vmem>> -> memref<104x32xf32, #tpu.memory_space<vmem>>
      %get3A_759 = arith.index_cast %get3A_754 : i32 to index
      %get3A_760 = arith.constant 16 : index
      %get3A_761 = tpu.vector_load %get3A_758[%get3A_759, %get3A_760] {strides = array<i32>} : memref<104x32xf32, #tpu.memory_space<vmem>>, vector<1x16xf32>,
      %get3A_762 = vector.shape_cast %get3A_761 : vector<1x16xf32> to vector<16xf32>
      %add3A_763 = arith.addf %add3A_743, %get3A_762 : vector<16xf32>
      %get3A_764 = arith.constant 7 : i32
      %get3A_765 = arith.constant 0 : i32
      %get3A_766 = arith.constant 0 : i32
      %get3A_767 = tpu.memref_slice %arg6[%rem3A_170, %get3A_765, %get3A_766] : memref<8x104x32xf32, #tpu.memory_space<vmem>> -> memref<1x104x32xf32, #tpu.memory_space<vmem>>
      %get3A_768 = tpu.memref_squeeze %get3A_767 : memref<1x104x32xf32, #tpu.memory_space<vmem>> -> memref<104x32xf32, #tpu.memory_space<vmem>>
      %get3A_769 = arith.index_cast %get3A_764 : i32 to index
      %get3A_770 = arith.constant 16 : index
      %get3A_771 = tpu.vector_load %get3A_768[%get3A_769, %get3A_770] {strides = array<i32>} : memref<104x32xf32, #tpu.memory_space<vmem>>, vector<1x16xf32>,
      %get3A_772 = vector.shape_cast %get3A_771 : vector<1x16xf32> to vector<16xf32>
      %add3A_773 = arith.addf %add3A_753, %get3A_772 : vector<16xf32>
      %get3A_774 = arith.constant 8 : i32
      %get3A_775 = arith.constant 0 : i32
      %get3A_776 = arith.constant 0 : i32
      %get3A_777 = tpu.memref_slice %arg6[%rem3A_170, %get3A_775, %get3A_776] : memref<8x104x32xf32, #tpu.memory_space<vmem>> -> memref<1x104x32xf32, #tpu.memory_space<vmem>>
      %get3A_778 = tpu.memref_squeeze %get3A_777 : memref<1x104x32xf32, #tpu.memory_space<vmem>> -> memref<104x32xf32, #tpu.memory_space<vmem>>
      %get3A_779 = arith.index_cast %get3A_774 : i32 to index
      %get3A_780 = arith.constant 16 : index
      %get3A_781 = tpu.vector_load %get3A_778[%get3A_779, %get3A_780] {strides = array<i32>} : memref<104x32xf32, #tpu.memory_space<vmem>>, vector<1x16xf32>,
      %get3A_782 = vector.shape_cast %get3A_781 : vector<1x16xf32> to vector<16xf32>
      %add3A_783 = arith.addf %add3A_763, %get3A_782 : vector<16xf32>
      %get3A_784 = arith.constant 9 : i32
      %get3A_785 = arith.constant 0 : i32
      %get3A_786 = arith.constant 0 : i32
      %get3A_787 = tpu.memref_slice %arg6[%rem3A_170, %get3A_785, %get3A_786] : memref<8x104x32xf32, #tpu.memory_space<vmem>> -> memref<1x104x32xf32, #tpu.memory_space<vmem>>
      %get3A_788 = tpu.memref_squeeze %get3A_787 : memref<1x104x32xf32, #tpu.memory_space<vmem>> -> memref<104x32xf32, #tpu.memory_space<vmem>>
      %get3A_789 = arith.index_cast %get3A_784 : i32 to index
      %get3A_790 = arith.constant 16 : index
      %get3A_791 = tpu.vector_load %get3A_788[%get3A_789, %get3A_790] {strides = array<i32>} : memref<104x32xf32, #tpu.memory_space<vmem>>, vector<1x16xf32>,
      %get3A_792 = vector.shape_cast %get3A_791 : vector<1x16xf32> to vector<16xf32>
      %add3A_793 = arith.addf %add3A_773, %get3A_792 : vector<16xf32>
      %get3A_794 = arith.constant 10 : i32
      %get3A_795 = arith.constant 0 : i32
      %get3A_796 = arith.constant 0 : i32
      %get3A_797 = tpu.memref_slice %arg6[%rem3A_170, %get3A_795, %get3A_796] : memref<8x104x32xf32, #tpu.memory_space<vmem>> -> memref<1x104x32xf32, #tpu.memory_space<vmem>>
      %get3A_798 = tpu.memref_squeeze %get3A_797 : memref<1x104x32xf32, #tpu.memory_space<vmem>> -> memref<104x32xf32, #tpu.memory_space<vmem>>
      %get3A_799 = arith.index_cast %get3A_794 : i32 to index
      %get3A_800 = arith.constant 16 : index
      %get3A_801 = tpu.vector_load %get3A_798[%get3A_799, %get3A_800] {strides = array<i32>} : memref<104x32xf32, #tpu.memory_space<vmem>>, vector<1x16xf32>,
      %get3A_802 = vector.shape_cast %get3A_801 : vector<1x16xf32> to vector<16xf32>
      %add3A_803 = arith.addf %add3A_783, %get3A_802 : vector<16xf32>
      %get3A_804 = arith.constant 11 : i32
      %get3A_805 = arith.constant 0 : i32
      %get3A_806 = arith.constant 0 : i32
      %get3A_807 = tpu.memref_slice %arg6[%rem3A_170, %get3A_805, %get3A_806] : memref<8x104x32xf32, #tpu.memory_space<vmem>> -> memref<1x104x32xf32, #tpu.memory_space<vmem>>
      %get3A_808 = tpu.memref_squeeze %get3A_807 : memref<1x104x32xf32, #tpu.memory_space<vmem>> -> memref<104x32xf32, #tpu.memory_space<vmem>>
      %get3A_809 = arith.index_cast %get3A_804 : i32 to index
      %get3A_810 = arith.constant 16 : index
      %get3A_811 = tpu.vector_load %get3A_808[%get3A_809, %get3A_810] {strides = array<i32>} : memref<104x32xf32, #tpu.memory_space<vmem>>, vector<1x16xf32>,
      %get3A_812 = vector.shape_cast %get3A_811 : vector<1x16xf32> to vector<16xf32>
      %add3A_813 = arith.addf %add3A_793, %get3A_812 : vector<16xf32>
      %get3A_814 = arith.constant 12 : i32
      %get3A_815 = arith.constant 0 : i32
      %get3A_816 = arith.constant 0 : i32
      %get3A_817 = tpu.memref_slice %arg6[%rem3A_170, %get3A_815, %get3A_816] : memref<8x104x32xf32, #tpu.memory_space<vmem>> -> memref<1x104x32xf32, #tpu.memory_space<vmem>>
      %get3A_818 = tpu.memref_squeeze %get3A_817 : memref<1x104x32xf32, #tpu.memory_space<vmem>> -> memref<104x32xf32, #tpu.memory_space<vmem>>
      %get3A_819 = arith.index_cast %get3A_814 : i32 to index
      %get3A_820 = arith.constant 16 : index
      %get3A_821 = tpu.vector_load %get3A_818[%get3A_819, %get3A_820] {strides = array<i32>} : memref<104x32xf32, #tpu.memory_space<vmem>>, vector<1x16xf32>,
      %get3A_822 = vector.shape_cast %get3A_821 : vector<1x16xf32> to vector<16xf32>
      %add3A_823 = arith.addf %add3A_803, %get3A_822 : vector<16xf32>
      %get3A_824 = arith.constant 13 : i32
      %get3A_825 = arith.constant 0 : i32
      %get3A_826 = arith.constant 0 : i32
      %get3A_827 = tpu.memref_slice %arg6[%rem3A_170, %get3A_825, %get3A_826] : memref<8x104x32xf32, #tpu.memory_space<vmem>> -> memref<1x104x32xf32, #tpu.memory_space<vmem>>
      %get3A_828 = tpu.memref_squeeze %get3A_827 : memref<1x104x32xf32, #tpu.memory_space<vmem>> -> memref<104x32xf32, #tpu.memory_space<vmem>>
      %get3A_829 = arith.index_cast %get3A_824 : i32 to index
      %get3A_830 = arith.constant 16 : index
      %get3A_831 = tpu.vector_load %get3A_828[%get3A_829, %get3A_830] {strides = array<i32>} : memref<104x32xf32, #tpu.memory_space<vmem>>, vector<1x16xf32>,
      %get3A_832 = vector.shape_cast %get3A_831 : vector<1x16xf32> to vector<16xf32>
      %add3A_833 = arith.addf %add3A_813, %get3A_832 : vector<16xf32>
      %get3A_834 = arith.constant 14 : i32
      %get3A_835 = arith.constant 0 : i32
      %get3A_836 = arith.constant 0 : i32
      %get3A_837 = tpu.memref_slice %arg6[%rem3A_170, %get3A_835, %get3A_836] : memref<8x104x32xf32, #tpu.memory_space<vmem>> -> memref<1x104x32xf32, #tpu.memory_space<vmem>>
      %get3A_838 = tpu.memref_squeeze %get3A_837 : memref<1x104x32xf32, #tpu.memory_space<vmem>> -> memref<104x32xf32, #tpu.memory_space<vmem>>
      %get3A_839 = arith.index_cast %get3A_834 : i32 to index
      %get3A_840 = arith.constant 16 : index
      %get3A_841 = tpu.vector_load %get3A_838[%get3A_839, %get3A_840] {strides = array<i32>} : memref<104x32xf32, #tpu.memory_space<vmem>>, vector<1x16xf32>,
      %get3A_842 = vector.shape_cast %get3A_841 : vector<1x16xf32> to vector<16xf32>
      %add3A_843 = arith.addf %add3A_823, %get3A_842 : vector<16xf32>
      %get3A_844 = arith.constant 15 : i32
      %get3A_845 = arith.constant 0 : i32
      %get3A_846 = arith.constant 0 : i32
      %get3A_847 = tpu.memref_slice %arg6[%rem3A_170, %get3A_845, %get3A_846] : memref<8x104x32xf32, #tpu.memory_space<vmem>> -> memref<1x104x32xf32, #tpu.memory_space<vmem>>
      %get3A_848 = tpu.memref_squeeze %get3A_847 : memref<1x104x32xf32, #tpu.memory_space<vmem>> -> memref<104x32xf32, #tpu.memory_space<vmem>>
      %get3A_849 = arith.index_cast %get3A_844 : i32 to index
      %get3A_850 = arith.constant 16 : index
      %get3A_851 = tpu.vector_load %get3A_848[%get3A_849, %get3A_850] {strides = array<i32>} : memref<104x32xf32, #tpu.memory_space<vmem>>, vector<1x16xf32>,
      %get3A_852 = vector.shape_cast %get3A_851 : vector<1x16xf32> to vector<16xf32>
      %add3A_853 = arith.addf %add3A_833, %get3A_852 : vector<16xf32>
      %get3A_854 = arith.constant 16 : i32
      %get3A_855 = arith.constant 0 : i32
      %get3A_856 = arith.constant 0 : i32
      %get3A_857 = tpu.memref_slice %arg6[%rem3A_170, %get3A_855, %get3A_856] : memref<8x104x32xf32, #tpu.memory_space<vmem>> -> memref<1x104x32xf32, #tpu.memory_space<vmem>>
      %get3A_858 = tpu.memref_squeeze %get3A_857 : memref<1x104x32xf32, #tpu.memory_space<vmem>> -> memref<104x32xf32, #tpu.memory_space<vmem>>
      %get3A_859 = arith.index_cast %get3A_854 : i32 to index
      %get3A_860 = arith.constant 16 : index
      %get3A_861 = tpu.vector_load %get3A_858[%get3A_859, %get3A_860] {strides = array<i32>} : memref<104x32xf32, #tpu.memory_space<vmem>>, vector<1x16xf32>,
      %get3A_862 = vector.shape_cast %get3A_861 : vector<1x16xf32> to vector<16xf32>
      %add3A_863 = arith.addf %add3A_843, %get3A_862 : vector<16xf32>
      %get3A_864 = arith.constant 17 : i32
      %get3A_865 = arith.constant 0 : i32
      %get3A_866 = arith.constant 0 : i32
      %get3A_867 = tpu.memref_slice %arg6[%rem3A_170, %get3A_865, %get3A_866] : memref<8x104x32xf32, #tpu.memory_space<vmem>> -> memref<1x104x32xf32, #tpu.memory_space<vmem>>
      %get3A_868 = tpu.memref_squeeze %get3A_867 : memref<1x104x32xf32, #tpu.memory_space<vmem>> -> memref<104x32xf32, #tpu.memory_space<vmem>>
      %get3A_869 = arith.index_cast %get3A_864 : i32 to index
      %get3A_870 = arith.constant 16 : index
      %get3A_871 = tpu.vector_load %get3A_868[%get3A_869, %get3A_870] {strides = array<i32>} : memref<104x32xf32, #tpu.memory_space<vmem>>, vector<1x16xf32>,
      %get3A_872 = vector.shape_cast %get3A_871 : vector<1x16xf32> to vector<16xf32>
      %add3A_873 = arith.addf %add3A_853, %get3A_872 : vector<16xf32>
      %get3A_874 = arith.constant 18 : i32
      %get3A_875 = arith.constant 0 : i32
      %get3A_876 = arith.constant 0 : i32
      %get3A_877 = tpu.memref_slice %arg6[%rem3A_170, %get3A_875, %get3A_876] : memref<8x104x32xf32, #tpu.memory_space<vmem>> -> memref<1x104x32xf32, #tpu.memory_space<vmem>>
      %get3A_878 = tpu.memref_squeeze %get3A_877 : memref<1x104x32xf32, #tpu.memory_space<vmem>> -> memref<104x32xf32, #tpu.memory_space<vmem>>
      %get3A_879 = arith.index_cast %get3A_874 : i32 to index
      %get3A_880 = arith.constant 16 : index
      %get3A_881 = tpu.vector_load %get3A_878[%get3A_879, %get3A_880] {strides = array<i32>} : memref<104x32xf32, #tpu.memory_space<vmem>>, vector<1x16xf32>,
      %get3A_882 = vector.shape_cast %get3A_881 : vector<1x16xf32> to vector<16xf32>
      %add3A_883 = arith.addf %add3A_863, %get3A_882 : vector<16xf32>
      %get3A_884 = arith.constant 19 : i32
      %get3A_885 = arith.constant 0 : i32
      %get3A_886 = arith.constant 0 : i32
      %get3A_887 = tpu.memref_slice %arg6[%rem3A_170, %get3A_885, %get3A_886] : memref<8x104x32xf32, #tpu.memory_space<vmem>> -> memref<1x104x32xf32, #tpu.memory_space<vmem>>
      %get3A_888 = tpu.memref_squeeze %get3A_887 : memref<1x104x32xf32, #tpu.memory_space<vmem>> -> memref<104x32xf32, #tpu.memory_space<vmem>>
      %get3A_889 = arith.index_cast %get3A_884 : i32 to index
      %get3A_890 = arith.constant 16 : index
      %get3A_891 = tpu.vector_load %get3A_888[%get3A_889, %get3A_890] {strides = array<i32>} : memref<104x32xf32, #tpu.memory_space<vmem>>, vector<1x16xf32>,
      %get3A_892 = vector.shape_cast %get3A_891 : vector<1x16xf32> to vector<16xf32>
      %add3A_893 = arith.addf %add3A_873, %get3A_892 : vector<16xf32>
      %get3A_894 = arith.constant 20 : i32
      %get3A_895 = arith.constant 0 : i32
      %get3A_896 = arith.constant 0 : i32
      %get3A_897 = tpu.memref_slice %arg6[%rem3A_170, %get3A_895, %get3A_896] : memref<8x104x32xf32, #tpu.memory_space<vmem>> -> memref<1x104x32xf32, #tpu.memory_space<vmem>>
      %get3A_898 = tpu.memref_squeeze %get3A_897 : memref<1x104x32xf32, #tpu.memory_space<vmem>> -> memref<104x32xf32, #tpu.memory_space<vmem>>
      %get3A_899 = arith.index_cast %get3A_894 : i32 to index
      %get3A_900 = arith.constant 16 : index
      %get3A_901 = tpu.vector_load %get3A_898[%get3A_899, %get3A_900] {strides = array<i32>} : memref<104x32xf32, #tpu.memory_space<vmem>>, vector<1x16xf32>,
      %get3A_902 = vector.shape_cast %get3A_901 : vector<1x16xf32> to vector<16xf32>
      %add3A_903 = arith.addf %add3A_883, %get3A_902 : vector<16xf32>
      %get3A_904 = arith.constant 21 : i32
      %get3A_905 = arith.constant 0 : i32
      %get3A_906 = arith.constant 0 : i32
      %get3A_907 = tpu.memref_slice %arg6[%rem3A_170, %get3A_905, %get3A_906] : memref<8x104x32xf32, #tpu.memory_space<vmem>> -> memref<1x104x32xf32, #tpu.memory_space<vmem>>
      %get3A_908 = tpu.memref_squeeze %get3A_907 : memref<1x104x32xf32, #tpu.memory_space<vmem>> -> memref<104x32xf32, #tpu.memory_space<vmem>>
      %get3A_909 = arith.index_cast %get3A_904 : i32 to index
      %get3A_910 = arith.constant 16 : index
      %get3A_911 = tpu.vector_load %get3A_908[%get3A_909, %get3A_910] {strides = array<i32>} : memref<104x32xf32, #tpu.memory_space<vmem>>, vector<1x16xf32>,
      %get3A_912 = vector.shape_cast %get3A_911 : vector<1x16xf32> to vector<16xf32>
      %add3A_913 = arith.addf %add3A_893, %get3A_912 : vector<16xf32>
      %get3A_914 = arith.constant 22 : i32
      %get3A_915 = arith.constant 0 : i32
      %get3A_916 = arith.constant 0 : i32
      %get3A_917 = tpu.memref_slice %arg6[%rem3A_170, %get3A_915, %get3A_916] : memref<8x104x32xf32, #tpu.memory_space<vmem>> -> memref<1x104x32xf32, #tpu.memory_space<vmem>>
      %get3A_918 = tpu.memref_squeeze %get3A_917 : memref<1x104x32xf32, #tpu.memory_space<vmem>> -> memref<104x32xf32, #tpu.memory_space<vmem>>
      %get3A_919 = arith.index_cast %get3A_914 : i32 to index
      %get3A_920 = arith.constant 16 : index
      %get3A_921 = tpu.vector_load %get3A_918[%get3A_919, %get3A_920] {strides = array<i32>} : memref<104x32xf32, #tpu.memory_space<vmem>>, vector<1x16xf32>,
      %get3A_922 = vector.shape_cast %get3A_921 : vector<1x16xf32> to vector<16xf32>
      %add3A_923 = arith.addf %add3A_903, %get3A_922 : vector<16xf32>
      %get3A_924 = arith.constant 23 : i32
      %get3A_925 = arith.constant 0 : i32
      %get3A_926 = arith.constant 0 : i32
      %get3A_927 = tpu.memref_slice %arg6[%rem3A_170, %get3A_925, %get3A_926] : memref<8x104x32xf32, #tpu.memory_space<vmem>> -> memref<1x104x32xf32, #tpu.memory_space<vmem>>
      %get3A_928 = tpu.memref_squeeze %get3A_927 : memref<1x104x32xf32, #tpu.memory_space<vmem>> -> memref<104x32xf32, #tpu.memory_space<vmem>>
      %get3A_929 = arith.index_cast %get3A_924 : i32 to index
      %get3A_930 = arith.constant 16 : index
      %get3A_931 = tpu.vector_load %get3A_928[%get3A_929, %get3A_930] {strides = array<i32>} : memref<104x32xf32, #tpu.memory_space<vmem>>, vector<1x16xf32>,
      %get3A_932 = vector.shape_cast %get3A_931 : vector<1x16xf32> to vector<16xf32>
      %add3A_933 = arith.addf %add3A_913, %get3A_932 : vector<16xf32>
      %get3A_934 = arith.constant 24 : i32
      %get3A_935 = arith.constant 0 : i32
      %get3A_936 = arith.constant 0 : i32
      %get3A_937 = tpu.memref_slice %arg6[%rem3A_170, %get3A_935, %get3A_936] : memref<8x104x32xf32, #tpu.memory_space<vmem>> -> memref<1x104x32xf32, #tpu.memory_space<vmem>>
      %get3A_938 = tpu.memref_squeeze %get3A_937 : memref<1x104x32xf32, #tpu.memory_space<vmem>> -> memref<104x32xf32, #tpu.memory_space<vmem>>
      %get3A_939 = arith.index_cast %get3A_934 : i32 to index
      %get3A_940 = arith.constant 16 : index
      %get3A_941 = tpu.vector_load %get3A_938[%get3A_939, %get3A_940] {strides = array<i32>} : memref<104x32xf32, #tpu.memory_space<vmem>>, vector<1x16xf32>,
      %get3A_942 = vector.shape_cast %get3A_941 : vector<1x16xf32> to vector<16xf32>
      %add3A_943 = arith.addf %add3A_923, %get3A_942 : vector<16xf32>
      %get3A_944 = arith.constant 25 : i32
      %get3A_945 = arith.constant 0 : i32
      %get3A_946 = arith.constant 0 : i32
      %get3A_947 = tpu.memref_slice %arg6[%rem3A_170, %get3A_945, %get3A_946] : memref<8x104x32xf32, #tpu.memory_space<vmem>> -> memref<1x104x32xf32, #tpu.memory_space<vmem>>
      %get3A_948 = tpu.memref_squeeze %get3A_947 : memref<1x104x32xf32, #tpu.memory_space<vmem>> -> memref<104x32xf32, #tpu.memory_space<vmem>>
      %get3A_949 = arith.index_cast %get3A_944 : i32 to index
      %get3A_950 = arith.constant 16 : index
      %get3A_951 = tpu.vector_load %get3A_948[%get3A_949, %get3A_950] {strides = array<i32>} : memref<104x32xf32, #tpu.memory_space<vmem>>, vector<1x16xf32>,
      %get3A_952 = vector.shape_cast %get3A_951 : vector<1x16xf32> to vector<16xf32>
      %add3A_953 = arith.addf %add3A_933, %get3A_952 : vector<16xf32>
      %get3A_954 = arith.constant 26 : i32
      %get3A_955 = arith.constant 0 : i32
      %get3A_956 = arith.constant 0 : i32
      %get3A_957 = tpu.memref_slice %arg6[%rem3A_170, %get3A_955, %get3A_956] : memref<8x104x32xf32, #tpu.memory_space<vmem>> -> memref<1x104x32xf32, #tpu.memory_space<vmem>>
      %get3A_958 = tpu.memref_squeeze %get3A_957 : memref<1x104x32xf32, #tpu.memory_space<vmem>> -> memref<104x32xf32, #tpu.memory_space<vmem>>
      %get3A_959 = arith.index_cast %get3A_954 : i32 to index
      %get3A_960 = arith.constant 16 : index
      %get3A_961 = tpu.vector_load %get3A_958[%get3A_959, %get3A_960] {strides = array<i32>} : memref<104x32xf32, #tpu.memory_space<vmem>>, vector<1x16xf32>,
      %get3A_962 = vector.shape_cast %get3A_961 : vector<1x16xf32> to vector<16xf32>
      %add3A_963 = arith.addf %add3A_943, %get3A_962 : vector<16xf32>
      %get3A_964 = arith.constant 27 : i32
      %get3A_965 = arith.constant 0 : i32
      %get3A_966 = arith.constant 0 : i32
      %get3A_967 = tpu.memref_slice %arg6[%rem3A_170, %get3A_965, %get3A_966] : memref<8x104x32xf32, #tpu.memory_space<vmem>> -> memref<1x104x32xf32, #tpu.memory_space<vmem>>
      %get3A_968 = tpu.memref_squeeze %get3A_967 : memref<1x104x32xf32, #tpu.memory_space<vmem>> -> memref<104x32xf32, #tpu.memory_space<vmem>>
      %get3A_969 = arith.index_cast %get3A_964 : i32 to index
      %get3A_970 = arith.constant 16 : index
      %get3A_971 = tpu.vector_load %get3A_968[%get3A_969, %get3A_970] {strides = array<i32>} : memref<104x32xf32, #tpu.memory_space<vmem>>, vector<1x16xf32>,
      %get3A_972 = vector.shape_cast %get3A_971 : vector<1x16xf32> to vector<16xf32>
      %add3A_973 = arith.addf %add3A_953, %get3A_972 : vector<16xf32>
      %get3A_974 = arith.constant 28 : i32
      %get3A_975 = arith.constant 0 : i32
      %get3A_976 = arith.constant 0 : i32
      %get3A_977 = tpu.memref_slice %arg6[%rem3A_170, %get3A_975, %get3A_976] : memref<8x104x32xf32, #tpu.memory_space<vmem>> -> memref<1x104x32xf32, #tpu.memory_space<vmem>>
      %get3A_978 = tpu.memref_squeeze %get3A_977 : memref<1x104x32xf32, #tpu.memory_space<vmem>> -> memref<104x32xf32, #tpu.memory_space<vmem>>
      %get3A_979 = arith.index_cast %get3A_974 : i32 to index
      %get3A_980 = arith.constant 16 : index
      %get3A_981 = tpu.vector_load %get3A_978[%get3A_979, %get3A_980] {strides = array<i32>} : memref<104x32xf32, #tpu.memory_space<vmem>>, vector<1x16xf32>,
      %get3A_982 = vector.shape_cast %get3A_981 : vector<1x16xf32> to vector<16xf32>
      %add3A_983 = arith.addf %add3A_963, %get3A_982 : vector<16xf32>
      %get3A_984 = arith.constant 29 : i32
      %get3A_985 = arith.constant 0 : i32
      %get3A_986 = arith.constant 0 : i32
      %get3A_987 = tpu.memref_slice %arg6[%rem3A_170, %get3A_985, %get3A_986] : memref<8x104x32xf32, #tpu.memory_space<vmem>> -> memref<1x104x32xf32, #tpu.memory_space<vmem>>
      %get3A_988 = tpu.memref_squeeze %get3A_987 : memref<1x104x32xf32, #tpu.memory_space<vmem>> -> memref<104x32xf32, #tpu.memory_space<vmem>>
      %get3A_989 = arith.index_cast %get3A_984 : i32 to index
      %get3A_990 = arith.constant 16 : index
      %get3A_991 = tpu.vector_load %get3A_988[%get3A_989, %get3A_990] {strides = array<i32>} : memref<104x32xf32, #tpu.memory_space<vmem>>, vector<1x16xf32>,
      %get3A_992 = vector.shape_cast %get3A_991 : vector<1x16xf32> to vector<16xf32>
      %add3A_993 = arith.addf %add3A_973, %get3A_992 : vector<16xf32>
      %get3A_994 = arith.constant 30 : i32
      %get3A_995 = arith.constant 0 : i32
      %get3A_996 = arith.constant 0 : i32
      %get3A_997 = tpu.memref_slice %arg6[%rem3A_170, %get3A_995, %get3A_996] : memref<8x104x32xf32, #tpu.memory_space<vmem>> -> memref<1x104x32xf32, #tpu.memory_space<vmem>>
      %get3A_998 = tpu.memref_squeeze %get3A_997 : memref<1x104x32xf32, #tpu.memory_space<vmem>> -> memref<104x32xf32, #tpu.memory_space<vmem>>
      %get3A_999 = arith.index_cast %get3A_994 : i32 to index
      %get3A_1000 = arith.constant 16 : index
      %get3A_1001 = tpu.vector_load %get3A_998[%get3A_999, %get3A_1000] {strides = array<i32>} : memref<104x32xf32, #tpu.memory_space<vmem>>, vector<1x16xf32>,
      %get3A_1002 = vector.shape_cast %get3A_1001 : vector<1x16xf32> to vector<16xf32>
      %add3A_1003 = arith.addf %add3A_983, %get3A_1002 : vector<16xf32>
      %get3A_1004 = arith.constant 31 : i32
      %get3A_1005 = arith.constant 0 : i32
      %get3A_1006 = arith.constant 0 : i32
      %get3A_1007 = tpu.memref_slice %arg6[%rem3A_170, %get3A_1005, %get3A_1006] : memref<8x104x32xf32, #tpu.memory_space<vmem>> -> memref<1x104x32xf32, #tpu.memory_space<vmem>>
      %get3A_1008 = tpu.memref_squeeze %get3A_1007 : memref<1x104x32xf32, #tpu.memory_space<vmem>> -> memref<104x32xf32, #tpu.memory_space<vmem>>
      %get3A_1009 = arith.index_cast %get3A_1004 : i32 to index
      %get3A_1010 = arith.constant 16 : index
      %get3A_1011 = tpu.vector_load %get3A_1008[%get3A_1009, %get3A_1010] {strides = array<i32>} : memref<104x32xf32, #tpu.memory_space<vmem>>, vector<1x16xf32>,
      %get3A_1012 = vector.shape_cast %get3A_1011 : vector<1x16xf32> to vector<16xf32>
      %add3A_1013 = arith.addf %add3A_993, %get3A_1012 : vector<16xf32>
      %get3A_1014 = arith.constant 32 : i32
      %get3A_1015 = arith.constant 0 : i32
      %get3A_1016 = arith.constant 0 : i32
      %get3A_1017 = tpu.memref_slice %arg6[%rem3A_170, %get3A_1015, %get3A_1016] : memref<8x104x32xf32, #tpu.memory_space<vmem>> -> memref<1x104x32xf32, #tpu.memory_space<vmem>>
      %get3A_1018 = tpu.memref_squeeze %get3A_1017 : memref<1x104x32xf32, #tpu.memory_space<vmem>> -> memref<104x32xf32, #tpu.memory_space<vmem>>
      %get3A_1019 = arith.index_cast %get3A_1014 : i32 to index
      %get3A_1020 = arith.constant 16 : index
      %get3A_1021 = tpu.vector_load %get3A_1018[%get3A_1019, %get3A_1020] {strides = array<i32>} : memref<104x32xf32, #tpu.memory_space<vmem>>, vector<1x16xf32>,
      %get3A_1022 = vector.shape_cast %get3A_1021 : vector<1x16xf32> to vector<16xf32>
      %add3A_1023 = arith.addf %add3A_1003, %get3A_1022 : vector<16xf32>
      %get3A_1024 = arith.constant 33 : i32
      %get3A_1025 = arith.constant 0 : i32
      %get3A_1026 = arith.constant 0 : i32
      %get3A_1027 = tpu.memref_slice %arg6[%rem3A_170, %get3A_1025, %get3A_1026] : memref<8x104x32xf32, #tpu.memory_space<vmem>> -> memref<1x104x32xf32, #tpu.memory_space<vmem>>
      %get3A_1028 = tpu.memref_squeeze %get3A_1027 : memref<1x104x32xf32, #tpu.memory_space<vmem>> -> memref<104x32xf32, #tpu.memory_space<vmem>>
      %get3A_1029 = arith.index_cast %get3A_1024 : i32 to index
      %get3A_1030 = arith.constant 16 : index
      %get3A_1031 = tpu.vector_load %get3A_1028[%get3A_1029, %get3A_1030] {strides = array<i32>} : memref<104x32xf32, #tpu.memory_space<vmem>>, vector<1x16xf32>,
      %get3A_1032 = vector.shape_cast %get3A_1031 : vector<1x16xf32> to vector<16xf32>
      %add3A_1033 = arith.addf %add3A_1013, %get3A_1032 : vector<16xf32>
      %get3A_1034 = arith.constant 34 : i32
      %get3A_1035 = arith.constant 0 : i32
      %get3A_1036 = arith.constant 0 : i32
      %get3A_1037 = tpu.memref_slice %arg6[%rem3A_170, %get3A_1035, %get3A_1036] : memref<8x104x32xf32, #tpu.memory_space<vmem>> -> memref<1x104x32xf32, #tpu.memory_space<vmem>>
      %get3A_1038 = tpu.memref_squeeze %get3A_1037 : memref<1x104x32xf32, #tpu.memory_space<vmem>> -> memref<104x32xf32, #tpu.memory_space<vmem>>
      %get3A_1039 = arith.index_cast %get3A_1034 : i32 to index
      %get3A_1040 = arith.constant 16 : index
      %get3A_1041 = tpu.vector_load %get3A_1038[%get3A_1039, %get3A_1040] {strides = array<i32>} : memref<104x32xf32, #tpu.memory_space<vmem>>, vector<1x16xf32>,
      %get3A_1042 = vector.shape_cast %get3A_1041 : vector<1x16xf32> to vector<16xf32>
      %add3A_1043 = arith.addf %add3A_1023, %get3A_1042 : vector<16xf32>
      %get3A_1044 = arith.constant 35 : i32
      %get3A_1045 = arith.constant 0 : i32
      %get3A_1046 = arith.constant 0 : i32
      %get3A_1047 = tpu.memref_slice %arg6[%rem3A_170, %get3A_1045, %get3A_1046] : memref<8x104x32xf32, #tpu.memory_space<vmem>> -> memref<1x104x32xf32, #tpu.memory_space<vmem>>
      %get3A_1048 = tpu.memref_squeeze %get3A_1047 : memref<1x104x32xf32, #tpu.memory_space<vmem>> -> memref<104x32xf32, #tpu.memory_space<vmem>>
      %get3A_1049 = arith.index_cast %get3A_1044 : i32 to index
      %get3A_1050 = arith.constant 16 : index
      %get3A_1051 = tpu.vector_load %get3A_1048[%get3A_1049, %get3A_1050] {strides = array<i32>} : memref<104x32xf32, #tpu.memory_space<vmem>>, vector<1x16xf32>,
      %get3A_1052 = vector.shape_cast %get3A_1051 : vector<1x16xf32> to vector<16xf32>
      %add3A_1053 = arith.addf %add3A_1033, %get3A_1052 : vector<16xf32>
      %get3A_1054 = arith.constant 36 : i32
      %get3A_1055 = arith.constant 0 : i32
      %get3A_1056 = arith.constant 0 : i32
      %get3A_1057 = tpu.memref_slice %arg6[%rem3A_170, %get3A_1055, %get3A_1056] : memref<8x104x32xf32, #tpu.memory_space<vmem>> -> memref<1x104x32xf32, #tpu.memory_space<vmem>>
      %get3A_1058 = tpu.memref_squeeze %get3A_1057 : memref<1x104x32xf32, #tpu.memory_space<vmem>> -> memref<104x32xf32, #tpu.memory_space<vmem>>
      %get3A_1059 = arith.index_cast %get3A_1054 : i32 to index
      %get3A_1060 = arith.constant 16 : index
      %get3A_1061 = tpu.vector_load %get3A_1058[%get3A_1059, %get3A_1060] {strides = array<i32>} : memref<104x32xf32, #tpu.memory_space<vmem>>, vector<1x16xf32>,
      %get3A_1062 = vector.shape_cast %get3A_1061 : vector<1x16xf32> to vector<16xf32>
      %add3A_1063 = arith.addf %add3A_1043, %get3A_1062 : vector<16xf32>
      %get3A_1064 = arith.constant 37 : i32
      %get3A_1065 = arith.constant 0 : i32
      %get3A_1066 = arith.constant 0 : i32
      %get3A_1067 = tpu.memref_slice %arg6[%rem3A_170, %get3A_1065, %get3A_1066] : memref<8x104x32xf32, #tpu.memory_space<vmem>> -> memref<1x104x32xf32, #tpu.memory_space<vmem>>
      %get3A_1068 = tpu.memref_squeeze %get3A_1067 : memref<1x104x32xf32, #tpu.memory_space<vmem>> -> memref<104x32xf32, #tpu.memory_space<vmem>>
      %get3A_1069 = arith.index_cast %get3A_1064 : i32 to index
      %get3A_1070 = arith.constant 16 : index
      %get3A_1071 = tpu.vector_load %get3A_1068[%get3A_1069, %get3A_1070] {strides = array<i32>} : memref<104x32xf32, #tpu.memory_space<vmem>>, vector<1x16xf32>,
      %get3A_1072 = vector.shape_cast %get3A_1071 : vector<1x16xf32> to vector<16xf32>
      %add3A_1073 = arith.addf %add3A_1053, %get3A_1072 : vector<16xf32>
      %get3A_1074 = arith.constant 38 : i32
      %get3A_1075 = arith.constant 0 : i32
      %get3A_1076 = arith.constant 0 : i32
      %get3A_1077 = tpu.memref_slice %arg6[%rem3A_170, %get3A_1075, %get3A_1076] : memref<8x104x32xf32, #tpu.memory_space<vmem>> -> memref<1x104x32xf32, #tpu.memory_space<vmem>>
      %get3A_1078 = tpu.memref_squeeze %get3A_1077 : memref<1x104x32xf32, #tpu.memory_space<vmem>> -> memref<104x32xf32, #tpu.memory_space<vmem>>
      %get3A_1079 = arith.index_cast %get3A_1074 : i32 to index
      %get3A_1080 = arith.constant 16 : index
      %get3A_1081 = tpu.vector_load %get3A_1078[%get3A_1079, %get3A_1080] {strides = array<i32>} : memref<104x32xf32, #tpu.memory_space<vmem>>, vector<1x16xf32>,
      %get3A_1082 = vector.shape_cast %get3A_1081 : vector<1x16xf32> to vector<16xf32>
      %add3A_1083 = arith.addf %add3A_1063, %get3A_1082 : vector<16xf32>
      %get3A_1084 = arith.constant 39 : i32
      %get3A_1085 = arith.constant 0 : i32
      %get3A_1086 = arith.constant 0 : i32
      %get3A_1087 = tpu.memref_slice %arg6[%rem3A_170, %get3A_1085, %get3A_1086] : memref<8x104x32xf32, #tpu.memory_space<vmem>> -> memref<1x104x32xf32, #tpu.memory_space<vmem>>
      %get3A_1088 = tpu.memref_squeeze %get3A_1087 : memref<1x104x32xf32, #tpu.memory_space<vmem>> -> memref<104x32xf32, #tpu.memory_space<vmem>>
      %get3A_1089 = arith.index_cast %get3A_1084 : i32 to index
      %get3A_1090 = arith.constant 16 : index
      %get3A_1091 = tpu.vector_load %get3A_1088[%get3A_1089, %get3A_1090] {strides = array<i32>} : memref<104x32xf32, #tpu.memory_space<vmem>>, vector<1x16xf32>,
      %get3A_1092 = vector.shape_cast %get3A_1091 : vector<1x16xf32> to vector<16xf32>
      %add3A_1093 = arith.addf %add3A_1073, %get3A_1092 : vector<16xf32>
      %get3A_1094 = arith.constant 40 : i32
      %get3A_1095 = arith.constant 0 : i32
      %get3A_1096 = arith.constant 0 : i32
      %get3A_1097 = tpu.memref_slice %arg6[%rem3A_170, %get3A_1095, %get3A_1096] : memref<8x104x32xf32, #tpu.memory_space<vmem>> -> memref<1x104x32xf32, #tpu.memory_space<vmem>>
      %get3A_1098 = tpu.memref_squeeze %get3A_1097 : memref<1x104x32xf32, #tpu.memory_space<vmem>> -> memref<104x32xf32, #tpu.memory_space<vmem>>
      %get3A_1099 = arith.index_cast %get3A_1094 : i32 to index
      %get3A_1100 = arith.constant 16 : index
      %get3A_1101 = tpu.vector_load %get3A_1098[%get3A_1099, %get3A_1100] {strides = array<i32>} : memref<104x32xf32, #tpu.memory_space<vmem>>, vector<1x16xf32>,
      %get3A_1102 = vector.shape_cast %get3A_1101 : vector<1x16xf32> to vector<16xf32>
      %add3A_1103 = arith.addf %add3A_1083, %get3A_1102 : vector<16xf32>
      %get3A_1104 = arith.constant 41 : i32
      %get3A_1105 = arith.constant 0 : i32
      %get3A_1106 = arith.constant 0 : i32
      %get3A_1107 = tpu.memref_slice %arg6[%rem3A_170, %get3A_1105, %get3A_1106] : memref<8x104x32xf32, #tpu.memory_space<vmem>> -> memref<1x104x32xf32, #tpu.memory_space<vmem>>
      %get3A_1108 = tpu.memref_squeeze %get3A_1107 : memref<1x104x32xf32, #tpu.memory_space<vmem>> -> memref<104x32xf32, #tpu.memory_space<vmem>>
      %get3A_1109 = arith.index_cast %get3A_1104 : i32 to index
      %get3A_1110 = arith.constant 16 : index
      %get3A_1111 = tpu.vector_load %get3A_1108[%get3A_1109, %get3A_1110] {strides = array<i32>} : memref<104x32xf32, #tpu.memory_space<vmem>>, vector<1x16xf32>,
      %get3A_1112 = vector.shape_cast %get3A_1111 : vector<1x16xf32> to vector<16xf32>
      %add3A_1113 = arith.addf %add3A_1093, %get3A_1112 : vector<16xf32>
      %get3A_1114 = arith.constant 42 : i32
      %get3A_1115 = arith.constant 0 : i32
      %get3A_1116 = arith.constant 0 : i32
      %get3A_1117 = tpu.memref_slice %arg6[%rem3A_170, %get3A_1115, %get3A_1116] : memref<8x104x32xf32, #tpu.memory_space<vmem>> -> memref<1x104x32xf32, #tpu.memory_space<vmem>>
      %get3A_1118 = tpu.memref_squeeze %get3A_1117 : memref<1x104x32xf32, #tpu.memory_space<vmem>> -> memref<104x32xf32, #tpu.memory_space<vmem>>
      %get3A_1119 = arith.index_cast %get3A_1114 : i32 to index
      %get3A_1120 = arith.constant 16 : index
      %get3A_1121 = tpu.vector_load %get3A_1118[%get3A_1119, %get3A_1120] {strides = array<i32>} : memref<104x32xf32, #tpu.memory_space<vmem>>, vector<1x16xf32>,
      %get3A_1122 = vector.shape_cast %get3A_1121 : vector<1x16xf32> to vector<16xf32>
      %add3A_1123 = arith.addf %add3A_1103, %get3A_1122 : vector<16xf32>
      %get3A_1124 = arith.constant 43 : i32
      %get3A_1125 = arith.constant 0 : i32
      %get3A_1126 = arith.constant 0 : i32
      %get3A_1127 = tpu.memref_slice %arg6[%rem3A_170, %get3A_1125, %get3A_1126] : memref<8x104x32xf32, #tpu.memory_space<vmem>> -> memref<1x104x32xf32, #tpu.memory_space<vmem>>
      %get3A_1128 = tpu.memref_squeeze %get3A_1127 : memref<1x104x32xf32, #tpu.memory_space<vmem>> -> memref<104x32xf32, #tpu.memory_space<vmem>>
      %get3A_1129 = arith.index_cast %get3A_1124 : i32 to index
      %get3A_1130 = arith.constant 16 : index
      %get3A_1131 = tpu.vector_load %get3A_1128[%get3A_1129, %get3A_1130] {strides = array<i32>} : memref<104x32xf32, #tpu.memory_space<vmem>>, vector<1x16xf32>,
      %get3A_1132 = vector.shape_cast %get3A_1131 : vector<1x16xf32> to vector<16xf32>
      %add3A_1133 = arith.addf %add3A_1113, %get3A_1132 : vector<16xf32>
      %get3A_1134 = arith.constant 44 : i32
      %get3A_1135 = arith.constant 0 : i32
      %get3A_1136 = arith.constant 0 : i32
      %get3A_1137 = tpu.memref_slice %arg6[%rem3A_170, %get3A_1135, %get3A_1136] : memref<8x104x32xf32, #tpu.memory_space<vmem>> -> memref<1x104x32xf32, #tpu.memory_space<vmem>>
      %get3A_1138 = tpu.memref_squeeze %get3A_1137 : memref<1x104x32xf32, #tpu.memory_space<vmem>> -> memref<104x32xf32, #tpu.memory_space<vmem>>
      %get3A_1139 = arith.index_cast %get3A_1134 : i32 to index
      %get3A_1140 = arith.constant 16 : index
      %get3A_1141 = tpu.vector_load %get3A_1138[%get3A_1139, %get3A_1140] {strides = array<i32>} : memref<104x32xf32, #tpu.memory_space<vmem>>, vector<1x16xf32>,
      %get3A_1142 = vector.shape_cast %get3A_1141 : vector<1x16xf32> to vector<16xf32>
      %add3A_1143 = arith.addf %add3A_1123, %get3A_1142 : vector<16xf32>
      %get3A_1144 = arith.constant 45 : i32
      %get3A_1145 = arith.constant 0 : i32
      %get3A_1146 = arith.constant 0 : i32
      %get3A_1147 = tpu.memref_slice %arg6[%rem3A_170, %get3A_1145, %get3A_1146] : memref<8x104x32xf32, #tpu.memory_space<vmem>> -> memref<1x104x32xf32, #tpu.memory_space<vmem>>
      %get3A_1148 = tpu.memref_squeeze %get3A_1147 : memref<1x104x32xf32, #tpu.memory_space<vmem>> -> memref<104x32xf32, #tpu.memory_space<vmem>>
      %get3A_1149 = arith.index_cast %get3A_1144 : i32 to index
      %get3A_1150 = arith.constant 16 : index
      %get3A_1151 = tpu.vector_load %get3A_1148[%get3A_1149, %get3A_1150] {strides = array<i32>} : memref<104x32xf32, #tpu.memory_space<vmem>>, vector<1x16xf32>,
      %get3A_1152 = vector.shape_cast %get3A_1151 : vector<1x16xf32> to vector<16xf32>
      %add3A_1153 = arith.addf %add3A_1133, %get3A_1152 : vector<16xf32>
      %get3A_1154 = arith.constant 46 : i32
      %get3A_1155 = arith.constant 0 : i32
      %get3A_1156 = arith.constant 0 : i32
      %get3A_1157 = tpu.memref_slice %arg6[%rem3A_170, %get3A_1155, %get3A_1156] : memref<8x104x32xf32, #tpu.memory_space<vmem>> -> memref<1x104x32xf32, #tpu.memory_space<vmem>>
      %get3A_1158 = tpu.memref_squeeze %get3A_1157 : memref<1x104x32xf32, #tpu.memory_space<vmem>> -> memref<104x32xf32, #tpu.memory_space<vmem>>
      %get3A_1159 = arith.index_cast %get3A_1154 : i32 to index
      %get3A_1160 = arith.constant 16 : index
      %get3A_1161 = tpu.vector_load %get3A_1158[%get3A_1159, %get3A_1160] {strides = array<i32>} : memref<104x32xf32, #tpu.memory_space<vmem>>, vector<1x16xf32>,
      %get3A_1162 = vector.shape_cast %get3A_1161 : vector<1x16xf32> to vector<16xf32>
      %add3A_1163 = arith.addf %add3A_1143, %get3A_1162 : vector<16xf32>
      %get3A_1164 = arith.constant 47 : i32
      %get3A_1165 = arith.constant 0 : i32
      %get3A_1166 = arith.constant 0 : i32
      %get3A_1167 = tpu.memref_slice %arg6[%rem3A_170, %get3A_1165, %get3A_1166] : memref<8x104x32xf32, #tpu.memory_space<vmem>> -> memref<1x104x32xf32, #tpu.memory_space<vmem>>
      %get3A_1168 = tpu.memref_squeeze %get3A_1167 : memref<1x104x32xf32, #tpu.memory_space<vmem>> -> memref<104x32xf32, #tpu.memory_space<vmem>>
      %get3A_1169 = arith.index_cast %get3A_1164 : i32 to index
      %get3A_1170 = arith.constant 16 : index
      %get3A_1171 = tpu.vector_load %get3A_1168[%get3A_1169, %get3A_1170] {strides = array<i32>} : memref<104x32xf32, #tpu.memory_space<vmem>>, vector<1x16xf32>,
      %get3A_1172 = vector.shape_cast %get3A_1171 : vector<1x16xf32> to vector<16xf32>
      %add3A_1173 = arith.addf %add3A_1153, %get3A_1172 : vector<16xf32>
      %get3A_1174 = arith.constant 48 : i32
      %get3A_1175 = arith.constant 0 : i32
      %get3A_1176 = arith.constant 0 : i32
      %get3A_1177 = tpu.memref_slice %arg6[%rem3A_170, %get3A_1175, %get3A_1176] : memref<8x104x32xf32, #tpu.memory_space<vmem>> -> memref<1x104x32xf32, #tpu.memory_space<vmem>>
      %get3A_1178 = tpu.memref_squeeze %get3A_1177 : memref<1x104x32xf32, #tpu.memory_space<vmem>> -> memref<104x32xf32, #tpu.memory_space<vmem>>
      %get3A_1179 = arith.index_cast %get3A_1174 : i32 to index
      %get3A_1180 = arith.constant 16 : index
      %get3A_1181 = tpu.vector_load %get3A_1178[%get3A_1179, %get3A_1180] {strides = array<i32>} : memref<104x32xf32, #tpu.memory_space<vmem>>, vector<1x16xf32>,
      %get3A_1182 = vector.shape_cast %get3A_1181 : vector<1x16xf32> to vector<16xf32>
      %add3A_1183 = arith.addf %add3A_1163, %get3A_1182 : vector<16xf32>
      %get3A_1184 = arith.constant 49 : i32
      %get3A_1185 = arith.constant 0 : i32
      %get3A_1186 = arith.constant 0 : i32
      %get3A_1187 = tpu.memref_slice %arg6[%rem3A_170, %get3A_1185, %get3A_1186] : memref<8x104x32xf32, #tpu.memory_space<vmem>> -> memref<1x104x32xf32, #tpu.memory_space<vmem>>
      %get3A_1188 = tpu.memref_squeeze %get3A_1187 : memref<1x104x32xf32, #tpu.memory_space<vmem>> -> memref<104x32xf32, #tpu.memory_space<vmem>>
      %get3A_1189 = arith.index_cast %get3A_1184 : i32 to index
      %get3A_1190 = arith.constant 16 : index
      %get3A_1191 = tpu.vector_load %get3A_1188[%get3A_1189, %get3A_1190] {strides = array<i32>} : memref<104x32xf32, #tpu.memory_space<vmem>>, vector<1x16xf32>,
      %get3A_1192 = vector.shape_cast %get3A_1191 : vector<1x16xf32> to vector<16xf32>
      %add3A_1193 = arith.addf %add3A_1173, %get3A_1192 : vector<16xf32>
      %add3A_1194 = arith.addf %add3A_1183, %add3A_1193 : vector<16xf32>
      %mul3A_1195 = arith.constant 4 : i32
      %mul3A_1196 = arith.muli %scan3A_169, %mul3A_1195 : i32
      %add3A_1197 = arith.constant 0 : i32
      %add3A_1198 = arith.addi %mul3A_1196, %add3A_1197 : i32
      %swap3A_1199 = arith.index_cast %add3A_1198 : i32 to index
      %swap3A_1200 = arith.constant 16 : index
      %swap3A_1201 = tpu.vector_load %arg8[%swap3A_1199, %swap3A_1200] {strides = array<i32>} : memref<512x32xf32, #tpu.memory_space<vmem>>, vector<1x16xf32>,
      %swap3A_1202 = vector.shape_cast %swap3A_1201 : vector<1x16xf32> to vector<16xf32>
      %swap3A_1203 = vector.shape_cast %add3A_1194 : vector<16xf32> to vector<1x16xf32>
      tpu.vector_store %arg8[%swap3A_1199, %swap3A_1200], %swap3A_1203 {strides = array<i32>} : memref<512x32xf32, #tpu.memory_space<vmem>>, vector<1x16xf32>,
      %get3A_1204 = arith.constant 50 : i32
      %get3A_1205 = arith.constant 0 : i32
      %get3A_1206 = arith.constant 0 : i32
      %get3A_1207 = tpu.memref_slice %arg6[%rem3A_170, %get3A_1205, %get3A_1206] : memref<8x104x32xf32, #tpu.memory_space<vmem>> -> memref<1x104x32xf32, #tpu.memory_space<vmem>>
      %get3A_1208 = tpu.memref_squeeze %get3A_1207 : memref<1x104x32xf32, #tpu.memory_space<vmem>> -> memref<104x32xf32, #tpu.memory_space<vmem>>
      %get3A_1209 = arith.index_cast %get3A_1204 : i32 to index
      %get3A_1210 = arith.constant 0 : index
      %get3A_1211 = tpu.vector_load %get3A_1208[%get3A_1209, %get3A_1210] {strides = array<i32>} : memref<104x32xf32, #tpu.memory_space<vmem>>, vector<1x16xf32>,
      %get3A_1212 = vector.shape_cast %get3A_1211 : vector<1x16xf32> to vector<16xf32>
      %get3A_1213 = arith.constant 51 : i32
      %get3A_1214 = arith.constant 0 : i32
      %get3A_1215 = arith.constant 0 : i32
      %get3A_1216 = tpu.memref_slice %arg6[%rem3A_170, %get3A_1214, %get3A_1215] : memref<8x104x32xf32, #tpu.memory_space<vmem>> -> memref<1x104x32xf32, #tpu.memory_space<vmem>>
      %get3A_1217 = tpu.memref_squeeze %get3A_1216 : memref<1x104x32xf32, #tpu.memory_space<vmem>> -> memref<104x32xf32, #tpu.memory_space<vmem>>
      %get3A_1218 = arith.index_cast %get3A_1213 : i32 to index
      %get3A_1219 = arith.constant 0 : index
      %get3A_1220 = tpu.vector_load %get3A_1217[%get3A_1218, %get3A_1219] {strides = array<i32>} : memref<104x32xf32, #tpu.memory_space<vmem>>, vector<1x16xf32>,
      %get3A_1221 = vector.shape_cast %get3A_1220 : vector<1x16xf32> to vector<16xf32>
      %get3A_1222 = arith.constant 52 : i32
      %get3A_1223 = arith.constant 0 : i32
      %get3A_1224 = arith.constant 0 : i32
      %get3A_1225 = tpu.memref_slice %arg6[%rem3A_170, %get3A_1223, %get3A_1224] : memref<8x104x32xf32, #tpu.memory_space<vmem>> -> memref<1x104x32xf32, #tpu.memory_space<vmem>>
      %get3A_1226 = tpu.memref_squeeze %get3A_1225 : memref<1x104x32xf32, #tpu.memory_space<vmem>> -> memref<104x32xf32, #tpu.memory_space<vmem>>
      %get3A_1227 = arith.index_cast %get3A_1222 : i32 to index
      %get3A_1228 = arith.constant 0 : index
      %get3A_1229 = tpu.vector_load %get3A_1226[%get3A_1227, %get3A_1228] {strides = array<i32>} : memref<104x32xf32, #tpu.memory_space<vmem>>, vector<1x16xf32>,
      %get3A_1230 = vector.shape_cast %get3A_1229 : vector<1x16xf32> to vector<16xf32>
      %add3A_1231 = arith.addf %get3A_1212, %get3A_1230 : vector<16xf32>
      %get3A_1232 = arith.constant 53 : i32
      %get3A_1233 = arith.constant 0 : i32
      %get3A_1234 = arith.constant 0 : i32
      %get3A_1235 = tpu.memref_slice %arg6[%rem3A_170, %get3A_1233, %get3A_1234] : memref<8x104x32xf32, #tpu.memory_space<vmem>> -> memref<1x104x32xf32, #tpu.memory_space<vmem>>
      %get3A_1236 = tpu.memref_squeeze %get3A_1235 : memref<1x104x32xf32, #tpu.memory_space<vmem>> -> memref<104x32xf32, #tpu.memory_space<vmem>>
      %get3A_1237 = arith.index_cast %get3A_1232 : i32 to index
      %get3A_1238 = arith.constant 0 : index
      %get3A_1239 = tpu.vector_load %get3A_1236[%get3A_1237, %get3A_1238] {strides = array<i32>} : memref<104x32xf32, #tpu.memory_space<vmem>>, vector<1x16xf32>,
      %get3A_1240 = vector.shape_cast %get3A_1239 : vector<1x16xf32> to vector<16xf32>
      %add3A_1241 = arith.addf %get3A_1221, %get3A_1240 : vector<16xf32>
      %get3A_1242 = arith.constant 54 : i32
      %get3A_1243 = arith.constant 0 : i32
      %get3A_1244 = arith.constant 0 : i32
      %get3A_1245 = tpu.memref_slice %arg6[%rem3A_170, %get3A_1243, %get3A_1244] : memref<8x104x32xf32, #tpu.memory_space<vmem>> -> memref<1x104x32xf32, #tpu.memory_space<vmem>>
      %get3A_1246 = tpu.memref_squeeze %get3A_1245 : memref<1x104x32xf32, #tpu.memory_space<vmem>> -> memref<104x32xf32, #tpu.memory_space<vmem>>
      %get3A_1247 = arith.index_cast %get3A_1242 : i32 to index
      %get3A_1248 = arith.constant 0 : index
      %get3A_1249 = tpu.vector_load %get3A_1246[%get3A_1247, %get3A_1248] {strides = array<i32>} : memref<104x32xf32, #tpu.memory_space<vmem>>, vector<1x16xf32>,
      %get3A_1250 = vector.shape_cast %get3A_1249 : vector<1x16xf32> to vector<16xf32>
      %add3A_1251 = arith.addf %add3A_1231, %get3A_1250 : vector<16xf32>
      %get3A_1252 = arith.constant 55 : i32
      %get3A_1253 = arith.constant 0 : i32
      %get3A_1254 = arith.constant 0 : i32
      %get3A_1255 = tpu.memref_slice %arg6[%rem3A_170, %get3A_1253, %get3A_1254] : memref<8x104x32xf32, #tpu.memory_space<vmem>> -> memref<1x104x32xf32, #tpu.memory_space<vmem>>
      %get3A_1256 = tpu.memref_squeeze %get3A_1255 : memref<1x104x32xf32, #tpu.memory_space<vmem>> -> memref<104x32xf32, #tpu.memory_space<vmem>>
      %get3A_1257 = arith.index_cast %get3A_1252 : i32 to index
      %get3A_1258 = arith.constant 0 : index
      %get3A_1259 = tpu.vector_load %get3A_1256[%get3A_1257, %get3A_1258] {strides = array<i32>} : memref<104x32xf32, #tpu.memory_space<vmem>>, vector<1x16xf32>,
      %get3A_1260 = vector.shape_cast %get3A_1259 : vector<1x16xf32> to vector<16xf32>
      %add3A_1261 = arith.addf %add3A_1241, %get3A_1260 : vector<16xf32>
      %get3A_1262 = arith.constant 56 : i32
      %get3A_1263 = arith.constant 0 : i32
      %get3A_1264 = arith.constant 0 : i32
      %get3A_1265 = tpu.memref_slice %arg6[%rem3A_170, %get3A_1263, %get3A_1264] : memref<8x104x32xf32, #tpu.memory_space<vmem>> -> memref<1x104x32xf32, #tpu.memory_space<vmem>>
      %get3A_1266 = tpu.memref_squeeze %get3A_1265 : memref<1x104x32xf32, #tpu.memory_space<vmem>> -> memref<104x32xf32, #tpu.memory_space<vmem>>
      %get3A_1267 = arith.index_cast %get3A_1262 : i32 to index
      %get3A_1268 = arith.constant 0 : index
      %get3A_1269 = tpu.vector_load %get3A_1266[%get3A_1267, %get3A_1268] {strides = array<i32>} : memref<104x32xf32, #tpu.memory_space<vmem>>, vector<1x16xf32>,
      %get3A_1270 = vector.shape_cast %get3A_1269 : vector<1x16xf32> to vector<16xf32>
      %add3A_1271 = arith.addf %add3A_1251, %get3A_1270 : vector<16xf32>
      %get3A_1272 = arith.constant 57 : i32
      %get3A_1273 = arith.constant 0 : i32
      %get3A_1274 = arith.constant 0 : i32
      %get3A_1275 = tpu.memref_slice %arg6[%rem3A_170, %get3A_1273, %get3A_1274] : memref<8x104x32xf32, #tpu.memory_space<vmem>> -> memref<1x104x32xf32, #tpu.memory_space<vmem>>
      %get3A_1276 = tpu.memref_squeeze %get3A_1275 : memref<1x104x32xf32, #tpu.memory_space<vmem>> -> memref<104x32xf32, #tpu.memory_space<vmem>>
      %get3A_1277 = arith.index_cast %get3A_1272 : i32 to index
      %get3A_1278 = arith.constant 0 : index
      %get3A_1279 = tpu.vector_load %get3A_1276[%get3A_1277, %get3A_1278] {strides = array<i32>} : memref<104x32xf32, #tpu.memory_space<vmem>>, vector<1x16xf32>,
      %get3A_1280 = vector.shape_cast %get3A_1279 : vector<1x16xf32> to vector<16xf32>
      %add3A_1281 = arith.addf %add3A_1261, %get3A_1280 : vector<16xf32>
      %get3A_1282 = arith.constant 58 : i32
      %get3A_1283 = arith.constant 0 : i32
      %get3A_1284 = arith.constant 0 : i32
      %get3A_1285 = tpu.memref_slice %arg6[%rem3A_170, %get3A_1283, %get3A_1284] : memref<8x104x32xf32, #tpu.memory_space<vmem>> -> memref<1x104x32xf32, #tpu.memory_space<vmem>>
      %get3A_1286 = tpu.memref_squeeze %get3A_1285 : memref<1x104x32xf32, #tpu.memory_space<vmem>> -> memref<104x32xf32, #tpu.memory_space<vmem>>
      %get3A_1287 = arith.index_cast %get3A_1282 : i32 to index
      %get3A_1288 = arith.constant 0 : index
      %get3A_1289 = tpu.vector_load %get3A_1286[%get3A_1287, %get3A_1288] {strides = array<i32>} : memref<104x32xf32, #tpu.memory_space<vmem>>, vector<1x16xf32>,
      %get3A_1290 = vector.shape_cast %get3A_1289 : vector<1x16xf32> to vector<16xf32>
      %add3A_1291 = arith.addf %add3A_1271, %get3A_1290 : vector<16xf32>
      %get3A_1292 = arith.constant 59 : i32
      %get3A_1293 = arith.constant 0 : i32
      %get3A_1294 = arith.constant 0 : i32
      %get3A_1295 = tpu.memref_slice %arg6[%rem3A_170, %get3A_1293, %get3A_1294] : memref<8x104x32xf32, #tpu.memory_space<vmem>> -> memref<1x104x32xf32, #tpu.memory_space<vmem>>
      %get3A_1296 = tpu.memref_squeeze %get3A_1295 : memref<1x104x32xf32, #tpu.memory_space<vmem>> -> memref<104x32xf32, #tpu.memory_space<vmem>>
      %get3A_1297 = arith.index_cast %get3A_1292 : i32 to index
      %get3A_1298 = arith.constant 0 : index
      %get3A_1299 = tpu.vector_load %get3A_1296[%get3A_1297, %get3A_1298] {strides = array<i32>} : memref<104x32xf32, #tpu.memory_space<vmem>>, vector<1x16xf32>,
      %get3A_1300 = vector.shape_cast %get3A_1299 : vector<1x16xf32> to vector<16xf32>
      %add3A_1301 = arith.addf %add3A_1281, %get3A_1300 : vector<16xf32>
      %get3A_1302 = arith.constant 60 : i32
      %get3A_1303 = arith.constant 0 : i32
      %get3A_1304 = arith.constant 0 : i32
      %get3A_1305 = tpu.memref_slice %arg6[%rem3A_170, %get3A_1303, %get3A_1304] : memref<8x104x32xf32, #tpu.memory_space<vmem>> -> memref<1x104x32xf32, #tpu.memory_space<vmem>>
      %get3A_1306 = tpu.memref_squeeze %get3A_1305 : memref<1x104x32xf32, #tpu.memory_space<vmem>> -> memref<104x32xf32, #tpu.memory_space<vmem>>
      %get3A_1307 = arith.index_cast %get3A_1302 : i32 to index
      %get3A_1308 = arith.constant 0 : index
      %get3A_1309 = tpu.vector_load %get3A_1306[%get3A_1307, %get3A_1308] {strides = array<i32>} : memref<104x32xf32, #tpu.memory_space<vmem>>, vector<1x16xf32>,
      %get3A_1310 = vector.shape_cast %get3A_1309 : vector<1x16xf32> to vector<16xf32>
      %add3A_1311 = arith.addf %add3A_1291, %get3A_1310 : vector<16xf32>
      %get3A_1312 = arith.constant 61 : i32
      %get3A_1313 = arith.constant 0 : i32
      %get3A_1314 = arith.constant 0 : i32
      %get3A_1315 = tpu.memref_slice %arg6[%rem3A_170, %get3A_1313, %get3A_1314] : memref<8x104x32xf32, #tpu.memory_space<vmem>> -> memref<1x104x32xf32, #tpu.memory_space<vmem>>
      %get3A_1316 = tpu.memref_squeeze %get3A_1315 : memref<1x104x32xf32, #tpu.memory_space<vmem>> -> memref<104x32xf32, #tpu.memory_space<vmem>>
      %get3A_1317 = arith.index_cast %get3A_1312 : i32 to index
      %get3A_1318 = arith.constant 0 : index
      %get3A_1319 = tpu.vector_load %get3A_1316[%get3A_1317, %get3A_1318] {strides = array<i32>} : memref<104x32xf32, #tpu.memory_space<vmem>>, vector<1x16xf32>,
      %get3A_1320 = vector.shape_cast %get3A_1319 : vector<1x16xf32> to vector<16xf32>
      %add3A_1321 = arith.addf %add3A_1301, %get3A_1320 : vector<16xf32>
      %get3A_1322 = arith.constant 62 : i32
      %get3A_1323 = arith.constant 0 : i32
      %get3A_1324 = arith.constant 0 : i32
      %get3A_1325 = tpu.memref_slice %arg6[%rem3A_170, %get3A_1323, %get3A_1324] : memref<8x104x32xf32, #tpu.memory_space<vmem>> -> memref<1x104x32xf32, #tpu.memory_space<vmem>>
      %get3A_1326 = tpu.memref_squeeze %get3A_1325 : memref<1x104x32xf32, #tpu.memory_space<vmem>> -> memref<104x32xf32, #tpu.memory_space<vmem>>
      %get3A_1327 = arith.index_cast %get3A_1322 : i32 to index
      %get3A_1328 = arith.constant 0 : index
      %get3A_1329 = tpu.vector_load %get3A_1326[%get3A_1327, %get3A_1328] {strides = array<i32>} : memref<104x32xf32, #tpu.memory_space<vmem>>, vector<1x16xf32>,
      %get3A_1330 = vector.shape_cast %get3A_1329 : vector<1x16xf32> to vector<16xf32>
      %add3A_1331 = arith.addf %add3A_1311, %get3A_1330 : vector<16xf32>
      %get3A_1332 = arith.constant 63 : i32
      %get3A_1333 = arith.constant 0 : i32
      %get3A_1334 = arith.constant 0 : i32
      %get3A_1335 = tpu.memref_slice %arg6[%rem3A_170, %get3A_1333, %get3A_1334] : memref<8x104x32xf32, #tpu.memory_space<vmem>> -> memref<1x104x32xf32, #tpu.memory_space<vmem>>
      %get3A_1336 = tpu.memref_squeeze %get3A_1335 : memref<1x104x32xf32, #tpu.memory_space<vmem>> -> memref<104x32xf32, #tpu.memory_space<vmem>>
      %get3A_1337 = arith.index_cast %get3A_1332 : i32 to index
      %get3A_1338 = arith.constant 0 : index
      %get3A_1339 = tpu.vector_load %get3A_1336[%get3A_1337, %get3A_1338] {strides = array<i32>} : memref<104x32xf32, #tpu.memory_space<vmem>>, vector<1x16xf32>,
      %get3A_1340 = vector.shape_cast %get3A_1339 : vector<1x16xf32> to vector<16xf32>
      %add3A_1341 = arith.addf %add3A_1321, %get3A_1340 : vector<16xf32>
      %get3A_1342 = arith.constant 64 : i32
      %get3A_1343 = arith.constant 0 : i32
      %get3A_1344 = arith.constant 0 : i32
      %get3A_1345 = tpu.memref_slice %arg6[%rem3A_170, %get3A_1343, %get3A_1344] : memref<8x104x32xf32, #tpu.memory_space<vmem>> -> memref<1x104x32xf32, #tpu.memory_space<vmem>>
      %get3A_1346 = tpu.memref_squeeze %get3A_1345 : memref<1x104x32xf32, #tpu.memory_space<vmem>> -> memref<104x32xf32, #tpu.memory_space<vmem>>
      %get3A_1347 = arith.index_cast %get3A_1342 : i32 to index
      %get3A_1348 = arith.constant 0 : index
      %get3A_1349 = tpu.vector_load %get3A_1346[%get3A_1347, %get3A_1348] {strides = array<i32>} : memref<104x32xf32, #tpu.memory_space<vmem>>, vector<1x16xf32>,
      %get3A_1350 = vector.shape_cast %get3A_1349 : vector<1x16xf32> to vector<16xf32>
      %add3A_1351 = arith.addf %add3A_1331, %get3A_1350 : vector<16xf32>
      %get3A_1352 = arith.constant 65 : i32
      %get3A_1353 = arith.constant 0 : i32
      %get3A_1354 = arith.constant 0 : i32
      %get3A_1355 = tpu.memref_slice %arg6[%rem3A_170, %get3A_1353, %get3A_1354] : memref<8x104x32xf32, #tpu.memory_space<vmem>> -> memref<1x104x32xf32, #tpu.memory_space<vmem>>
      %get3A_1356 = tpu.memref_squeeze %get3A_1355 : memref<1x104x32xf32, #tpu.memory_space<vmem>> -> memref<104x32xf32, #tpu.memory_space<vmem>>
      %get3A_1357 = arith.index_cast %get3A_1352 : i32 to index
      %get3A_1358 = arith.constant 0 : index
      %get3A_1359 = tpu.vector_load %get3A_1356[%get3A_1357, %get3A_1358] {strides = array<i32>} : memref<104x32xf32, #tpu.memory_space<vmem>>, vector<1x16xf32>,
      %get3A_1360 = vector.shape_cast %get3A_1359 : vector<1x16xf32> to vector<16xf32>
      %add3A_1361 = arith.addf %add3A_1341, %get3A_1360 : vector<16xf32>
      %get3A_1362 = arith.constant 66 : i32
      %get3A_1363 = arith.constant 0 : i32
      %get3A_1364 = arith.constant 0 : i32
      %get3A_1365 = tpu.memref_slice %arg6[%rem3A_170, %get3A_1363, %get3A_1364] : memref<8x104x32xf32, #tpu.memory_space<vmem>> -> memref<1x104x32xf32, #tpu.memory_space<vmem>>
      %get3A_1366 = tpu.memref_squeeze %get3A_1365 : memref<1x104x32xf32, #tpu.memory_space<vmem>> -> memref<104x32xf32, #tpu.memory_space<vmem>>
      %get3A_1367 = arith.index_cast %get3A_1362 : i32 to index
      %get3A_1368 = arith.constant 0 : index
      %get3A_1369 = tpu.vector_load %get3A_1366[%get3A_1367, %get3A_1368] {strides = array<i32>} : memref<104x32xf32, #tpu.memory_space<vmem>>, vector<1x16xf32>,
      %get3A_1370 = vector.shape_cast %get3A_1369 : vector<1x16xf32> to vector<16xf32>
      %add3A_1371 = arith.addf %add3A_1351, %get3A_1370 : vector<16xf32>
      %get3A_1372 = arith.constant 67 : i32
      %get3A_1373 = arith.constant 0 : i32
      %get3A_1374 = arith.constant 0 : i32
      %get3A_1375 = tpu.memref_slice %arg6[%rem3A_170, %get3A_1373, %get3A_1374] : memref<8x104x32xf32, #tpu.memory_space<vmem>> -> memref<1x104x32xf32, #tpu.memory_space<vmem>>
      %get3A_1376 = tpu.memref_squeeze %get3A_1375 : memref<1x104x32xf32, #tpu.memory_space<vmem>> -> memref<104x32xf32, #tpu.memory_space<vmem>>
      %get3A_1377 = arith.index_cast %get3A_1372 : i32 to index
      %get3A_1378 = arith.constant 0 : index
      %get3A_1379 = tpu.vector_load %get3A_1376[%get3A_1377, %get3A_1378] {strides = array<i32>} : memref<104x32xf32, #tpu.memory_space<vmem>>, vector<1x16xf32>,
      %get3A_1380 = vector.shape_cast %get3A_1379 : vector<1x16xf32> to vector<16xf32>
      %add3A_1381 = arith.addf %add3A_1361, %get3A_1380 : vector<16xf32>
      %get3A_1382 = arith.constant 68 : i32
      %get3A_1383 = arith.constant 0 : i32
      %get3A_1384 = arith.constant 0 : i32
      %get3A_1385 = tpu.memref_slice %arg6[%rem3A_170, %get3A_1383, %get3A_1384] : memref<8x104x32xf32, #tpu.memory_space<vmem>> -> memref<1x104x32xf32, #tpu.memory_space<vmem>>
      %get3A_1386 = tpu.memref_squeeze %get3A_1385 : memref<1x104x32xf32, #tpu.memory_space<vmem>> -> memref<104x32xf32, #tpu.memory_space<vmem>>
      %get3A_1387 = arith.index_cast %get3A_1382 : i32 to index
      %get3A_1388 = arith.constant 0 : index
      %get3A_1389 = tpu.vector_load %get3A_1386[%get3A_1387, %get3A_1388] {strides = array<i32>} : memref<104x32xf32, #tpu.memory_space<vmem>>, vector<1x16xf32>,
      %get3A_1390 = vector.shape_cast %get3A_1389 : vector<1x16xf32> to vector<16xf32>
      %add3A_1391 = arith.addf %add3A_1371, %get3A_1390 : vector<16xf32>
      %get3A_1392 = arith.constant 69 : i32
      %get3A_1393 = arith.constant 0 : i32
      %get3A_1394 = arith.constant 0 : i32
      %get3A_1395 = tpu.memref_slice %arg6[%rem3A_170, %get3A_1393, %get3A_1394] : memref<8x104x32xf32, #tpu.memory_space<vmem>> -> memref<1x104x32xf32, #tpu.memory_space<vmem>>
      %get3A_1396 = tpu.memref_squeeze %get3A_1395 : memref<1x104x32xf32, #tpu.memory_space<vmem>> -> memref<104x32xf32, #tpu.memory_space<vmem>>
      %get3A_1397 = arith.index_cast %get3A_1392 : i32 to index
      %get3A_1398 = arith.constant 0 : index
      %get3A_1399 = tpu.vector_load %get3A_1396[%get3A_1397, %get3A_1398] {strides = array<i32>} : memref<104x32xf32, #tpu.memory_space<vmem>>, vector<1x16xf32>,
      %get3A_1400 = vector.shape_cast %get3A_1399 : vector<1x16xf32> to vector<16xf32>
      %add3A_1401 = arith.addf %add3A_1381, %get3A_1400 : vector<16xf32>
      %get3A_1402 = arith.constant 70 : i32
      %get3A_1403 = arith.constant 0 : i32
      %get3A_1404 = arith.constant 0 : i32
      %get3A_1405 = tpu.memref_slice %arg6[%rem3A_170, %get3A_1403, %get3A_1404] : memref<8x104x32xf32, #tpu.memory_space<vmem>> -> memref<1x104x32xf32, #tpu.memory_space<vmem>>
      %get3A_1406 = tpu.memref_squeeze %get3A_1405 : memref<1x104x32xf32, #tpu.memory_space<vmem>> -> memref<104x32xf32, #tpu.memory_space<vmem>>
      %get3A_1407 = arith.index_cast %get3A_1402 : i32 to index
      %get3A_1408 = arith.constant 0 : index
      %get3A_1409 = tpu.vector_load %get3A_1406[%get3A_1407, %get3A_1408] {strides = array<i32>} : memref<104x32xf32, #tpu.memory_space<vmem>>, vector<1x16xf32>,
      %get3A_1410 = vector.shape_cast %get3A_1409 : vector<1x16xf32> to vector<16xf32>
      %add3A_1411 = arith.addf %add3A_1391, %get3A_1410 : vector<16xf32>
      %get3A_1412 = arith.constant 71 : i32
      %get3A_1413 = arith.constant 0 : i32
      %get3A_1414 = arith.constant 0 : i32
      %get3A_1415 = tpu.memref_slice %arg6[%rem3A_170, %get3A_1413, %get3A_1414] : memref<8x104x32xf32, #tpu.memory_space<vmem>> -> memref<1x104x32xf32, #tpu.memory_space<vmem>>
      %get3A_1416 = tpu.memref_squeeze %get3A_1415 : memref<1x104x32xf32, #tpu.memory_space<vmem>> -> memref<104x32xf32, #tpu.memory_space<vmem>>
      %get3A_1417 = arith.index_cast %get3A_1412 : i32 to index
      %get3A_1418 = arith.constant 0 : index
      %get3A_1419 = tpu.vector_load %get3A_1416[%get3A_1417, %get3A_1418] {strides = array<i32>} : memref<104x32xf32, #tpu.memory_space<vmem>>, vector<1x16xf32>,
      %get3A_1420 = vector.shape_cast %get3A_1419 : vector<1x16xf32> to vector<16xf32>
      %add3A_1421 = arith.addf %add3A_1401, %get3A_1420 : vector<16xf32>
      %get3A_1422 = arith.constant 72 : i32
      %get3A_1423 = arith.constant 0 : i32
      %get3A_1424 = arith.constant 0 : i32
      %get3A_1425 = tpu.memref_slice %arg6[%rem3A_170, %get3A_1423, %get3A_1424] : memref<8x104x32xf32, #tpu.memory_space<vmem>> -> memref<1x104x32xf32, #tpu.memory_space<vmem>>
      %get3A_1426 = tpu.memref_squeeze %get3A_1425 : memref<1x104x32xf32, #tpu.memory_space<vmem>> -> memref<104x32xf32, #tpu.memory_space<vmem>>
      %get3A_1427 = arith.index_cast %get3A_1422 : i32 to index
      %get3A_1428 = arith.constant 0 : index
      %get3A_1429 = tpu.vector_load %get3A_1426[%get3A_1427, %get3A_1428] {strides = array<i32>} : memref<104x32xf32, #tpu.memory_space<vmem>>, vector<1x16xf32>,
      %get3A_1430 = vector.shape_cast %get3A_1429 : vector<1x16xf32> to vector<16xf32>
      %add3A_1431 = arith.addf %add3A_1411, %get3A_1430 : vector<16xf32>
      %get3A_1432 = arith.constant 73 : i32
      %get3A_1433 = arith.constant 0 : i32
      %get3A_1434 = arith.constant 0 : i32
      %get3A_1435 = tpu.memref_slice %arg6[%rem3A_170, %get3A_1433, %get3A_1434] : memref<8x104x32xf32, #tpu.memory_space<vmem>> -> memref<1x104x32xf32, #tpu.memory_space<vmem>>
      %get3A_1436 = tpu.memref_squeeze %get3A_1435 : memref<1x104x32xf32, #tpu.memory_space<vmem>> -> memref<104x32xf32, #tpu.memory_space<vmem>>
      %get3A_1437 = arith.index_cast %get3A_1432 : i32 to index
      %get3A_1438 = arith.constant 0 : index
      %get3A_1439 = tpu.vector_load %get3A_1436[%get3A_1437, %get3A_1438] {strides = array<i32>} : memref<104x32xf32, #tpu.memory_space<vmem>>, vector<1x16xf32>,
      %get3A_1440 = vector.shape_cast %get3A_1439 : vector<1x16xf32> to vector<16xf32>
      %add3A_1441 = arith.addf %add3A_1421, %get3A_1440 : vector<16xf32>
      %get3A_1442 = arith.constant 74 : i32
      %get3A_1443 = arith.constant 0 : i32
      %get3A_1444 = arith.constant 0 : i32
      %get3A_1445 = tpu.memref_slice %arg6[%rem3A_170, %get3A_1443, %get3A_1444] : memref<8x104x32xf32, #tpu.memory_space<vmem>> -> memref<1x104x32xf32, #tpu.memory_space<vmem>>
      %get3A_1446 = tpu.memref_squeeze %get3A_1445 : memref<1x104x32xf32, #tpu.memory_space<vmem>> -> memref<104x32xf32, #tpu.memory_space<vmem>>
      %get3A_1447 = arith.index_cast %get3A_1442 : i32 to index
      %get3A_1448 = arith.constant 0 : index
      %get3A_1449 = tpu.vector_load %get3A_1446[%get3A_1447, %get3A_1448] {strides = array<i32>} : memref<104x32xf32, #tpu.memory_space<vmem>>, vector<1x16xf32>,
      %get3A_1450 = vector.shape_cast %get3A_1449 : vector<1x16xf32> to vector<16xf32>
      %add3A_1451 = arith.addf %add3A_1431, %get3A_1450 : vector<16xf32>
      %get3A_1452 = arith.constant 75 : i32
      %get3A_1453 = arith.constant 0 : i32
      %get3A_1454 = arith.constant 0 : i32
      %get3A_1455 = tpu.memref_slice %arg6[%rem3A_170, %get3A_1453, %get3A_1454] : memref<8x104x32xf32, #tpu.memory_space<vmem>> -> memref<1x104x32xf32, #tpu.memory_space<vmem>>
      %get3A_1456 = tpu.memref_squeeze %get3A_1455 : memref<1x104x32xf32, #tpu.memory_space<vmem>> -> memref<104x32xf32, #tpu.memory_space<vmem>>
      %get3A_1457 = arith.index_cast %get3A_1452 : i32 to index
      %get3A_1458 = arith.constant 0 : index
      %get3A_1459 = tpu.vector_load %get3A_1456[%get3A_1457, %get3A_1458] {strides = array<i32>} : memref<104x32xf32, #tpu.memory_space<vmem>>, vector<1x16xf32>,
      %get3A_1460 = vector.shape_cast %get3A_1459 : vector<1x16xf32> to vector<16xf32>
      %add3A_1461 = arith.addf %add3A_1441, %get3A_1460 : vector<16xf32>
      %get3A_1462 = arith.constant 76 : i32
      %get3A_1463 = arith.constant 0 : i32
      %get3A_1464 = arith.constant 0 : i32
      %get3A_1465 = tpu.memref_slice %arg6[%rem3A_170, %get3A_1463, %get3A_1464] : memref<8x104x32xf32, #tpu.memory_space<vmem>> -> memref<1x104x32xf32, #tpu.memory_space<vmem>>
      %get3A_1466 = tpu.memref_squeeze %get3A_1465 : memref<1x104x32xf32, #tpu.memory_space<vmem>> -> memref<104x32xf32, #tpu.memory_space<vmem>>
      %get3A_1467 = arith.index_cast %get3A_1462 : i32 to index
      %get3A_1468 = arith.constant 0 : index
      %get3A_1469 = tpu.vector_load %get3A_1466[%get3A_1467, %get3A_1468] {strides = array<i32>} : memref<104x32xf32, #tpu.memory_space<vmem>>, vector<1x16xf32>,
      %get3A_1470 = vector.shape_cast %get3A_1469 : vector<1x16xf32> to vector<16xf32>
      %add3A_1471 = arith.addf %add3A_1451, %get3A_1470 : vector<16xf32>
      %get3A_1472 = arith.constant 77 : i32
      %get3A_1473 = arith.constant 0 : i32
      %get3A_1474 = arith.constant 0 : i32
      %get3A_1475 = tpu.memref_slice %arg6[%rem3A_170, %get3A_1473, %get3A_1474] : memref<8x104x32xf32, #tpu.memory_space<vmem>> -> memref<1x104x32xf32, #tpu.memory_space<vmem>>
      %get3A_1476 = tpu.memref_squeeze %get3A_1475 : memref<1x104x32xf32, #tpu.memory_space<vmem>> -> memref<104x32xf32, #tpu.memory_space<vmem>>
      %get3A_1477 = arith.index_cast %get3A_1472 : i32 to index
      %get3A_1478 = arith.constant 0 : index
      %get3A_1479 = tpu.vector_load %get3A_1476[%get3A_1477, %get3A_1478] {strides = array<i32>} : memref<104x32xf32, #tpu.memory_space<vmem>>, vector<1x16xf32>,
      %get3A_1480 = vector.shape_cast %get3A_1479 : vector<1x16xf32> to vector<16xf32>
      %add3A_1481 = arith.addf %add3A_1461, %get3A_1480 : vector<16xf32>
      %get3A_1482 = arith.constant 78 : i32
      %get3A_1483 = arith.constant 0 : i32
      %get3A_1484 = arith.constant 0 : i32
      %get3A_1485 = tpu.memref_slice %arg6[%rem3A_170, %get3A_1483, %get3A_1484] : memref<8x104x32xf32, #tpu.memory_space<vmem>> -> memref<1x104x32xf32, #tpu.memory_space<vmem>>
      %get3A_1486 = tpu.memref_squeeze %get3A_1485 : memref<1x104x32xf32, #tpu.memory_space<vmem>> -> memref<104x32xf32, #tpu.memory_space<vmem>>
      %get3A_1487 = arith.index_cast %get3A_1482 : i32 to index
      %get3A_1488 = arith.constant 0 : index
      %get3A_1489 = tpu.vector_load %get3A_1486[%get3A_1487, %get3A_1488] {strides = array<i32>} : memref<104x32xf32, #tpu.memory_space<vmem>>, vector<1x16xf32>,
      %get3A_1490 = vector.shape_cast %get3A_1489 : vector<1x16xf32> to vector<16xf32>
      %add3A_1491 = arith.addf %add3A_1471, %get3A_1490 : vector<16xf32>
      %get3A_1492 = arith.constant 79 : i32
      %get3A_1493 = arith.constant 0 : i32
      %get3A_1494 = arith.constant 0 : i32
      %get3A_1495 = tpu.memref_slice %arg6[%rem3A_170, %get3A_1493, %get3A_1494] : memref<8x104x32xf32, #tpu.memory_space<vmem>> -> memref<1x104x32xf32, #tpu.memory_space<vmem>>
      %get3A_1496 = tpu.memref_squeeze %get3A_1495 : memref<1x104x32xf32, #tpu.memory_space<vmem>> -> memref<104x32xf32, #tpu.memory_space<vmem>>
      %get3A_1497 = arith.index_cast %get3A_1492 : i32 to index
      %get3A_1498 = arith.constant 0 : index
      %get3A_1499 = tpu.vector_load %get3A_1496[%get3A_1497, %get3A_1498] {strides = array<i32>} : memref<104x32xf32, #tpu.memory_space<vmem>>, vector<1x16xf32>,
      %get3A_1500 = vector.shape_cast %get3A_1499 : vector<1x16xf32> to vector<16xf32>
      %add3A_1501 = arith.addf %add3A_1481, %get3A_1500 : vector<16xf32>
      %get3A_1502 = arith.constant 80 : i32
      %get3A_1503 = arith.constant 0 : i32
      %get3A_1504 = arith.constant 0 : i32
      %get3A_1505 = tpu.memref_slice %arg6[%rem3A_170, %get3A_1503, %get3A_1504] : memref<8x104x32xf32, #tpu.memory_space<vmem>> -> memref<1x104x32xf32, #tpu.memory_space<vmem>>
      %get3A_1506 = tpu.memref_squeeze %get3A_1505 : memref<1x104x32xf32, #tpu.memory_space<vmem>> -> memref<104x32xf32, #tpu.memory_space<vmem>>
      %get3A_1507 = arith.index_cast %get3A_1502 : i32 to index
      %get3A_1508 = arith.constant 0 : index
      %get3A_1509 = tpu.vector_load %get3A_1506[%get3A_1507, %get3A_1508] {strides = array<i32>} : memref<104x32xf32, #tpu.memory_space<vmem>>, vector<1x16xf32>,
      %get3A_1510 = vector.shape_cast %get3A_1509 : vector<1x16xf32> to vector<16xf32>
      %add3A_1511 = arith.addf %add3A_1491, %get3A_1510 : vector<16xf32>
      %get3A_1512 = arith.constant 81 : i32
      %get3A_1513 = arith.constant 0 : i32
      %get3A_1514 = arith.constant 0 : i32
      %get3A_1515 = tpu.memref_slice %arg6[%rem3A_170, %get3A_1513, %get3A_1514] : memref<8x104x32xf32, #tpu.memory_space<vmem>> -> memref<1x104x32xf32, #tpu.memory_space<vmem>>
      %get3A_1516 = tpu.memref_squeeze %get3A_1515 : memref<1x104x32xf32, #tpu.memory_space<vmem>> -> memref<104x32xf32, #tpu.memory_space<vmem>>
      %get3A_1517 = arith.index_cast %get3A_1512 : i32 to index
      %get3A_1518 = arith.constant 0 : index
      %get3A_1519 = tpu.vector_load %get3A_1516[%get3A_1517, %get3A_1518] {strides = array<i32>} : memref<104x32xf32, #tpu.memory_space<vmem>>, vector<1x16xf32>,
      %get3A_1520 = vector.shape_cast %get3A_1519 : vector<1x16xf32> to vector<16xf32>
      %add3A_1521 = arith.addf %add3A_1501, %get3A_1520 : vector<16xf32>
      %get3A_1522 = arith.constant 82 : i32
      %get3A_1523 = arith.constant 0 : i32
      %get3A_1524 = arith.constant 0 : i32
      %get3A_1525 = tpu.memref_slice %arg6[%rem3A_170, %get3A_1523, %get3A_1524] : memref<8x104x32xf32, #tpu.memory_space<vmem>> -> memref<1x104x32xf32, #tpu.memory_space<vmem>>
      %get3A_1526 = tpu.memref_squeeze %get3A_1525 : memref<1x104x32xf32, #tpu.memory_space<vmem>> -> memref<104x32xf32, #tpu.memory_space<vmem>>
      %get3A_1527 = arith.index_cast %get3A_1522 : i32 to index
      %get3A_1528 = arith.constant 0 : index
      %get3A_1529 = tpu.vector_load %get3A_1526[%get3A_1527, %get3A_1528] {strides = array<i32>} : memref<104x32xf32, #tpu.memory_space<vmem>>, vector<1x16xf32>,
      %get3A_1530 = vector.shape_cast %get3A_1529 : vector<1x16xf32> to vector<16xf32>
      %add3A_1531 = arith.addf %add3A_1511, %get3A_1530 : vector<16xf32>
      %get3A_1532 = arith.constant 83 : i32
      %get3A_1533 = arith.constant 0 : i32
      %get3A_1534 = arith.constant 0 : i32
      %get3A_1535 = tpu.memref_slice %arg6[%rem3A_170, %get3A_1533, %get3A_1534] : memref<8x104x32xf32, #tpu.memory_space<vmem>> -> memref<1x104x32xf32, #tpu.memory_space<vmem>>
      %get3A_1536 = tpu.memref_squeeze %get3A_1535 : memref<1x104x32xf32, #tpu.memory_space<vmem>> -> memref<104x32xf32, #tpu.memory_space<vmem>>
      %get3A_1537 = arith.index_cast %get3A_1532 : i32 to index
      %get3A_1538 = arith.constant 0 : index
      %get3A_1539 = tpu.vector_load %get3A_1536[%get3A_1537, %get3A_1538] {strides = array<i32>} : memref<104x32xf32, #tpu.memory_space<vmem>>, vector<1x16xf32>,
      %get3A_1540 = vector.shape_cast %get3A_1539 : vector<1x16xf32> to vector<16xf32>
      %add3A_1541 = arith.addf %add3A_1521, %get3A_1540 : vector<16xf32>
      %get3A_1542 = arith.constant 84 : i32
      %get3A_1543 = arith.constant 0 : i32
      %get3A_1544 = arith.constant 0 : i32
      %get3A_1545 = tpu.memref_slice %arg6[%rem3A_170, %get3A_1543, %get3A_1544] : memref<8x104x32xf32, #tpu.memory_space<vmem>> -> memref<1x104x32xf32, #tpu.memory_space<vmem>>
      %get3A_1546 = tpu.memref_squeeze %get3A_1545 : memref<1x104x32xf32, #tpu.memory_space<vmem>> -> memref<104x32xf32, #tpu.memory_space<vmem>>
      %get3A_1547 = arith.index_cast %get3A_1542 : i32 to index
      %get3A_1548 = arith.constant 0 : index
      %get3A_1549 = tpu.vector_load %get3A_1546[%get3A_1547, %get3A_1548] {strides = array<i32>} : memref<104x32xf32, #tpu.memory_space<vmem>>, vector<1x16xf32>,
      %get3A_1550 = vector.shape_cast %get3A_1549 : vector<1x16xf32> to vector<16xf32>
      %add3A_1551 = arith.addf %add3A_1531, %get3A_1550 : vector<16xf32>
      %get3A_1552 = arith.constant 85 : i32
      %get3A_1553 = arith.constant 0 : i32
      %get3A_1554 = arith.constant 0 : i32
      %get3A_1555 = tpu.memref_slice %arg6[%rem3A_170, %get3A_1553, %get3A_1554] : memref<8x104x32xf32, #tpu.memory_space<vmem>> -> memref<1x104x32xf32, #tpu.memory_space<vmem>>
      %get3A_1556 = tpu.memref_squeeze %get3A_1555 : memref<1x104x32xf32, #tpu.memory_space<vmem>> -> memref<104x32xf32, #tpu.memory_space<vmem>>
      %get3A_1557 = arith.index_cast %get3A_1552 : i32 to index
      %get3A_1558 = arith.constant 0 : index
      %get3A_1559 = tpu.vector_load %get3A_1556[%get3A_1557, %get3A_1558] {strides = array<i32>} : memref<104x32xf32, #tpu.memory_space<vmem>>, vector<1x16xf32>,
      %get3A_1560 = vector.shape_cast %get3A_1559 : vector<1x16xf32> to vector<16xf32>
      %add3A_1561 = arith.addf %add3A_1541, %get3A_1560 : vector<16xf32>
      %get3A_1562 = arith.constant 86 : i32
      %get3A_1563 = arith.constant 0 : i32
      %get3A_1564 = arith.constant 0 : i32
      %get3A_1565 = tpu.memref_slice %arg6[%rem3A_170, %get3A_1563, %get3A_1564] : memref<8x104x32xf32, #tpu.memory_space<vmem>> -> memref<1x104x32xf32, #tpu.memory_space<vmem>>
      %get3A_1566 = tpu.memref_squeeze %get3A_1565 : memref<1x104x32xf32, #tpu.memory_space<vmem>> -> memref<104x32xf32, #tpu.memory_space<vmem>>
      %get3A_1567 = arith.index_cast %get3A_1562 : i32 to index
      %get3A_1568 = arith.constant 0 : index
      %get3A_1569 = tpu.vector_load %get3A_1566[%get3A_1567, %get3A_1568] {strides = array<i32>} : memref<104x32xf32, #tpu.memory_space<vmem>>, vector<1x16xf32>,
      %get3A_1570 = vector.shape_cast %get3A_1569 : vector<1x16xf32> to vector<16xf32>
      %add3A_1571 = arith.addf %add3A_1551, %get3A_1570 : vector<16xf32>
      %get3A_1572 = arith.constant 87 : i32
      %get3A_1573 = arith.constant 0 : i32
      %get3A_1574 = arith.constant 0 : i32
      %get3A_1575 = tpu.memref_slice %arg6[%rem3A_170, %get3A_1573, %get3A_1574] : memref<8x104x32xf32, #tpu.memory_space<vmem>> -> memref<1x104x32xf32, #tpu.memory_space<vmem>>
      %get3A_1576 = tpu.memref_squeeze %get3A_1575 : memref<1x104x32xf32, #tpu.memory_space<vmem>> -> memref<104x32xf32, #tpu.memory_space<vmem>>
      %get3A_1577 = arith.index_cast %get3A_1572 : i32 to index
      %get3A_1578 = arith.constant 0 : index
      %get3A_1579 = tpu.vector_load %get3A_1576[%get3A_1577, %get3A_1578] {strides = array<i32>} : memref<104x32xf32, #tpu.memory_space<vmem>>, vector<1x16xf32>,
      %get3A_1580 = vector.shape_cast %get3A_1579 : vector<1x16xf32> to vector<16xf32>
      %add3A_1581 = arith.addf %add3A_1561, %get3A_1580 : vector<16xf32>
      %get3A_1582 = arith.constant 88 : i32
      %get3A_1583 = arith.constant 0 : i32
      %get3A_1584 = arith.constant 0 : i32
      %get3A_1585 = tpu.memref_slice %arg6[%rem3A_170, %get3A_1583, %get3A_1584] : memref<8x104x32xf32, #tpu.memory_space<vmem>> -> memref<1x104x32xf32, #tpu.memory_space<vmem>>
      %get3A_1586 = tpu.memref_squeeze %get3A_1585 : memref<1x104x32xf32, #tpu.memory_space<vmem>> -> memref<104x32xf32, #tpu.memory_space<vmem>>
      %get3A_1587 = arith.index_cast %get3A_1582 : i32 to index
      %get3A_1588 = arith.constant 0 : index
      %get3A_1589 = tpu.vector_load %get3A_1586[%get3A_1587, %get3A_1588] {strides = array<i32>} : memref<104x32xf32, #tpu.memory_space<vmem>>, vector<1x16xf32>,
      %get3A_1590 = vector.shape_cast %get3A_1589 : vector<1x16xf32> to vector<16xf32>
      %add3A_1591 = arith.addf %add3A_1571, %get3A_1590 : vector<16xf32>
      %get3A_1592 = arith.constant 89 : i32
      %get3A_1593 = arith.constant 0 : i32
      %get3A_1594 = arith.constant 0 : i32
      %get3A_1595 = tpu.memref_slice %arg6[%rem3A_170, %get3A_1593, %get3A_1594] : memref<8x104x32xf32, #tpu.memory_space<vmem>> -> memref<1x104x32xf32, #tpu.memory_space<vmem>>
      %get3A_1596 = tpu.memref_squeeze %get3A_1595 : memref<1x104x32xf32, #tpu.memory_space<vmem>> -> memref<104x32xf32, #tpu.memory_space<vmem>>
      %get3A_1597 = arith.index_cast %get3A_1592 : i32 to index
      %get3A_1598 = arith.constant 0 : index
      %get3A_1599 = tpu.vector_load %get3A_1596[%get3A_1597, %get3A_1598] {strides = array<i32>} : memref<104x32xf32, #tpu.memory_space<vmem>>, vector<1x16xf32>,
      %get3A_1600 = vector.shape_cast %get3A_1599 : vector<1x16xf32> to vector<16xf32>
      %add3A_1601 = arith.addf %add3A_1581, %get3A_1600 : vector<16xf32>
      %get3A_1602 = arith.constant 90 : i32
      %get3A_1603 = arith.constant 0 : i32
      %get3A_1604 = arith.constant 0 : i32
      %get3A_1605 = tpu.memref_slice %arg6[%rem3A_170, %get3A_1603, %get3A_1604] : memref<8x104x32xf32, #tpu.memory_space<vmem>> -> memref<1x104x32xf32, #tpu.memory_space<vmem>>
      %get3A_1606 = tpu.memref_squeeze %get3A_1605 : memref<1x104x32xf32, #tpu.memory_space<vmem>> -> memref<104x32xf32, #tpu.memory_space<vmem>>
      %get3A_1607 = arith.index_cast %get3A_1602 : i32 to index
      %get3A_1608 = arith.constant 0 : index
      %get3A_1609 = tpu.vector_load %get3A_1606[%get3A_1607, %get3A_1608] {strides = array<i32>} : memref<104x32xf32, #tpu.memory_space<vmem>>, vector<1x16xf32>,
      %get3A_1610 = vector.shape_cast %get3A_1609 : vector<1x16xf32> to vector<16xf32>
      %add3A_1611 = arith.addf %add3A_1591, %get3A_1610 : vector<16xf32>
      %get3A_1612 = arith.constant 91 : i32
      %get3A_1613 = arith.constant 0 : i32
      %get3A_1614 = arith.constant 0 : i32
      %get3A_1615 = tpu.memref_slice %arg6[%rem3A_170, %get3A_1613, %get3A_1614] : memref<8x104x32xf32, #tpu.memory_space<vmem>> -> memref<1x104x32xf32, #tpu.memory_space<vmem>>
      %get3A_1616 = tpu.memref_squeeze %get3A_1615 : memref<1x104x32xf32, #tpu.memory_space<vmem>> -> memref<104x32xf32, #tpu.memory_space<vmem>>
      %get3A_1617 = arith.index_cast %get3A_1612 : i32 to index
      %get3A_1618 = arith.constant 0 : index
      %get3A_1619 = tpu.vector_load %get3A_1616[%get3A_1617, %get3A_1618] {strides = array<i32>} : memref<104x32xf32, #tpu.memory_space<vmem>>, vector<1x16xf32>,
      %get3A_1620 = vector.shape_cast %get3A_1619 : vector<1x16xf32> to vector<16xf32>
      %add3A_1621 = arith.addf %add3A_1601, %get3A_1620 : vector<16xf32>
      %get3A_1622 = arith.constant 92 : i32
      %get3A_1623 = arith.constant 0 : i32
      %get3A_1624 = arith.constant 0 : i32
      %get3A_1625 = tpu.memref_slice %arg6[%rem3A_170, %get3A_1623, %get3A_1624] : memref<8x104x32xf32, #tpu.memory_space<vmem>> -> memref<1x104x32xf32, #tpu.memory_space<vmem>>
      %get3A_1626 = tpu.memref_squeeze %get3A_1625 : memref<1x104x32xf32, #tpu.memory_space<vmem>> -> memref<104x32xf32, #tpu.memory_space<vmem>>
      %get3A_1627 = arith.index_cast %get3A_1622 : i32 to index
      %get3A_1628 = arith.constant 0 : index
      %get3A_1629 = tpu.vector_load %get3A_1626[%get3A_1627, %get3A_1628] {strides = array<i32>} : memref<104x32xf32, #tpu.memory_space<vmem>>, vector<1x16xf32>,
      %get3A_1630 = vector.shape_cast %get3A_1629 : vector<1x16xf32> to vector<16xf32>
      %add3A_1631 = arith.addf %add3A_1611, %get3A_1630 : vector<16xf32>
      %get3A_1632 = arith.constant 93 : i32
      %get3A_1633 = arith.constant 0 : i32
      %get3A_1634 = arith.constant 0 : i32
      %get3A_1635 = tpu.memref_slice %arg6[%rem3A_170, %get3A_1633, %get3A_1634] : memref<8x104x32xf32, #tpu.memory_space<vmem>> -> memref<1x104x32xf32, #tpu.memory_space<vmem>>
      %get3A_1636 = tpu.memref_squeeze %get3A_1635 : memref<1x104x32xf32, #tpu.memory_space<vmem>> -> memref<104x32xf32, #tpu.memory_space<vmem>>
      %get3A_1637 = arith.index_cast %get3A_1632 : i32 to index
      %get3A_1638 = arith.constant 0 : index
      %get3A_1639 = tpu.vector_load %get3A_1636[%get3A_1637, %get3A_1638] {strides = array<i32>} : memref<104x32xf32, #tpu.memory_space<vmem>>, vector<1x16xf32>,
      %get3A_1640 = vector.shape_cast %get3A_1639 : vector<1x16xf32> to vector<16xf32>
      %add3A_1641 = arith.addf %add3A_1621, %get3A_1640 : vector<16xf32>
      %get3A_1642 = arith.constant 94 : i32
      %get3A_1643 = arith.constant 0 : i32
      %get3A_1644 = arith.constant 0 : i32
      %get3A_1645 = tpu.memref_slice %arg6[%rem3A_170, %get3A_1643, %get3A_1644] : memref<8x104x32xf32, #tpu.memory_space<vmem>> -> memref<1x104x32xf32, #tpu.memory_space<vmem>>
      %get3A_1646 = tpu.memref_squeeze %get3A_1645 : memref<1x104x32xf32, #tpu.memory_space<vmem>> -> memref<104x32xf32, #tpu.memory_space<vmem>>
      %get3A_1647 = arith.index_cast %get3A_1642 : i32 to index
      %get3A_1648 = arith.constant 0 : index
      %get3A_1649 = tpu.vector_load %get3A_1646[%get3A_1647, %get3A_1648] {strides = array<i32>} : memref<104x32xf32, #tpu.memory_space<vmem>>, vector<1x16xf32>,
      %get3A_1650 = vector.shape_cast %get3A_1649 : vector<1x16xf32> to vector<16xf32>
      %add3A_1651 = arith.addf %add3A_1631, %get3A_1650 : vector<16xf32>
      %get3A_1652 = arith.constant 95 : i32
      %get3A_1653 = arith.constant 0 : i32
      %get3A_1654 = arith.constant 0 : i32
      %get3A_1655 = tpu.memref_slice %arg6[%rem3A_170, %get3A_1653, %get3A_1654] : memref<8x104x32xf32, #tpu.memory_space<vmem>> -> memref<1x104x32xf32, #tpu.memory_space<vmem>>
      %get3A_1656 = tpu.memref_squeeze %get3A_1655 : memref<1x104x32xf32, #tpu.memory_space<vmem>> -> memref<104x32xf32, #tpu.memory_space<vmem>>
      %get3A_1657 = arith.index_cast %get3A_1652 : i32 to index
      %get3A_1658 = arith.constant 0 : index
      %get3A_1659 = tpu.vector_load %get3A_1656[%get3A_1657, %get3A_1658] {strides = array<i32>} : memref<104x32xf32, #tpu.memory_space<vmem>>, vector<1x16xf32>,
      %get3A_1660 = vector.shape_cast %get3A_1659 : vector<1x16xf32> to vector<16xf32>
      %add3A_1661 = arith.addf %add3A_1641, %get3A_1660 : vector<16xf32>
      %get3A_1662 = arith.constant 96 : i32
      %get3A_1663 = arith.constant 0 : i32
      %get3A_1664 = arith.constant 0 : i32
      %get3A_1665 = tpu.memref_slice %arg6[%rem3A_170, %get3A_1663, %get3A_1664] : memref<8x104x32xf32, #tpu.memory_space<vmem>> -> memref<1x104x32xf32, #tpu.memory_space<vmem>>
      %get3A_1666 = tpu.memref_squeeze %get3A_1665 : memref<1x104x32xf32, #tpu.memory_space<vmem>> -> memref<104x32xf32, #tpu.memory_space<vmem>>
      %get3A_1667 = arith.index_cast %get3A_1662 : i32 to index
      %get3A_1668 = arith.constant 0 : index
      %get3A_1669 = tpu.vector_load %get3A_1666[%get3A_1667, %get3A_1668] {strides = array<i32>} : memref<104x32xf32, #tpu.memory_space<vmem>>, vector<1x16xf32>,
      %get3A_1670 = vector.shape_cast %get3A_1669 : vector<1x16xf32> to vector<16xf32>
      %add3A_1671 = arith.addf %add3A_1651, %get3A_1670 : vector<16xf32>
      %get3A_1672 = arith.constant 97 : i32
      %get3A_1673 = arith.constant 0 : i32
      %get3A_1674 = arith.constant 0 : i32
      %get3A_1675 = tpu.memref_slice %arg6[%rem3A_170, %get3A_1673, %get3A_1674] : memref<8x104x32xf32, #tpu.memory_space<vmem>> -> memref<1x104x32xf32, #tpu.memory_space<vmem>>
      %get3A_1676 = tpu.memref_squeeze %get3A_1675 : memref<1x104x32xf32, #tpu.memory_space<vmem>> -> memref<104x32xf32, #tpu.memory_space<vmem>>
      %get3A_1677 = arith.index_cast %get3A_1672 : i32 to index
      %get3A_1678 = arith.constant 0 : index
      %get3A_1679 = tpu.vector_load %get3A_1676[%get3A_1677, %get3A_1678] {strides = array<i32>} : memref<104x32xf32, #tpu.memory_space<vmem>>, vector<1x16xf32>,
      %get3A_1680 = vector.shape_cast %get3A_1679 : vector<1x16xf32> to vector<16xf32>
      %add3A_1681 = arith.addf %add3A_1661, %get3A_1680 : vector<16xf32>
      %get3A_1682 = arith.constant 98 : i32
      %get3A_1683 = arith.constant 0 : i32
      %get3A_1684 = arith.constant 0 : i32
      %get3A_1685 = tpu.memref_slice %arg6[%rem3A_170, %get3A_1683, %get3A_1684] : memref<8x104x32xf32, #tpu.memory_space<vmem>> -> memref<1x104x32xf32, #tpu.memory_space<vmem>>
      %get3A_1686 = tpu.memref_squeeze %get3A_1685 : memref<1x104x32xf32, #tpu.memory_space<vmem>> -> memref<104x32xf32, #tpu.memory_space<vmem>>
      %get3A_1687 = arith.index_cast %get3A_1682 : i32 to index
      %get3A_1688 = arith.constant 0 : index
      %get3A_1689 = tpu.vector_load %get3A_1686[%get3A_1687, %get3A_1688] {strides = array<i32>} : memref<104x32xf32, #tpu.memory_space<vmem>>, vector<1x16xf32>,
      %get3A_1690 = vector.shape_cast %get3A_1689 : vector<1x16xf32> to vector<16xf32>
      %add3A_1691 = arith.addf %add3A_1671, %get3A_1690 : vector<16xf32>
      %get3A_1692 = arith.constant 99 : i32
      %get3A_1693 = arith.constant 0 : i32
      %get3A_1694 = arith.constant 0 : i32
      %get3A_1695 = tpu.memref_slice %arg6[%rem3A_170, %get3A_1693, %get3A_1694] : memref<8x104x32xf32, #tpu.memory_space<vmem>> -> memref<1x104x32xf32, #tpu.memory_space<vmem>>
      %get3A_1696 = tpu.memref_squeeze %get3A_1695 : memref<1x104x32xf32, #tpu.memory_space<vmem>> -> memref<104x32xf32, #tpu.memory_space<vmem>>
      %get3A_1697 = arith.index_cast %get3A_1692 : i32 to index
      %get3A_1698 = arith.constant 0 : index
      %get3A_1699 = tpu.vector_load %get3A_1696[%get3A_1697, %get3A_1698] {strides = array<i32>} : memref<104x32xf32, #tpu.memory_space<vmem>>, vector<1x16xf32>,
      %get3A_1700 = vector.shape_cast %get3A_1699 : vector<1x16xf32> to vector<16xf32>
      %add3A_1701 = arith.addf %add3A_1681, %get3A_1700 : vector<16xf32>
      %add3A_1702 = arith.addf %add3A_1691, %add3A_1701 : vector<16xf32>
      %mul3A_1703 = arith.constant 4 : i32
      %mul3A_1704 = arith.muli %scan3A_169, %mul3A_1703 : i32
      %add3A_1705 = arith.constant 1 : i32
      %add3A_1706 = arith.addi %mul3A_1704, %add3A_1705 : i32
      %swap3A_1707 = arith.index_cast %add3A_1706 : i32 to index
      %swap3A_1708 = arith.constant 0 : index
      %swap3A_1709 = tpu.vector_load %arg8[%swap3A_1707, %swap3A_1708] {strides = array<i32>} : memref<512x32xf32, #tpu.memory_space<vmem>>, vector<1x16xf32>,
      %swap3A_1710 = vector.shape_cast %swap3A_1709 : vector<1x16xf32> to vector<16xf32>
      %swap3A_1711 = vector.shape_cast %add3A_1702 : vector<16xf32> to vector<1x16xf32>
      tpu.vector_store %arg8[%swap3A_1707, %swap3A_1708], %swap3A_1711 {strides = array<i32>} : memref<512x32xf32, #tpu.memory_space<vmem>>, vector<1x16xf32>,
      %get3A_1712 = arith.constant 50 : i32
      %get3A_1713 = arith.constant 0 : i32
      %get3A_1714 = arith.constant 0 : i32
      %get3A_1715 = tpu.memref_slice %arg6[%rem3A_170, %get3A_1713, %get3A_1714] : memref<8x104x32xf32, #tpu.memory_space<vmem>> -> memref<1x104x32xf32, #tpu.memory_space<vmem>>
      %get3A_1716 = tpu.memref_squeeze %get3A_1715 : memref<1x104x32xf32, #tpu.memory_space<vmem>> -> memref<104x32xf32, #tpu.memory_space<vmem>>
      %get3A_1717 = arith.index_cast %get3A_1712 : i32 to index
      %get3A_1718 = arith.constant 16 : index
      %get3A_1719 = tpu.vector_load %get3A_1716[%get3A_1717, %get3A_1718] {strides = array<i32>} : memref<104x32xf32, #tpu.memory_space<vmem>>, vector<1x16xf32>,
      %get3A_1720 = vector.shape_cast %get3A_1719 : vector<1x16xf32> to vector<16xf32>
      %get3A_1721 = arith.constant 51 : i32
      %get3A_1722 = arith.constant 0 : i32
      %get3A_1723 = arith.constant 0 : i32
      %get3A_1724 = tpu.memref_slice %arg6[%rem3A_170, %get3A_1722, %get3A_1723] : memref<8x104x32xf32, #tpu.memory_space<vmem>> -> memref<1x104x32xf32, #tpu.memory_space<vmem>>
      %get3A_1725 = tpu.memref_squeeze %get3A_1724 : memref<1x104x32xf32, #tpu.memory_space<vmem>> -> memref<104x32xf32, #tpu.memory_space<vmem>>
      %get3A_1726 = arith.index_cast %get3A_1721 : i32 to index
      %get3A_1727 = arith.constant 16 : index
      %get3A_1728 = tpu.vector_load %get3A_1725[%get3A_1726, %get3A_1727] {strides = array<i32>} : memref<104x32xf32, #tpu.memory_space<vmem>>, vector<1x16xf32>,
      %get3A_1729 = vector.shape_cast %get3A_1728 : vector<1x16xf32> to vector<16xf32>
      %get3A_1730 = arith.constant 52 : i32
      %get3A_1731 = arith.constant 0 : i32
      %get3A_1732 = arith.constant 0 : i32
      %get3A_1733 = tpu.memref_slice %arg6[%rem3A_170, %get3A_1731, %get3A_1732] : memref<8x104x32xf32, #tpu.memory_space<vmem>> -> memref<1x104x32xf32, #tpu.memory_space<vmem>>
      %get3A_1734 = tpu.memref_squeeze %get3A_1733 : memref<1x104x32xf32, #tpu.memory_space<vmem>> -> memref<104x32xf32, #tpu.memory_space<vmem>>
      %get3A_1735 = arith.index_cast %get3A_1730 : i32 to index
      %get3A_1736 = arith.constant 16 : index
      %get3A_1737 = tpu.vector_load %get3A_1734[%get3A_1735, %get3A_1736] {strides = array<i32>} : memref<104x32xf32, #tpu.memory_space<vmem>>, vector<1x16xf32>,
      %get3A_1738 = vector.shape_cast %get3A_1737 : vector<1x16xf32> to vector<16xf32>
      %add3A_1739 = arith.addf %get3A_1720, %get3A_1738 : vector<16xf32>
      %get3A_1740 = arith.constant 53 : i32
      %get3A_1741 = arith.constant 0 : i32
      %get3A_1742 = arith.constant 0 : i32
      %get3A_1743 = tpu.memref_slice %arg6[%rem3A_170, %get3A_1741, %get3A_1742] : memref<8x104x32xf32, #tpu.memory_space<vmem>> -> memref<1x104x32xf32, #tpu.memory_space<vmem>>
      %get3A_1744 = tpu.memref_squeeze %get3A_1743 : memref<1x104x32xf32, #tpu.memory_space<vmem>> -> memref<104x32xf32, #tpu.memory_space<vmem>>
      %get3A_1745 = arith.index_cast %get3A_1740 : i32 to index
      %get3A_1746 = arith.constant 16 : index
      %get3A_1747 = tpu.vector_load %get3A_1744[%get3A_1745, %get3A_1746] {strides = array<i32>} : memref<104x32xf32, #tpu.memory_space<vmem>>, vector<1x16xf32>,
      %get3A_1748 = vector.shape_cast %get3A_1747 : vector<1x16xf32> to vector<16xf32>
      %add3A_1749 = arith.addf %get3A_1729, %get3A_1748 : vector<16xf32>
      %get3A_1750 = arith.constant 54 : i32
      %get3A_1751 = arith.constant 0 : i32
      %get3A_1752 = arith.constant 0 : i32
      %get3A_1753 = tpu.memref_slice %arg6[%rem3A_170, %get3A_1751, %get3A_1752] : memref<8x104x32xf32, #tpu.memory_space<vmem>> -> memref<1x104x32xf32, #tpu.memory_space<vmem>>
      %get3A_1754 = tpu.memref_squeeze %get3A_1753 : memref<1x104x32xf32, #tpu.memory_space<vmem>> -> memref<104x32xf32, #tpu.memory_space<vmem>>
      %get3A_1755 = arith.index_cast %get3A_1750 : i32 to index
      %get3A_1756 = arith.constant 16 : index
      %get3A_1757 = tpu.vector_load %get3A_1754[%get3A_1755, %get3A_1756] {strides = array<i32>} : memref<104x32xf32, #tpu.memory_space<vmem>>, vector<1x16xf32>,
      %get3A_1758 = vector.shape_cast %get3A_1757 : vector<1x16xf32> to vector<16xf32>
      %add3A_1759 = arith.addf %add3A_1739, %get3A_1758 : vector<16xf32>
      %get3A_1760 = arith.constant 55 : i32
      %get3A_1761 = arith.constant 0 : i32
      %get3A_1762 = arith.constant 0 : i32
      %get3A_1763 = tpu.memref_slice %arg6[%rem3A_170, %get3A_1761, %get3A_1762] : memref<8x104x32xf32, #tpu.memory_space<vmem>> -> memref<1x104x32xf32, #tpu.memory_space<vmem>>
      %get3A_1764 = tpu.memref_squeeze %get3A_1763 : memref<1x104x32xf32, #tpu.memory_space<vmem>> -> memref<104x32xf32, #tpu.memory_space<vmem>>
      %get3A_1765 = arith.index_cast %get3A_1760 : i32 to index
      %get3A_1766 = arith.constant 16 : index
      %get3A_1767 = tpu.vector_load %get3A_1764[%get3A_1765, %get3A_1766] {strides = array<i32>} : memref<104x32xf32, #tpu.memory_space<vmem>>, vector<1x16xf32>,
      %get3A_1768 = vector.shape_cast %get3A_1767 : vector<1x16xf32> to vector<16xf32>
      %add3A_1769 = arith.addf %add3A_1749, %get3A_1768 : vector<16xf32>
      %get3A_1770 = arith.constant 56 : i32
      %get3A_1771 = arith.constant 0 : i32
      %get3A_1772 = arith.constant 0 : i32
      %get3A_1773 = tpu.memref_slice %arg6[%rem3A_170, %get3A_1771, %get3A_1772] : memref<8x104x32xf32, #tpu.memory_space<vmem>> -> memref<1x104x32xf32, #tpu.memory_space<vmem>>
      %get3A_1774 = tpu.memref_squeeze %get3A_1773 : memref<1x104x32xf32, #tpu.memory_space<vmem>> -> memref<104x32xf32, #tpu.memory_space<vmem>>
      %get3A_1775 = arith.index_cast %get3A_1770 : i32 to index
      %get3A_1776 = arith.constant 16 : index
      %get3A_1777 = tpu.vector_load %get3A_1774[%get3A_1775, %get3A_1776] {strides = array<i32>} : memref<104x32xf32, #tpu.memory_space<vmem>>, vector<1x16xf32>,
      %get3A_1778 = vector.shape_cast %get3A_1777 : vector<1x16xf32> to vector<16xf32>
      %add3A_1779 = arith.addf %add3A_1759, %get3A_1778 : vector<16xf32>
      %get3A_1780 = arith.constant 57 : i32
      %get3A_1781 = arith.constant 0 : i32
      %get3A_1782 = arith.constant 0 : i32
      %get3A_1783 = tpu.memref_slice %arg6[%rem3A_170, %get3A_1781, %get3A_1782] : memref<8x104x32xf32, #tpu.memory_space<vmem>> -> memref<1x104x32xf32, #tpu.memory_space<vmem>>
      %get3A_1784 = tpu.memref_squeeze %get3A_1783 : memref<1x104x32xf32, #tpu.memory_space<vmem>> -> memref<104x32xf32, #tpu.memory_space<vmem>>
      %get3A_1785 = arith.index_cast %get3A_1780 : i32 to index
      %get3A_1786 = arith.constant 16 : index
      %get3A_1787 = tpu.vector_load %get3A_1784[%get3A_1785, %get3A_1786] {strides = array<i32>} : memref<104x32xf32, #tpu.memory_space<vmem>>, vector<1x16xf32>,
      %get3A_1788 = vector.shape_cast %get3A_1787 : vector<1x16xf32> to vector<16xf32>
      %add3A_1789 = arith.addf %add3A_1769, %get3A_1788 : vector<16xf32>
      %get3A_1790 = arith.constant 58 : i32
      %get3A_1791 = arith.constant 0 : i32
      %get3A_1792 = arith.constant 0 : i32
      %get3A_1793 = tpu.memref_slice %arg6[%rem3A_170, %get3A_1791, %get3A_1792] : memref<8x104x32xf32, #tpu.memory_space<vmem>> -> memref<1x104x32xf32, #tpu.memory_space<vmem>>
      %get3A_1794 = tpu.memref_squeeze %get3A_1793 : memref<1x104x32xf32, #tpu.memory_space<vmem>> -> memref<104x32xf32, #tpu.memory_space<vmem>>
      %get3A_1795 = arith.index_cast %get3A_1790 : i32 to index
      %get3A_1796 = arith.constant 16 : index
      %get3A_1797 = tpu.vector_load %get3A_1794[%get3A_1795, %get3A_1796] {strides = array<i32>} : memref<104x32xf32, #tpu.memory_space<vmem>>, vector<1x16xf32>,
      %get3A_1798 = vector.shape_cast %get3A_1797 : vector<1x16xf32> to vector<16xf32>
      %add3A_1799 = arith.addf %add3A_1779, %get3A_1798 : vector<16xf32>
      %get3A_1800 = arith.constant 59 : i32
      %get3A_1801 = arith.constant 0 : i32
      %get3A_1802 = arith.constant 0 : i32
      %get3A_1803 = tpu.memref_slice %arg6[%rem3A_170, %get3A_1801, %get3A_1802] : memref<8x104x32xf32, #tpu.memory_space<vmem>> -> memref<1x104x32xf32, #tpu.memory_space<vmem>>
      %get3A_1804 = tpu.memref_squeeze %get3A_1803 : memref<1x104x32xf32, #tpu.memory_space<vmem>> -> memref<104x32xf32, #tpu.memory_space<vmem>>
      %get3A_1805 = arith.index_cast %get3A_1800 : i32 to index
      %get3A_1806 = arith.constant 16 : index
      %get3A_1807 = tpu.vector_load %get3A_1804[%get3A_1805, %get3A_1806] {strides = array<i32>} : memref<104x32xf32, #tpu.memory_space<vmem>>, vector<1x16xf32>,
      %get3A_1808 = vector.shape_cast %get3A_1807 : vector<1x16xf32> to vector<16xf32>
      %add3A_1809 = arith.addf %add3A_1789, %get3A_1808 : vector<16xf32>
      %get3A_1810 = arith.constant 60 : i32
      %get3A_1811 = arith.constant 0 : i32
      %get3A_1812 = arith.constant 0 : i32
      %get3A_1813 = tpu.memref_slice %arg6[%rem3A_170, %get3A_1811, %get3A_1812] : memref<8x104x32xf32, #tpu.memory_space<vmem>> -> memref<1x104x32xf32, #tpu.memory_space<vmem>>
      %get3A_1814 = tpu.memref_squeeze %get3A_1813 : memref<1x104x32xf32, #tpu.memory_space<vmem>> -> memref<104x32xf32, #tpu.memory_space<vmem>>
      %get3A_1815 = arith.index_cast %get3A_1810 : i32 to index
      %get3A_1816 = arith.constant 16 : index
      %get3A_1817 = tpu.vector_load %get3A_1814[%get3A_1815, %get3A_1816] {strides = array<i32>} : memref<104x32xf32, #tpu.memory_space<vmem>>, vector<1x16xf32>,
      %get3A_1818 = vector.shape_cast %get3A_1817 : vector<1x16xf32> to vector<16xf32>
      %add3A_1819 = arith.addf %add3A_1799, %get3A_1818 : vector<16xf32>
      %get3A_1820 = arith.constant 61 : i32
      %get3A_1821 = arith.constant 0 : i32
      %get3A_1822 = arith.constant 0 : i32
      %get3A_1823 = tpu.memref_slice %arg6[%rem3A_170, %get3A_1821, %get3A_1822] : memref<8x104x32xf32, #tpu.memory_space<vmem>> -> memref<1x104x32xf32, #tpu.memory_space<vmem>>
      %get3A_1824 = tpu.memref_squeeze %get3A_1823 : memref<1x104x32xf32, #tpu.memory_space<vmem>> -> memref<104x32xf32, #tpu.memory_space<vmem>>
      %get3A_1825 = arith.index_cast %get3A_1820 : i32 to index
      %get3A_1826 = arith.constant 16 : index
      %get3A_1827 = tpu.vector_load %get3A_1824[%get3A_1825, %get3A_1826] {strides = array<i32>} : memref<104x32xf32, #tpu.memory_space<vmem>>, vector<1x16xf32>,
      %get3A_1828 = vector.shape_cast %get3A_1827 : vector<1x16xf32> to vector<16xf32>
      %add3A_1829 = arith.addf %add3A_1809, %get3A_1828 : vector<16xf32>
      %get3A_1830 = arith.constant 62 : i32
      %get3A_1831 = arith.constant 0 : i32
      %get3A_1832 = arith.constant 0 : i32
      %get3A_1833 = tpu.memref_slice %arg6[%rem3A_170, %get3A_1831, %get3A_1832] : memref<8x104x32xf32, #tpu.memory_space<vmem>> -> memref<1x104x32xf32, #tpu.memory_space<vmem>>
      %get3A_1834 = tpu.memref_squeeze %get3A_1833 : memref<1x104x32xf32, #tpu.memory_space<vmem>> -> memref<104x32xf32, #tpu.memory_space<vmem>>
      %get3A_1835 = arith.index_cast %get3A_1830 : i32 to index
      %get3A_1836 = arith.constant 16 : index
      %get3A_1837 = tpu.vector_load %get3A_1834[%get3A_1835, %get3A_1836] {strides = array<i32>} : memref<104x32xf32, #tpu.memory_space<vmem>>, vector<1x16xf32>,
      %get3A_1838 = vector.shape_cast %get3A_1837 : vector<1x16xf32> to vector<16xf32>
      %add3A_1839 = arith.addf %add3A_1819, %get3A_1838 : vector<16xf32>
      %get3A_1840 = arith.constant 63 : i32
      %get3A_1841 = arith.constant 0 : i32
      %get3A_1842 = arith.constant 0 : i32
      %get3A_1843 = tpu.memref_slice %arg6[%rem3A_170, %get3A_1841, %get3A_1842] : memref<8x104x32xf32, #tpu.memory_space<vmem>> -> memref<1x104x32xf32, #tpu.memory_space<vmem>>
      %get3A_1844 = tpu.memref_squeeze %get3A_1843 : memref<1x104x32xf32, #tpu.memory_space<vmem>> -> memref<104x32xf32, #tpu.memory_space<vmem>>
      %get3A_1845 = arith.index_cast %get3A_1840 : i32 to index
      %get3A_1846 = arith.constant 16 : index
      %get3A_1847 = tpu.vector_load %get3A_1844[%get3A_1845, %get3A_1846] {strides = array<i32>} : memref<104x32xf32, #tpu.memory_space<vmem>>, vector<1x16xf32>,
      %get3A_1848 = vector.shape_cast %get3A_1847 : vector<1x16xf32> to vector<16xf32>
      %add3A_1849 = arith.addf %add3A_1829, %get3A_1848 : vector<16xf32>
      %get3A_1850 = arith.constant 64 : i32
      %get3A_1851 = arith.constant 0 : i32
      %get3A_1852 = arith.constant 0 : i32
      %get3A_1853 = tpu.memref_slice %arg6[%rem3A_170, %get3A_1851, %get3A_1852] : memref<8x104x32xf32, #tpu.memory_space<vmem>> -> memref<1x104x32xf32, #tpu.memory_space<vmem>>
      %get3A_1854 = tpu.memref_squeeze %get3A_1853 : memref<1x104x32xf32, #tpu.memory_space<vmem>> -> memref<104x32xf32, #tpu.memory_space<vmem>>
      %get3A_1855 = arith.index_cast %get3A_1850 : i32 to index
      %get3A_1856 = arith.constant 16 : index
      %get3A_1857 = tpu.vector_load %get3A_1854[%get3A_1855, %get3A_1856] {strides = array<i32>} : memref<104x32xf32, #tpu.memory_space<vmem>>, vector<1x16xf32>,
      %get3A_1858 = vector.shape_cast %get3A_1857 : vector<1x16xf32> to vector<16xf32>
      %add3A_1859 = arith.addf %add3A_1839, %get3A_1858 : vector<16xf32>
      %get3A_1860 = arith.constant 65 : i32
      %get3A_1861 = arith.constant 0 : i32
      %get3A_1862 = arith.constant 0 : i32
      %get3A_1863 = tpu.memref_slice %arg6[%rem3A_170, %get3A_1861, %get3A_1862] : memref<8x104x32xf32, #tpu.memory_space<vmem>> -> memref<1x104x32xf32, #tpu.memory_space<vmem>>
      %get3A_1864 = tpu.memref_squeeze %get3A_1863 : memref<1x104x32xf32, #tpu.memory_space<vmem>> -> memref<104x32xf32, #tpu.memory_space<vmem>>
      %get3A_1865 = arith.index_cast %get3A_1860 : i32 to index
      %get3A_1866 = arith.constant 16 : index
      %get3A_1867 = tpu.vector_load %get3A_1864[%get3A_1865, %get3A_1866] {strides = array<i32>} : memref<104x32xf32, #tpu.memory_space<vmem>>, vector<1x16xf32>,
      %get3A_1868 = vector.shape_cast %get3A_1867 : vector<1x16xf32> to vector<16xf32>
      %add3A_1869 = arith.addf %add3A_1849, %get3A_1868 : vector<16xf32>
      %get3A_1870 = arith.constant 66 : i32
      %get3A_1871 = arith.constant 0 : i32
      %get3A_1872 = arith.constant 0 : i32
      %get3A_1873 = tpu.memref_slice %arg6[%rem3A_170, %get3A_1871, %get3A_1872] : memref<8x104x32xf32, #tpu.memory_space<vmem>> -> memref<1x104x32xf32, #tpu.memory_space<vmem>>
      %get3A_1874 = tpu.memref_squeeze %get3A_1873 : memref<1x104x32xf32, #tpu.memory_space<vmem>> -> memref<104x32xf32, #tpu.memory_space<vmem>>
      %get3A_1875 = arith.index_cast %get3A_1870 : i32 to index
      %get3A_1876 = arith.constant 16 : index
      %get3A_1877 = tpu.vector_load %get3A_1874[%get3A_1875, %get3A_1876] {strides = array<i32>} : memref<104x32xf32, #tpu.memory_space<vmem>>, vector<1x16xf32>,
      %get3A_1878 = vector.shape_cast %get3A_1877 : vector<1x16xf32> to vector<16xf32>
      %add3A_1879 = arith.addf %add3A_1859, %get3A_1878 : vector<16xf32>
      %get3A_1880 = arith.constant 67 : i32
      %get3A_1881 = arith.constant 0 : i32
      %get3A_1882 = arith.constant 0 : i32
      %get3A_1883 = tpu.memref_slice %arg6[%rem3A_170, %get3A_1881, %get3A_1882] : memref<8x104x32xf32, #tpu.memory_space<vmem>> -> memref<1x104x32xf32, #tpu.memory_space<vmem>>
      %get3A_1884 = tpu.memref_squeeze %get3A_1883 : memref<1x104x32xf32, #tpu.memory_space<vmem>> -> memref<104x32xf32, #tpu.memory_space<vmem>>
      %get3A_1885 = arith.index_cast %get3A_1880 : i32 to index
      %get3A_1886 = arith.constant 16 : index
      %get3A_1887 = tpu.vector_load %get3A_1884[%get3A_1885, %get3A_1886] {strides = array<i32>} : memref<104x32xf32, #tpu.memory_space<vmem>>, vector<1x16xf32>,
      %get3A_1888 = vector.shape_cast %get3A_1887 : vector<1x16xf32> to vector<16xf32>
      %add3A_1889 = arith.addf %add3A_1869, %get3A_1888 : vector<16xf32>
      %get3A_1890 = arith.constant 68 : i32
      %get3A_1891 = arith.constant 0 : i32
      %get3A_1892 = arith.constant 0 : i32
      %get3A_1893 = tpu.memref_slice %arg6[%rem3A_170, %get3A_1891, %get3A_1892] : memref<8x104x32xf32, #tpu.memory_space<vmem>> -> memref<1x104x32xf32, #tpu.memory_space<vmem>>
      %get3A_1894 = tpu.memref_squeeze %get3A_1893 : memref<1x104x32xf32, #tpu.memory_space<vmem>> -> memref<104x32xf32, #tpu.memory_space<vmem>>
      %get3A_1895 = arith.index_cast %get3A_1890 : i32 to index
      %get3A_1896 = arith.constant 16 : index
      %get3A_1897 = tpu.vector_load %get3A_1894[%get3A_1895, %get3A_1896] {strides = array<i32>} : memref<104x32xf32, #tpu.memory_space<vmem>>, vector<1x16xf32>,
      %get3A_1898 = vector.shape_cast %get3A_1897 : vector<1x16xf32> to vector<16xf32>
      %add3A_1899 = arith.addf %add3A_1879, %get3A_1898 : vector<16xf32>
      %get3A_1900 = arith.constant 69 : i32
      %get3A_1901 = arith.constant 0 : i32
      %get3A_1902 = arith.constant 0 : i32
      %get3A_1903 = tpu.memref_slice %arg6[%rem3A_170, %get3A_1901, %get3A_1902] : memref<8x104x32xf32, #tpu.memory_space<vmem>> -> memref<1x104x32xf32, #tpu.memory_space<vmem>>
      %get3A_1904 = tpu.memref_squeeze %get3A_1903 : memref<1x104x32xf32, #tpu.memory_space<vmem>> -> memref<104x32xf32, #tpu.memory_space<vmem>>
      %get3A_1905 = arith.index_cast %get3A_1900 : i32 to index
      %get3A_1906 = arith.constant 16 : index
      %get3A_1907 = tpu.vector_load %get3A_1904[%get3A_1905, %get3A_1906] {strides = array<i32>} : memref<104x32xf32, #tpu.memory_space<vmem>>, vector<1x16xf32>,
      %get3A_1908 = vector.shape_cast %get3A_1907 : vector<1x16xf32> to vector<16xf32>
      %add3A_1909 = arith.addf %add3A_1889, %get3A_1908 : vector<16xf32>
      %get3A_1910 = arith.constant 70 : i32
      %get3A_1911 = arith.constant 0 : i32
      %get3A_1912 = arith.constant 0 : i32
      %get3A_1913 = tpu.memref_slice %arg6[%rem3A_170, %get3A_1911, %get3A_1912] : memref<8x104x32xf32, #tpu.memory_space<vmem>> -> memref<1x104x32xf32, #tpu.memory_space<vmem>>
      %get3A_1914 = tpu.memref_squeeze %get3A_1913 : memref<1x104x32xf32, #tpu.memory_space<vmem>> -> memref<104x32xf32, #tpu.memory_space<vmem>>
      %get3A_1915 = arith.index_cast %get3A_1910 : i32 to index
      %get3A_1916 = arith.constant 16 : index
      %get3A_1917 = tpu.vector_load %get3A_1914[%get3A_1915, %get3A_1916] {strides = array<i32>} : memref<104x32xf32, #tpu.memory_space<vmem>>, vector<1x16xf32>,
      %get3A_1918 = vector.shape_cast %get3A_1917 : vector<1x16xf32> to vector<16xf32>
      %add3A_1919 = arith.addf %add3A_1899, %get3A_1918 : vector<16xf32>
      %get3A_1920 = arith.constant 71 : i32
      %get3A_1921 = arith.constant 0 : i32
      %get3A_1922 = arith.constant 0 : i32
      %get3A_1923 = tpu.memref_slice %arg6[%rem3A_170, %get3A_1921, %get3A_1922] : memref<8x104x32xf32, #tpu.memory_space<vmem>> -> memref<1x104x32xf32, #tpu.memory_space<vmem>>
      %get3A_1924 = tpu.memref_squeeze %get3A_1923 : memref<1x104x32xf32, #tpu.memory_space<vmem>> -> memref<104x32xf32, #tpu.memory_space<vmem>>
      %get3A_1925 = arith.index_cast %get3A_1920 : i32 to index
      %get3A_1926 = arith.constant 16 : index
      %get3A_1927 = tpu.vector_load %get3A_1924[%get3A_1925, %get3A_1926] {strides = array<i32>} : memref<104x32xf32, #tpu.memory_space<vmem>>, vector<1x16xf32>,
      %get3A_1928 = vector.shape_cast %get3A_1927 : vector<1x16xf32> to vector<16xf32>
      %add3A_1929 = arith.addf %add3A_1909, %get3A_1928 : vector<16xf32>
      %get3A_1930 = arith.constant 72 : i32
      %get3A_1931 = arith.constant 0 : i32
      %get3A_1932 = arith.constant 0 : i32
      %get3A_1933 = tpu.memref_slice %arg6[%rem3A_170, %get3A_1931, %get3A_1932] : memref<8x104x32xf32, #tpu.memory_space<vmem>> -> memref<1x104x32xf32, #tpu.memory_space<vmem>>
      %get3A_1934 = tpu.memref_squeeze %get3A_1933 : memref<1x104x32xf32, #tpu.memory_space<vmem>> -> memref<104x32xf32, #tpu.memory_space<vmem>>
      %get3A_1935 = arith.index_cast %get3A_1930 : i32 to index
      %get3A_1936 = arith.constant 16 : index
      %get3A_1937 = tpu.vector_load %get3A_1934[%get3A_1935, %get3A_1936] {strides = array<i32>} : memref<104x32xf32, #tpu.memory_space<vmem>>, vector<1x16xf32>,
      %get3A_1938 = vector.shape_cast %get3A_1937 : vector<1x16xf32> to vector<16xf32>
      %add3A_1939 = arith.addf %add3A_1919, %get3A_1938 : vector<16xf32>
      %get3A_1940 = arith.constant 73 : i32
      %get3A_1941 = arith.constant 0 : i32
      %get3A_1942 = arith.constant 0 : i32
      %get3A_1943 = tpu.memref_slice %arg6[%rem3A_170, %get3A_1941, %get3A_1942] : memref<8x104x32xf32, #tpu.memory_space<vmem>> -> memref<1x104x32xf32, #tpu.memory_space<vmem>>
      %get3A_1944 = tpu.memref_squeeze %get3A_1943 : memref<1x104x32xf32, #tpu.memory_space<vmem>> -> memref<104x32xf32, #tpu.memory_space<vmem>>
      %get3A_1945 = arith.index_cast %get3A_1940 : i32 to index
      %get3A_1946 = arith.constant 16 : index
      %get3A_1947 = tpu.vector_load %get3A_1944[%get3A_1945, %get3A_1946] {strides = array<i32>} : memref<104x32xf32, #tpu.memory_space<vmem>>, vector<1x16xf32>,
      %get3A_1948 = vector.shape_cast %get3A_1947 : vector<1x16xf32> to vector<16xf32>
      %add3A_1949 = arith.addf %add3A_1929, %get3A_1948 : vector<16xf32>
      %get3A_1950 = arith.constant 74 : i32
      %get3A_1951 = arith.constant 0 : i32
      %get3A_1952 = arith.constant 0 : i32
      %get3A_1953 = tpu.memref_slice %arg6[%rem3A_170, %get3A_1951, %get3A_1952] : memref<8x104x32xf32, #tpu.memory_space<vmem>> -> memref<1x104x32xf32, #tpu.memory_space<vmem>>
      %get3A_1954 = tpu.memref_squeeze %get3A_1953 : memref<1x104x32xf32, #tpu.memory_space<vmem>> -> memref<104x32xf32, #tpu.memory_space<vmem>>
      %get3A_1955 = arith.index_cast %get3A_1950 : i32 to index
      %get3A_1956 = arith.constant 16 : index
      %get3A_1957 = tpu.vector_load %get3A_1954[%get3A_1955, %get3A_1956] {strides = array<i32>} : memref<104x32xf32, #tpu.memory_space<vmem>>, vector<1x16xf32>,
      %get3A_1958 = vector.shape_cast %get3A_1957 : vector<1x16xf32> to vector<16xf32>
      %add3A_1959 = arith.addf %add3A_1939, %get3A_1958 : vector<16xf32>
      %get3A_1960 = arith.constant 75 : i32
      %get3A_1961 = arith.constant 0 : i32
      %get3A_1962 = arith.constant 0 : i32
      %get3A_1963 = tpu.memref_slice %arg6[%rem3A_170, %get3A_1961, %get3A_1962] : memref<8x104x32xf32, #tpu.memory_space<vmem>> -> memref<1x104x32xf32, #tpu.memory_space<vmem>>
      %get3A_1964 = tpu.memref_squeeze %get3A_1963 : memref<1x104x32xf32, #tpu.memory_space<vmem>> -> memref<104x32xf32, #tpu.memory_space<vmem>>
      %get3A_1965 = arith.index_cast %get3A_1960 : i32 to index
      %get3A_1966 = arith.constant 16 : index
      %get3A_1967 = tpu.vector_load %get3A_1964[%get3A_1965, %get3A_1966] {strides = array<i32>} : memref<104x32xf32, #tpu.memory_space<vmem>>, vector<1x16xf32>,
      %get3A_1968 = vector.shape_cast %get3A_1967 : vector<1x16xf32> to vector<16xf32>
      %add3A_1969 = arith.addf %add3A_1949, %get3A_1968 : vector<16xf32>
      %get3A_1970 = arith.constant 76 : i32
      %get3A_1971 = arith.constant 0 : i32
      %get3A_1972 = arith.constant 0 : i32
      %get3A_1973 = tpu.memref_slice %arg6[%rem3A_170, %get3A_1971, %get3A_1972] : memref<8x104x32xf32, #tpu.memory_space<vmem>> -> memref<1x104x32xf32, #tpu.memory_space<vmem>>
      %get3A_1974 = tpu.memref_squeeze %get3A_1973 : memref<1x104x32xf32, #tpu.memory_space<vmem>> -> memref<104x32xf32, #tpu.memory_space<vmem>>
      %get3A_1975 = arith.index_cast %get3A_1970 : i32 to index
      %get3A_1976 = arith.constant 16 : index
      %get3A_1977 = tpu.vector_load %get3A_1974[%get3A_1975, %get3A_1976] {strides = array<i32>} : memref<104x32xf32, #tpu.memory_space<vmem>>, vector<1x16xf32>,
      %get3A_1978 = vector.shape_cast %get3A_1977 : vector<1x16xf32> to vector<16xf32>
      %add3A_1979 = arith.addf %add3A_1959, %get3A_1978 : vector<16xf32>
      %get3A_1980 = arith.constant 77 : i32
      %get3A_1981 = arith.constant 0 : i32
      %get3A_1982 = arith.constant 0 : i32
      %get3A_1983 = tpu.memref_slice %arg6[%rem3A_170, %get3A_1981, %get3A_1982] : memref<8x104x32xf32, #tpu.memory_space<vmem>> -> memref<1x104x32xf32, #tpu.memory_space<vmem>>
      %get3A_1984 = tpu.memref_squeeze %get3A_1983 : memref<1x104x32xf32, #tpu.memory_space<vmem>> -> memref<104x32xf32, #tpu.memory_space<vmem>>
      %get3A_1985 = arith.index_cast %get3A_1980 : i32 to index
      %get3A_1986 = arith.constant 16 : index
      %get3A_1987 = tpu.vector_load %get3A_1984[%get3A_1985, %get3A_1986] {strides = array<i32>} : memref<104x32xf32, #tpu.memory_space<vmem>>, vector<1x16xf32>,
      %get3A_1988 = vector.shape_cast %get3A_1987 : vector<1x16xf32> to vector<16xf32>
      %add3A_1989 = arith.addf %add3A_1969, %get3A_1988 : vector<16xf32>
      %get3A_1990 = arith.constant 78 : i32
      %get3A_1991 = arith.constant 0 : i32
      %get3A_1992 = arith.constant 0 : i32
      %get3A_1993 = tpu.memref_slice %arg6[%rem3A_170, %get3A_1991, %get3A_1992] : memref<8x104x32xf32, #tpu.memory_space<vmem>> -> memref<1x104x32xf32, #tpu.memory_space<vmem>>
      %get3A_1994 = tpu.memref_squeeze %get3A_1993 : memref<1x104x32xf32, #tpu.memory_space<vmem>> -> memref<104x32xf32, #tpu.memory_space<vmem>>
      %get3A_1995 = arith.index_cast %get3A_1990 : i32 to index
      %get3A_1996 = arith.constant 16 : index
      %get3A_1997 = tpu.vector_load %get3A_1994[%get3A_1995, %get3A_1996] {strides = array<i32>} : memref<104x32xf32, #tpu.memory_space<vmem>>, vector<1x16xf32>,
      %get3A_1998 = vector.shape_cast %get3A_1997 : vector<1x16xf32> to vector<16xf32>
      %add3A_1999 = arith.addf %add3A_1979, %get3A_1998 : vector<16xf32>
      %get3A_2000 = arith.constant 79 : i32
      %get3A_2001 = arith.constant 0 : i32
      %get3A_2002 = arith.constant 0 : i32
      %get3A_2003 = tpu.memref_slice %arg6[%rem3A_170, %get3A_2001, %get3A_2002] : memref<8x104x32xf32, #tpu.memory_space<vmem>> -> memref<1x104x32xf32, #tpu.memory_space<vmem>>
      %get3A_2004 = tpu.memref_squeeze %get3A_2003 : memref<1x104x32xf32, #tpu.memory_space<vmem>> -> memref<104x32xf32, #tpu.memory_space<vmem>>
      %get3A_2005 = arith.index_cast %get3A_2000 : i32 to index
      %get3A_2006 = arith.constant 16 : index
      %get3A_2007 = tpu.vector_load %get3A_2004[%get3A_2005, %get3A_2006] {strides = array<i32>} : memref<104x32xf32, #tpu.memory_space<vmem>>, vector<1x16xf32>,
      %get3A_2008 = vector.shape_cast %get3A_2007 : vector<1x16xf32> to vector<16xf32>
      %add3A_2009 = arith.addf %add3A_1989, %get3A_2008 : vector<16xf32>
      %get3A_2010 = arith.constant 80 : i32
      %get3A_2011 = arith.constant 0 : i32
      %get3A_2012 = arith.constant 0 : i32
      %get3A_2013 = tpu.memref_slice %arg6[%rem3A_170, %get3A_2011, %get3A_2012] : memref<8x104x32xf32, #tpu.memory_space<vmem>> -> memref<1x104x32xf32, #tpu.memory_space<vmem>>
      %get3A_2014 = tpu.memref_squeeze %get3A_2013 : memref<1x104x32xf32, #tpu.memory_space<vmem>> -> memref<104x32xf32, #tpu.memory_space<vmem>>
      %get3A_2015 = arith.index_cast %get3A_2010 : i32 to index
      %get3A_2016 = arith.constant 16 : index
      %get3A_2017 = tpu.vector_load %get3A_2014[%get3A_2015, %get3A_2016] {strides = array<i32>} : memref<104x32xf32, #tpu.memory_space<vmem>>, vector<1x16xf32>,
      %get3A_2018 = vector.shape_cast %get3A_2017 : vector<1x16xf32> to vector<16xf32>
      %add3A_2019 = arith.addf %add3A_1999, %get3A_2018 : vector<16xf32>
      %get3A_2020 = arith.constant 81 : i32
      %get3A_2021 = arith.constant 0 : i32
      %get3A_2022 = arith.constant 0 : i32
      %get3A_2023 = tpu.memref_slice %arg6[%rem3A_170, %get3A_2021, %get3A_2022] : memref<8x104x32xf32, #tpu.memory_space<vmem>> -> memref<1x104x32xf32, #tpu.memory_space<vmem>>
      %get3A_2024 = tpu.memref_squeeze %get3A_2023 : memref<1x104x32xf32, #tpu.memory_space<vmem>> -> memref<104x32xf32, #tpu.memory_space<vmem>>
      %get3A_2025 = arith.index_cast %get3A_2020 : i32 to index
      %get3A_2026 = arith.constant 16 : index
      %get3A_2027 = tpu.vector_load %get3A_2024[%get3A_2025, %get3A_2026] {strides = array<i32>} : memref<104x32xf32, #tpu.memory_space<vmem>>, vector<1x16xf32>,
      %get3A_2028 = vector.shape_cast %get3A_2027 : vector<1x16xf32> to vector<16xf32>
      %add3A_2029 = arith.addf %add3A_2009, %get3A_2028 : vector<16xf32>
      %get3A_2030 = arith.constant 82 : i32
      %get3A_2031 = arith.constant 0 : i32
      %get3A_2032 = arith.constant 0 : i32
      %get3A_2033 = tpu.memref_slice %arg6[%rem3A_170, %get3A_2031, %get3A_2032] : memref<8x104x32xf32, #tpu.memory_space<vmem>> -> memref<1x104x32xf32, #tpu.memory_space<vmem>>
      %get3A_2034 = tpu.memref_squeeze %get3A_2033 : memref<1x104x32xf32, #tpu.memory_space<vmem>> -> memref<104x32xf32, #tpu.memory_space<vmem>>
      %get3A_2035 = arith.index_cast %get3A_2030 : i32 to index
      %get3A_2036 = arith.constant 16 : index
      %get3A_2037 = tpu.vector_load %get3A_2034[%get3A_2035, %get3A_2036] {strides = array<i32>} : memref<104x32xf32, #tpu.memory_space<vmem>>, vector<1x16xf32>,
      %get3A_2038 = vector.shape_cast %get3A_2037 : vector<1x16xf32> to vector<16xf32>
      %add3A_2039 = arith.addf %add3A_2019, %get3A_2038 : vector<16xf32>
      %get3A_2040 = arith.constant 83 : i32
      %get3A_2041 = arith.constant 0 : i32
      %get3A_2042 = arith.constant 0 : i32
      %get3A_2043 = tpu.memref_slice %arg6[%rem3A_170, %get3A_2041, %get3A_2042] : memref<8x104x32xf32, #tpu.memory_space<vmem>> -> memref<1x104x32xf32, #tpu.memory_space<vmem>>
      %get3A_2044 = tpu.memref_squeeze %get3A_2043 : memref<1x104x32xf32, #tpu.memory_space<vmem>> -> memref<104x32xf32, #tpu.memory_space<vmem>>
      %get3A_2045 = arith.index_cast %get3A_2040 : i32 to index
      %get3A_2046 = arith.constant 16 : index
      %get3A_2047 = tpu.vector_load %get3A_2044[%get3A_2045, %get3A_2046] {strides = array<i32>} : memref<104x32xf32, #tpu.memory_space<vmem>>, vector<1x16xf32>,
      %get3A_2048 = vector.shape_cast %get3A_2047 : vector<1x16xf32> to vector<16xf32>
      %add3A_2049 = arith.addf %add3A_2029, %get3A_2048 : vector<16xf32>
      %get3A_2050 = arith.constant 84 : i32
      %get3A_2051 = arith.constant 0 : i32
      %get3A_2052 = arith.constant 0 : i32
      %get3A_2053 = tpu.memref_slice %arg6[%rem3A_170, %get3A_2051, %get3A_2052] : memref<8x104x32xf32, #tpu.memory_space<vmem>> -> memref<1x104x32xf32, #tpu.memory_space<vmem>>
      %get3A_2054 = tpu.memref_squeeze %get3A_2053 : memref<1x104x32xf32, #tpu.memory_space<vmem>> -> memref<104x32xf32, #tpu.memory_space<vmem>>
      %get3A_2055 = arith.index_cast %get3A_2050 : i32 to index
      %get3A_2056 = arith.constant 16 : index
      %get3A_2057 = tpu.vector_load %get3A_2054[%get3A_2055, %get3A_2056] {strides = array<i32>} : memref<104x32xf32, #tpu.memory_space<vmem>>, vector<1x16xf32>,
      %get3A_2058 = vector.shape_cast %get3A_2057 : vector<1x16xf32> to vector<16xf32>
      %add3A_2059 = arith.addf %add3A_2039, %get3A_2058 : vector<16xf32>
      %get3A_2060 = arith.constant 85 : i32
      %get3A_2061 = arith.constant 0 : i32
      %get3A_2062 = arith.constant 0 : i32
      %get3A_2063 = tpu.memref_slice %arg6[%rem3A_170, %get3A_2061, %get3A_2062] : memref<8x104x32xf32, #tpu.memory_space<vmem>> -> memref<1x104x32xf32, #tpu.memory_space<vmem>>
      %get3A_2064 = tpu.memref_squeeze %get3A_2063 : memref<1x104x32xf32, #tpu.memory_space<vmem>> -> memref<104x32xf32, #tpu.memory_space<vmem>>
      %get3A_2065 = arith.index_cast %get3A_2060 : i32 to index
      %get3A_2066 = arith.constant 16 : index
      %get3A_2067 = tpu.vector_load %get3A_2064[%get3A_2065, %get3A_2066] {strides = array<i32>} : memref<104x32xf32, #tpu.memory_space<vmem>>, vector<1x16xf32>,
      %get3A_2068 = vector.shape_cast %get3A_2067 : vector<1x16xf32> to vector<16xf32>
      %add3A_2069 = arith.addf %add3A_2049, %get3A_2068 : vector<16xf32>
      %get3A_2070 = arith.constant 86 : i32
      %get3A_2071 = arith.constant 0 : i32
      %get3A_2072 = arith.constant 0 : i32
      %get3A_2073 = tpu.memref_slice %arg6[%rem3A_170, %get3A_2071, %get3A_2072] : memref<8x104x32xf32, #tpu.memory_space<vmem>> -> memref<1x104x32xf32, #tpu.memory_space<vmem>>
      %get3A_2074 = tpu.memref_squeeze %get3A_2073 : memref<1x104x32xf32, #tpu.memory_space<vmem>> -> memref<104x32xf32, #tpu.memory_space<vmem>>
      %get3A_2075 = arith.index_cast %get3A_2070 : i32 to index
      %get3A_2076 = arith.constant 16 : index
      %get3A_2077 = tpu.vector_load %get3A_2074[%get3A_2075, %get3A_2076] {strides = array<i32>} : memref<104x32xf32, #tpu.memory_space<vmem>>, vector<1x16xf32>,
      %get3A_2078 = vector.shape_cast %get3A_2077 : vector<1x16xf32> to vector<16xf32>
      %add3A_2079 = arith.addf %add3A_2059, %get3A_2078 : vector<16xf32>
      %get3A_2080 = arith.constant 87 : i32
      %get3A_2081 = arith.constant 0 : i32
      %get3A_2082 = arith.constant 0 : i32
      %get3A_2083 = tpu.memref_slice %arg6[%rem3A_170, %get3A_2081, %get3A_2082] : memref<8x104x32xf32, #tpu.memory_space<vmem>> -> memref<1x104x32xf32, #tpu.memory_space<vmem>>
      %get3A_2084 = tpu.memref_squeeze %get3A_2083 : memref<1x104x32xf32, #tpu.memory_space<vmem>> -> memref<104x32xf32, #tpu.memory_space<vmem>>
      %get3A_2085 = arith.index_cast %get3A_2080 : i32 to index
      %get3A_2086 = arith.constant 16 : index
      %get3A_2087 = tpu.vector_load %get3A_2084[%get3A_2085, %get3A_2086] {strides = array<i32>} : memref<104x32xf32, #tpu.memory_space<vmem>>, vector<1x16xf32>,
      %get3A_2088 = vector.shape_cast %get3A_2087 : vector<1x16xf32> to vector<16xf32>
      %add3A_2089 = arith.addf %add3A_2069, %get3A_2088 : vector<16xf32>
      %get3A_2090 = arith.constant 88 : i32
      %get3A_2091 = arith.constant 0 : i32
      %get3A_2092 = arith.constant 0 : i32
      %get3A_2093 = tpu.memref_slice %arg6[%rem3A_170, %get3A_2091, %get3A_2092] : memref<8x104x32xf32, #tpu.memory_space<vmem>> -> memref<1x104x32xf32, #tpu.memory_space<vmem>>
      %get3A_2094 = tpu.memref_squeeze %get3A_2093 : memref<1x104x32xf32, #tpu.memory_space<vmem>> -> memref<104x32xf32, #tpu.memory_space<vmem>>
      %get3A_2095 = arith.index_cast %get3A_2090 : i32 to index
      %get3A_2096 = arith.constant 16 : index
      %get3A_2097 = tpu.vector_load %get3A_2094[%get3A_2095, %get3A_2096] {strides = array<i32>} : memref<104x32xf32, #tpu.memory_space<vmem>>, vector<1x16xf32>,
      %get3A_2098 = vector.shape_cast %get3A_2097 : vector<1x16xf32> to vector<16xf32>
      %add3A_2099 = arith.addf %add3A_2079, %get3A_2098 : vector<16xf32>
      %get3A_2100 = arith.constant 89 : i32
      %get3A_2101 = arith.constant 0 : i32
      %get3A_2102 = arith.constant 0 : i32
      %get3A_2103 = tpu.memref_slice %arg6[%rem3A_170, %get3A_2101, %get3A_2102] : memref<8x104x32xf32, #tpu.memory_space<vmem>> -> memref<1x104x32xf32, #tpu.memory_space<vmem>>
      %get3A_2104 = tpu.memref_squeeze %get3A_2103 : memref<1x104x32xf32, #tpu.memory_space<vmem>> -> memref<104x32xf32, #tpu.memory_space<vmem>>
      %get3A_2105 = arith.index_cast %get3A_2100 : i32 to index
      %get3A_2106 = arith.constant 16 : index
      %get3A_2107 = tpu.vector_load %get3A_2104[%get3A_2105, %get3A_2106] {strides = array<i32>} : memref<104x32xf32, #tpu.memory_space<vmem>>, vector<1x16xf32>,
      %get3A_2108 = vector.shape_cast %get3A_2107 : vector<1x16xf32> to vector<16xf32>
      %add3A_2109 = arith.addf %add3A_2089, %get3A_2108 : vector<16xf32>
      %get3A_2110 = arith.constant 90 : i32
      %get3A_2111 = arith.constant 0 : i32
      %get3A_2112 = arith.constant 0 : i32
      %get3A_2113 = tpu.memref_slice %arg6[%rem3A_170, %get3A_2111, %get3A_2112] : memref<8x104x32xf32, #tpu.memory_space<vmem>> -> memref<1x104x32xf32, #tpu.memory_space<vmem>>
      %get3A_2114 = tpu.memref_squeeze %get3A_2113 : memref<1x104x32xf32, #tpu.memory_space<vmem>> -> memref<104x32xf32, #tpu.memory_space<vmem>>
      %get3A_2115 = arith.index_cast %get3A_2110 : i32 to index
      %get3A_2116 = arith.constant 16 : index
      %get3A_2117 = tpu.vector_load %get3A_2114[%get3A_2115, %get3A_2116] {strides = array<i32>} : memref<104x32xf32, #tpu.memory_space<vmem>>, vector<1x16xf32>,
      %get3A_2118 = vector.shape_cast %get3A_2117 : vector<1x16xf32> to vector<16xf32>
      %add3A_2119 = arith.addf %add3A_2099, %get3A_2118 : vector<16xf32>
      %get3A_2120 = arith.constant 91 : i32
      %get3A_2121 = arith.constant 0 : i32
      %get3A_2122 = arith.constant 0 : i32
      %get3A_2123 = tpu.memref_slice %arg6[%rem3A_170, %get3A_2121, %get3A_2122] : memref<8x104x32xf32, #tpu.memory_space<vmem>> -> memref<1x104x32xf32, #tpu.memory_space<vmem>>
      %get3A_2124 = tpu.memref_squeeze %get3A_2123 : memref<1x104x32xf32, #tpu.memory_space<vmem>> -> memref<104x32xf32, #tpu.memory_space<vmem>>
      %get3A_2125 = arith.index_cast %get3A_2120 : i32 to index
      %get3A_2126 = arith.constant 16 : index
      %get3A_2127 = tpu.vector_load %get3A_2124[%get3A_2125, %get3A_2126] {strides = array<i32>} : memref<104x32xf32, #tpu.memory_space<vmem>>, vector<1x16xf32>,
      %get3A_2128 = vector.shape_cast %get3A_2127 : vector<1x16xf32> to vector<16xf32>
      %add3A_2129 = arith.addf %add3A_2109, %get3A_2128 : vector<16xf32>
      %get3A_2130 = arith.constant 92 : i32
      %get3A_2131 = arith.constant 0 : i32
      %get3A_2132 = arith.constant 0 : i32
      %get3A_2133 = tpu.memref_slice %arg6[%rem3A_170, %get3A_2131, %get3A_2132] : memref<8x104x32xf32, #tpu.memory_space<vmem>> -> memref<1x104x32xf32, #tpu.memory_space<vmem>>
      %get3A_2134 = tpu.memref_squeeze %get3A_2133 : memref<1x104x32xf32, #tpu.memory_space<vmem>> -> memref<104x32xf32, #tpu.memory_space<vmem>>
      %get3A_2135 = arith.index_cast %get3A_2130 : i32 to index
      %get3A_2136 = arith.constant 16 : index
      %get3A_2137 = tpu.vector_load %get3A_2134[%get3A_2135, %get3A_2136] {strides = array<i32>} : memref<104x32xf32, #tpu.memory_space<vmem>>, vector<1x16xf32>,
      %get3A_2138 = vector.shape_cast %get3A_2137 : vector<1x16xf32> to vector<16xf32>
      %add3A_2139 = arith.addf %add3A_2119, %get3A_2138 : vector<16xf32>
      %get3A_2140 = arith.constant 93 : i32
      %get3A_2141 = arith.constant 0 : i32
      %get3A_2142 = arith.constant 0 : i32
      %get3A_2143 = tpu.memref_slice %arg6[%rem3A_170, %get3A_2141, %get3A_2142] : memref<8x104x32xf32, #tpu.memory_space<vmem>> -> memref<1x104x32xf32, #tpu.memory_space<vmem>>
      %get3A_2144 = tpu.memref_squeeze %get3A_2143 : memref<1x104x32xf32, #tpu.memory_space<vmem>> -> memref<104x32xf32, #tpu.memory_space<vmem>>
      %get3A_2145 = arith.index_cast %get3A_2140 : i32 to index
      %get3A_2146 = arith.constant 16 : index
      %get3A_2147 = tpu.vector_load %get3A_2144[%get3A_2145, %get3A_2146] {strides = array<i32>} : memref<104x32xf32, #tpu.memory_space<vmem>>, vector<1x16xf32>,
      %get3A_2148 = vector.shape_cast %get3A_2147 : vector<1x16xf32> to vector<16xf32>
      %add3A_2149 = arith.addf %add3A_2129, %get3A_2148 : vector<16xf32>
      %get3A_2150 = arith.constant 94 : i32
      %get3A_2151 = arith.constant 0 : i32
      %get3A_2152 = arith.constant 0 : i32
      %get3A_2153 = tpu.memref_slice %arg6[%rem3A_170, %get3A_2151, %get3A_2152] : memref<8x104x32xf32, #tpu.memory_space<vmem>> -> memref<1x104x32xf32, #tpu.memory_space<vmem>>
      %get3A_2154 = tpu.memref_squeeze %get3A_2153 : memref<1x104x32xf32, #tpu.memory_space<vmem>> -> memref<104x32xf32, #tpu.memory_space<vmem>>
      %get3A_2155 = arith.index_cast %get3A_2150 : i32 to index
      %get3A_2156 = arith.constant 16 : index
      %get3A_2157 = tpu.vector_load %get3A_2154[%get3A_2155, %get3A_2156] {strides = array<i32>} : memref<104x32xf32, #tpu.memory_space<vmem>>, vector<1x16xf32>,
      %get3A_2158 = vector.shape_cast %get3A_2157 : vector<1x16xf32> to vector<16xf32>
      %add3A_2159 = arith.addf %add3A_2139, %get3A_2158 : vector<16xf32>
      %get3A_2160 = arith.constant 95 : i32
      %get3A_2161 = arith.constant 0 : i32
      %get3A_2162 = arith.constant 0 : i32
      %get3A_2163 = tpu.memref_slice %arg6[%rem3A_170, %get3A_2161, %get3A_2162] : memref<8x104x32xf32, #tpu.memory_space<vmem>> -> memref<1x104x32xf32, #tpu.memory_space<vmem>>
      %get3A_2164 = tpu.memref_squeeze %get3A_2163 : memref<1x104x32xf32, #tpu.memory_space<vmem>> -> memref<104x32xf32, #tpu.memory_space<vmem>>
      %get3A_2165 = arith.index_cast %get3A_2160 : i32 to index
      %get3A_2166 = arith.constant 16 : index
      %get3A_2167 = tpu.vector_load %get3A_2164[%get3A_2165, %get3A_2166] {strides = array<i32>} : memref<104x32xf32, #tpu.memory_space<vmem>>, vector<1x16xf32>,
      %get3A_2168 = vector.shape_cast %get3A_2167 : vector<1x16xf32> to vector<16xf32>
      %add3A_2169 = arith.addf %add3A_2149, %get3A_2168 : vector<16xf32>
      %get3A_2170 = arith.constant 96 : i32
      %get3A_2171 = arith.constant 0 : i32
      %get3A_2172 = arith.constant 0 : i32
      %get3A_2173 = tpu.memref_slice %arg6[%rem3A_170, %get3A_2171, %get3A_2172] : memref<8x104x32xf32, #tpu.memory_space<vmem>> -> memref<1x104x32xf32, #tpu.memory_space<vmem>>
      %get3A_2174 = tpu.memref_squeeze %get3A_2173 : memref<1x104x32xf32, #tpu.memory_space<vmem>> -> memref<104x32xf32, #tpu.memory_space<vmem>>
      %get3A_2175 = arith.index_cast %get3A_2170 : i32 to index
      %get3A_2176 = arith.constant 16 : index
      %get3A_2177 = tpu.vector_load %get3A_2174[%get3A_2175, %get3A_2176] {strides = array<i32>} : memref<104x32xf32, #tpu.memory_space<vmem>>, vector<1x16xf32>,
      %get3A_2178 = vector.shape_cast %get3A_2177 : vector<1x16xf32> to vector<16xf32>
      %add3A_2179 = arith.addf %add3A_2159, %get3A_2178 : vector<16xf32>
      %get3A_2180 = arith.constant 97 : i32
      %get3A_2181 = arith.constant 0 : i32
      %get3A_2182 = arith.constant 0 : i32
      %get3A_2183 = tpu.memref_slice %arg6[%rem3A_170, %get3A_2181, %get3A_2182] : memref<8x104x32xf32, #tpu.memory_space<vmem>> -> memref<1x104x32xf32, #tpu.memory_space<vmem>>
      %get3A_2184 = tpu.memref_squeeze %get3A_2183 : memref<1x104x32xf32, #tpu.memory_space<vmem>> -> memref<104x32xf32, #tpu.memory_space<vmem>>
      %get3A_2185 = arith.index_cast %get3A_2180 : i32 to index
      %get3A_2186 = arith.constant 16 : index
      %get3A_2187 = tpu.vector_load %get3A_2184[%get3A_2185, %get3A_2186] {strides = array<i32>} : memref<104x32xf32, #tpu.memory_space<vmem>>, vector<1x16xf32>,
      %get3A_2188 = vector.shape_cast %get3A_2187 : vector<1x16xf32> to vector<16xf32>
      %add3A_2189 = arith.addf %add3A_2169, %get3A_2188 : vector<16xf32>
      %get3A_2190 = arith.constant 98 : i32
      %get3A_2191 = arith.constant 0 : i32
      %get3A_2192 = arith.constant 0 : i32
      %get3A_2193 = tpu.memref_slice %arg6[%rem3A_170, %get3A_2191, %get3A_2192] : memref<8x104x32xf32, #tpu.memory_space<vmem>> -> memref<1x104x32xf32, #tpu.memory_space<vmem>>
      %get3A_2194 = tpu.memref_squeeze %get3A_2193 : memref<1x104x32xf32, #tpu.memory_space<vmem>> -> memref<104x32xf32, #tpu.memory_space<vmem>>
      %get3A_2195 = arith.index_cast %get3A_2190 : i32 to index
      %get3A_2196 = arith.constant 16 : index
      %get3A_2197 = tpu.vector_load %get3A_2194[%get3A_2195, %get3A_2196] {strides = array<i32>} : memref<104x32xf32, #tpu.memory_space<vmem>>, vector<1x16xf32>,
      %get3A_2198 = vector.shape_cast %get3A_2197 : vector<1x16xf32> to vector<16xf32>
      %add3A_2199 = arith.addf %add3A_2179, %get3A_2198 : vector<16xf32>
      %get3A_2200 = arith.constant 99 : i32
      %get3A_2201 = arith.constant 0 : i32
      %get3A_2202 = arith.constant 0 : i32
      %get3A_2203 = tpu.memref_slice %arg6[%rem3A_170, %get3A_2201, %get3A_2202] : memref<8x104x32xf32, #tpu.memory_space<vmem>> -> memref<1x104x32xf32, #tpu.memory_space<vmem>>
      %get3A_2204 = tpu.memref_squeeze %get3A_2203 : memref<1x104x32xf32, #tpu.memory_space<vmem>> -> memref<104x32xf32, #tpu.memory_space<vmem>>
      %get3A_2205 = arith.index_cast %get3A_2200 : i32 to index
      %get3A_2206 = arith.constant 16 : index
      %get3A_2207 = tpu.vector_load %get3A_2204[%get3A_2205, %get3A_2206] {strides = array<i32>} : memref<104x32xf32, #tpu.memory_space<vmem>>, vector<1x16xf32>,
      %get3A_2208 = vector.shape_cast %get3A_2207 : vector<1x16xf32> to vector<16xf32>
      %add3A_2209 = arith.addf %add3A_2189, %get3A_2208 : vector<16xf32>
      %add3A_2210 = arith.addf %add3A_2199, %add3A_2209 : vector<16xf32>
      %mul3A_2211 = arith.constant 4 : i32
      %mul3A_2212 = arith.muli %scan3A_169, %mul3A_2211 : i32
      %add3A_2213 = arith.constant 1 : i32
      %add3A_2214 = arith.addi %mul3A_2212, %add3A_2213 : i32
      %swap3A_2215 = arith.index_cast %add3A_2214 : i32 to index
      %swap3A_2216 = arith.constant 16 : index
      %swap3A_2217 = tpu.vector_load %arg8[%swap3A_2215, %swap3A_2216] {strides = array<i32>} : memref<512x32xf32, #tpu.memory_space<vmem>>, vector<1x16xf32>,
      %swap3A_2218 = vector.shape_cast %swap3A_2217 : vector<1x16xf32> to vector<16xf32>
      %swap3A_2219 = vector.shape_cast %add3A_2210 : vector<16xf32> to vector<1x16xf32>
      tpu.vector_store %arg8[%swap3A_2215, %swap3A_2216], %swap3A_2219 {strides = array<i32>} : memref<512x32xf32, #tpu.memory_space<vmem>>, vector<1x16xf32>,
      %get3A_2220 = arith.constant 100 : i32
      %get3A_2221 = arith.constant 0 : i32
      %get3A_2222 = arith.constant 0 : i32
      %get3A_2223 = tpu.memref_slice %arg6[%rem3A_170, %get3A_2221, %get3A_2222] : memref<8x104x32xf32, #tpu.memory_space<vmem>> -> memref<1x104x32xf32, #tpu.memory_space<vmem>>
      %get3A_2224 = tpu.memref_squeeze %get3A_2223 : memref<1x104x32xf32, #tpu.memory_space<vmem>> -> memref<104x32xf32, #tpu.memory_space<vmem>>
      %get3A_2225 = arith.index_cast %get3A_2220 : i32 to index
      %get3A_2226 = arith.constant 0 : index
      %get3A_2227 = tpu.vector_load %get3A_2224[%get3A_2225, %get3A_2226] {strides = array<i32>} : memref<104x32xf32, #tpu.memory_space<vmem>>, vector<1x16xf32>,
      %get3A_2228 = vector.shape_cast %get3A_2227 : vector<1x16xf32> to vector<16xf32>
      %get3A_2229 = arith.constant 101 : i32
      %get3A_2230 = arith.constant 0 : i32
      %get3A_2231 = arith.constant 0 : i32
      %get3A_2232 = tpu.memref_slice %arg6[%rem3A_170, %get3A_2230, %get3A_2231] : memref<8x104x32xf32, #tpu.memory_space<vmem>> -> memref<1x104x32xf32, #tpu.memory_space<vmem>>
      %get3A_2233 = tpu.memref_squeeze %get3A_2232 : memref<1x104x32xf32, #tpu.memory_space<vmem>> -> memref<104x32xf32, #tpu.memory_space<vmem>>
      %get3A_2234 = arith.index_cast %get3A_2229 : i32 to index
      %get3A_2235 = arith.constant 0 : index
      %get3A_2236 = tpu.vector_load %get3A_2233[%get3A_2234, %get3A_2235] {strides = array<i32>} : memref<104x32xf32, #tpu.memory_space<vmem>>, vector<1x16xf32>,
      %get3A_2237 = vector.shape_cast %get3A_2236 : vector<1x16xf32> to vector<16xf32>
      %get3A_2238 = arith.constant 102 : i32
      %get3A_2239 = arith.constant 0 : i32
      %get3A_2240 = arith.constant 0 : i32
      %get3A_2241 = tpu.memref_slice %arg6[%rem3A_170, %get3A_2239, %get3A_2240] : memref<8x104x32xf32, #tpu.memory_space<vmem>> -> memref<1x104x32xf32, #tpu.memory_space<vmem>>
      %get3A_2242 = tpu.memref_squeeze %get3A_2241 : memref<1x104x32xf32, #tpu.memory_space<vmem>> -> memref<104x32xf32, #tpu.memory_space<vmem>>
      %get3A_2243 = arith.index_cast %get3A_2238 : i32 to index
      %get3A_2244 = arith.constant 0 : index
      %get3A_2245 = tpu.vector_load %get3A_2242[%get3A_2243, %get3A_2244] {strides = array<i32>} : memref<104x32xf32, #tpu.memory_space<vmem>>, vector<1x16xf32>,
      %get3A_2246 = vector.shape_cast %get3A_2245 : vector<1x16xf32> to vector<16xf32>
      %add3A_2247 = arith.addf %get3A_2228, %get3A_2246 : vector<16xf32>
      %get3A_2248 = arith.constant 103 : i32
      %get3A_2249 = arith.constant 0 : i32
      %get3A_2250 = arith.constant 0 : i32
      %get3A_2251 = tpu.memref_slice %arg6[%rem3A_170, %get3A_2249, %get3A_2250] : memref<8x104x32xf32, #tpu.memory_space<vmem>> -> memref<1x104x32xf32, #tpu.memory_space<vmem>>
      %get3A_2252 = tpu.memref_squeeze %get3A_2251 : memref<1x104x32xf32, #tpu.memory_space<vmem>> -> memref<104x32xf32, #tpu.memory_space<vmem>>
      %get3A_2253 = arith.index_cast %get3A_2248 : i32 to index
      %get3A_2254 = arith.constant 0 : index
      %get3A_2255 = tpu.vector_load %get3A_2252[%get3A_2253, %get3A_2254] {strides = array<i32>} : memref<104x32xf32, #tpu.memory_space<vmem>>, vector<1x16xf32>,
      %get3A_2256 = vector.shape_cast %get3A_2255 : vector<1x16xf32> to vector<16xf32>
      %add3A_2257 = arith.addf %get3A_2237, %get3A_2256 : vector<16xf32>
      %get3A_2258 = arith.constant 0 : i32
      %get3A_2259 = arith.constant 0 : i32
      %get3A_2260 = arith.constant 0 : i32
      %get3A_2261 = tpu.memref_slice %arg7[%rem3A_170, %get3A_2259, %get3A_2260] : memref<8x96x32xf32, #tpu.memory_space<vmem>> -> memref<1x96x32xf32, #tpu.memory_space<vmem>>
      %get3A_2262 = tpu.memref_squeeze %get3A_2261 : memref<1x96x32xf32, #tpu.memory_space<vmem>> -> memref<96x32xf32, #tpu.memory_space<vmem>>
      %get3A_2263 = arith.index_cast %get3A_2258 : i32 to index
      %get3A_2264 = arith.constant 0 : index
      %get3A_2265 = tpu.vector_load %get3A_2262[%get3A_2263, %get3A_2264] {strides = array<i32>} : memref<96x32xf32, #tpu.memory_space<vmem>>, vector<1x16xf32>,
      %get3A_2266 = vector.shape_cast %get3A_2265 : vector<1x16xf32> to vector<16xf32>
      %add3A_2267 = arith.addf %add3A_2247, %get3A_2266 : vector<16xf32>
      %get3A_2268 = arith.constant 1 : i32
      %get3A_2269 = arith.constant 0 : i32
      %get3A_2270 = arith.constant 0 : i32
      %get3A_2271 = tpu.memref_slice %arg7[%rem3A_170, %get3A_2269, %get3A_2270] : memref<8x96x32xf32, #tpu.memory_space<vmem>> -> memref<1x96x32xf32, #tpu.memory_space<vmem>>
      %get3A_2272 = tpu.memref_squeeze %get3A_2271 : memref<1x96x32xf32, #tpu.memory_space<vmem>> -> memref<96x32xf32, #tpu.memory_space<vmem>>
      %get3A_2273 = arith.index_cast %get3A_2268 : i32 to index
      %get3A_2274 = arith.constant 0 : index
      %get3A_2275 = tpu.vector_load %get3A_2272[%get3A_2273, %get3A_2274] {strides = array<i32>} : memref<96x32xf32, #tpu.memory_space<vmem>>, vector<1x16xf32>,
      %get3A_2276 = vector.shape_cast %get3A_2275 : vector<1x16xf32> to vector<16xf32>
      %add3A_2277 = arith.addf %add3A_2257, %get3A_2276 : vector<16xf32>
      %get3A_2278 = arith.constant 2 : i32
      %get3A_2279 = arith.constant 0 : i32
      %get3A_2280 = arith.constant 0 : i32
      %get3A_2281 = tpu.memref_slice %arg7[%rem3A_170, %get3A_2279, %get3A_2280] : memref<8x96x32xf32, #tpu.memory_space<vmem>> -> memref<1x96x32xf32, #tpu.memory_space<vmem>>
      %get3A_2282 = tpu.memref_squeeze %get3A_2281 : memref<1x96x32xf32, #tpu.memory_space<vmem>> -> memref<96x32xf32, #tpu.memory_space<vmem>>
      %get3A_2283 = arith.index_cast %get3A_2278 : i32 to index
      %get3A_2284 = arith.constant 0 : index
      %get3A_2285 = tpu.vector_load %get3A_2282[%get3A_2283, %get3A_2284] {strides = array<i32>} : memref<96x32xf32, #tpu.memory_space<vmem>>, vector<1x16xf32>,
      %get3A_2286 = vector.shape_cast %get3A_2285 : vector<1x16xf32> to vector<16xf32>
      %add3A_2287 = arith.addf %add3A_2267, %get3A_2286 : vector<16xf32>
      %get3A_2288 = arith.constant 3 : i32
      %get3A_2289 = arith.constant 0 : i32
      %get3A_2290 = arith.constant 0 : i32
      %get3A_2291 = tpu.memref_slice %arg7[%rem3A_170, %get3A_2289, %get3A_2290] : memref<8x96x32xf32, #tpu.memory_space<vmem>> -> memref<1x96x32xf32, #tpu.memory_space<vmem>>
      %get3A_2292 = tpu.memref_squeeze %get3A_2291 : memref<1x96x32xf32, #tpu.memory_space<vmem>> -> memref<96x32xf32, #tpu.memory_space<vmem>>
      %get3A_2293 = arith.index_cast %get3A_2288 : i32 to index
      %get3A_2294 = arith.constant 0 : index
      %get3A_2295 = tpu.vector_load %get3A_2292[%get3A_2293, %get3A_2294] {strides = array<i32>} : memref<96x32xf32, #tpu.memory_space<vmem>>, vector<1x16xf32>,
      %get3A_2296 = vector.shape_cast %get3A_2295 : vector<1x16xf32> to vector<16xf32>
      %add3A_2297 = arith.addf %add3A_2277, %get3A_2296 : vector<16xf32>
      %get3A_2298 = arith.constant 4 : i32
      %get3A_2299 = arith.constant 0 : i32
      %get3A_2300 = arith.constant 0 : i32
      %get3A_2301 = tpu.memref_slice %arg7[%rem3A_170, %get3A_2299, %get3A_2300] : memref<8x96x32xf32, #tpu.memory_space<vmem>> -> memref<1x96x32xf32, #tpu.memory_space<vmem>>
      %get3A_2302 = tpu.memref_squeeze %get3A_2301 : memref<1x96x32xf32, #tpu.memory_space<vmem>> -> memref<96x32xf32, #tpu.memory_space<vmem>>
      %get3A_2303 = arith.index_cast %get3A_2298 : i32 to index
      %get3A_2304 = arith.constant 0 : index
      %get3A_2305 = tpu.vector_load %get3A_2302[%get3A_2303, %get3A_2304] {strides = array<i32>} : memref<96x32xf32, #tpu.memory_space<vmem>>, vector<1x16xf32>,
      %get3A_2306 = vector.shape_cast %get3A_2305 : vector<1x16xf32> to vector<16xf32>
      %add3A_2307 = arith.addf %add3A_2287, %get3A_2306 : vector<16xf32>
      %get3A_2308 = arith.constant 5 : i32
      %get3A_2309 = arith.constant 0 : i32
      %get3A_2310 = arith.constant 0 : i32
      %get3A_2311 = tpu.memref_slice %arg7[%rem3A_170, %get3A_2309, %get3A_2310] : memref<8x96x32xf32, #tpu.memory_space<vmem>> -> memref<1x96x32xf32, #tpu.memory_space<vmem>>
      %get3A_2312 = tpu.memref_squeeze %get3A_2311 : memref<1x96x32xf32, #tpu.memory_space<vmem>> -> memref<96x32xf32, #tpu.memory_space<vmem>>
      %get3A_2313 = arith.index_cast %get3A_2308 : i32 to index
      %get3A_2314 = arith.constant 0 : index
      %get3A_2315 = tpu.vector_load %get3A_2312[%get3A_2313, %get3A_2314] {strides = array<i32>} : memref<96x32xf32, #tpu.memory_space<vmem>>, vector<1x16xf32>,
      %get3A_2316 = vector.shape_cast %get3A_2315 : vector<1x16xf32> to vector<16xf32>
      %add3A_2317 = arith.addf %add3A_2297, %get3A_2316 : vector<16xf32>
      %get3A_2318 = arith.constant 6 : i32
      %get3A_2319 = arith.constant 0 : i32
      %get3A_2320 = arith.constant 0 : i32
      %get3A_2321 = tpu.memref_slice %arg7[%rem3A_170, %get3A_2319, %get3A_2320] : memref<8x96x32xf32, #tpu.memory_space<vmem>> -> memref<1x96x32xf32, #tpu.memory_space<vmem>>
      %get3A_2322 = tpu.memref_squeeze %get3A_2321 : memref<1x96x32xf32, #tpu.memory_space<vmem>> -> memref<96x32xf32, #tpu.memory_space<vmem>>
      %get3A_2323 = arith.index_cast %get3A_2318 : i32 to index
      %get3A_2324 = arith.constant 0 : index
      %get3A_2325 = tpu.vector_load %get3A_2322[%get3A_2323, %get3A_2324] {strides = array<i32>} : memref<96x32xf32, #tpu.memory_space<vmem>>, vector<1x16xf32>,
      %get3A_2326 = vector.shape_cast %get3A_2325 : vector<1x16xf32> to vector<16xf32>
      %add3A_2327 = arith.addf %add3A_2307, %get3A_2326 : vector<16xf32>
      %get3A_2328 = arith.constant 7 : i32
      %get3A_2329 = arith.constant 0 : i32
      %get3A_2330 = arith.constant 0 : i32
      %get3A_2331 = tpu.memref_slice %arg7[%rem3A_170, %get3A_2329, %get3A_2330] : memref<8x96x32xf32, #tpu.memory_space<vmem>> -> memref<1x96x32xf32, #tpu.memory_space<vmem>>
      %get3A_2332 = tpu.memref_squeeze %get3A_2331 : memref<1x96x32xf32, #tpu.memory_space<vmem>> -> memref<96x32xf32, #tpu.memory_space<vmem>>
      %get3A_2333 = arith.index_cast %get3A_2328 : i32 to index
      %get3A_2334 = arith.constant 0 : index
      %get3A_2335 = tpu.vector_load %get3A_2332[%get3A_2333, %get3A_2334] {strides = array<i32>} : memref<96x32xf32, #tpu.memory_space<vmem>>, vector<1x16xf32>,
      %get3A_2336 = vector.shape_cast %get3A_2335 : vector<1x16xf32> to vector<16xf32>
      %add3A_2337 = arith.addf %add3A_2317, %get3A_2336 : vector<16xf32>
      %get3A_2338 = arith.constant 8 : i32
      %get3A_2339 = arith.constant 0 : i32
      %get3A_2340 = arith.constant 0 : i32
      %get3A_2341 = tpu.memref_slice %arg7[%rem3A_170, %get3A_2339, %get3A_2340] : memref<8x96x32xf32, #tpu.memory_space<vmem>> -> memref<1x96x32xf32, #tpu.memory_space<vmem>>
      %get3A_2342 = tpu.memref_squeeze %get3A_2341 : memref<1x96x32xf32, #tpu.memory_space<vmem>> -> memref<96x32xf32, #tpu.memory_space<vmem>>
      %get3A_2343 = arith.index_cast %get3A_2338 : i32 to index
      %get3A_2344 = arith.constant 0 : index
      %get3A_2345 = tpu.vector_load %get3A_2342[%get3A_2343, %get3A_2344] {strides = array<i32>} : memref<96x32xf32, #tpu.memory_space<vmem>>, vector<1x16xf32>,
      %get3A_2346 = vector.shape_cast %get3A_2345 : vector<1x16xf32> to vector<16xf32>
      %add3A_2347 = arith.addf %add3A_2327, %get3A_2346 : vector<16xf32>
      %get3A_2348 = arith.constant 9 : i32
      %get3A_2349 = arith.constant 0 : i32
      %get3A_2350 = arith.constant 0 : i32
      %get3A_2351 = tpu.memref_slice %arg7[%rem3A_170, %get3A_2349, %get3A_2350] : memref<8x96x32xf32, #tpu.memory_space<vmem>> -> memref<1x96x32xf32, #tpu.memory_space<vmem>>
      %get3A_2352 = tpu.memref_squeeze %get3A_2351 : memref<1x96x32xf32, #tpu.memory_space<vmem>> -> memref<96x32xf32, #tpu.memory_space<vmem>>
      %get3A_2353 = arith.index_cast %get3A_2348 : i32 to index
      %get3A_2354 = arith.constant 0 : index
      %get3A_2355 = tpu.vector_load %get3A_2352[%get3A_2353, %get3A_2354] {strides = array<i32>} : memref<96x32xf32, #tpu.memory_space<vmem>>, vector<1x16xf32>,
      %get3A_2356 = vector.shape_cast %get3A_2355 : vector<1x16xf32> to vector<16xf32>
      %add3A_2357 = arith.addf %add3A_2337, %get3A_2356 : vector<16xf32>
      %get3A_2358 = arith.constant 10 : i32
      %get3A_2359 = arith.constant 0 : i32
      %get3A_2360 = arith.constant 0 : i32
      %get3A_2361 = tpu.memref_slice %arg7[%rem3A_170, %get3A_2359, %get3A_2360] : memref<8x96x32xf32, #tpu.memory_space<vmem>> -> memref<1x96x32xf32, #tpu.memory_space<vmem>>
      %get3A_2362 = tpu.memref_squeeze %get3A_2361 : memref<1x96x32xf32, #tpu.memory_space<vmem>> -> memref<96x32xf32, #tpu.memory_space<vmem>>
      %get3A_2363 = arith.index_cast %get3A_2358 : i32 to index
      %get3A_2364 = arith.constant 0 : index
      %get3A_2365 = tpu.vector_load %get3A_2362[%get3A_2363, %get3A_2364] {strides = array<i32>} : memref<96x32xf32, #tpu.memory_space<vmem>>, vector<1x16xf32>,
      %get3A_2366 = vector.shape_cast %get3A_2365 : vector<1x16xf32> to vector<16xf32>
      %add3A_2367 = arith.addf %add3A_2347, %get3A_2366 : vector<16xf32>
      %get3A_2368 = arith.constant 11 : i32
      %get3A_2369 = arith.constant 0 : i32
      %get3A_2370 = arith.constant 0 : i32
      %get3A_2371 = tpu.memref_slice %arg7[%rem3A_170, %get3A_2369, %get3A_2370] : memref<8x96x32xf32, #tpu.memory_space<vmem>> -> memref<1x96x32xf32, #tpu.memory_space<vmem>>
      %get3A_2372 = tpu.memref_squeeze %get3A_2371 : memref<1x96x32xf32, #tpu.memory_space<vmem>> -> memref<96x32xf32, #tpu.memory_space<vmem>>
      %get3A_2373 = arith.index_cast %get3A_2368 : i32 to index
      %get3A_2374 = arith.constant 0 : index
      %get3A_2375 = tpu.vector_load %get3A_2372[%get3A_2373, %get3A_2374] {strides = array<i32>} : memref<96x32xf32, #tpu.memory_space<vmem>>, vector<1x16xf32>,
      %get3A_2376 = vector.shape_cast %get3A_2375 : vector<1x16xf32> to vector<16xf32>
      %add3A_2377 = arith.addf %add3A_2357, %get3A_2376 : vector<16xf32>
      %get3A_2378 = arith.constant 12 : i32
      %get3A_2379 = arith.constant 0 : i32
      %get3A_2380 = arith.constant 0 : i32
      %get3A_2381 = tpu.memref_slice %arg7[%rem3A_170, %get3A_2379, %get3A_2380] : memref<8x96x32xf32, #tpu.memory_space<vmem>> -> memref<1x96x32xf32, #tpu.memory_space<vmem>>
      %get3A_2382 = tpu.memref_squeeze %get3A_2381 : memref<1x96x32xf32, #tpu.memory_space<vmem>> -> memref<96x32xf32, #tpu.memory_space<vmem>>
      %get3A_2383 = arith.index_cast %get3A_2378 : i32 to index
      %get3A_2384 = arith.constant 0 : index
      %get3A_2385 = tpu.vector_load %get3A_2382[%get3A_2383, %get3A_2384] {strides = array<i32>} : memref<96x32xf32, #tpu.memory_space<vmem>>, vector<1x16xf32>,
      %get3A_2386 = vector.shape_cast %get3A_2385 : vector<1x16xf32> to vector<16xf32>
      %add3A_2387 = arith.addf %add3A_2367, %get3A_2386 : vector<16xf32>
      %get3A_2388 = arith.constant 13 : i32
      %get3A_2389 = arith.constant 0 : i32
      %get3A_2390 = arith.constant 0 : i32
      %get3A_2391 = tpu.memref_slice %arg7[%rem3A_170, %get3A_2389, %get3A_2390] : memref<8x96x32xf32, #tpu.memory_space<vmem>> -> memref<1x96x32xf32, #tpu.memory_space<vmem>>
      %get3A_2392 = tpu.memref_squeeze %get3A_2391 : memref<1x96x32xf32, #tpu.memory_space<vmem>> -> memref<96x32xf32, #tpu.memory_space<vmem>>
      %get3A_2393 = arith.index_cast %get3A_2388 : i32 to index
      %get3A_2394 = arith.constant 0 : index
      %get3A_2395 = tpu.vector_load %get3A_2392[%get3A_2393, %get3A_2394] {strides = array<i32>} : memref<96x32xf32, #tpu.memory_space<vmem>>, vector<1x16xf32>,
      %get3A_2396 = vector.shape_cast %get3A_2395 : vector<1x16xf32> to vector<16xf32>
      %add3A_2397 = arith.addf %add3A_2377, %get3A_2396 : vector<16xf32>
      %get3A_2398 = arith.constant 14 : i32
      %get3A_2399 = arith.constant 0 : i32
      %get3A_2400 = arith.constant 0 : i32
      %get3A_2401 = tpu.memref_slice %arg7[%rem3A_170, %get3A_2399, %get3A_2400] : memref<8x96x32xf32, #tpu.memory_space<vmem>> -> memref<1x96x32xf32, #tpu.memory_space<vmem>>
      %get3A_2402 = tpu.memref_squeeze %get3A_2401 : memref<1x96x32xf32, #tpu.memory_space<vmem>> -> memref<96x32xf32, #tpu.memory_space<vmem>>
      %get3A_2403 = arith.index_cast %get3A_2398 : i32 to index
      %get3A_2404 = arith.constant 0 : index
      %get3A_2405 = tpu.vector_load %get3A_2402[%get3A_2403, %get3A_2404] {strides = array<i32>} : memref<96x32xf32, #tpu.memory_space<vmem>>, vector<1x16xf32>,
      %get3A_2406 = vector.shape_cast %get3A_2405 : vector<1x16xf32> to vector<16xf32>
      %add3A_2407 = arith.addf %add3A_2387, %get3A_2406 : vector<16xf32>
      %get3A_2408 = arith.constant 15 : i32
      %get3A_2409 = arith.constant 0 : i32
      %get3A_2410 = arith.constant 0 : i32
      %get3A_2411 = tpu.memref_slice %arg7[%rem3A_170, %get3A_2409, %get3A_2410] : memref<8x96x32xf32, #tpu.memory_space<vmem>> -> memref<1x96x32xf32, #tpu.memory_space<vmem>>
      %get3A_2412 = tpu.memref_squeeze %get3A_2411 : memref<1x96x32xf32, #tpu.memory_space<vmem>> -> memref<96x32xf32, #tpu.memory_space<vmem>>
      %get3A_2413 = arith.index_cast %get3A_2408 : i32 to index
      %get3A_2414 = arith.constant 0 : index
      %get3A_2415 = tpu.vector_load %get3A_2412[%get3A_2413, %get3A_2414] {strides = array<i32>} : memref<96x32xf32, #tpu.memory_space<vmem>>, vector<1x16xf32>,
      %get3A_2416 = vector.shape_cast %get3A_2415 : vector<1x16xf32> to vector<16xf32>
      %add3A_2417 = arith.addf %add3A_2397, %get3A_2416 : vector<16xf32>
      %get3A_2418 = arith.constant 16 : i32
      %get3A_2419 = arith.constant 0 : i32
      %get3A_2420 = arith.constant 0 : i32
      %get3A_2421 = tpu.memref_slice %arg7[%rem3A_170, %get3A_2419, %get3A_2420] : memref<8x96x32xf32, #tpu.memory_space<vmem>> -> memref<1x96x32xf32, #tpu.memory_space<vmem>>
      %get3A_2422 = tpu.memref_squeeze %get3A_2421 : memref<1x96x32xf32, #tpu.memory_space<vmem>> -> memref<96x32xf32, #tpu.memory_space<vmem>>
      %get3A_2423 = arith.index_cast %get3A_2418 : i32 to index
      %get3A_2424 = arith.constant 0 : index
      %get3A_2425 = tpu.vector_load %get3A_2422[%get3A_2423, %get3A_2424] {strides = array<i32>} : memref<96x32xf32, #tpu.memory_space<vmem>>, vector<1x16xf32>,
      %get3A_2426 = vector.shape_cast %get3A_2425 : vector<1x16xf32> to vector<16xf32>
      %add3A_2427 = arith.addf %add3A_2407, %get3A_2426 : vector<16xf32>
      %get3A_2428 = arith.constant 17 : i32
      %get3A_2429 = arith.constant 0 : i32
      %get3A_2430 = arith.constant 0 : i32
      %get3A_2431 = tpu.memref_slice %arg7[%rem3A_170, %get3A_2429, %get3A_2430] : memref<8x96x32xf32, #tpu.memory_space<vmem>> -> memref<1x96x32xf32, #tpu.memory_space<vmem>>
      %get3A_2432 = tpu.memref_squeeze %get3A_2431 : memref<1x96x32xf32, #tpu.memory_space<vmem>> -> memref<96x32xf32, #tpu.memory_space<vmem>>
      %get3A_2433 = arith.index_cast %get3A_2428 : i32 to index
      %get3A_2434 = arith.constant 0 : index
      %get3A_2435 = tpu.vector_load %get3A_2432[%get3A_2433, %get3A_2434] {strides = array<i32>} : memref<96x32xf32, #tpu.memory_space<vmem>>, vector<1x16xf32>,
      %get3A_2436 = vector.shape_cast %get3A_2435 : vector<1x16xf32> to vector<16xf32>
      %add3A_2437 = arith.addf %add3A_2417, %get3A_2436 : vector<16xf32>
      %get3A_2438 = arith.constant 18 : i32
      %get3A_2439 = arith.constant 0 : i32
      %get3A_2440 = arith.constant 0 : i32
      %get3A_2441 = tpu.memref_slice %arg7[%rem3A_170, %get3A_2439, %get3A_2440] : memref<8x96x32xf32, #tpu.memory_space<vmem>> -> memref<1x96x32xf32, #tpu.memory_space<vmem>>
      %get3A_2442 = tpu.memref_squeeze %get3A_2441 : memref<1x96x32xf32, #tpu.memory_space<vmem>> -> memref<96x32xf32, #tpu.memory_space<vmem>>
      %get3A_2443 = arith.index_cast %get3A_2438 : i32 to index
      %get3A_2444 = arith.constant 0 : index
      %get3A_2445 = tpu.vector_load %get3A_2442[%get3A_2443, %get3A_2444] {strides = array<i32>} : memref<96x32xf32, #tpu.memory_space<vmem>>, vector<1x16xf32>,
      %get3A_2446 = vector.shape_cast %get3A_2445 : vector<1x16xf32> to vector<16xf32>
      %add3A_2447 = arith.addf %add3A_2427, %get3A_2446 : vector<16xf32>
      %get3A_2448 = arith.constant 19 : i32
      %get3A_2449 = arith.constant 0 : i32
      %get3A_2450 = arith.constant 0 : i32
      %get3A_2451 = tpu.memref_slice %arg7[%rem3A_170, %get3A_2449, %get3A_2450] : memref<8x96x32xf32, #tpu.memory_space<vmem>> -> memref<1x96x32xf32, #tpu.memory_space<vmem>>
      %get3A_2452 = tpu.memref_squeeze %get3A_2451 : memref<1x96x32xf32, #tpu.memory_space<vmem>> -> memref<96x32xf32, #tpu.memory_space<vmem>>
      %get3A_2453 = arith.index_cast %get3A_2448 : i32 to index
      %get3A_2454 = arith.constant 0 : index
      %get3A_2455 = tpu.vector_load %get3A_2452[%get3A_2453, %get3A_2454] {strides = array<i32>} : memref<96x32xf32, #tpu.memory_space<vmem>>, vector<1x16xf32>,
      %get3A_2456 = vector.shape_cast %get3A_2455 : vector<1x16xf32> to vector<16xf32>
      %add3A_2457 = arith.addf %add3A_2437, %get3A_2456 : vector<16xf32>
      %get3A_2458 = arith.constant 20 : i32
      %get3A_2459 = arith.constant 0 : i32
      %get3A_2460 = arith.constant 0 : i32
      %get3A_2461 = tpu.memref_slice %arg7[%rem3A_170, %get3A_2459, %get3A_2460] : memref<8x96x32xf32, #tpu.memory_space<vmem>> -> memref<1x96x32xf32, #tpu.memory_space<vmem>>
      %get3A_2462 = tpu.memref_squeeze %get3A_2461 : memref<1x96x32xf32, #tpu.memory_space<vmem>> -> memref<96x32xf32, #tpu.memory_space<vmem>>
      %get3A_2463 = arith.index_cast %get3A_2458 : i32 to index
      %get3A_2464 = arith.constant 0 : index
      %get3A_2465 = tpu.vector_load %get3A_2462[%get3A_2463, %get3A_2464] {strides = array<i32>} : memref<96x32xf32, #tpu.memory_space<vmem>>, vector<1x16xf32>,
      %get3A_2466 = vector.shape_cast %get3A_2465 : vector<1x16xf32> to vector<16xf32>
      %add3A_2467 = arith.addf %add3A_2447, %get3A_2466 : vector<16xf32>
      %get3A_2468 = arith.constant 21 : i32
      %get3A_2469 = arith.constant 0 : i32
      %get3A_2470 = arith.constant 0 : i32
      %get3A_2471 = tpu.memref_slice %arg7[%rem3A_170, %get3A_2469, %get3A_2470] : memref<8x96x32xf32, #tpu.memory_space<vmem>> -> memref<1x96x32xf32, #tpu.memory_space<vmem>>
      %get3A_2472 = tpu.memref_squeeze %get3A_2471 : memref<1x96x32xf32, #tpu.memory_space<vmem>> -> memref<96x32xf32, #tpu.memory_space<vmem>>
      %get3A_2473 = arith.index_cast %get3A_2468 : i32 to index
      %get3A_2474 = arith.constant 0 : index
      %get3A_2475 = tpu.vector_load %get3A_2472[%get3A_2473, %get3A_2474] {strides = array<i32>} : memref<96x32xf32, #tpu.memory_space<vmem>>, vector<1x16xf32>,
      %get3A_2476 = vector.shape_cast %get3A_2475 : vector<1x16xf32> to vector<16xf32>
      %add3A_2477 = arith.addf %add3A_2457, %get3A_2476 : vector<16xf32>
      %get3A_2478 = arith.constant 22 : i32
      %get3A_2479 = arith.constant 0 : i32
      %get3A_2480 = arith.constant 0 : i32
      %get3A_2481 = tpu.memref_slice %arg7[%rem3A_170, %get3A_2479, %get3A_2480] : memref<8x96x32xf32, #tpu.memory_space<vmem>> -> memref<1x96x32xf32, #tpu.memory_space<vmem>>
      %get3A_2482 = tpu.memref_squeeze %get3A_2481 : memref<1x96x32xf32, #tpu.memory_space<vmem>> -> memref<96x32xf32, #tpu.memory_space<vmem>>
      %get3A_2483 = arith.index_cast %get3A_2478 : i32 to index
      %get3A_2484 = arith.constant 0 : index
      %get3A_2485 = tpu.vector_load %get3A_2482[%get3A_2483, %get3A_2484] {strides = array<i32>} : memref<96x32xf32, #tpu.memory_space<vmem>>, vector<1x16xf32>,
      %get3A_2486 = vector.shape_cast %get3A_2485 : vector<1x16xf32> to vector<16xf32>
      %add3A_2487 = arith.addf %add3A_2467, %get3A_2486 : vector<16xf32>
      %get3A_2488 = arith.constant 23 : i32
      %get3A_2489 = arith.constant 0 : i32
      %get3A_2490 = arith.constant 0 : i32
      %get3A_2491 = tpu.memref_slice %arg7[%rem3A_170, %get3A_2489, %get3A_2490] : memref<8x96x32xf32, #tpu.memory_space<vmem>> -> memref<1x96x32xf32, #tpu.memory_space<vmem>>
      %get3A_2492 = tpu.memref_squeeze %get3A_2491 : memref<1x96x32xf32, #tpu.memory_space<vmem>> -> memref<96x32xf32, #tpu.memory_space<vmem>>
      %get3A_2493 = arith.index_cast %get3A_2488 : i32 to index
      %get3A_2494 = arith.constant 0 : index
      %get3A_2495 = tpu.vector_load %get3A_2492[%get3A_2493, %get3A_2494] {strides = array<i32>} : memref<96x32xf32, #tpu.memory_space<vmem>>, vector<1x16xf32>,
      %get3A_2496 = vector.shape_cast %get3A_2495 : vector<1x16xf32> to vector<16xf32>
      %add3A_2497 = arith.addf %add3A_2477, %get3A_2496 : vector<16xf32>
      %get3A_2498 = arith.constant 24 : i32
      %get3A_2499 = arith.constant 0 : i32
      %get3A_2500 = arith.constant 0 : i32
      %get3A_2501 = tpu.memref_slice %arg7[%rem3A_170, %get3A_2499, %get3A_2500] : memref<8x96x32xf32, #tpu.memory_space<vmem>> -> memref<1x96x32xf32, #tpu.memory_space<vmem>>
      %get3A_2502 = tpu.memref_squeeze %get3A_2501 : memref<1x96x32xf32, #tpu.memory_space<vmem>> -> memref<96x32xf32, #tpu.memory_space<vmem>>
      %get3A_2503 = arith.index_cast %get3A_2498 : i32 to index
      %get3A_2504 = arith.constant 0 : index
      %get3A_2505 = tpu.vector_load %get3A_2502[%get3A_2503, %get3A_2504] {strides = array<i32>} : memref<96x32xf32, #tpu.memory_space<vmem>>, vector<1x16xf32>,
      %get3A_2506 = vector.shape_cast %get3A_2505 : vector<1x16xf32> to vector<16xf32>
      %add3A_2507 = arith.addf %add3A_2487, %get3A_2506 : vector<16xf32>
      %get3A_2508 = arith.constant 25 : i32
      %get3A_2509 = arith.constant 0 : i32
      %get3A_2510 = arith.constant 0 : i32
      %get3A_2511 = tpu.memref_slice %arg7[%rem3A_170, %get3A_2509, %get3A_2510] : memref<8x96x32xf32, #tpu.memory_space<vmem>> -> memref<1x96x32xf32, #tpu.memory_space<vmem>>
      %get3A_2512 = tpu.memref_squeeze %get3A_2511 : memref<1x96x32xf32, #tpu.memory_space<vmem>> -> memref<96x32xf32, #tpu.memory_space<vmem>>
      %get3A_2513 = arith.index_cast %get3A_2508 : i32 to index
      %get3A_2514 = arith.constant 0 : index
      %get3A_2515 = tpu.vector_load %get3A_2512[%get3A_2513, %get3A_2514] {strides = array<i32>} : memref<96x32xf32, #tpu.memory_space<vmem>>, vector<1x16xf32>,
      %get3A_2516 = vector.shape_cast %get3A_2515 : vector<1x16xf32> to vector<16xf32>
      %add3A_2517 = arith.addf %add3A_2497, %get3A_2516 : vector<16xf32>
      %get3A_2518 = arith.constant 26 : i32
      %get3A_2519 = arith.constant 0 : i32
      %get3A_2520 = arith.constant 0 : i32
      %get3A_2521 = tpu.memref_slice %arg7[%rem3A_170, %get3A_2519, %get3A_2520] : memref<8x96x32xf32, #tpu.memory_space<vmem>> -> memref<1x96x32xf32, #tpu.memory_space<vmem>>
      %get3A_2522 = tpu.memref_squeeze %get3A_2521 : memref<1x96x32xf32, #tpu.memory_space<vmem>> -> memref<96x32xf32, #tpu.memory_space<vmem>>
      %get3A_2523 = arith.index_cast %get3A_2518 : i32 to index
      %get3A_2524 = arith.constant 0 : index
      %get3A_2525 = tpu.vector_load %get3A_2522[%get3A_2523, %get3A_2524] {strides = array<i32>} : memref<96x32xf32, #tpu.memory_space<vmem>>, vector<1x16xf32>,
      %get3A_2526 = vector.shape_cast %get3A_2525 : vector<1x16xf32> to vector<16xf32>
      %add3A_2527 = arith.addf %add3A_2507, %get3A_2526 : vector<16xf32>
      %get3A_2528 = arith.constant 27 : i32
      %get3A_2529 = arith.constant 0 : i32
      %get3A_2530 = arith.constant 0 : i32
      %get3A_2531 = tpu.memref_slice %arg7[%rem3A_170, %get3A_2529, %get3A_2530] : memref<8x96x32xf32, #tpu.memory_space<vmem>> -> memref<1x96x32xf32, #tpu.memory_space<vmem>>
      %get3A_2532 = tpu.memref_squeeze %get3A_2531 : memref<1x96x32xf32, #tpu.memory_space<vmem>> -> memref<96x32xf32, #tpu.memory_space<vmem>>
      %get3A_2533 = arith.index_cast %get3A_2528 : i32 to index
      %get3A_2534 = arith.constant 0 : index
      %get3A_2535 = tpu.vector_load %get3A_2532[%get3A_2533, %get3A_2534] {strides = array<i32>} : memref<96x32xf32, #tpu.memory_space<vmem>>, vector<1x16xf32>,
      %get3A_2536 = vector.shape_cast %get3A_2535 : vector<1x16xf32> to vector<16xf32>
      %add3A_2537 = arith.addf %add3A_2517, %get3A_2536 : vector<16xf32>
      %get3A_2538 = arith.constant 28 : i32
      %get3A_2539 = arith.constant 0 : i32
      %get3A_2540 = arith.constant 0 : i32
      %get3A_2541 = tpu.memref_slice %arg7[%rem3A_170, %get3A_2539, %get3A_2540] : memref<8x96x32xf32, #tpu.memory_space<vmem>> -> memref<1x96x32xf32, #tpu.memory_space<vmem>>
      %get3A_2542 = tpu.memref_squeeze %get3A_2541 : memref<1x96x32xf32, #tpu.memory_space<vmem>> -> memref<96x32xf32, #tpu.memory_space<vmem>>
      %get3A_2543 = arith.index_cast %get3A_2538 : i32 to index
      %get3A_2544 = arith.constant 0 : index
      %get3A_2545 = tpu.vector_load %get3A_2542[%get3A_2543, %get3A_2544] {strides = array<i32>} : memref<96x32xf32, #tpu.memory_space<vmem>>, vector<1x16xf32>,
      %get3A_2546 = vector.shape_cast %get3A_2545 : vector<1x16xf32> to vector<16xf32>
      %add3A_2547 = arith.addf %add3A_2527, %get3A_2546 : vector<16xf32>
      %get3A_2548 = arith.constant 29 : i32
      %get3A_2549 = arith.constant 0 : i32
      %get3A_2550 = arith.constant 0 : i32
      %get3A_2551 = tpu.memref_slice %arg7[%rem3A_170, %get3A_2549, %get3A_2550] : memref<8x96x32xf32, #tpu.memory_space<vmem>> -> memref<1x96x32xf32, #tpu.memory_space<vmem>>
      %get3A_2552 = tpu.memref_squeeze %get3A_2551 : memref<1x96x32xf32, #tpu.memory_space<vmem>> -> memref<96x32xf32, #tpu.memory_space<vmem>>
      %get3A_2553 = arith.index_cast %get3A_2548 : i32 to index
      %get3A_2554 = arith.constant 0 : index
      %get3A_2555 = tpu.vector_load %get3A_2552[%get3A_2553, %get3A_2554] {strides = array<i32>} : memref<96x32xf32, #tpu.memory_space<vmem>>, vector<1x16xf32>,
      %get3A_2556 = vector.shape_cast %get3A_2555 : vector<1x16xf32> to vector<16xf32>
      %add3A_2557 = arith.addf %add3A_2537, %get3A_2556 : vector<16xf32>
      %get3A_2558 = arith.constant 30 : i32
      %get3A_2559 = arith.constant 0 : i32
      %get3A_2560 = arith.constant 0 : i32
      %get3A_2561 = tpu.memref_slice %arg7[%rem3A_170, %get3A_2559, %get3A_2560] : memref<8x96x32xf32, #tpu.memory_space<vmem>> -> memref<1x96x32xf32, #tpu.memory_space<vmem>>
      %get3A_2562 = tpu.memref_squeeze %get3A_2561 : memref<1x96x32xf32, #tpu.memory_space<vmem>> -> memref<96x32xf32, #tpu.memory_space<vmem>>
      %get3A_2563 = arith.index_cast %get3A_2558 : i32 to index
      %get3A_2564 = arith.constant 0 : index
      %get3A_2565 = tpu.vector_load %get3A_2562[%get3A_2563, %get3A_2564] {strides = array<i32>} : memref<96x32xf32, #tpu.memory_space<vmem>>, vector<1x16xf32>,
      %get3A_2566 = vector.shape_cast %get3A_2565 : vector<1x16xf32> to vector<16xf32>
      %add3A_2567 = arith.addf %add3A_2547, %get3A_2566 : vector<16xf32>
      %get3A_2568 = arith.constant 31 : i32
      %get3A_2569 = arith.constant 0 : i32
      %get3A_2570 = arith.constant 0 : i32
      %get3A_2571 = tpu.memref_slice %arg7[%rem3A_170, %get3A_2569, %get3A_2570] : memref<8x96x32xf32, #tpu.memory_space<vmem>> -> memref<1x96x32xf32, #tpu.memory_space<vmem>>
      %get3A_2572 = tpu.memref_squeeze %get3A_2571 : memref<1x96x32xf32, #tpu.memory_space<vmem>> -> memref<96x32xf32, #tpu.memory_space<vmem>>
      %get3A_2573 = arith.index_cast %get3A_2568 : i32 to index
      %get3A_2574 = arith.constant 0 : index
      %get3A_2575 = tpu.vector_load %get3A_2572[%get3A_2573, %get3A_2574] {strides = array<i32>} : memref<96x32xf32, #tpu.memory_space<vmem>>, vector<1x16xf32>,
      %get3A_2576 = vector.shape_cast %get3A_2575 : vector<1x16xf32> to vector<16xf32>
      %add3A_2577 = arith.addf %add3A_2557, %get3A_2576 : vector<16xf32>
      %get3A_2578 = arith.constant 32 : i32
      %get3A_2579 = arith.constant 0 : i32
      %get3A_2580 = arith.constant 0 : i32
      %get3A_2581 = tpu.memref_slice %arg7[%rem3A_170, %get3A_2579, %get3A_2580] : memref<8x96x32xf32, #tpu.memory_space<vmem>> -> memref<1x96x32xf32, #tpu.memory_space<vmem>>
      %get3A_2582 = tpu.memref_squeeze %get3A_2581 : memref<1x96x32xf32, #tpu.memory_space<vmem>> -> memref<96x32xf32, #tpu.memory_space<vmem>>
      %get3A_2583 = arith.index_cast %get3A_2578 : i32 to index
      %get3A_2584 = arith.constant 0 : index
      %get3A_2585 = tpu.vector_load %get3A_2582[%get3A_2583, %get3A_2584] {strides = array<i32>} : memref<96x32xf32, #tpu.memory_space<vmem>>, vector<1x16xf32>,
      %get3A_2586 = vector.shape_cast %get3A_2585 : vector<1x16xf32> to vector<16xf32>
      %add3A_2587 = arith.addf %add3A_2567, %get3A_2586 : vector<16xf32>
      %get3A_2588 = arith.constant 33 : i32
      %get3A_2589 = arith.constant 0 : i32
      %get3A_2590 = arith.constant 0 : i32
      %get3A_2591 = tpu.memref_slice %arg7[%rem3A_170, %get3A_2589, %get3A_2590] : memref<8x96x32xf32, #tpu.memory_space<vmem>> -> memref<1x96x32xf32, #tpu.memory_space<vmem>>
      %get3A_2592 = tpu.memref_squeeze %get3A_2591 : memref<1x96x32xf32, #tpu.memory_space<vmem>> -> memref<96x32xf32, #tpu.memory_space<vmem>>
      %get3A_2593 = arith.index_cast %get3A_2588 : i32 to index
      %get3A_2594 = arith.constant 0 : index
      %get3A_2595 = tpu.vector_load %get3A_2592[%get3A_2593, %get3A_2594] {strides = array<i32>} : memref<96x32xf32, #tpu.memory_space<vmem>>, vector<1x16xf32>,
      %get3A_2596 = vector.shape_cast %get3A_2595 : vector<1x16xf32> to vector<16xf32>
      %add3A_2597 = arith.addf %add3A_2577, %get3A_2596 : vector<16xf32>
      %get3A_2598 = arith.constant 34 : i32
      %get3A_2599 = arith.constant 0 : i32
      %get3A_2600 = arith.constant 0 : i32
      %get3A_2601 = tpu.memref_slice %arg7[%rem3A_170, %get3A_2599, %get3A_2600] : memref<8x96x32xf32, #tpu.memory_space<vmem>> -> memref<1x96x32xf32, #tpu.memory_space<vmem>>
      %get3A_2602 = tpu.memref_squeeze %get3A_2601 : memref<1x96x32xf32, #tpu.memory_space<vmem>> -> memref<96x32xf32, #tpu.memory_space<vmem>>
      %get3A_2603 = arith.index_cast %get3A_2598 : i32 to index
      %get3A_2604 = arith.constant 0 : index
      %get3A_2605 = tpu.vector_load %get3A_2602[%get3A_2603, %get3A_2604] {strides = array<i32>} : memref<96x32xf32, #tpu.memory_space<vmem>>, vector<1x16xf32>,
      %get3A_2606 = vector.shape_cast %get3A_2605 : vector<1x16xf32> to vector<16xf32>
      %add3A_2607 = arith.addf %add3A_2587, %get3A_2606 : vector<16xf32>
      %get3A_2608 = arith.constant 35 : i32
      %get3A_2609 = arith.constant 0 : i32
      %get3A_2610 = arith.constant 0 : i32
      %get3A_2611 = tpu.memref_slice %arg7[%rem3A_170, %get3A_2609, %get3A_2610] : memref<8x96x32xf32, #tpu.memory_space<vmem>> -> memref<1x96x32xf32, #tpu.memory_space<vmem>>
      %get3A_2612 = tpu.memref_squeeze %get3A_2611 : memref<1x96x32xf32, #tpu.memory_space<vmem>> -> memref<96x32xf32, #tpu.memory_space<vmem>>
      %get3A_2613 = arith.index_cast %get3A_2608 : i32 to index
      %get3A_2614 = arith.constant 0 : index
      %get3A_2615 = tpu.vector_load %get3A_2612[%get3A_2613, %get3A_2614] {strides = array<i32>} : memref<96x32xf32, #tpu.memory_space<vmem>>, vector<1x16xf32>,
      %get3A_2616 = vector.shape_cast %get3A_2615 : vector<1x16xf32> to vector<16xf32>
      %add3A_2617 = arith.addf %add3A_2597, %get3A_2616 : vector<16xf32>
      %get3A_2618 = arith.constant 36 : i32
      %get3A_2619 = arith.constant 0 : i32
      %get3A_2620 = arith.constant 0 : i32
      %get3A_2621 = tpu.memref_slice %arg7[%rem3A_170, %get3A_2619, %get3A_2620] : memref<8x96x32xf32, #tpu.memory_space<vmem>> -> memref<1x96x32xf32, #tpu.memory_space<vmem>>
      %get3A_2622 = tpu.memref_squeeze %get3A_2621 : memref<1x96x32xf32, #tpu.memory_space<vmem>> -> memref<96x32xf32, #tpu.memory_space<vmem>>
      %get3A_2623 = arith.index_cast %get3A_2618 : i32 to index
      %get3A_2624 = arith.constant 0 : index
      %get3A_2625 = tpu.vector_load %get3A_2622[%get3A_2623, %get3A_2624] {strides = array<i32>} : memref<96x32xf32, #tpu.memory_space<vmem>>, vector<1x16xf32>,
      %get3A_2626 = vector.shape_cast %get3A_2625 : vector<1x16xf32> to vector<16xf32>
      %add3A_2627 = arith.addf %add3A_2607, %get3A_2626 : vector<16xf32>
      %get3A_2628 = arith.constant 37 : i32
      %get3A_2629 = arith.constant 0 : i32
      %get3A_2630 = arith.constant 0 : i32
      %get3A_2631 = tpu.memref_slice %arg7[%rem3A_170, %get3A_2629, %get3A_2630] : memref<8x96x32xf32, #tpu.memory_space<vmem>> -> memref<1x96x32xf32, #tpu.memory_space<vmem>>
      %get3A_2632 = tpu.memref_squeeze %get3A_2631 : memref<1x96x32xf32, #tpu.memory_space<vmem>> -> memref<96x32xf32, #tpu.memory_space<vmem>>
      %get3A_2633 = arith.index_cast %get3A_2628 : i32 to index
      %get3A_2634 = arith.constant 0 : index
      %get3A_2635 = tpu.vector_load %get3A_2632[%get3A_2633, %get3A_2634] {strides = array<i32>} : memref<96x32xf32, #tpu.memory_space<vmem>>, vector<1x16xf32>,
      %get3A_2636 = vector.shape_cast %get3A_2635 : vector<1x16xf32> to vector<16xf32>
      %add3A_2637 = arith.addf %add3A_2617, %get3A_2636 : vector<16xf32>
      %get3A_2638 = arith.constant 38 : i32
      %get3A_2639 = arith.constant 0 : i32
      %get3A_2640 = arith.constant 0 : i32
      %get3A_2641 = tpu.memref_slice %arg7[%rem3A_170, %get3A_2639, %get3A_2640] : memref<8x96x32xf32, #tpu.memory_space<vmem>> -> memref<1x96x32xf32, #tpu.memory_space<vmem>>
      %get3A_2642 = tpu.memref_squeeze %get3A_2641 : memref<1x96x32xf32, #tpu.memory_space<vmem>> -> memref<96x32xf32, #tpu.memory_space<vmem>>
      %get3A_2643 = arith.index_cast %get3A_2638 : i32 to index
      %get3A_2644 = arith.constant 0 : index
      %get3A_2645 = tpu.vector_load %get3A_2642[%get3A_2643, %get3A_2644] {strides = array<i32>} : memref<96x32xf32, #tpu.memory_space<vmem>>, vector<1x16xf32>,
      %get3A_2646 = vector.shape_cast %get3A_2645 : vector<1x16xf32> to vector<16xf32>
      %add3A_2647 = arith.addf %add3A_2627, %get3A_2646 : vector<16xf32>
      %get3A_2648 = arith.constant 39 : i32
      %get3A_2649 = arith.constant 0 : i32
      %get3A_2650 = arith.constant 0 : i32
      %get3A_2651 = tpu.memref_slice %arg7[%rem3A_170, %get3A_2649, %get3A_2650] : memref<8x96x32xf32, #tpu.memory_space<vmem>> -> memref<1x96x32xf32, #tpu.memory_space<vmem>>
      %get3A_2652 = tpu.memref_squeeze %get3A_2651 : memref<1x96x32xf32, #tpu.memory_space<vmem>> -> memref<96x32xf32, #tpu.memory_space<vmem>>
      %get3A_2653 = arith.index_cast %get3A_2648 : i32 to index
      %get3A_2654 = arith.constant 0 : index
      %get3A_2655 = tpu.vector_load %get3A_2652[%get3A_2653, %get3A_2654] {strides = array<i32>} : memref<96x32xf32, #tpu.memory_space<vmem>>, vector<1x16xf32>,
      %get3A_2656 = vector.shape_cast %get3A_2655 : vector<1x16xf32> to vector<16xf32>
      %add3A_2657 = arith.addf %add3A_2637, %get3A_2656 : vector<16xf32>
      %get3A_2658 = arith.constant 40 : i32
      %get3A_2659 = arith.constant 0 : i32
      %get3A_2660 = arith.constant 0 : i32
      %get3A_2661 = tpu.memref_slice %arg7[%rem3A_170, %get3A_2659, %get3A_2660] : memref<8x96x32xf32, #tpu.memory_space<vmem>> -> memref<1x96x32xf32, #tpu.memory_space<vmem>>
      %get3A_2662 = tpu.memref_squeeze %get3A_2661 : memref<1x96x32xf32, #tpu.memory_space<vmem>> -> memref<96x32xf32, #tpu.memory_space<vmem>>
      %get3A_2663 = arith.index_cast %get3A_2658 : i32 to index
      %get3A_2664 = arith.constant 0 : index
      %get3A_2665 = tpu.vector_load %get3A_2662[%get3A_2663, %get3A_2664] {strides = array<i32>} : memref<96x32xf32, #tpu.memory_space<vmem>>, vector<1x16xf32>,
      %get3A_2666 = vector.shape_cast %get3A_2665 : vector<1x16xf32> to vector<16xf32>
      %add3A_2667 = arith.addf %add3A_2647, %get3A_2666 : vector<16xf32>
      %get3A_2668 = arith.constant 41 : i32
      %get3A_2669 = arith.constant 0 : i32
      %get3A_2670 = arith.constant 0 : i32
      %get3A_2671 = tpu.memref_slice %arg7[%rem3A_170, %get3A_2669, %get3A_2670] : memref<8x96x32xf32, #tpu.memory_space<vmem>> -> memref<1x96x32xf32, #tpu.memory_space<vmem>>
      %get3A_2672 = tpu.memref_squeeze %get3A_2671 : memref<1x96x32xf32, #tpu.memory_space<vmem>> -> memref<96x32xf32, #tpu.memory_space<vmem>>
      %get3A_2673 = arith.index_cast %get3A_2668 : i32 to index
      %get3A_2674 = arith.constant 0 : index
      %get3A_2675 = tpu.vector_load %get3A_2672[%get3A_2673, %get3A_2674] {strides = array<i32>} : memref<96x32xf32, #tpu.memory_space<vmem>>, vector<1x16xf32>,
      %get3A_2676 = vector.shape_cast %get3A_2675 : vector<1x16xf32> to vector<16xf32>
      %add3A_2677 = arith.addf %add3A_2657, %get3A_2676 : vector<16xf32>
      %get3A_2678 = arith.constant 42 : i32
      %get3A_2679 = arith.constant 0 : i32
      %get3A_2680 = arith.constant 0 : i32
      %get3A_2681 = tpu.memref_slice %arg7[%rem3A_170, %get3A_2679, %get3A_2680] : memref<8x96x32xf32, #tpu.memory_space<vmem>> -> memref<1x96x32xf32, #tpu.memory_space<vmem>>
      %get3A_2682 = tpu.memref_squeeze %get3A_2681 : memref<1x96x32xf32, #tpu.memory_space<vmem>> -> memref<96x32xf32, #tpu.memory_space<vmem>>
      %get3A_2683 = arith.index_cast %get3A_2678 : i32 to index
      %get3A_2684 = arith.constant 0 : index
      %get3A_2685 = tpu.vector_load %get3A_2682[%get3A_2683, %get3A_2684] {strides = array<i32>} : memref<96x32xf32, #tpu.memory_space<vmem>>, vector<1x16xf32>,
      %get3A_2686 = vector.shape_cast %get3A_2685 : vector<1x16xf32> to vector<16xf32>
      %add3A_2687 = arith.addf %add3A_2667, %get3A_2686 : vector<16xf32>
      %get3A_2688 = arith.constant 43 : i32
      %get3A_2689 = arith.constant 0 : i32
      %get3A_2690 = arith.constant 0 : i32
      %get3A_2691 = tpu.memref_slice %arg7[%rem3A_170, %get3A_2689, %get3A_2690] : memref<8x96x32xf32, #tpu.memory_space<vmem>> -> memref<1x96x32xf32, #tpu.memory_space<vmem>>
      %get3A_2692 = tpu.memref_squeeze %get3A_2691 : memref<1x96x32xf32, #tpu.memory_space<vmem>> -> memref<96x32xf32, #tpu.memory_space<vmem>>
      %get3A_2693 = arith.index_cast %get3A_2688 : i32 to index
      %get3A_2694 = arith.constant 0 : index
      %get3A_2695 = tpu.vector_load %get3A_2692[%get3A_2693, %get3A_2694] {strides = array<i32>} : memref<96x32xf32, #tpu.memory_space<vmem>>, vector<1x16xf32>,
      %get3A_2696 = vector.shape_cast %get3A_2695 : vector<1x16xf32> to vector<16xf32>
      %add3A_2697 = arith.addf %add3A_2677, %get3A_2696 : vector<16xf32>
      %get3A_2698 = arith.constant 44 : i32
      %get3A_2699 = arith.constant 0 : i32
      %get3A_2700 = arith.constant 0 : i32
      %get3A_2701 = tpu.memref_slice %arg7[%rem3A_170, %get3A_2699, %get3A_2700] : memref<8x96x32xf32, #tpu.memory_space<vmem>> -> memref<1x96x32xf32, #tpu.memory_space<vmem>>
      %get3A_2702 = tpu.memref_squeeze %get3A_2701 : memref<1x96x32xf32, #tpu.memory_space<vmem>> -> memref<96x32xf32, #tpu.memory_space<vmem>>
      %get3A_2703 = arith.index_cast %get3A_2698 : i32 to index
      %get3A_2704 = arith.constant 0 : index
      %get3A_2705 = tpu.vector_load %get3A_2702[%get3A_2703, %get3A_2704] {strides = array<i32>} : memref<96x32xf32, #tpu.memory_space<vmem>>, vector<1x16xf32>,
      %get3A_2706 = vector.shape_cast %get3A_2705 : vector<1x16xf32> to vector<16xf32>
      %add3A_2707 = arith.addf %add3A_2687, %get3A_2706 : vector<16xf32>
      %get3A_2708 = arith.constant 45 : i32
      %get3A_2709 = arith.constant 0 : i32
      %get3A_2710 = arith.constant 0 : i32
      %get3A_2711 = tpu.memref_slice %arg7[%rem3A_170, %get3A_2709, %get3A_2710] : memref<8x96x32xf32, #tpu.memory_space<vmem>> -> memref<1x96x32xf32, #tpu.memory_space<vmem>>
      %get3A_2712 = tpu.memref_squeeze %get3A_2711 : memref<1x96x32xf32, #tpu.memory_space<vmem>> -> memref<96x32xf32, #tpu.memory_space<vmem>>
      %get3A_2713 = arith.index_cast %get3A_2708 : i32 to index
      %get3A_2714 = arith.constant 0 : index
      %get3A_2715 = tpu.vector_load %get3A_2712[%get3A_2713, %get3A_2714] {strides = array<i32>} : memref<96x32xf32, #tpu.memory_space<vmem>>, vector<1x16xf32>,
      %get3A_2716 = vector.shape_cast %get3A_2715 : vector<1x16xf32> to vector<16xf32>
      %add3A_2717 = arith.addf %add3A_2697, %get3A_2716 : vector<16xf32>
      %add3A_2718 = arith.addf %add3A_2707, %add3A_2717 : vector<16xf32>
      %mul3A_2719 = arith.constant 4 : i32
      %mul3A_2720 = arith.muli %scan3A_169, %mul3A_2719 : i32
      %add3A_2721 = arith.constant 2 : i32
      %add3A_2722 = arith.addi %mul3A_2720, %add3A_2721 : i32
      %swap3A_2723 = arith.index_cast %add3A_2722 : i32 to index
      %swap3A_2724 = arith.constant 0 : index
      %swap3A_2725 = tpu.vector_load %arg8[%swap3A_2723, %swap3A_2724] {strides = array<i32>} : memref<512x32xf32, #tpu.memory_space<vmem>>, vector<1x16xf32>,
      %swap3A_2726 = vector.shape_cast %swap3A_2725 : vector<1x16xf32> to vector<16xf32>
      %swap3A_2727 = vector.shape_cast %add3A_2718 : vector<16xf32> to vector<1x16xf32>
      tpu.vector_store %arg8[%swap3A_2723, %swap3A_2724], %swap3A_2727 {strides = array<i32>} : memref<512x32xf32, #tpu.memory_space<vmem>>, vector<1x16xf32>,
      %get3A_2728 = arith.constant 100 : i32
      %get3A_2729 = arith.constant 0 : i32
      %get3A_2730 = arith.constant 0 : i32
      %get3A_2731 = tpu.memref_slice %arg6[%rem3A_170, %get3A_2729, %get3A_2730] : memref<8x104x32xf32, #tpu.memory_space<vmem>> -> memref<1x104x32xf32, #tpu.memory_space<vmem>>
      %get3A_2732 = tpu.memref_squeeze %get3A_2731 : memref<1x104x32xf32, #tpu.memory_space<vmem>> -> memref<104x32xf32, #tpu.memory_space<vmem>>
      %get3A_2733 = arith.index_cast %get3A_2728 : i32 to index
      %get3A_2734 = arith.constant 16 : index
      %get3A_2735 = tpu.vector_load %get3A_2732[%get3A_2733, %get3A_2734] {strides = array<i32>} : memref<104x32xf32, #tpu.memory_space<vmem>>, vector<1x16xf32>,
      %get3A_2736 = vector.shape_cast %get3A_2735 : vector<1x16xf32> to vector<16xf32>
      %get3A_2737 = arith.constant 101 : i32
      %get3A_2738 = arith.constant 0 : i32
      %get3A_2739 = arith.constant 0 : i32
      %get3A_2740 = tpu.memref_slice %arg6[%rem3A_170, %get3A_2738, %get3A_2739] : memref<8x104x32xf32, #tpu.memory_space<vmem>> -> memref<1x104x32xf32, #tpu.memory_space<vmem>>
      %get3A_2741 = tpu.memref_squeeze %get3A_2740 : memref<1x104x32xf32, #tpu.memory_space<vmem>> -> memref<104x32xf32, #tpu.memory_space<vmem>>
      %get3A_2742 = arith.index_cast %get3A_2737 : i32 to index
      %get3A_2743 = arith.constant 16 : index
      %get3A_2744 = tpu.vector_load %get3A_2741[%get3A_2742, %get3A_2743] {strides = array<i32>} : memref<104x32xf32, #tpu.memory_space<vmem>>, vector<1x16xf32>,
      %get3A_2745 = vector.shape_cast %get3A_2744 : vector<1x16xf32> to vector<16xf32>
      %get3A_2746 = arith.constant 102 : i32
      %get3A_2747 = arith.constant 0 : i32
      %get3A_2748 = arith.constant 0 : i32
      %get3A_2749 = tpu.memref_slice %arg6[%rem3A_170, %get3A_2747, %get3A_2748] : memref<8x104x32xf32, #tpu.memory_space<vmem>> -> memref<1x104x32xf32, #tpu.memory_space<vmem>>
      %get3A_2750 = tpu.memref_squeeze %get3A_2749 : memref<1x104x32xf32, #tpu.memory_space<vmem>> -> memref<104x32xf32, #tpu.memory_space<vmem>>
      %get3A_2751 = arith.index_cast %get3A_2746 : i32 to index
      %get3A_2752 = arith.constant 16 : index
      %get3A_2753 = tpu.vector_load %get3A_2750[%get3A_2751, %get3A_2752] {strides = array<i32>} : memref<104x32xf32, #tpu.memory_space<vmem>>, vector<1x16xf32>,
      %get3A_2754 = vector.shape_cast %get3A_2753 : vector<1x16xf32> to vector<16xf32>
      %add3A_2755 = arith.addf %get3A_2736, %get3A_2754 : vector<16xf32>
      %get3A_2756 = arith.constant 103 : i32
      %get3A_2757 = arith.constant 0 : i32
      %get3A_2758 = arith.constant 0 : i32
      %get3A_2759 = tpu.memref_slice %arg6[%rem3A_170, %get3A_2757, %get3A_2758] : memref<8x104x32xf32, #tpu.memory_space<vmem>> -> memref<1x104x32xf32, #tpu.memory_space<vmem>>
      %get3A_2760 = tpu.memref_squeeze %get3A_2759 : memref<1x104x32xf32, #tpu.memory_space<vmem>> -> memref<104x32xf32, #tpu.memory_space<vmem>>
      %get3A_2761 = arith.index_cast %get3A_2756 : i32 to index
      %get3A_2762 = arith.constant 16 : index
      %get3A_2763 = tpu.vector_load %get3A_2760[%get3A_2761, %get3A_2762] {strides = array<i32>} : memref<104x32xf32, #tpu.memory_space<vmem>>, vector<1x16xf32>,
      %get3A_2764 = vector.shape_cast %get3A_2763 : vector<1x16xf32> to vector<16xf32>
      %add3A_2765 = arith.addf %get3A_2745, %get3A_2764 : vector<16xf32>
      %get3A_2766 = arith.constant 0 : i32
      %get3A_2767 = arith.constant 0 : i32
      %get3A_2768 = arith.constant 0 : i32
      %get3A_2769 = tpu.memref_slice %arg7[%rem3A_170, %get3A_2767, %get3A_2768] : memref<8x96x32xf32, #tpu.memory_space<vmem>> -> memref<1x96x32xf32, #tpu.memory_space<vmem>>
      %get3A_2770 = tpu.memref_squeeze %get3A_2769 : memref<1x96x32xf32, #tpu.memory_space<vmem>> -> memref<96x32xf32, #tpu.memory_space<vmem>>
      %get3A_2771 = arith.index_cast %get3A_2766 : i32 to index
      %get3A_2772 = arith.constant 16 : index
      %get3A_2773 = tpu.vector_load %get3A_2770[%get3A_2771, %get3A_2772] {strides = array<i32>} : memref<96x32xf32, #tpu.memory_space<vmem>>, vector<1x16xf32>,
      %get3A_2774 = vector.shape_cast %get3A_2773 : vector<1x16xf32> to vector<16xf32>
      %add3A_2775 = arith.addf %add3A_2755, %get3A_2774 : vector<16xf32>
      %get3A_2776 = arith.constant 1 : i32
      %get3A_2777 = arith.constant 0 : i32
      %get3A_2778 = arith.constant 0 : i32
      %get3A_2779 = tpu.memref_slice %arg7[%rem3A_170, %get3A_2777, %get3A_2778] : memref<8x96x32xf32, #tpu.memory_space<vmem>> -> memref<1x96x32xf32, #tpu.memory_space<vmem>>
      %get3A_2780 = tpu.memref_squeeze %get3A_2779 : memref<1x96x32xf32, #tpu.memory_space<vmem>> -> memref<96x32xf32, #tpu.memory_space<vmem>>
      %get3A_2781 = arith.index_cast %get3A_2776 : i32 to index
      %get3A_2782 = arith.constant 16 : index
      %get3A_2783 = tpu.vector_load %get3A_2780[%get3A_2781, %get3A_2782] {strides = array<i32>} : memref<96x32xf32, #tpu.memory_space<vmem>>, vector<1x16xf32>,
      %get3A_2784 = vector.shape_cast %get3A_2783 : vector<1x16xf32> to vector<16xf32>
      %add3A_2785 = arith.addf %add3A_2765, %get3A_2784 : vector<16xf32>
      %get3A_2786 = arith.constant 2 : i32
      %get3A_2787 = arith.constant 0 : i32
      %get3A_2788 = arith.constant 0 : i32
      %get3A_2789 = tpu.memref_slice %arg7[%rem3A_170, %get3A_2787, %get3A_2788] : memref<8x96x32xf32, #tpu.memory_space<vmem>> -> memref<1x96x32xf32, #tpu.memory_space<vmem>>
      %get3A_2790 = tpu.memref_squeeze %get3A_2789 : memref<1x96x32xf32, #tpu.memory_space<vmem>> -> memref<96x32xf32, #tpu.memory_space<vmem>>
      %get3A_2791 = arith.index_cast %get3A_2786 : i32 to index
      %get3A_2792 = arith.constant 16 : index
      %get3A_2793 = tpu.vector_load %get3A_2790[%get3A_2791, %get3A_2792] {strides = array<i32>} : memref<96x32xf32, #tpu.memory_space<vmem>>, vector<1x16xf32>,
      %get3A_2794 = vector.shape_cast %get3A_2793 : vector<1x16xf32> to vector<16xf32>
      %add3A_2795 = arith.addf %add3A_2775, %get3A_2794 : vector<16xf32>
      %get3A_2796 = arith.constant 3 : i32
      %get3A_2797 = arith.constant 0 : i32
      %get3A_2798 = arith.constant 0 : i32
      %get3A_2799 = tpu.memref_slice %arg7[%rem3A_170, %get3A_2797, %get3A_2798] : memref<8x96x32xf32, #tpu.memory_space<vmem>> -> memref<1x96x32xf32, #tpu.memory_space<vmem>>
      %get3A_2800 = tpu.memref_squeeze %get3A_2799 : memref<1x96x32xf32, #tpu.memory_space<vmem>> -> memref<96x32xf32, #tpu.memory_space<vmem>>
      %get3A_2801 = arith.index_cast %get3A_2796 : i32 to index
      %get3A_2802 = arith.constant 16 : index
      %get3A_2803 = tpu.vector_load %get3A_2800[%get3A_2801, %get3A_2802] {strides = array<i32>} : memref<96x32xf32, #tpu.memory_space<vmem>>, vector<1x16xf32>,
      %get3A_2804 = vector.shape_cast %get3A_2803 : vector<1x16xf32> to vector<16xf32>
      %add3A_2805 = arith.addf %add3A_2785, %get3A_2804 : vector<16xf32>
      %get3A_2806 = arith.constant 4 : i32
      %get3A_2807 = arith.constant 0 : i32
      %get3A_2808 = arith.constant 0 : i32
      %get3A_2809 = tpu.memref_slice %arg7[%rem3A_170, %get3A_2807, %get3A_2808] : memref<8x96x32xf32, #tpu.memory_space<vmem>> -> memref<1x96x32xf32, #tpu.memory_space<vmem>>
      %get3A_2810 = tpu.memref_squeeze %get3A_2809 : memref<1x96x32xf32, #tpu.memory_space<vmem>> -> memref<96x32xf32, #tpu.memory_space<vmem>>
      %get3A_2811 = arith.index_cast %get3A_2806 : i32 to index
      %get3A_2812 = arith.constant 16 : index
      %get3A_2813 = tpu.vector_load %get3A_2810[%get3A_2811, %get3A_2812] {strides = array<i32>} : memref<96x32xf32, #tpu.memory_space<vmem>>, vector<1x16xf32>,
      %get3A_2814 = vector.shape_cast %get3A_2813 : vector<1x16xf32> to vector<16xf32>
      %add3A_2815 = arith.addf %add3A_2795, %get3A_2814 : vector<16xf32>
      %get3A_2816 = arith.constant 5 : i32
      %get3A_2817 = arith.constant 0 : i32
      %get3A_2818 = arith.constant 0 : i32
      %get3A_2819 = tpu.memref_slice %arg7[%rem3A_170, %get3A_2817, %get3A_2818] : memref<8x96x32xf32, #tpu.memory_space<vmem>> -> memref<1x96x32xf32, #tpu.memory_space<vmem>>
      %get3A_2820 = tpu.memref_squeeze %get3A_2819 : memref<1x96x32xf32, #tpu.memory_space<vmem>> -> memref<96x32xf32, #tpu.memory_space<vmem>>
      %get3A_2821 = arith.index_cast %get3A_2816 : i32 to index
      %get3A_2822 = arith.constant 16 : index
      %get3A_2823 = tpu.vector_load %get3A_2820[%get3A_2821, %get3A_2822] {strides = array<i32>} : memref<96x32xf32, #tpu.memory_space<vmem>>, vector<1x16xf32>,
      %get3A_2824 = vector.shape_cast %get3A_2823 : vector<1x16xf32> to vector<16xf32>
      %add3A_2825 = arith.addf %add3A_2805, %get3A_2824 : vector<16xf32>
      %get3A_2826 = arith.constant 6 : i32
      %get3A_2827 = arith.constant 0 : i32
      %get3A_2828 = arith.constant 0 : i32
      %get3A_2829 = tpu.memref_slice %arg7[%rem3A_170, %get3A_2827, %get3A_2828] : memref<8x96x32xf32, #tpu.memory_space<vmem>> -> memref<1x96x32xf32, #tpu.memory_space<vmem>>
      %get3A_2830 = tpu.memref_squeeze %get3A_2829 : memref<1x96x32xf32, #tpu.memory_space<vmem>> -> memref<96x32xf32, #tpu.memory_space<vmem>>
      %get3A_2831 = arith.index_cast %get3A_2826 : i32 to index
      %get3A_2832 = arith.constant 16 : index
      %get3A_2833 = tpu.vector_load %get3A_2830[%get3A_2831, %get3A_2832] {strides = array<i32>} : memref<96x32xf32, #tpu.memory_space<vmem>>, vector<1x16xf32>,
      %get3A_2834 = vector.shape_cast %get3A_2833 : vector<1x16xf32> to vector<16xf32>
      %add3A_2835 = arith.addf %add3A_2815, %get3A_2834 : vector<16xf32>
      %get3A_2836 = arith.constant 7 : i32
      %get3A_2837 = arith.constant 0 : i32
      %get3A_2838 = arith.constant 0 : i32
      %get3A_2839 = tpu.memref_slice %arg7[%rem3A_170, %get3A_2837, %get3A_2838] : memref<8x96x32xf32, #tpu.memory_space<vmem>> -> memref<1x96x32xf32, #tpu.memory_space<vmem>>
      %get3A_2840 = tpu.memref_squeeze %get3A_2839 : memref<1x96x32xf32, #tpu.memory_space<vmem>> -> memref<96x32xf32, #tpu.memory_space<vmem>>
      %get3A_2841 = arith.index_cast %get3A_2836 : i32 to index
      %get3A_2842 = arith.constant 16 : index
      %get3A_2843 = tpu.vector_load %get3A_2840[%get3A_2841, %get3A_2842] {strides = array<i32>} : memref<96x32xf32, #tpu.memory_space<vmem>>, vector<1x16xf32>,
      %get3A_2844 = vector.shape_cast %get3A_2843 : vector<1x16xf32> to vector<16xf32>
      %add3A_2845 = arith.addf %add3A_2825, %get3A_2844 : vector<16xf32>
      %get3A_2846 = arith.constant 8 : i32
      %get3A_2847 = arith.constant 0 : i32
      %get3A_2848 = arith.constant 0 : i32
      %get3A_2849 = tpu.memref_slice %arg7[%rem3A_170, %get3A_2847, %get3A_2848] : memref<8x96x32xf32, #tpu.memory_space<vmem>> -> memref<1x96x32xf32, #tpu.memory_space<vmem>>
      %get3A_2850 = tpu.memref_squeeze %get3A_2849 : memref<1x96x32xf32, #tpu.memory_space<vmem>> -> memref<96x32xf32, #tpu.memory_space<vmem>>
      %get3A_2851 = arith.index_cast %get3A_2846 : i32 to index
      %get3A_2852 = arith.constant 16 : index
      %get3A_2853 = tpu.vector_load %get3A_2850[%get3A_2851, %get3A_2852] {strides = array<i32>} : memref<96x32xf32, #tpu.memory_space<vmem>>, vector<1x16xf32>,
      %get3A_2854 = vector.shape_cast %get3A_2853 : vector<1x16xf32> to vector<16xf32>
      %add3A_2855 = arith.addf %add3A_2835, %get3A_2854 : vector<16xf32>
      %get3A_2856 = arith.constant 9 : i32
      %get3A_2857 = arith.constant 0 : i32
      %get3A_2858 = arith.constant 0 : i32
      %get3A_2859 = tpu.memref_slice %arg7[%rem3A_170, %get3A_2857, %get3A_2858] : memref<8x96x32xf32, #tpu.memory_space<vmem>> -> memref<1x96x32xf32, #tpu.memory_space<vmem>>
      %get3A_2860 = tpu.memref_squeeze %get3A_2859 : memref<1x96x32xf32, #tpu.memory_space<vmem>> -> memref<96x32xf32, #tpu.memory_space<vmem>>
      %get3A_2861 = arith.index_cast %get3A_2856 : i32 to index
      %get3A_2862 = arith.constant 16 : index
      %get3A_2863 = tpu.vector_load %get3A_2860[%get3A_2861, %get3A_2862] {strides = array<i32>} : memref<96x32xf32, #tpu.memory_space<vmem>>, vector<1x16xf32>,
      %get3A_2864 = vector.shape_cast %get3A_2863 : vector<1x16xf32> to vector<16xf32>
      %add3A_2865 = arith.addf %add3A_2845, %get3A_2864 : vector<16xf32>
      %get3A_2866 = arith.constant 10 : i32
      %get3A_2867 = arith.constant 0 : i32
      %get3A_2868 = arith.constant 0 : i32
      %get3A_2869 = tpu.memref_slice %arg7[%rem3A_170, %get3A_2867, %get3A_2868] : memref<8x96x32xf32, #tpu.memory_space<vmem>> -> memref<1x96x32xf32, #tpu.memory_space<vmem>>
      %get3A_2870 = tpu.memref_squeeze %get3A_2869 : memref<1x96x32xf32, #tpu.memory_space<vmem>> -> memref<96x32xf32, #tpu.memory_space<vmem>>
      %get3A_2871 = arith.index_cast %get3A_2866 : i32 to index
      %get3A_2872 = arith.constant 16 : index
      %get3A_2873 = tpu.vector_load %get3A_2870[%get3A_2871, %get3A_2872] {strides = array<i32>} : memref<96x32xf32, #tpu.memory_space<vmem>>, vector<1x16xf32>,
      %get3A_2874 = vector.shape_cast %get3A_2873 : vector<1x16xf32> to vector<16xf32>
      %add3A_2875 = arith.addf %add3A_2855, %get3A_2874 : vector<16xf32>
      %get3A_2876 = arith.constant 11 : i32
      %get3A_2877 = arith.constant 0 : i32
      %get3A_2878 = arith.constant 0 : i32
      %get3A_2879 = tpu.memref_slice %arg7[%rem3A_170, %get3A_2877, %get3A_2878] : memref<8x96x32xf32, #tpu.memory_space<vmem>> -> memref<1x96x32xf32, #tpu.memory_space<vmem>>
      %get3A_2880 = tpu.memref_squeeze %get3A_2879 : memref<1x96x32xf32, #tpu.memory_space<vmem>> -> memref<96x32xf32, #tpu.memory_space<vmem>>
      %get3A_2881 = arith.index_cast %get3A_2876 : i32 to index
      %get3A_2882 = arith.constant 16 : index
      %get3A_2883 = tpu.vector_load %get3A_2880[%get3A_2881, %get3A_2882] {strides = array<i32>} : memref<96x32xf32, #tpu.memory_space<vmem>>, vector<1x16xf32>,
      %get3A_2884 = vector.shape_cast %get3A_2883 : vector<1x16xf32> to vector<16xf32>
      %add3A_2885 = arith.addf %add3A_2865, %get3A_2884 : vector<16xf32>
      %get3A_2886 = arith.constant 12 : i32
      %get3A_2887 = arith.constant 0 : i32
      %get3A_2888 = arith.constant 0 : i32
      %get3A_2889 = tpu.memref_slice %arg7[%rem3A_170, %get3A_2887, %get3A_2888] : memref<8x96x32xf32, #tpu.memory_space<vmem>> -> memref<1x96x32xf32, #tpu.memory_space<vmem>>
      %get3A_2890 = tpu.memref_squeeze %get3A_2889 : memref<1x96x32xf32, #tpu.memory_space<vmem>> -> memref<96x32xf32, #tpu.memory_space<vmem>>
      %get3A_2891 = arith.index_cast %get3A_2886 : i32 to index
      %get3A_2892 = arith.constant 16 : index
      %get3A_2893 = tpu.vector_load %get3A_2890[%get3A_2891, %get3A_2892] {strides = array<i32>} : memref<96x32xf32, #tpu.memory_space<vmem>>, vector<1x16xf32>,
      %get3A_2894 = vector.shape_cast %get3A_2893 : vector<1x16xf32> to vector<16xf32>
      %add3A_2895 = arith.addf %add3A_2875, %get3A_2894 : vector<16xf32>
      %get3A_2896 = arith.constant 13 : i32
      %get3A_2897 = arith.constant 0 : i32
      %get3A_2898 = arith.constant 0 : i32
      %get3A_2899 = tpu.memref_slice %arg7[%rem3A_170, %get3A_2897, %get3A_2898] : memref<8x96x32xf32, #tpu.memory_space<vmem>> -> memref<1x96x32xf32, #tpu.memory_space<vmem>>
      %get3A_2900 = tpu.memref_squeeze %get3A_2899 : memref<1x96x32xf32, #tpu.memory_space<vmem>> -> memref<96x32xf32, #tpu.memory_space<vmem>>
      %get3A_2901 = arith.index_cast %get3A_2896 : i32 to index
      %get3A_2902 = arith.constant 16 : index
      %get3A_2903 = tpu.vector_load %get3A_2900[%get3A_2901, %get3A_2902] {strides = array<i32>} : memref<96x32xf32, #tpu.memory_space<vmem>>, vector<1x16xf32>,
      %get3A_2904 = vector.shape_cast %get3A_2903 : vector<1x16xf32> to vector<16xf32>
      %add3A_2905 = arith.addf %add3A_2885, %get3A_2904 : vector<16xf32>
      %get3A_2906 = arith.constant 14 : i32
      %get3A_2907 = arith.constant 0 : i32
      %get3A_2908 = arith.constant 0 : i32
      %get3A_2909 = tpu.memref_slice %arg7[%rem3A_170, %get3A_2907, %get3A_2908] : memref<8x96x32xf32, #tpu.memory_space<vmem>> -> memref<1x96x32xf32, #tpu.memory_space<vmem>>
      %get3A_2910 = tpu.memref_squeeze %get3A_2909 : memref<1x96x32xf32, #tpu.memory_space<vmem>> -> memref<96x32xf32, #tpu.memory_space<vmem>>
      %get3A_2911 = arith.index_cast %get3A_2906 : i32 to index
      %get3A_2912 = arith.constant 16 : index
      %get3A_2913 = tpu.vector_load %get3A_2910[%get3A_2911, %get3A_2912] {strides = array<i32>} : memref<96x32xf32, #tpu.memory_space<vmem>>, vector<1x16xf32>,
      %get3A_2914 = vector.shape_cast %get3A_2913 : vector<1x16xf32> to vector<16xf32>
      %add3A_2915 = arith.addf %add3A_2895, %get3A_2914 : vector<16xf32>
      %get3A_2916 = arith.constant 15 : i32
      %get3A_2917 = arith.constant 0 : i32
      %get3A_2918 = arith.constant 0 : i32
      %get3A_2919 = tpu.memref_slice %arg7[%rem3A_170, %get3A_2917, %get3A_2918] : memref<8x96x32xf32, #tpu.memory_space<vmem>> -> memref<1x96x32xf32, #tpu.memory_space<vmem>>
      %get3A_2920 = tpu.memref_squeeze %get3A_2919 : memref<1x96x32xf32, #tpu.memory_space<vmem>> -> memref<96x32xf32, #tpu.memory_space<vmem>>
      %get3A_2921 = arith.index_cast %get3A_2916 : i32 to index
      %get3A_2922 = arith.constant 16 : index
      %get3A_2923 = tpu.vector_load %get3A_2920[%get3A_2921, %get3A_2922] {strides = array<i32>} : memref<96x32xf32, #tpu.memory_space<vmem>>, vector<1x16xf32>,
      %get3A_2924 = vector.shape_cast %get3A_2923 : vector<1x16xf32> to vector<16xf32>
      %add3A_2925 = arith.addf %add3A_2905, %get3A_2924 : vector<16xf32>
      %get3A_2926 = arith.constant 16 : i32
      %get3A_2927 = arith.constant 0 : i32
      %get3A_2928 = arith.constant 0 : i32
      %get3A_2929 = tpu.memref_slice %arg7[%rem3A_170, %get3A_2927, %get3A_2928] : memref<8x96x32xf32, #tpu.memory_space<vmem>> -> memref<1x96x32xf32, #tpu.memory_space<vmem>>
      %get3A_2930 = tpu.memref_squeeze %get3A_2929 : memref<1x96x32xf32, #tpu.memory_space<vmem>> -> memref<96x32xf32, #tpu.memory_space<vmem>>
      %get3A_2931 = arith.index_cast %get3A_2926 : i32 to index
      %get3A_2932 = arith.constant 16 : index
      %get3A_2933 = tpu.vector_load %get3A_2930[%get3A_2931, %get3A_2932] {strides = array<i32>} : memref<96x32xf32, #tpu.memory_space<vmem>>, vector<1x16xf32>,
      %get3A_2934 = vector.shape_cast %get3A_2933 : vector<1x16xf32> to vector<16xf32>
      %add3A_2935 = arith.addf %add3A_2915, %get3A_2934 : vector<16xf32>
      %get3A_2936 = arith.constant 17 : i32
      %get3A_2937 = arith.constant 0 : i32
      %get3A_2938 = arith.constant 0 : i32
      %get3A_2939 = tpu.memref_slice %arg7[%rem3A_170, %get3A_2937, %get3A_2938] : memref<8x96x32xf32, #tpu.memory_space<vmem>> -> memref<1x96x32xf32, #tpu.memory_space<vmem>>
      %get3A_2940 = tpu.memref_squeeze %get3A_2939 : memref<1x96x32xf32, #tpu.memory_space<vmem>> -> memref<96x32xf32, #tpu.memory_space<vmem>>
      %get3A_2941 = arith.index_cast %get3A_2936 : i32 to index
      %get3A_2942 = arith.constant 16 : index
      %get3A_2943 = tpu.vector_load %get3A_2940[%get3A_2941, %get3A_2942] {strides = array<i32>} : memref<96x32xf32, #tpu.memory_space<vmem>>, vector<1x16xf32>,
      %get3A_2944 = vector.shape_cast %get3A_2943 : vector<1x16xf32> to vector<16xf32>
      %add3A_2945 = arith.addf %add3A_2925, %get3A_2944 : vector<16xf32>
      %get3A_2946 = arith.constant 18 : i32
      %get3A_2947 = arith.constant 0 : i32
      %get3A_2948 = arith.constant 0 : i32
      %get3A_2949 = tpu.memref_slice %arg7[%rem3A_170, %get3A_2947, %get3A_2948] : memref<8x96x32xf32, #tpu.memory_space<vmem>> -> memref<1x96x32xf32, #tpu.memory_space<vmem>>
      %get3A_2950 = tpu.memref_squeeze %get3A_2949 : memref<1x96x32xf32, #tpu.memory_space<vmem>> -> memref<96x32xf32, #tpu.memory_space<vmem>>
      %get3A_2951 = arith.index_cast %get3A_2946 : i32 to index
      %get3A_2952 = arith.constant 16 : index
      %get3A_2953 = tpu.vector_load %get3A_2950[%get3A_2951, %get3A_2952] {strides = array<i32>} : memref<96x32xf32, #tpu.memory_space<vmem>>, vector<1x16xf32>,
      %get3A_2954 = vector.shape_cast %get3A_2953 : vector<1x16xf32> to vector<16xf32>
      %add3A_2955 = arith.addf %add3A_2935, %get3A_2954 : vector<16xf32>
      %get3A_2956 = arith.constant 19 : i32
      %get3A_2957 = arith.constant 0 : i32
      %get3A_2958 = arith.constant 0 : i32
      %get3A_2959 = tpu.memref_slice %arg7[%rem3A_170, %get3A_2957, %get3A_2958] : memref<8x96x32xf32, #tpu.memory_space<vmem>> -> memref<1x96x32xf32, #tpu.memory_space<vmem>>
      %get3A_2960 = tpu.memref_squeeze %get3A_2959 : memref<1x96x32xf32, #tpu.memory_space<vmem>> -> memref<96x32xf32, #tpu.memory_space<vmem>>
      %get3A_2961 = arith.index_cast %get3A_2956 : i32 to index
      %get3A_2962 = arith.constant 16 : index
      %get3A_2963 = tpu.vector_load %get3A_2960[%get3A_2961, %get3A_2962] {strides = array<i32>} : memref<96x32xf32, #tpu.memory_space<vmem>>, vector<1x16xf32>,
      %get3A_2964 = vector.shape_cast %get3A_2963 : vector<1x16xf32> to vector<16xf32>
      %add3A_2965 = arith.addf %add3A_2945, %get3A_2964 : vector<16xf32>
      %get3A_2966 = arith.constant 20 : i32
      %get3A_2967 = arith.constant 0 : i32
      %get3A_2968 = arith.constant 0 : i32
      %get3A_2969 = tpu.memref_slice %arg7[%rem3A_170, %get3A_2967, %get3A_2968] : memref<8x96x32xf32, #tpu.memory_space<vmem>> -> memref<1x96x32xf32, #tpu.memory_space<vmem>>
      %get3A_2970 = tpu.memref_squeeze %get3A_2969 : memref<1x96x32xf32, #tpu.memory_space<vmem>> -> memref<96x32xf32, #tpu.memory_space<vmem>>
      %get3A_2971 = arith.index_cast %get3A_2966 : i32 to index
      %get3A_2972 = arith.constant 16 : index
      %get3A_2973 = tpu.vector_load %get3A_2970[%get3A_2971, %get3A_2972] {strides = array<i32>} : memref<96x32xf32, #tpu.memory_space<vmem>>, vector<1x16xf32>,
      %get3A_2974 = vector.shape_cast %get3A_2973 : vector<1x16xf32> to vector<16xf32>
      %add3A_2975 = arith.addf %add3A_2955, %get3A_2974 : vector<16xf32>
      %get3A_2976 = arith.constant 21 : i32
      %get3A_2977 = arith.constant 0 : i32
      %get3A_2978 = arith.constant 0 : i32
      %get3A_2979 = tpu.memref_slice %arg7[%rem3A_170, %get3A_2977, %get3A_2978] : memref<8x96x32xf32, #tpu.memory_space<vmem>> -> memref<1x96x32xf32, #tpu.memory_space<vmem>>
      %get3A_2980 = tpu.memref_squeeze %get3A_2979 : memref<1x96x32xf32, #tpu.memory_space<vmem>> -> memref<96x32xf32, #tpu.memory_space<vmem>>
      %get3A_2981 = arith.index_cast %get3A_2976 : i32 to index
      %get3A_2982 = arith.constant 16 : index
      %get3A_2983 = tpu.vector_load %get3A_2980[%get3A_2981, %get3A_2982] {strides = array<i32>} : memref<96x32xf32, #tpu.memory_space<vmem>>, vector<1x16xf32>,
      %get3A_2984 = vector.shape_cast %get3A_2983 : vector<1x16xf32> to vector<16xf32>
      %add3A_2985 = arith.addf %add3A_2965, %get3A_2984 : vector<16xf32>
      %get3A_2986 = arith.constant 22 : i32
      %get3A_2987 = arith.constant 0 : i32
      %get3A_2988 = arith.constant 0 : i32
      %get3A_2989 = tpu.memref_slice %arg7[%rem3A_170, %get3A_2987, %get3A_2988] : memref<8x96x32xf32, #tpu.memory_space<vmem>> -> memref<1x96x32xf32, #tpu.memory_space<vmem>>
      %get3A_2990 = tpu.memref_squeeze %get3A_2989 : memref<1x96x32xf32, #tpu.memory_space<vmem>> -> memref<96x32xf32, #tpu.memory_space<vmem>>
      %get3A_2991 = arith.index_cast %get3A_2986 : i32 to index
      %get3A_2992 = arith.constant 16 : index
      %get3A_2993 = tpu.vector_load %get3A_2990[%get3A_2991, %get3A_2992] {strides = array<i32>} : memref<96x32xf32, #tpu.memory_space<vmem>>, vector<1x16xf32>,
      %get3A_2994 = vector.shape_cast %get3A_2993 : vector<1x16xf32> to vector<16xf32>
      %add3A_2995 = arith.addf %add3A_2975, %get3A_2994 : vector<16xf32>
      %get3A_2996 = arith.constant 23 : i32
      %get3A_2997 = arith.constant 0 : i32
      %get3A_2998 = arith.constant 0 : i32
      %get3A_2999 = tpu.memref_slice %arg7[%rem3A_170, %get3A_2997, %get3A_2998] : memref<8x96x32xf32, #tpu.memory_space<vmem>> -> memref<1x96x32xf32, #tpu.memory_space<vmem>>
      %get3A_3000 = tpu.memref_squeeze %get3A_2999 : memref<1x96x32xf32, #tpu.memory_space<vmem>> -> memref<96x32xf32, #tpu.memory_space<vmem>>
      %get3A_3001 = arith.index_cast %get3A_2996 : i32 to index
      %get3A_3002 = arith.constant 16 : index
      %get3A_3003 = tpu.vector_load %get3A_3000[%get3A_3001, %get3A_3002] {strides = array<i32>} : memref<96x32xf32, #tpu.memory_space<vmem>>, vector<1x16xf32>,
      %get3A_3004 = vector.shape_cast %get3A_3003 : vector<1x16xf32> to vector<16xf32>
      %add3A_3005 = arith.addf %add3A_2985, %get3A_3004 : vector<16xf32>
      %get3A_3006 = arith.constant 24 : i32
      %get3A_3007 = arith.constant 0 : i32
      %get3A_3008 = arith.constant 0 : i32
      %get3A_3009 = tpu.memref_slice %arg7[%rem3A_170, %get3A_3007, %get3A_3008] : memref<8x96x32xf32, #tpu.memory_space<vmem>> -> memref<1x96x32xf32, #tpu.memory_space<vmem>>
      %get3A_3010 = tpu.memref_squeeze %get3A_3009 : memref<1x96x32xf32, #tpu.memory_space<vmem>> -> memref<96x32xf32, #tpu.memory_space<vmem>>
      %get3A_3011 = arith.index_cast %get3A_3006 : i32 to index
      %get3A_3012 = arith.constant 16 : index
      %get3A_3013 = tpu.vector_load %get3A_3010[%get3A_3011, %get3A_3012] {strides = array<i32>} : memref<96x32xf32, #tpu.memory_space<vmem>>, vector<1x16xf32>,
      %get3A_3014 = vector.shape_cast %get3A_3013 : vector<1x16xf32> to vector<16xf32>
      %add3A_3015 = arith.addf %add3A_2995, %get3A_3014 : vector<16xf32>
      %get3A_3016 = arith.constant 25 : i32
      %get3A_3017 = arith.constant 0 : i32
      %get3A_3018 = arith.constant 0 : i32
      %get3A_3019 = tpu.memref_slice %arg7[%rem3A_170, %get3A_3017, %get3A_3018] : memref<8x96x32xf32, #tpu.memory_space<vmem>> -> memref<1x96x32xf32, #tpu.memory_space<vmem>>
      %get3A_3020 = tpu.memref_squeeze %get3A_3019 : memref<1x96x32xf32, #tpu.memory_space<vmem>> -> memref<96x32xf32, #tpu.memory_space<vmem>>
      %get3A_3021 = arith.index_cast %get3A_3016 : i32 to index
      %get3A_3022 = arith.constant 16 : index
      %get3A_3023 = tpu.vector_load %get3A_3020[%get3A_3021, %get3A_3022] {strides = array<i32>} : memref<96x32xf32, #tpu.memory_space<vmem>>, vector<1x16xf32>,
      %get3A_3024 = vector.shape_cast %get3A_3023 : vector<1x16xf32> to vector<16xf32>
      %add3A_3025 = arith.addf %add3A_3005, %get3A_3024 : vector<16xf32>
      %get3A_3026 = arith.constant 26 : i32
      %get3A_3027 = arith.constant 0 : i32
      %get3A_3028 = arith.constant 0 : i32
      %get3A_3029 = tpu.memref_slice %arg7[%rem3A_170, %get3A_3027, %get3A_3028] : memref<8x96x32xf32, #tpu.memory_space<vmem>> -> memref<1x96x32xf32, #tpu.memory_space<vmem>>
      %get3A_3030 = tpu.memref_squeeze %get3A_3029 : memref<1x96x32xf32, #tpu.memory_space<vmem>> -> memref<96x32xf32, #tpu.memory_space<vmem>>
      %get3A_3031 = arith.index_cast %get3A_3026 : i32 to index
      %get3A_3032 = arith.constant 16 : index
      %get3A_3033 = tpu.vector_load %get3A_3030[%get3A_3031, %get3A_3032] {strides = array<i32>} : memref<96x32xf32, #tpu.memory_space<vmem>>, vector<1x16xf32>,
      %get3A_3034 = vector.shape_cast %get3A_3033 : vector<1x16xf32> to vector<16xf32>
      %add3A_3035 = arith.addf %add3A_3015, %get3A_3034 : vector<16xf32>
      %get3A_3036 = arith.constant 27 : i32
      %get3A_3037 = arith.constant 0 : i32
      %get3A_3038 = arith.constant 0 : i32
      %get3A_3039 = tpu.memref_slice %arg7[%rem3A_170, %get3A_3037, %get3A_3038] : memref<8x96x32xf32, #tpu.memory_space<vmem>> -> memref<1x96x32xf32, #tpu.memory_space<vmem>>
      %get3A_3040 = tpu.memref_squeeze %get3A_3039 : memref<1x96x32xf32, #tpu.memory_space<vmem>> -> memref<96x32xf32, #tpu.memory_space<vmem>>
      %get3A_3041 = arith.index_cast %get3A_3036 : i32 to index
      %get3A_3042 = arith.constant 16 : index
      %get3A_3043 = tpu.vector_load %get3A_3040[%get3A_3041, %get3A_3042] {strides = array<i32>} : memref<96x32xf32, #tpu.memory_space<vmem>>, vector<1x16xf32>,
      %get3A_3044 = vector.shape_cast %get3A_3043 : vector<1x16xf32> to vector<16xf32>
      %add3A_3045 = arith.addf %add3A_3025, %get3A_3044 : vector<16xf32>
      %get3A_3046 = arith.constant 28 : i32
      %get3A_3047 = arith.constant 0 : i32
      %get3A_3048 = arith.constant 0 : i32
      %get3A_3049 = tpu.memref_slice %arg7[%rem3A_170, %get3A_3047, %get3A_3048] : memref<8x96x32xf32, #tpu.memory_space<vmem>> -> memref<1x96x32xf32, #tpu.memory_space<vmem>>
      %get3A_3050 = tpu.memref_squeeze %get3A_3049 : memref<1x96x32xf32, #tpu.memory_space<vmem>> -> memref<96x32xf32, #tpu.memory_space<vmem>>
      %get3A_3051 = arith.index_cast %get3A_3046 : i32 to index
      %get3A_3052 = arith.constant 16 : index
      %get3A_3053 = tpu.vector_load %get3A_3050[%get3A_3051, %get3A_3052] {strides = array<i32>} : memref<96x32xf32, #tpu.memory_space<vmem>>, vector<1x16xf32>,
      %get3A_3054 = vector.shape_cast %get3A_3053 : vector<1x16xf32> to vector<16xf32>
      %add3A_3055 = arith.addf %add3A_3035, %get3A_3054 : vector<16xf32>
      %get3A_3056 = arith.constant 29 : i32
      %get3A_3057 = arith.constant 0 : i32
      %get3A_3058 = arith.constant 0 : i32
      %get3A_3059 = tpu.memref_slice %arg7[%rem3A_170, %get3A_3057, %get3A_3058] : memref<8x96x32xf32, #tpu.memory_space<vmem>> -> memref<1x96x32xf32, #tpu.memory_space<vmem>>
      %get3A_3060 = tpu.memref_squeeze %get3A_3059 : memref<1x96x32xf32, #tpu.memory_space<vmem>> -> memref<96x32xf32, #tpu.memory_space<vmem>>
      %get3A_3061 = arith.index_cast %get3A_3056 : i32 to index
      %get3A_3062 = arith.constant 16 : index
      %get3A_3063 = tpu.vector_load %get3A_3060[%get3A_3061, %get3A_3062] {strides = array<i32>} : memref<96x32xf32, #tpu.memory_space<vmem>>, vector<1x16xf32>,
      %get3A_3064 = vector.shape_cast %get3A_3063 : vector<1x16xf32> to vector<16xf32>
      %add3A_3065 = arith.addf %add3A_3045, %get3A_3064 : vector<16xf32>
      %get3A_3066 = arith.constant 30 : i32
      %get3A_3067 = arith.constant 0 : i32
      %get3A_3068 = arith.constant 0 : i32
      %get3A_3069 = tpu.memref_slice %arg7[%rem3A_170, %get3A_3067, %get3A_3068] : memref<8x96x32xf32, #tpu.memory_space<vmem>> -> memref<1x96x32xf32, #tpu.memory_space<vmem>>
      %get3A_3070 = tpu.memref_squeeze %get3A_3069 : memref<1x96x32xf32, #tpu.memory_space<vmem>> -> memref<96x32xf32, #tpu.memory_space<vmem>>
      %get3A_3071 = arith.index_cast %get3A_3066 : i32 to index
      %get3A_3072 = arith.constant 16 : index
      %get3A_3073 = tpu.vector_load %get3A_3070[%get3A_3071, %get3A_3072] {strides = array<i32>} : memref<96x32xf32, #tpu.memory_space<vmem>>, vector<1x16xf32>,
      %get3A_3074 = vector.shape_cast %get3A_3073 : vector<1x16xf32> to vector<16xf32>
      %add3A_3075 = arith.addf %add3A_3055, %get3A_3074 : vector<16xf32>
      %get3A_3076 = arith.constant 31 : i32
      %get3A_3077 = arith.constant 0 : i32
      %get3A_3078 = arith.constant 0 : i32
      %get3A_3079 = tpu.memref_slice %arg7[%rem3A_170, %get3A_3077, %get3A_3078] : memref<8x96x32xf32, #tpu.memory_space<vmem>> -> memref<1x96x32xf32, #tpu.memory_space<vmem>>
      %get3A_3080 = tpu.memref_squeeze %get3A_3079 : memref<1x96x32xf32, #tpu.memory_space<vmem>> -> memref<96x32xf32, #tpu.memory_space<vmem>>
      %get3A_3081 = arith.index_cast %get3A_3076 : i32 to index
      %get3A_3082 = arith.constant 16 : index
      %get3A_3083 = tpu.vector_load %get3A_3080[%get3A_3081, %get3A_3082] {strides = array<i32>} : memref<96x32xf32, #tpu.memory_space<vmem>>, vector<1x16xf32>,
      %get3A_3084 = vector.shape_cast %get3A_3083 : vector<1x16xf32> to vector<16xf32>
      %add3A_3085 = arith.addf %add3A_3065, %get3A_3084 : vector<16xf32>
      %get3A_3086 = arith.constant 32 : i32
      %get3A_3087 = arith.constant 0 : i32
      %get3A_3088 = arith.constant 0 : i32
      %get3A_3089 = tpu.memref_slice %arg7[%rem3A_170, %get3A_3087, %get3A_3088] : memref<8x96x32xf32, #tpu.memory_space<vmem>> -> memref<1x96x32xf32, #tpu.memory_space<vmem>>
      %get3A_3090 = tpu.memref_squeeze %get3A_3089 : memref<1x96x32xf32, #tpu.memory_space<vmem>> -> memref<96x32xf32, #tpu.memory_space<vmem>>
      %get3A_3091 = arith.index_cast %get3A_3086 : i32 to index
      %get3A_3092 = arith.constant 16 : index
      %get3A_3093 = tpu.vector_load %get3A_3090[%get3A_3091, %get3A_3092] {strides = array<i32>} : memref<96x32xf32, #tpu.memory_space<vmem>>, vector<1x16xf32>,
      %get3A_3094 = vector.shape_cast %get3A_3093 : vector<1x16xf32> to vector<16xf32>
      %add3A_3095 = arith.addf %add3A_3075, %get3A_3094 : vector<16xf32>
      %get3A_3096 = arith.constant 33 : i32
      %get3A_3097 = arith.constant 0 : i32
      %get3A_3098 = arith.constant 0 : i32
      %get3A_3099 = tpu.memref_slice %arg7[%rem3A_170, %get3A_3097, %get3A_3098] : memref<8x96x32xf32, #tpu.memory_space<vmem>> -> memref<1x96x32xf32, #tpu.memory_space<vmem>>
      %get3A_3100 = tpu.memref_squeeze %get3A_3099 : memref<1x96x32xf32, #tpu.memory_space<vmem>> -> memref<96x32xf32, #tpu.memory_space<vmem>>
      %get3A_3101 = arith.index_cast %get3A_3096 : i32 to index
      %get3A_3102 = arith.constant 16 : index
      %get3A_3103 = tpu.vector_load %get3A_3100[%get3A_3101, %get3A_3102] {strides = array<i32>} : memref<96x32xf32, #tpu.memory_space<vmem>>, vector<1x16xf32>,
      %get3A_3104 = vector.shape_cast %get3A_3103 : vector<1x16xf32> to vector<16xf32>
      %add3A_3105 = arith.addf %add3A_3085, %get3A_3104 : vector<16xf32>
      %get3A_3106 = arith.constant 34 : i32
      %get3A_3107 = arith.constant 0 : i32
      %get3A_3108 = arith.constant 0 : i32
      %get3A_3109 = tpu.memref_slice %arg7[%rem3A_170, %get3A_3107, %get3A_3108] : memref<8x96x32xf32, #tpu.memory_space<vmem>> -> memref<1x96x32xf32, #tpu.memory_space<vmem>>
      %get3A_3110 = tpu.memref_squeeze %get3A_3109 : memref<1x96x32xf32, #tpu.memory_space<vmem>> -> memref<96x32xf32, #tpu.memory_space<vmem>>
      %get3A_3111 = arith.index_cast %get3A_3106 : i32 to index
      %get3A_3112 = arith.constant 16 : index
      %get3A_3113 = tpu.vector_load %get3A_3110[%get3A_3111, %get3A_3112] {strides = array<i32>} : memref<96x32xf32, #tpu.memory_space<vmem>>, vector<1x16xf32>,
      %get3A_3114 = vector.shape_cast %get3A_3113 : vector<1x16xf32> to vector<16xf32>
      %add3A_3115 = arith.addf %add3A_3095, %get3A_3114 : vector<16xf32>
      %get3A_3116 = arith.constant 35 : i32
      %get3A_3117 = arith.constant 0 : i32
      %get3A_3118 = arith.constant 0 : i32
      %get3A_3119 = tpu.memref_slice %arg7[%rem3A_170, %get3A_3117, %get3A_3118] : memref<8x96x32xf32, #tpu.memory_space<vmem>> -> memref<1x96x32xf32, #tpu.memory_space<vmem>>
      %get3A_3120 = tpu.memref_squeeze %get3A_3119 : memref<1x96x32xf32, #tpu.memory_space<vmem>> -> memref<96x32xf32, #tpu.memory_space<vmem>>
      %get3A_3121 = arith.index_cast %get3A_3116 : i32 to index
      %get3A_3122 = arith.constant 16 : index
      %get3A_3123 = tpu.vector_load %get3A_3120[%get3A_3121, %get3A_3122] {strides = array<i32>} : memref<96x32xf32, #tpu.memory_space<vmem>>, vector<1x16xf32>,
      %get3A_3124 = vector.shape_cast %get3A_3123 : vector<1x16xf32> to vector<16xf32>
      %add3A_3125 = arith.addf %add3A_3105, %get3A_3124 : vector<16xf32>
      %get3A_3126 = arith.constant 36 : i32
      %get3A_3127 = arith.constant 0 : i32
      %get3A_3128 = arith.constant 0 : i32
      %get3A_3129 = tpu.memref_slice %arg7[%rem3A_170, %get3A_3127, %get3A_3128] : memref<8x96x32xf32, #tpu.memory_space<vmem>> -> memref<1x96x32xf32, #tpu.memory_space<vmem>>
      %get3A_3130 = tpu.memref_squeeze %get3A_3129 : memref<1x96x32xf32, #tpu.memory_space<vmem>> -> memref<96x32xf32, #tpu.memory_space<vmem>>
      %get3A_3131 = arith.index_cast %get3A_3126 : i32 to index
      %get3A_3132 = arith.constant 16 : index
      %get3A_3133 = tpu.vector_load %get3A_3130[%get3A_3131, %get3A_3132] {strides = array<i32>} : memref<96x32xf32, #tpu.memory_space<vmem>>, vector<1x16xf32>,
      %get3A_3134 = vector.shape_cast %get3A_3133 : vector<1x16xf32> to vector<16xf32>
      %add3A_3135 = arith.addf %add3A_3115, %get3A_3134 : vector<16xf32>
      %get3A_3136 = arith.constant 37 : i32
      %get3A_3137 = arith.constant 0 : i32
      %get3A_3138 = arith.constant 0 : i32
      %get3A_3139 = tpu.memref_slice %arg7[%rem3A_170, %get3A_3137, %get3A_3138] : memref<8x96x32xf32, #tpu.memory_space<vmem>> -> memref<1x96x32xf32, #tpu.memory_space<vmem>>
      %get3A_3140 = tpu.memref_squeeze %get3A_3139 : memref<1x96x32xf32, #tpu.memory_space<vmem>> -> memref<96x32xf32, #tpu.memory_space<vmem>>
      %get3A_3141 = arith.index_cast %get3A_3136 : i32 to index
      %get3A_3142 = arith.constant 16 : index
      %get3A_3143 = tpu.vector_load %get3A_3140[%get3A_3141, %get3A_3142] {strides = array<i32>} : memref<96x32xf32, #tpu.memory_space<vmem>>, vector<1x16xf32>,
      %get3A_3144 = vector.shape_cast %get3A_3143 : vector<1x16xf32> to vector<16xf32>
      %add3A_3145 = arith.addf %add3A_3125, %get3A_3144 : vector<16xf32>
      %get3A_3146 = arith.constant 38 : i32
      %get3A_3147 = arith.constant 0 : i32
      %get3A_3148 = arith.constant 0 : i32
      %get3A_3149 = tpu.memref_slice %arg7[%rem3A_170, %get3A_3147, %get3A_3148] : memref<8x96x32xf32, #tpu.memory_space<vmem>> -> memref<1x96x32xf32, #tpu.memory_space<vmem>>
      %get3A_3150 = tpu.memref_squeeze %get3A_3149 : memref<1x96x32xf32, #tpu.memory_space<vmem>> -> memref<96x32xf32, #tpu.memory_space<vmem>>
      %get3A_3151 = arith.index_cast %get3A_3146 : i32 to index
      %get3A_3152 = arith.constant 16 : index
      %get3A_3153 = tpu.vector_load %get3A_3150[%get3A_3151, %get3A_3152] {strides = array<i32>} : memref<96x32xf32, #tpu.memory_space<vmem>>, vector<1x16xf32>,
      %get3A_3154 = vector.shape_cast %get3A_3153 : vector<1x16xf32> to vector<16xf32>
      %add3A_3155 = arith.addf %add3A_3135, %get3A_3154 : vector<16xf32>
      %get3A_3156 = arith.constant 39 : i32
      %get3A_3157 = arith.constant 0 : i32
      %get3A_3158 = arith.constant 0 : i32
      %get3A_3159 = tpu.memref_slice %arg7[%rem3A_170, %get3A_3157, %get3A_3158] : memref<8x96x32xf32, #tpu.memory_space<vmem>> -> memref<1x96x32xf32, #tpu.memory_space<vmem>>
      %get3A_3160 = tpu.memref_squeeze %get3A_3159 : memref<1x96x32xf32, #tpu.memory_space<vmem>> -> memref<96x32xf32, #tpu.memory_space<vmem>>
      %get3A_3161 = arith.index_cast %get3A_3156 : i32 to index
      %get3A_3162 = arith.constant 16 : index
      %get3A_3163 = tpu.vector_load %get3A_3160[%get3A_3161, %get3A_3162] {strides = array<i32>} : memref<96x32xf32, #tpu.memory_space<vmem>>, vector<1x16xf32>,
      %get3A_3164 = vector.shape_cast %get3A_3163 : vector<1x16xf32> to vector<16xf32>
      %add3A_3165 = arith.addf %add3A_3145, %get3A_3164 : vector<16xf32>
      %get3A_3166 = arith.constant 40 : i32
      %get3A_3167 = arith.constant 0 : i32
      %get3A_3168 = arith.constant 0 : i32
      %get3A_3169 = tpu.memref_slice %arg7[%rem3A_170, %get3A_3167, %get3A_3168] : memref<8x96x32xf32, #tpu.memory_space<vmem>> -> memref<1x96x32xf32, #tpu.memory_space<vmem>>
      %get3A_3170 = tpu.memref_squeeze %get3A_3169 : memref<1x96x32xf32, #tpu.memory_space<vmem>> -> memref<96x32xf32, #tpu.memory_space<vmem>>
      %get3A_3171 = arith.index_cast %get3A_3166 : i32 to index
      %get3A_3172 = arith.constant 16 : index
      %get3A_3173 = tpu.vector_load %get3A_3170[%get3A_3171, %get3A_3172] {strides = array<i32>} : memref<96x32xf32, #tpu.memory_space<vmem>>, vector<1x16xf32>,
      %get3A_3174 = vector.shape_cast %get3A_3173 : vector<1x16xf32> to vector<16xf32>
      %add3A_3175 = arith.addf %add3A_3155, %get3A_3174 : vector<16xf32>
      %get3A_3176 = arith.constant 41 : i32
      %get3A_3177 = arith.constant 0 : i32
      %get3A_3178 = arith.constant 0 : i32
      %get3A_3179 = tpu.memref_slice %arg7[%rem3A_170, %get3A_3177, %get3A_3178] : memref<8x96x32xf32, #tpu.memory_space<vmem>> -> memref<1x96x32xf32, #tpu.memory_space<vmem>>
      %get3A_3180 = tpu.memref_squeeze %get3A_3179 : memref<1x96x32xf32, #tpu.memory_space<vmem>> -> memref<96x32xf32, #tpu.memory_space<vmem>>
      %get3A_3181 = arith.index_cast %get3A_3176 : i32 to index
      %get3A_3182 = arith.constant 16 : index
      %get3A_3183 = tpu.vector_load %get3A_3180[%get3A_3181, %get3A_3182] {strides = array<i32>} : memref<96x32xf32, #tpu.memory_space<vmem>>, vector<1x16xf32>,
      %get3A_3184 = vector.shape_cast %get3A_3183 : vector<1x16xf32> to vector<16xf32>
      %add3A_3185 = arith.addf %add3A_3165, %get3A_3184 : vector<16xf32>
      %get3A_3186 = arith.constant 42 : i32
      %get3A_3187 = arith.constant 0 : i32
      %get3A_3188 = arith.constant 0 : i32
      %get3A_3189 = tpu.memref_slice %arg7[%rem3A_170, %get3A_3187, %get3A_3188] : memref<8x96x32xf32, #tpu.memory_space<vmem>> -> memref<1x96x32xf32, #tpu.memory_space<vmem>>
      %get3A_3190 = tpu.memref_squeeze %get3A_3189 : memref<1x96x32xf32, #tpu.memory_space<vmem>> -> memref<96x32xf32, #tpu.memory_space<vmem>>
      %get3A_3191 = arith.index_cast %get3A_3186 : i32 to index
      %get3A_3192 = arith.constant 16 : index
      %get3A_3193 = tpu.vector_load %get3A_3190[%get3A_3191, %get3A_3192] {strides = array<i32>} : memref<96x32xf32, #tpu.memory_space<vmem>>, vector<1x16xf32>,
      %get3A_3194 = vector.shape_cast %get3A_3193 : vector<1x16xf32> to vector<16xf32>
      %add3A_3195 = arith.addf %add3A_3175, %get3A_3194 : vector<16xf32>
      %get3A_3196 = arith.constant 43 : i32
      %get3A_3197 = arith.constant 0 : i32
      %get3A_3198 = arith.constant 0 : i32
      %get3A_3199 = tpu.memref_slice %arg7[%rem3A_170, %get3A_3197, %get3A_3198] : memref<8x96x32xf32, #tpu.memory_space<vmem>> -> memref<1x96x32xf32, #tpu.memory_space<vmem>>
      %get3A_3200 = tpu.memref_squeeze %get3A_3199 : memref<1x96x32xf32, #tpu.memory_space<vmem>> -> memref<96x32xf32, #tpu.memory_space<vmem>>
      %get3A_3201 = arith.index_cast %get3A_3196 : i32 to index
      %get3A_3202 = arith.constant 16 : index
      %get3A_3203 = tpu.vector_load %get3A_3200[%get3A_3201, %get3A_3202] {strides = array<i32>} : memref<96x32xf32, #tpu.memory_space<vmem>>, vector<1x16xf32>,
      %get3A_3204 = vector.shape_cast %get3A_3203 : vector<1x16xf32> to vector<16xf32>
      %add3A_3205 = arith.addf %add3A_3185, %get3A_3204 : vector<16xf32>
      %get3A_3206 = arith.constant 44 : i32
      %get3A_3207 = arith.constant 0 : i32
      %get3A_3208 = arith.constant 0 : i32
      %get3A_3209 = tpu.memref_slice %arg7[%rem3A_170, %get3A_3207, %get3A_3208] : memref<8x96x32xf32, #tpu.memory_space<vmem>> -> memref<1x96x32xf32, #tpu.memory_space<vmem>>
      %get3A_3210 = tpu.memref_squeeze %get3A_3209 : memref<1x96x32xf32, #tpu.memory_space<vmem>> -> memref<96x32xf32, #tpu.memory_space<vmem>>
      %get3A_3211 = arith.index_cast %get3A_3206 : i32 to index
      %get3A_3212 = arith.constant 16 : index
      %get3A_3213 = tpu.vector_load %get3A_3210[%get3A_3211, %get3A_3212] {strides = array<i32>} : memref<96x32xf32, #tpu.memory_space<vmem>>, vector<1x16xf32>,
      %get3A_3214 = vector.shape_cast %get3A_3213 : vector<1x16xf32> to vector<16xf32>
      %add3A_3215 = arith.addf %add3A_3195, %get3A_3214 : vector<16xf32>
      %get3A_3216 = arith.constant 45 : i32
      %get3A_3217 = arith.constant 0 : i32
      %get3A_3218 = arith.constant 0 : i32
      %get3A_3219 = tpu.memref_slice %arg7[%rem3A_170, %get3A_3217, %get3A_3218] : memref<8x96x32xf32, #tpu.memory_space<vmem>> -> memref<1x96x32xf32, #tpu.memory_space<vmem>>
      %get3A_3220 = tpu.memref_squeeze %get3A_3219 : memref<1x96x32xf32, #tpu.memory_space<vmem>> -> memref<96x32xf32, #tpu.memory_space<vmem>>
      %get3A_3221 = arith.index_cast %get3A_3216 : i32 to index
      %get3A_3222 = arith.constant 16 : index
      %get3A_3223 = tpu.vector_load %get3A_3220[%get3A_3221, %get3A_3222] {strides = array<i32>} : memref<96x32xf32, #tpu.memory_space<vmem>>, vector<1x16xf32>,
      %get3A_3224 = vector.shape_cast %get3A_3223 : vector<1x16xf32> to vector<16xf32>
      %add3A_3225 = arith.addf %add3A_3205, %get3A_3224 : vector<16xf32>
      %add3A_3226 = arith.addf %add3A_3215, %add3A_3225 : vector<16xf32>
      %mul3A_3227 = arith.constant 4 : i32
      %mul3A_3228 = arith.muli %scan3A_169, %mul3A_3227 : i32
      %add3A_3229 = arith.constant 2 : i32
      %add3A_3230 = arith.addi %mul3A_3228, %add3A_3229 : i32
      %swap3A_3231 = arith.index_cast %add3A_3230 : i32 to index
      %swap3A_3232 = arith.constant 16 : index
      %swap3A_3233 = tpu.vector_load %arg8[%swap3A_3231, %swap3A_3232] {strides = array<i32>} : memref<512x32xf32, #tpu.memory_space<vmem>>, vector<1x16xf32>,
      %swap3A_3234 = vector.shape_cast %swap3A_3233 : vector<1x16xf32> to vector<16xf32>
      %swap3A_3235 = vector.shape_cast %add3A_3226 : vector<16xf32> to vector<1x16xf32>
      tpu.vector_store %arg8[%swap3A_3231, %swap3A_3232], %swap3A_3235 {strides = array<i32>} : memref<512x32xf32, #tpu.memory_space<vmem>>, vector<1x16xf32>,
      %get3A_3236 = arith.constant 46 : i32
      %get3A_3237 = arith.constant 0 : i32
      %get3A_3238 = arith.constant 0 : i32
      %get3A_3239 = tpu.memref_slice %arg7[%rem3A_170, %get3A_3237, %get3A_3238] : memref<8x96x32xf32, #tpu.memory_space<vmem>> -> memref<1x96x32xf32, #tpu.memory_space<vmem>>
      %get3A_3240 = tpu.memref_squeeze %get3A_3239 : memref<1x96x32xf32, #tpu.memory_space<vmem>> -> memref<96x32xf32, #tpu.memory_space<vmem>>
      %get3A_3241 = arith.index_cast %get3A_3236 : i32 to index
      %get3A_3242 = arith.constant 0 : index
      %get3A_3243 = tpu.vector_load %get3A_3240[%get3A_3241, %get3A_3242] {strides = array<i32>} : memref<96x32xf32, #tpu.memory_space<vmem>>, vector<1x16xf32>,
      %get3A_3244 = vector.shape_cast %get3A_3243 : vector<1x16xf32> to vector<16xf32>
      %get3A_3245 = arith.constant 47 : i32
      %get3A_3246 = arith.constant 0 : i32
      %get3A_3247 = arith.constant 0 : i32
      %get3A_3248 = tpu.memref_slice %arg7[%rem3A_170, %get3A_3246, %get3A_3247] : memref<8x96x32xf32, #tpu.memory_space<vmem>> -> memref<1x96x32xf32, #tpu.memory_space<vmem>>
      %get3A_3249 = tpu.memref_squeeze %get3A_3248 : memref<1x96x32xf32, #tpu.memory_space<vmem>> -> memref<96x32xf32, #tpu.memory_space<vmem>>
      %get3A_3250 = arith.index_cast %get3A_3245 : i32 to index
      %get3A_3251 = arith.constant 0 : index
      %get3A_3252 = tpu.vector_load %get3A_3249[%get3A_3250, %get3A_3251] {strides = array<i32>} : memref<96x32xf32, #tpu.memory_space<vmem>>, vector<1x16xf32>,
      %get3A_3253 = vector.shape_cast %get3A_3252 : vector<1x16xf32> to vector<16xf32>
      %get3A_3254 = arith.constant 48 : i32
      %get3A_3255 = arith.constant 0 : i32
      %get3A_3256 = arith.constant 0 : i32
      %get3A_3257 = tpu.memref_slice %arg7[%rem3A_170, %get3A_3255, %get3A_3256] : memref<8x96x32xf32, #tpu.memory_space<vmem>> -> memref<1x96x32xf32, #tpu.memory_space<vmem>>
      %get3A_3258 = tpu.memref_squeeze %get3A_3257 : memref<1x96x32xf32, #tpu.memory_space<vmem>> -> memref<96x32xf32, #tpu.memory_space<vmem>>
      %get3A_3259 = arith.index_cast %get3A_3254 : i32 to index
      %get3A_3260 = arith.constant 0 : index
      %get3A_3261 = tpu.vector_load %get3A_3258[%get3A_3259, %get3A_3260] {strides = array<i32>} : memref<96x32xf32, #tpu.memory_space<vmem>>, vector<1x16xf32>,
      %get3A_3262 = vector.shape_cast %get3A_3261 : vector<1x16xf32> to vector<16xf32>
      %add3A_3263 = arith.addf %get3A_3244, %get3A_3262 : vector<16xf32>
      %get3A_3264 = arith.constant 49 : i32
      %get3A_3265 = arith.constant 0 : i32
      %get3A_3266 = arith.constant 0 : i32
      %get3A_3267 = tpu.memref_slice %arg7[%rem3A_170, %get3A_3265, %get3A_3266] : memref<8x96x32xf32, #tpu.memory_space<vmem>> -> memref<1x96x32xf32, #tpu.memory_space<vmem>>
      %get3A_3268 = tpu.memref_squeeze %get3A_3267 : memref<1x96x32xf32, #tpu.memory_space<vmem>> -> memref<96x32xf32, #tpu.memory_space<vmem>>
      %get3A_3269 = arith.index_cast %get3A_3264 : i32 to index
      %get3A_3270 = arith.constant 0 : index
      %get3A_3271 = tpu.vector_load %get3A_3268[%get3A_3269, %get3A_3270] {strides = array<i32>} : memref<96x32xf32, #tpu.memory_space<vmem>>, vector<1x16xf32>,
      %get3A_3272 = vector.shape_cast %get3A_3271 : vector<1x16xf32> to vector<16xf32>
      %add3A_3273 = arith.addf %get3A_3253, %get3A_3272 : vector<16xf32>
      %get3A_3274 = arith.constant 50 : i32
      %get3A_3275 = arith.constant 0 : i32
      %get3A_3276 = arith.constant 0 : i32
      %get3A_3277 = tpu.memref_slice %arg7[%rem3A_170, %get3A_3275, %get3A_3276] : memref<8x96x32xf32, #tpu.memory_space<vmem>> -> memref<1x96x32xf32, #tpu.memory_space<vmem>>
      %get3A_3278 = tpu.memref_squeeze %get3A_3277 : memref<1x96x32xf32, #tpu.memory_space<vmem>> -> memref<96x32xf32, #tpu.memory_space<vmem>>
      %get3A_3279 = arith.index_cast %get3A_3274 : i32 to index
      %get3A_3280 = arith.constant 0 : index
      %get3A_3281 = tpu.vector_load %get3A_3278[%get3A_3279, %get3A_3280] {strides = array<i32>} : memref<96x32xf32, #tpu.memory_space<vmem>>, vector<1x16xf32>,
      %get3A_3282 = vector.shape_cast %get3A_3281 : vector<1x16xf32> to vector<16xf32>
      %add3A_3283 = arith.addf %add3A_3263, %get3A_3282 : vector<16xf32>
      %get3A_3284 = arith.constant 51 : i32
      %get3A_3285 = arith.constant 0 : i32
      %get3A_3286 = arith.constant 0 : i32
      %get3A_3287 = tpu.memref_slice %arg7[%rem3A_170, %get3A_3285, %get3A_3286] : memref<8x96x32xf32, #tpu.memory_space<vmem>> -> memref<1x96x32xf32, #tpu.memory_space<vmem>>
      %get3A_3288 = tpu.memref_squeeze %get3A_3287 : memref<1x96x32xf32, #tpu.memory_space<vmem>> -> memref<96x32xf32, #tpu.memory_space<vmem>>
      %get3A_3289 = arith.index_cast %get3A_3284 : i32 to index
      %get3A_3290 = arith.constant 0 : index
      %get3A_3291 = tpu.vector_load %get3A_3288[%get3A_3289, %get3A_3290] {strides = array<i32>} : memref<96x32xf32, #tpu.memory_space<vmem>>, vector<1x16xf32>,
      %get3A_3292 = vector.shape_cast %get3A_3291 : vector<1x16xf32> to vector<16xf32>
      %add3A_3293 = arith.addf %add3A_3273, %get3A_3292 : vector<16xf32>
      %get3A_3294 = arith.constant 52 : i32
      %get3A_3295 = arith.constant 0 : i32
      %get3A_3296 = arith.constant 0 : i32
      %get3A_3297 = tpu.memref_slice %arg7[%rem3A_170, %get3A_3295, %get3A_3296] : memref<8x96x32xf32, #tpu.memory_space<vmem>> -> memref<1x96x32xf32, #tpu.memory_space<vmem>>
      %get3A_3298 = tpu.memref_squeeze %get3A_3297 : memref<1x96x32xf32, #tpu.memory_space<vmem>> -> memref<96x32xf32, #tpu.memory_space<vmem>>
      %get3A_3299 = arith.index_cast %get3A_3294 : i32 to index
      %get3A_3300 = arith.constant 0 : index
      %get3A_3301 = tpu.vector_load %get3A_3298[%get3A_3299, %get3A_3300] {strides = array<i32>} : memref<96x32xf32, #tpu.memory_space<vmem>>, vector<1x16xf32>,
      %get3A_3302 = vector.shape_cast %get3A_3301 : vector<1x16xf32> to vector<16xf32>
      %add3A_3303 = arith.addf %add3A_3283, %get3A_3302 : vector<16xf32>
      %get3A_3304 = arith.constant 53 : i32
      %get3A_3305 = arith.constant 0 : i32
      %get3A_3306 = arith.constant 0 : i32
      %get3A_3307 = tpu.memref_slice %arg7[%rem3A_170, %get3A_3305, %get3A_3306] : memref<8x96x32xf32, #tpu.memory_space<vmem>> -> memref<1x96x32xf32, #tpu.memory_space<vmem>>
      %get3A_3308 = tpu.memref_squeeze %get3A_3307 : memref<1x96x32xf32, #tpu.memory_space<vmem>> -> memref<96x32xf32, #tpu.memory_space<vmem>>
      %get3A_3309 = arith.index_cast %get3A_3304 : i32 to index
      %get3A_3310 = arith.constant 0 : index
      %get3A_3311 = tpu.vector_load %get3A_3308[%get3A_3309, %get3A_3310] {strides = array<i32>} : memref<96x32xf32, #tpu.memory_space<vmem>>, vector<1x16xf32>,
      %get3A_3312 = vector.shape_cast %get3A_3311 : vector<1x16xf32> to vector<16xf32>
      %add3A_3313 = arith.addf %add3A_3293, %get3A_3312 : vector<16xf32>
      %get3A_3314 = arith.constant 54 : i32
      %get3A_3315 = arith.constant 0 : i32
      %get3A_3316 = arith.constant 0 : i32
      %get3A_3317 = tpu.memref_slice %arg7[%rem3A_170, %get3A_3315, %get3A_3316] : memref<8x96x32xf32, #tpu.memory_space<vmem>> -> memref<1x96x32xf32, #tpu.memory_space<vmem>>
      %get3A_3318 = tpu.memref_squeeze %get3A_3317 : memref<1x96x32xf32, #tpu.memory_space<vmem>> -> memref<96x32xf32, #tpu.memory_space<vmem>>
      %get3A_3319 = arith.index_cast %get3A_3314 : i32 to index
      %get3A_3320 = arith.constant 0 : index
      %get3A_3321 = tpu.vector_load %get3A_3318[%get3A_3319, %get3A_3320] {strides = array<i32>} : memref<96x32xf32, #tpu.memory_space<vmem>>, vector<1x16xf32>,
      %get3A_3322 = vector.shape_cast %get3A_3321 : vector<1x16xf32> to vector<16xf32>
      %add3A_3323 = arith.addf %add3A_3303, %get3A_3322 : vector<16xf32>
      %get3A_3324 = arith.constant 55 : i32
      %get3A_3325 = arith.constant 0 : i32
      %get3A_3326 = arith.constant 0 : i32
      %get3A_3327 = tpu.memref_slice %arg7[%rem3A_170, %get3A_3325, %get3A_3326] : memref<8x96x32xf32, #tpu.memory_space<vmem>> -> memref<1x96x32xf32, #tpu.memory_space<vmem>>
      %get3A_3328 = tpu.memref_squeeze %get3A_3327 : memref<1x96x32xf32, #tpu.memory_space<vmem>> -> memref<96x32xf32, #tpu.memory_space<vmem>>
      %get3A_3329 = arith.index_cast %get3A_3324 : i32 to index
      %get3A_3330 = arith.constant 0 : index
      %get3A_3331 = tpu.vector_load %get3A_3328[%get3A_3329, %get3A_3330] {strides = array<i32>} : memref<96x32xf32, #tpu.memory_space<vmem>>, vector<1x16xf32>,
      %get3A_3332 = vector.shape_cast %get3A_3331 : vector<1x16xf32> to vector<16xf32>
      %add3A_3333 = arith.addf %add3A_3313, %get3A_3332 : vector<16xf32>
      %get3A_3334 = arith.constant 56 : i32
      %get3A_3335 = arith.constant 0 : i32
      %get3A_3336 = arith.constant 0 : i32
      %get3A_3337 = tpu.memref_slice %arg7[%rem3A_170, %get3A_3335, %get3A_3336] : memref<8x96x32xf32, #tpu.memory_space<vmem>> -> memref<1x96x32xf32, #tpu.memory_space<vmem>>
      %get3A_3338 = tpu.memref_squeeze %get3A_3337 : memref<1x96x32xf32, #tpu.memory_space<vmem>> -> memref<96x32xf32, #tpu.memory_space<vmem>>
      %get3A_3339 = arith.index_cast %get3A_3334 : i32 to index
      %get3A_3340 = arith.constant 0 : index
      %get3A_3341 = tpu.vector_load %get3A_3338[%get3A_3339, %get3A_3340] {strides = array<i32>} : memref<96x32xf32, #tpu.memory_space<vmem>>, vector<1x16xf32>,
      %get3A_3342 = vector.shape_cast %get3A_3341 : vector<1x16xf32> to vector<16xf32>
      %add3A_3343 = arith.addf %add3A_3323, %get3A_3342 : vector<16xf32>
      %get3A_3344 = arith.constant 57 : i32
      %get3A_3345 = arith.constant 0 : i32
      %get3A_3346 = arith.constant 0 : i32
      %get3A_3347 = tpu.memref_slice %arg7[%rem3A_170, %get3A_3345, %get3A_3346] : memref<8x96x32xf32, #tpu.memory_space<vmem>> -> memref<1x96x32xf32, #tpu.memory_space<vmem>>
      %get3A_3348 = tpu.memref_squeeze %get3A_3347 : memref<1x96x32xf32, #tpu.memory_space<vmem>> -> memref<96x32xf32, #tpu.memory_space<vmem>>
      %get3A_3349 = arith.index_cast %get3A_3344 : i32 to index
      %get3A_3350 = arith.constant 0 : index
      %get3A_3351 = tpu.vector_load %get3A_3348[%get3A_3349, %get3A_3350] {strides = array<i32>} : memref<96x32xf32, #tpu.memory_space<vmem>>, vector<1x16xf32>,
      %get3A_3352 = vector.shape_cast %get3A_3351 : vector<1x16xf32> to vector<16xf32>
      %add3A_3353 = arith.addf %add3A_3333, %get3A_3352 : vector<16xf32>
      %get3A_3354 = arith.constant 58 : i32
      %get3A_3355 = arith.constant 0 : i32
      %get3A_3356 = arith.constant 0 : i32
      %get3A_3357 = tpu.memref_slice %arg7[%rem3A_170, %get3A_3355, %get3A_3356] : memref<8x96x32xf32, #tpu.memory_space<vmem>> -> memref<1x96x32xf32, #tpu.memory_space<vmem>>
      %get3A_3358 = tpu.memref_squeeze %get3A_3357 : memref<1x96x32xf32, #tpu.memory_space<vmem>> -> memref<96x32xf32, #tpu.memory_space<vmem>>
      %get3A_3359 = arith.index_cast %get3A_3354 : i32 to index
      %get3A_3360 = arith.constant 0 : index
      %get3A_3361 = tpu.vector_load %get3A_3358[%get3A_3359, %get3A_3360] {strides = array<i32>} : memref<96x32xf32, #tpu.memory_space<vmem>>, vector<1x16xf32>,
      %get3A_3362 = vector.shape_cast %get3A_3361 : vector<1x16xf32> to vector<16xf32>
      %add3A_3363 = arith.addf %add3A_3343, %get3A_3362 : vector<16xf32>
      %get3A_3364 = arith.constant 59 : i32
      %get3A_3365 = arith.constant 0 : i32
      %get3A_3366 = arith.constant 0 : i32
      %get3A_3367 = tpu.memref_slice %arg7[%rem3A_170, %get3A_3365, %get3A_3366] : memref<8x96x32xf32, #tpu.memory_space<vmem>> -> memref<1x96x32xf32, #tpu.memory_space<vmem>>
      %get3A_3368 = tpu.memref_squeeze %get3A_3367 : memref<1x96x32xf32, #tpu.memory_space<vmem>> -> memref<96x32xf32, #tpu.memory_space<vmem>>
      %get3A_3369 = arith.index_cast %get3A_3364 : i32 to index
      %get3A_3370 = arith.constant 0 : index
      %get3A_3371 = tpu.vector_load %get3A_3368[%get3A_3369, %get3A_3370] {strides = array<i32>} : memref<96x32xf32, #tpu.memory_space<vmem>>, vector<1x16xf32>,
      %get3A_3372 = vector.shape_cast %get3A_3371 : vector<1x16xf32> to vector<16xf32>
      %add3A_3373 = arith.addf %add3A_3353, %get3A_3372 : vector<16xf32>
      %get3A_3374 = arith.constant 60 : i32
      %get3A_3375 = arith.constant 0 : i32
      %get3A_3376 = arith.constant 0 : i32
      %get3A_3377 = tpu.memref_slice %arg7[%rem3A_170, %get3A_3375, %get3A_3376] : memref<8x96x32xf32, #tpu.memory_space<vmem>> -> memref<1x96x32xf32, #tpu.memory_space<vmem>>
      %get3A_3378 = tpu.memref_squeeze %get3A_3377 : memref<1x96x32xf32, #tpu.memory_space<vmem>> -> memref<96x32xf32, #tpu.memory_space<vmem>>
      %get3A_3379 = arith.index_cast %get3A_3374 : i32 to index
      %get3A_3380 = arith.constant 0 : index
      %get3A_3381 = tpu.vector_load %get3A_3378[%get3A_3379, %get3A_3380] {strides = array<i32>} : memref<96x32xf32, #tpu.memory_space<vmem>>, vector<1x16xf32>,
      %get3A_3382 = vector.shape_cast %get3A_3381 : vector<1x16xf32> to vector<16xf32>
      %add3A_3383 = arith.addf %add3A_3363, %get3A_3382 : vector<16xf32>
      %get3A_3384 = arith.constant 61 : i32
      %get3A_3385 = arith.constant 0 : i32
      %get3A_3386 = arith.constant 0 : i32
      %get3A_3387 = tpu.memref_slice %arg7[%rem3A_170, %get3A_3385, %get3A_3386] : memref<8x96x32xf32, #tpu.memory_space<vmem>> -> memref<1x96x32xf32, #tpu.memory_space<vmem>>
      %get3A_3388 = tpu.memref_squeeze %get3A_3387 : memref<1x96x32xf32, #tpu.memory_space<vmem>> -> memref<96x32xf32, #tpu.memory_space<vmem>>
      %get3A_3389 = arith.index_cast %get3A_3384 : i32 to index
      %get3A_3390 = arith.constant 0 : index
      %get3A_3391 = tpu.vector_load %get3A_3388[%get3A_3389, %get3A_3390] {strides = array<i32>} : memref<96x32xf32, #tpu.memory_space<vmem>>, vector<1x16xf32>,
      %get3A_3392 = vector.shape_cast %get3A_3391 : vector<1x16xf32> to vector<16xf32>
      %add3A_3393 = arith.addf %add3A_3373, %get3A_3392 : vector<16xf32>
      %get3A_3394 = arith.constant 62 : i32
      %get3A_3395 = arith.constant 0 : i32
      %get3A_3396 = arith.constant 0 : i32
      %get3A_3397 = tpu.memref_slice %arg7[%rem3A_170, %get3A_3395, %get3A_3396] : memref<8x96x32xf32, #tpu.memory_space<vmem>> -> memref<1x96x32xf32, #tpu.memory_space<vmem>>
      %get3A_3398 = tpu.memref_squeeze %get3A_3397 : memref<1x96x32xf32, #tpu.memory_space<vmem>> -> memref<96x32xf32, #tpu.memory_space<vmem>>
      %get3A_3399 = arith.index_cast %get3A_3394 : i32 to index
      %get3A_3400 = arith.constant 0 : index
      %get3A_3401 = tpu.vector_load %get3A_3398[%get3A_3399, %get3A_3400] {strides = array<i32>} : memref<96x32xf32, #tpu.memory_space<vmem>>, vector<1x16xf32>,
      %get3A_3402 = vector.shape_cast %get3A_3401 : vector<1x16xf32> to vector<16xf32>
      %add3A_3403 = arith.addf %add3A_3383, %get3A_3402 : vector<16xf32>
      %get3A_3404 = arith.constant 63 : i32
      %get3A_3405 = arith.constant 0 : i32
      %get3A_3406 = arith.constant 0 : i32
      %get3A_3407 = tpu.memref_slice %arg7[%rem3A_170, %get3A_3405, %get3A_3406] : memref<8x96x32xf32, #tpu.memory_space<vmem>> -> memref<1x96x32xf32, #tpu.memory_space<vmem>>
      %get3A_3408 = tpu.memref_squeeze %get3A_3407 : memref<1x96x32xf32, #tpu.memory_space<vmem>> -> memref<96x32xf32, #tpu.memory_space<vmem>>
      %get3A_3409 = arith.index_cast %get3A_3404 : i32 to index
      %get3A_3410 = arith.constant 0 : index
      %get3A_3411 = tpu.vector_load %get3A_3408[%get3A_3409, %get3A_3410] {strides = array<i32>} : memref<96x32xf32, #tpu.memory_space<vmem>>, vector<1x16xf32>,
      %get3A_3412 = vector.shape_cast %get3A_3411 : vector<1x16xf32> to vector<16xf32>
      %add3A_3413 = arith.addf %add3A_3393, %get3A_3412 : vector<16xf32>
      %get3A_3414 = arith.constant 64 : i32
      %get3A_3415 = arith.constant 0 : i32
      %get3A_3416 = arith.constant 0 : i32
      %get3A_3417 = tpu.memref_slice %arg7[%rem3A_170, %get3A_3415, %get3A_3416] : memref<8x96x32xf32, #tpu.memory_space<vmem>> -> memref<1x96x32xf32, #tpu.memory_space<vmem>>
      %get3A_3418 = tpu.memref_squeeze %get3A_3417 : memref<1x96x32xf32, #tpu.memory_space<vmem>> -> memref<96x32xf32, #tpu.memory_space<vmem>>
      %get3A_3419 = arith.index_cast %get3A_3414 : i32 to index
      %get3A_3420 = arith.constant 0 : index
      %get3A_3421 = tpu.vector_load %get3A_3418[%get3A_3419, %get3A_3420] {strides = array<i32>} : memref<96x32xf32, #tpu.memory_space<vmem>>, vector<1x16xf32>,
      %get3A_3422 = vector.shape_cast %get3A_3421 : vector<1x16xf32> to vector<16xf32>
      %add3A_3423 = arith.addf %add3A_3403, %get3A_3422 : vector<16xf32>
      %get3A_3424 = arith.constant 65 : i32
      %get3A_3425 = arith.constant 0 : i32
      %get3A_3426 = arith.constant 0 : i32
      %get3A_3427 = tpu.memref_slice %arg7[%rem3A_170, %get3A_3425, %get3A_3426] : memref<8x96x32xf32, #tpu.memory_space<vmem>> -> memref<1x96x32xf32, #tpu.memory_space<vmem>>
      %get3A_3428 = tpu.memref_squeeze %get3A_3427 : memref<1x96x32xf32, #tpu.memory_space<vmem>> -> memref<96x32xf32, #tpu.memory_space<vmem>>
      %get3A_3429 = arith.index_cast %get3A_3424 : i32 to index
      %get3A_3430 = arith.constant 0 : index
      %get3A_3431 = tpu.vector_load %get3A_3428[%get3A_3429, %get3A_3430] {strides = array<i32>} : memref<96x32xf32, #tpu.memory_space<vmem>>, vector<1x16xf32>,
      %get3A_3432 = vector.shape_cast %get3A_3431 : vector<1x16xf32> to vector<16xf32>
      %add3A_3433 = arith.addf %add3A_3413, %get3A_3432 : vector<16xf32>
      %get3A_3434 = arith.constant 66 : i32
      %get3A_3435 = arith.constant 0 : i32
      %get3A_3436 = arith.constant 0 : i32
      %get3A_3437 = tpu.memref_slice %arg7[%rem3A_170, %get3A_3435, %get3A_3436] : memref<8x96x32xf32, #tpu.memory_space<vmem>> -> memref<1x96x32xf32, #tpu.memory_space<vmem>>
      %get3A_3438 = tpu.memref_squeeze %get3A_3437 : memref<1x96x32xf32, #tpu.memory_space<vmem>> -> memref<96x32xf32, #tpu.memory_space<vmem>>
      %get3A_3439 = arith.index_cast %get3A_3434 : i32 to index
      %get3A_3440 = arith.constant 0 : index
      %get3A_3441 = tpu.vector_load %get3A_3438[%get3A_3439, %get3A_3440] {strides = array<i32>} : memref<96x32xf32, #tpu.memory_space<vmem>>, vector<1x16xf32>,
      %get3A_3442 = vector.shape_cast %get3A_3441 : vector<1x16xf32> to vector<16xf32>
      %add3A_3443 = arith.addf %add3A_3423, %get3A_3442 : vector<16xf32>
      %get3A_3444 = arith.constant 67 : i32
      %get3A_3445 = arith.constant 0 : i32
      %get3A_3446 = arith.constant 0 : i32
      %get3A_3447 = tpu.memref_slice %arg7[%rem3A_170, %get3A_3445, %get3A_3446] : memref<8x96x32xf32, #tpu.memory_space<vmem>> -> memref<1x96x32xf32, #tpu.memory_space<vmem>>
      %get3A_3448 = tpu.memref_squeeze %get3A_3447 : memref<1x96x32xf32, #tpu.memory_space<vmem>> -> memref<96x32xf32, #tpu.memory_space<vmem>>
      %get3A_3449 = arith.index_cast %get3A_3444 : i32 to index
      %get3A_3450 = arith.constant 0 : index
      %get3A_3451 = tpu.vector_load %get3A_3448[%get3A_3449, %get3A_3450] {strides = array<i32>} : memref<96x32xf32, #tpu.memory_space<vmem>>, vector<1x16xf32>,
      %get3A_3452 = vector.shape_cast %get3A_3451 : vector<1x16xf32> to vector<16xf32>
      %add3A_3453 = arith.addf %add3A_3433, %get3A_3452 : vector<16xf32>
      %get3A_3454 = arith.constant 68 : i32
      %get3A_3455 = arith.constant 0 : i32
      %get3A_3456 = arith.constant 0 : i32
      %get3A_3457 = tpu.memref_slice %arg7[%rem3A_170, %get3A_3455, %get3A_3456] : memref<8x96x32xf32, #tpu.memory_space<vmem>> -> memref<1x96x32xf32, #tpu.memory_space<vmem>>
      %get3A_3458 = tpu.memref_squeeze %get3A_3457 : memref<1x96x32xf32, #tpu.memory_space<vmem>> -> memref<96x32xf32, #tpu.memory_space<vmem>>
      %get3A_3459 = arith.index_cast %get3A_3454 : i32 to index
      %get3A_3460 = arith.constant 0 : index
      %get3A_3461 = tpu.vector_load %get3A_3458[%get3A_3459, %get3A_3460] {strides = array<i32>} : memref<96x32xf32, #tpu.memory_space<vmem>>, vector<1x16xf32>,
      %get3A_3462 = vector.shape_cast %get3A_3461 : vector<1x16xf32> to vector<16xf32>
      %add3A_3463 = arith.addf %add3A_3443, %get3A_3462 : vector<16xf32>
      %get3A_3464 = arith.constant 69 : i32
      %get3A_3465 = arith.constant 0 : i32
      %get3A_3466 = arith.constant 0 : i32
      %get3A_3467 = tpu.memref_slice %arg7[%rem3A_170, %get3A_3465, %get3A_3466] : memref<8x96x32xf32, #tpu.memory_space<vmem>> -> memref<1x96x32xf32, #tpu.memory_space<vmem>>
      %get3A_3468 = tpu.memref_squeeze %get3A_3467 : memref<1x96x32xf32, #tpu.memory_space<vmem>> -> memref<96x32xf32, #tpu.memory_space<vmem>>
      %get3A_3469 = arith.index_cast %get3A_3464 : i32 to index
      %get3A_3470 = arith.constant 0 : index
      %get3A_3471 = tpu.vector_load %get3A_3468[%get3A_3469, %get3A_3470] {strides = array<i32>} : memref<96x32xf32, #tpu.memory_space<vmem>>, vector<1x16xf32>,
      %get3A_3472 = vector.shape_cast %get3A_3471 : vector<1x16xf32> to vector<16xf32>
      %add3A_3473 = arith.addf %add3A_3453, %get3A_3472 : vector<16xf32>
      %get3A_3474 = arith.constant 70 : i32
      %get3A_3475 = arith.constant 0 : i32
      %get3A_3476 = arith.constant 0 : i32
      %get3A_3477 = tpu.memref_slice %arg7[%rem3A_170, %get3A_3475, %get3A_3476] : memref<8x96x32xf32, #tpu.memory_space<vmem>> -> memref<1x96x32xf32, #tpu.memory_space<vmem>>
      %get3A_3478 = tpu.memref_squeeze %get3A_3477 : memref<1x96x32xf32, #tpu.memory_space<vmem>> -> memref<96x32xf32, #tpu.memory_space<vmem>>
      %get3A_3479 = arith.index_cast %get3A_3474 : i32 to index
      %get3A_3480 = arith.constant 0 : index
      %get3A_3481 = tpu.vector_load %get3A_3478[%get3A_3479, %get3A_3480] {strides = array<i32>} : memref<96x32xf32, #tpu.memory_space<vmem>>, vector<1x16xf32>,
      %get3A_3482 = vector.shape_cast %get3A_3481 : vector<1x16xf32> to vector<16xf32>
      %add3A_3483 = arith.addf %add3A_3463, %get3A_3482 : vector<16xf32>
      %get3A_3484 = arith.constant 71 : i32
      %get3A_3485 = arith.constant 0 : i32
      %get3A_3486 = arith.constant 0 : i32
      %get3A_3487 = tpu.memref_slice %arg7[%rem3A_170, %get3A_3485, %get3A_3486] : memref<8x96x32xf32, #tpu.memory_space<vmem>> -> memref<1x96x32xf32, #tpu.memory_space<vmem>>
      %get3A_3488 = tpu.memref_squeeze %get3A_3487 : memref<1x96x32xf32, #tpu.memory_space<vmem>> -> memref<96x32xf32, #tpu.memory_space<vmem>>
      %get3A_3489 = arith.index_cast %get3A_3484 : i32 to index
      %get3A_3490 = arith.constant 0 : index
      %get3A_3491 = tpu.vector_load %get3A_3488[%get3A_3489, %get3A_3490] {strides = array<i32>} : memref<96x32xf32, #tpu.memory_space<vmem>>, vector<1x16xf32>,
      %get3A_3492 = vector.shape_cast %get3A_3491 : vector<1x16xf32> to vector<16xf32>
      %add3A_3493 = arith.addf %add3A_3473, %get3A_3492 : vector<16xf32>
      %get3A_3494 = arith.constant 72 : i32
      %get3A_3495 = arith.constant 0 : i32
      %get3A_3496 = arith.constant 0 : i32
      %get3A_3497 = tpu.memref_slice %arg7[%rem3A_170, %get3A_3495, %get3A_3496] : memref<8x96x32xf32, #tpu.memory_space<vmem>> -> memref<1x96x32xf32, #tpu.memory_space<vmem>>
      %get3A_3498 = tpu.memref_squeeze %get3A_3497 : memref<1x96x32xf32, #tpu.memory_space<vmem>> -> memref<96x32xf32, #tpu.memory_space<vmem>>
      %get3A_3499 = arith.index_cast %get3A_3494 : i32 to index
      %get3A_3500 = arith.constant 0 : index
      %get3A_3501 = tpu.vector_load %get3A_3498[%get3A_3499, %get3A_3500] {strides = array<i32>} : memref<96x32xf32, #tpu.memory_space<vmem>>, vector<1x16xf32>,
      %get3A_3502 = vector.shape_cast %get3A_3501 : vector<1x16xf32> to vector<16xf32>
      %add3A_3503 = arith.addf %add3A_3483, %get3A_3502 : vector<16xf32>
      %get3A_3504 = arith.constant 73 : i32
      %get3A_3505 = arith.constant 0 : i32
      %get3A_3506 = arith.constant 0 : i32
      %get3A_3507 = tpu.memref_slice %arg7[%rem3A_170, %get3A_3505, %get3A_3506] : memref<8x96x32xf32, #tpu.memory_space<vmem>> -> memref<1x96x32xf32, #tpu.memory_space<vmem>>
      %get3A_3508 = tpu.memref_squeeze %get3A_3507 : memref<1x96x32xf32, #tpu.memory_space<vmem>> -> memref<96x32xf32, #tpu.memory_space<vmem>>
      %get3A_3509 = arith.index_cast %get3A_3504 : i32 to index
      %get3A_3510 = arith.constant 0 : index
      %get3A_3511 = tpu.vector_load %get3A_3508[%get3A_3509, %get3A_3510] {strides = array<i32>} : memref<96x32xf32, #tpu.memory_space<vmem>>, vector<1x16xf32>,
      %get3A_3512 = vector.shape_cast %get3A_3511 : vector<1x16xf32> to vector<16xf32>
      %add3A_3513 = arith.addf %add3A_3493, %get3A_3512 : vector<16xf32>
      %get3A_3514 = arith.constant 74 : i32
      %get3A_3515 = arith.constant 0 : i32
      %get3A_3516 = arith.constant 0 : i32
      %get3A_3517 = tpu.memref_slice %arg7[%rem3A_170, %get3A_3515, %get3A_3516] : memref<8x96x32xf32, #tpu.memory_space<vmem>> -> memref<1x96x32xf32, #tpu.memory_space<vmem>>
      %get3A_3518 = tpu.memref_squeeze %get3A_3517 : memref<1x96x32xf32, #tpu.memory_space<vmem>> -> memref<96x32xf32, #tpu.memory_space<vmem>>
      %get3A_3519 = arith.index_cast %get3A_3514 : i32 to index
      %get3A_3520 = arith.constant 0 : index
      %get3A_3521 = tpu.vector_load %get3A_3518[%get3A_3519, %get3A_3520] {strides = array<i32>} : memref<96x32xf32, #tpu.memory_space<vmem>>, vector<1x16xf32>,
      %get3A_3522 = vector.shape_cast %get3A_3521 : vector<1x16xf32> to vector<16xf32>
      %add3A_3523 = arith.addf %add3A_3503, %get3A_3522 : vector<16xf32>
      %get3A_3524 = arith.constant 75 : i32
      %get3A_3525 = arith.constant 0 : i32
      %get3A_3526 = arith.constant 0 : i32
      %get3A_3527 = tpu.memref_slice %arg7[%rem3A_170, %get3A_3525, %get3A_3526] : memref<8x96x32xf32, #tpu.memory_space<vmem>> -> memref<1x96x32xf32, #tpu.memory_space<vmem>>
      %get3A_3528 = tpu.memref_squeeze %get3A_3527 : memref<1x96x32xf32, #tpu.memory_space<vmem>> -> memref<96x32xf32, #tpu.memory_space<vmem>>
      %get3A_3529 = arith.index_cast %get3A_3524 : i32 to index
      %get3A_3530 = arith.constant 0 : index
      %get3A_3531 = tpu.vector_load %get3A_3528[%get3A_3529, %get3A_3530] {strides = array<i32>} : memref<96x32xf32, #tpu.memory_space<vmem>>, vector<1x16xf32>,
      %get3A_3532 = vector.shape_cast %get3A_3531 : vector<1x16xf32> to vector<16xf32>
      %add3A_3533 = arith.addf %add3A_3513, %get3A_3532 : vector<16xf32>
      %get3A_3534 = arith.constant 76 : i32
      %get3A_3535 = arith.constant 0 : i32
      %get3A_3536 = arith.constant 0 : i32
      %get3A_3537 = tpu.memref_slice %arg7[%rem3A_170, %get3A_3535, %get3A_3536] : memref<8x96x32xf32, #tpu.memory_space<vmem>> -> memref<1x96x32xf32, #tpu.memory_space<vmem>>
      %get3A_3538 = tpu.memref_squeeze %get3A_3537 : memref<1x96x32xf32, #tpu.memory_space<vmem>> -> memref<96x32xf32, #tpu.memory_space<vmem>>
      %get3A_3539 = arith.index_cast %get3A_3534 : i32 to index
      %get3A_3540 = arith.constant 0 : index
      %get3A_3541 = tpu.vector_load %get3A_3538[%get3A_3539, %get3A_3540] {strides = array<i32>} : memref<96x32xf32, #tpu.memory_space<vmem>>, vector<1x16xf32>,
      %get3A_3542 = vector.shape_cast %get3A_3541 : vector<1x16xf32> to vector<16xf32>
      %add3A_3543 = arith.addf %add3A_3523, %get3A_3542 : vector<16xf32>
      %get3A_3544 = arith.constant 77 : i32
      %get3A_3545 = arith.constant 0 : i32
      %get3A_3546 = arith.constant 0 : i32
      %get3A_3547 = tpu.memref_slice %arg7[%rem3A_170, %get3A_3545, %get3A_3546] : memref<8x96x32xf32, #tpu.memory_space<vmem>> -> memref<1x96x32xf32, #tpu.memory_space<vmem>>
      %get3A_3548 = tpu.memref_squeeze %get3A_3547 : memref<1x96x32xf32, #tpu.memory_space<vmem>> -> memref<96x32xf32, #tpu.memory_space<vmem>>
      %get3A_3549 = arith.index_cast %get3A_3544 : i32 to index
      %get3A_3550 = arith.constant 0 : index
      %get3A_3551 = tpu.vector_load %get3A_3548[%get3A_3549, %get3A_3550] {strides = array<i32>} : memref<96x32xf32, #tpu.memory_space<vmem>>, vector<1x16xf32>,
      %get3A_3552 = vector.shape_cast %get3A_3551 : vector<1x16xf32> to vector<16xf32>
      %add3A_3553 = arith.addf %add3A_3533, %get3A_3552 : vector<16xf32>
      %get3A_3554 = arith.constant 78 : i32
      %get3A_3555 = arith.constant 0 : i32
      %get3A_3556 = arith.constant 0 : i32
      %get3A_3557 = tpu.memref_slice %arg7[%rem3A_170, %get3A_3555, %get3A_3556] : memref<8x96x32xf32, #tpu.memory_space<vmem>> -> memref<1x96x32xf32, #tpu.memory_space<vmem>>
      %get3A_3558 = tpu.memref_squeeze %get3A_3557 : memref<1x96x32xf32, #tpu.memory_space<vmem>> -> memref<96x32xf32, #tpu.memory_space<vmem>>
      %get3A_3559 = arith.index_cast %get3A_3554 : i32 to index
      %get3A_3560 = arith.constant 0 : index
      %get3A_3561 = tpu.vector_load %get3A_3558[%get3A_3559, %get3A_3560] {strides = array<i32>} : memref<96x32xf32, #tpu.memory_space<vmem>>, vector<1x16xf32>,
      %get3A_3562 = vector.shape_cast %get3A_3561 : vector<1x16xf32> to vector<16xf32>
      %add3A_3563 = arith.addf %add3A_3543, %get3A_3562 : vector<16xf32>
      %get3A_3564 = arith.constant 79 : i32
      %get3A_3565 = arith.constant 0 : i32
      %get3A_3566 = arith.constant 0 : i32
      %get3A_3567 = tpu.memref_slice %arg7[%rem3A_170, %get3A_3565, %get3A_3566] : memref<8x96x32xf32, #tpu.memory_space<vmem>> -> memref<1x96x32xf32, #tpu.memory_space<vmem>>
      %get3A_3568 = tpu.memref_squeeze %get3A_3567 : memref<1x96x32xf32, #tpu.memory_space<vmem>> -> memref<96x32xf32, #tpu.memory_space<vmem>>
      %get3A_3569 = arith.index_cast %get3A_3564 : i32 to index
      %get3A_3570 = arith.constant 0 : index
      %get3A_3571 = tpu.vector_load %get3A_3568[%get3A_3569, %get3A_3570] {strides = array<i32>} : memref<96x32xf32, #tpu.memory_space<vmem>>, vector<1x16xf32>,
      %get3A_3572 = vector.shape_cast %get3A_3571 : vector<1x16xf32> to vector<16xf32>
      %add3A_3573 = arith.addf %add3A_3553, %get3A_3572 : vector<16xf32>
      %get3A_3574 = arith.constant 80 : i32
      %get3A_3575 = arith.constant 0 : i32
      %get3A_3576 = arith.constant 0 : i32
      %get3A_3577 = tpu.memref_slice %arg7[%rem3A_170, %get3A_3575, %get3A_3576] : memref<8x96x32xf32, #tpu.memory_space<vmem>> -> memref<1x96x32xf32, #tpu.memory_space<vmem>>
      %get3A_3578 = tpu.memref_squeeze %get3A_3577 : memref<1x96x32xf32, #tpu.memory_space<vmem>> -> memref<96x32xf32, #tpu.memory_space<vmem>>
      %get3A_3579 = arith.index_cast %get3A_3574 : i32 to index
      %get3A_3580 = arith.constant 0 : index
      %get3A_3581 = tpu.vector_load %get3A_3578[%get3A_3579, %get3A_3580] {strides = array<i32>} : memref<96x32xf32, #tpu.memory_space<vmem>>, vector<1x16xf32>,
      %get3A_3582 = vector.shape_cast %get3A_3581 : vector<1x16xf32> to vector<16xf32>
      %add3A_3583 = arith.addf %add3A_3563, %get3A_3582 : vector<16xf32>
      %get3A_3584 = arith.constant 81 : i32
      %get3A_3585 = arith.constant 0 : i32
      %get3A_3586 = arith.constant 0 : i32
      %get3A_3587 = tpu.memref_slice %arg7[%rem3A_170, %get3A_3585, %get3A_3586] : memref<8x96x32xf32, #tpu.memory_space<vmem>> -> memref<1x96x32xf32, #tpu.memory_space<vmem>>
      %get3A_3588 = tpu.memref_squeeze %get3A_3587 : memref<1x96x32xf32, #tpu.memory_space<vmem>> -> memref<96x32xf32, #tpu.memory_space<vmem>>
      %get3A_3589 = arith.index_cast %get3A_3584 : i32 to index
      %get3A_3590 = arith.constant 0 : index
      %get3A_3591 = tpu.vector_load %get3A_3588[%get3A_3589, %get3A_3590] {strides = array<i32>} : memref<96x32xf32, #tpu.memory_space<vmem>>, vector<1x16xf32>,
      %get3A_3592 = vector.shape_cast %get3A_3591 : vector<1x16xf32> to vector<16xf32>
      %add3A_3593 = arith.addf %add3A_3573, %get3A_3592 : vector<16xf32>
      %get3A_3594 = arith.constant 82 : i32
      %get3A_3595 = arith.constant 0 : i32
      %get3A_3596 = arith.constant 0 : i32
      %get3A_3597 = tpu.memref_slice %arg7[%rem3A_170, %get3A_3595, %get3A_3596] : memref<8x96x32xf32, #tpu.memory_space<vmem>> -> memref<1x96x32xf32, #tpu.memory_space<vmem>>
      %get3A_3598 = tpu.memref_squeeze %get3A_3597 : memref<1x96x32xf32, #tpu.memory_space<vmem>> -> memref<96x32xf32, #tpu.memory_space<vmem>>
      %get3A_3599 = arith.index_cast %get3A_3594 : i32 to index
      %get3A_3600 = arith.constant 0 : index
      %get3A_3601 = tpu.vector_load %get3A_3598[%get3A_3599, %get3A_3600] {strides = array<i32>} : memref<96x32xf32, #tpu.memory_space<vmem>>, vector<1x16xf32>,
      %get3A_3602 = vector.shape_cast %get3A_3601 : vector<1x16xf32> to vector<16xf32>
      %add3A_3603 = arith.addf %add3A_3583, %get3A_3602 : vector<16xf32>
      %get3A_3604 = arith.constant 83 : i32
      %get3A_3605 = arith.constant 0 : i32
      %get3A_3606 = arith.constant 0 : i32
      %get3A_3607 = tpu.memref_slice %arg7[%rem3A_170, %get3A_3605, %get3A_3606] : memref<8x96x32xf32, #tpu.memory_space<vmem>> -> memref<1x96x32xf32, #tpu.memory_space<vmem>>
      %get3A_3608 = tpu.memref_squeeze %get3A_3607 : memref<1x96x32xf32, #tpu.memory_space<vmem>> -> memref<96x32xf32, #tpu.memory_space<vmem>>
      %get3A_3609 = arith.index_cast %get3A_3604 : i32 to index
      %get3A_3610 = arith.constant 0 : index
      %get3A_3611 = tpu.vector_load %get3A_3608[%get3A_3609, %get3A_3610] {strides = array<i32>} : memref<96x32xf32, #tpu.memory_space<vmem>>, vector<1x16xf32>,
      %get3A_3612 = vector.shape_cast %get3A_3611 : vector<1x16xf32> to vector<16xf32>
      %add3A_3613 = arith.addf %add3A_3593, %get3A_3612 : vector<16xf32>
      %get3A_3614 = arith.constant 84 : i32
      %get3A_3615 = arith.constant 0 : i32
      %get3A_3616 = arith.constant 0 : i32
      %get3A_3617 = tpu.memref_slice %arg7[%rem3A_170, %get3A_3615, %get3A_3616] : memref<8x96x32xf32, #tpu.memory_space<vmem>> -> memref<1x96x32xf32, #tpu.memory_space<vmem>>
      %get3A_3618 = tpu.memref_squeeze %get3A_3617 : memref<1x96x32xf32, #tpu.memory_space<vmem>> -> memref<96x32xf32, #tpu.memory_space<vmem>>
      %get3A_3619 = arith.index_cast %get3A_3614 : i32 to index
      %get3A_3620 = arith.constant 0 : index
      %get3A_3621 = tpu.vector_load %get3A_3618[%get3A_3619, %get3A_3620] {strides = array<i32>} : memref<96x32xf32, #tpu.memory_space<vmem>>, vector<1x16xf32>,
      %get3A_3622 = vector.shape_cast %get3A_3621 : vector<1x16xf32> to vector<16xf32>
      %add3A_3623 = arith.addf %add3A_3603, %get3A_3622 : vector<16xf32>
      %get3A_3624 = arith.constant 85 : i32
      %get3A_3625 = arith.constant 0 : i32
      %get3A_3626 = arith.constant 0 : i32
      %get3A_3627 = tpu.memref_slice %arg7[%rem3A_170, %get3A_3625, %get3A_3626] : memref<8x96x32xf32, #tpu.memory_space<vmem>> -> memref<1x96x32xf32, #tpu.memory_space<vmem>>
      %get3A_3628 = tpu.memref_squeeze %get3A_3627 : memref<1x96x32xf32, #tpu.memory_space<vmem>> -> memref<96x32xf32, #tpu.memory_space<vmem>>
      %get3A_3629 = arith.index_cast %get3A_3624 : i32 to index
      %get3A_3630 = arith.constant 0 : index
      %get3A_3631 = tpu.vector_load %get3A_3628[%get3A_3629, %get3A_3630] {strides = array<i32>} : memref<96x32xf32, #tpu.memory_space<vmem>>, vector<1x16xf32>,
      %get3A_3632 = vector.shape_cast %get3A_3631 : vector<1x16xf32> to vector<16xf32>
      %add3A_3633 = arith.addf %add3A_3613, %get3A_3632 : vector<16xf32>
      %get3A_3634 = arith.constant 86 : i32
      %get3A_3635 = arith.constant 0 : i32
      %get3A_3636 = arith.constant 0 : i32
      %get3A_3637 = tpu.memref_slice %arg7[%rem3A_170, %get3A_3635, %get3A_3636] : memref<8x96x32xf32, #tpu.memory_space<vmem>> -> memref<1x96x32xf32, #tpu.memory_space<vmem>>
      %get3A_3638 = tpu.memref_squeeze %get3A_3637 : memref<1x96x32xf32, #tpu.memory_space<vmem>> -> memref<96x32xf32, #tpu.memory_space<vmem>>
      %get3A_3639 = arith.index_cast %get3A_3634 : i32 to index
      %get3A_3640 = arith.constant 0 : index
      %get3A_3641 = tpu.vector_load %get3A_3638[%get3A_3639, %get3A_3640] {strides = array<i32>} : memref<96x32xf32, #tpu.memory_space<vmem>>, vector<1x16xf32>,
      %get3A_3642 = vector.shape_cast %get3A_3641 : vector<1x16xf32> to vector<16xf32>
      %add3A_3643 = arith.addf %add3A_3623, %get3A_3642 : vector<16xf32>
      %get3A_3644 = arith.constant 87 : i32
      %get3A_3645 = arith.constant 0 : i32
      %get3A_3646 = arith.constant 0 : i32
      %get3A_3647 = tpu.memref_slice %arg7[%rem3A_170, %get3A_3645, %get3A_3646] : memref<8x96x32xf32, #tpu.memory_space<vmem>> -> memref<1x96x32xf32, #tpu.memory_space<vmem>>
      %get3A_3648 = tpu.memref_squeeze %get3A_3647 : memref<1x96x32xf32, #tpu.memory_space<vmem>> -> memref<96x32xf32, #tpu.memory_space<vmem>>
      %get3A_3649 = arith.index_cast %get3A_3644 : i32 to index
      %get3A_3650 = arith.constant 0 : index
      %get3A_3651 = tpu.vector_load %get3A_3648[%get3A_3649, %get3A_3650] {strides = array<i32>} : memref<96x32xf32, #tpu.memory_space<vmem>>, vector<1x16xf32>,
      %get3A_3652 = vector.shape_cast %get3A_3651 : vector<1x16xf32> to vector<16xf32>
      %add3A_3653 = arith.addf %add3A_3633, %get3A_3652 : vector<16xf32>
      %get3A_3654 = arith.constant 88 : i32
      %get3A_3655 = arith.constant 0 : i32
      %get3A_3656 = arith.constant 0 : i32
      %get3A_3657 = tpu.memref_slice %arg7[%rem3A_170, %get3A_3655, %get3A_3656] : memref<8x96x32xf32, #tpu.memory_space<vmem>> -> memref<1x96x32xf32, #tpu.memory_space<vmem>>
      %get3A_3658 = tpu.memref_squeeze %get3A_3657 : memref<1x96x32xf32, #tpu.memory_space<vmem>> -> memref<96x32xf32, #tpu.memory_space<vmem>>
      %get3A_3659 = arith.index_cast %get3A_3654 : i32 to index
      %get3A_3660 = arith.constant 0 : index
      %get3A_3661 = tpu.vector_load %get3A_3658[%get3A_3659, %get3A_3660] {strides = array<i32>} : memref<96x32xf32, #tpu.memory_space<vmem>>, vector<1x16xf32>,
      %get3A_3662 = vector.shape_cast %get3A_3661 : vector<1x16xf32> to vector<16xf32>
      %add3A_3663 = arith.addf %add3A_3643, %get3A_3662 : vector<16xf32>
      %get3A_3664 = arith.constant 89 : i32
      %get3A_3665 = arith.constant 0 : i32
      %get3A_3666 = arith.constant 0 : i32
      %get3A_3667 = tpu.memref_slice %arg7[%rem3A_170, %get3A_3665, %get3A_3666] : memref<8x96x32xf32, #tpu.memory_space<vmem>> -> memref<1x96x32xf32, #tpu.memory_space<vmem>>
      %get3A_3668 = tpu.memref_squeeze %get3A_3667 : memref<1x96x32xf32, #tpu.memory_space<vmem>> -> memref<96x32xf32, #tpu.memory_space<vmem>>
      %get3A_3669 = arith.index_cast %get3A_3664 : i32 to index
      %get3A_3670 = arith.constant 0 : index
      %get3A_3671 = tpu.vector_load %get3A_3668[%get3A_3669, %get3A_3670] {strides = array<i32>} : memref<96x32xf32, #tpu.memory_space<vmem>>, vector<1x16xf32>,
      %get3A_3672 = vector.shape_cast %get3A_3671 : vector<1x16xf32> to vector<16xf32>
      %add3A_3673 = arith.addf %add3A_3653, %get3A_3672 : vector<16xf32>
      %get3A_3674 = arith.constant 90 : i32
      %get3A_3675 = arith.constant 0 : i32
      %get3A_3676 = arith.constant 0 : i32
      %get3A_3677 = tpu.memref_slice %arg7[%rem3A_170, %get3A_3675, %get3A_3676] : memref<8x96x32xf32, #tpu.memory_space<vmem>> -> memref<1x96x32xf32, #tpu.memory_space<vmem>>
      %get3A_3678 = tpu.memref_squeeze %get3A_3677 : memref<1x96x32xf32, #tpu.memory_space<vmem>> -> memref<96x32xf32, #tpu.memory_space<vmem>>
      %get3A_3679 = arith.index_cast %get3A_3674 : i32 to index
      %get3A_3680 = arith.constant 0 : index
      %get3A_3681 = tpu.vector_load %get3A_3678[%get3A_3679, %get3A_3680] {strides = array<i32>} : memref<96x32xf32, #tpu.memory_space<vmem>>, vector<1x16xf32>,
      %get3A_3682 = vector.shape_cast %get3A_3681 : vector<1x16xf32> to vector<16xf32>
      %add3A_3683 = arith.addf %add3A_3663, %get3A_3682 : vector<16xf32>
      %get3A_3684 = arith.constant 91 : i32
      %get3A_3685 = arith.constant 0 : i32
      %get3A_3686 = arith.constant 0 : i32
      %get3A_3687 = tpu.memref_slice %arg7[%rem3A_170, %get3A_3685, %get3A_3686] : memref<8x96x32xf32, #tpu.memory_space<vmem>> -> memref<1x96x32xf32, #tpu.memory_space<vmem>>
      %get3A_3688 = tpu.memref_squeeze %get3A_3687 : memref<1x96x32xf32, #tpu.memory_space<vmem>> -> memref<96x32xf32, #tpu.memory_space<vmem>>
      %get3A_3689 = arith.index_cast %get3A_3684 : i32 to index
      %get3A_3690 = arith.constant 0 : index
      %get3A_3691 = tpu.vector_load %get3A_3688[%get3A_3689, %get3A_3690] {strides = array<i32>} : memref<96x32xf32, #tpu.memory_space<vmem>>, vector<1x16xf32>,
      %get3A_3692 = vector.shape_cast %get3A_3691 : vector<1x16xf32> to vector<16xf32>
      %add3A_3693 = arith.addf %add3A_3673, %get3A_3692 : vector<16xf32>
      %get3A_3694 = arith.constant 92 : i32
      %get3A_3695 = arith.constant 0 : i32
      %get3A_3696 = arith.constant 0 : i32
      %get3A_3697 = tpu.memref_slice %arg7[%rem3A_170, %get3A_3695, %get3A_3696] : memref<8x96x32xf32, #tpu.memory_space<vmem>> -> memref<1x96x32xf32, #tpu.memory_space<vmem>>
      %get3A_3698 = tpu.memref_squeeze %get3A_3697 : memref<1x96x32xf32, #tpu.memory_space<vmem>> -> memref<96x32xf32, #tpu.memory_space<vmem>>
      %get3A_3699 = arith.index_cast %get3A_3694 : i32 to index
      %get3A_3700 = arith.constant 0 : index
      %get3A_3701 = tpu.vector_load %get3A_3698[%get3A_3699, %get3A_3700] {strides = array<i32>} : memref<96x32xf32, #tpu.memory_space<vmem>>, vector<1x16xf32>,
      %get3A_3702 = vector.shape_cast %get3A_3701 : vector<1x16xf32> to vector<16xf32>
      %add3A_3703 = arith.addf %add3A_3683, %get3A_3702 : vector<16xf32>
      %get3A_3704 = arith.constant 93 : i32
      %get3A_3705 = arith.constant 0 : i32
      %get3A_3706 = arith.constant 0 : i32
      %get3A_3707 = tpu.memref_slice %arg7[%rem3A_170, %get3A_3705, %get3A_3706] : memref<8x96x32xf32, #tpu.memory_space<vmem>> -> memref<1x96x32xf32, #tpu.memory_space<vmem>>
      %get3A_3708 = tpu.memref_squeeze %get3A_3707 : memref<1x96x32xf32, #tpu.memory_space<vmem>> -> memref<96x32xf32, #tpu.memory_space<vmem>>
      %get3A_3709 = arith.index_cast %get3A_3704 : i32 to index
      %get3A_3710 = arith.constant 0 : index
      %get3A_3711 = tpu.vector_load %get3A_3708[%get3A_3709, %get3A_3710] {strides = array<i32>} : memref<96x32xf32, #tpu.memory_space<vmem>>, vector<1x16xf32>,
      %get3A_3712 = vector.shape_cast %get3A_3711 : vector<1x16xf32> to vector<16xf32>
      %add3A_3713 = arith.addf %add3A_3693, %get3A_3712 : vector<16xf32>
      %get3A_3714 = arith.constant 94 : i32
      %get3A_3715 = arith.constant 0 : i32
      %get3A_3716 = arith.constant 0 : i32
      %get3A_3717 = tpu.memref_slice %arg7[%rem3A_170, %get3A_3715, %get3A_3716] : memref<8x96x32xf32, #tpu.memory_space<vmem>> -> memref<1x96x32xf32, #tpu.memory_space<vmem>>
      %get3A_3718 = tpu.memref_squeeze %get3A_3717 : memref<1x96x32xf32, #tpu.memory_space<vmem>> -> memref<96x32xf32, #tpu.memory_space<vmem>>
      %get3A_3719 = arith.index_cast %get3A_3714 : i32 to index
      %get3A_3720 = arith.constant 0 : index
      %get3A_3721 = tpu.vector_load %get3A_3718[%get3A_3719, %get3A_3720] {strides = array<i32>} : memref<96x32xf32, #tpu.memory_space<vmem>>, vector<1x16xf32>,
      %get3A_3722 = vector.shape_cast %get3A_3721 : vector<1x16xf32> to vector<16xf32>
      %add3A_3723 = arith.addf %add3A_3703, %get3A_3722 : vector<16xf32>
      %get3A_3724 = arith.constant 95 : i32
      %get3A_3725 = arith.constant 0 : i32
      %get3A_3726 = arith.constant 0 : i32
      %get3A_3727 = tpu.memref_slice %arg7[%rem3A_170, %get3A_3725, %get3A_3726] : memref<8x96x32xf32, #tpu.memory_space<vmem>> -> memref<1x96x32xf32, #tpu.memory_space<vmem>>
      %get3A_3728 = tpu.memref_squeeze %get3A_3727 : memref<1x96x32xf32, #tpu.memory_space<vmem>> -> memref<96x32xf32, #tpu.memory_space<vmem>>
      %get3A_3729 = arith.index_cast %get3A_3724 : i32 to index
      %get3A_3730 = arith.constant 0 : index
      %get3A_3731 = tpu.vector_load %get3A_3728[%get3A_3729, %get3A_3730] {strides = array<i32>} : memref<96x32xf32, #tpu.memory_space<vmem>>, vector<1x16xf32>,
      %get3A_3732 = vector.shape_cast %get3A_3731 : vector<1x16xf32> to vector<16xf32>
      %add3A_3733 = arith.addf %add3A_3713, %get3A_3732 : vector<16xf32>
      %add3A_3734 = arith.addf %add3A_3723, %add3A_3733 : vector<16xf32>
      %mul3A_3735 = arith.constant 4 : i32
      %mul3A_3736 = arith.muli %scan3A_169, %mul3A_3735 : i32
      %add3A_3737 = arith.constant 3 : i32
      %add3A_3738 = arith.addi %mul3A_3736, %add3A_3737 : i32
      %swap3A_3739 = arith.index_cast %add3A_3738 : i32 to index
      %swap3A_3740 = arith.constant 0 : index
      %swap3A_3741 = tpu.vector_load %arg8[%swap3A_3739, %swap3A_3740] {strides = array<i32>} : memref<512x32xf32, #tpu.memory_space<vmem>>, vector<1x16xf32>,
      %swap3A_3742 = vector.shape_cast %swap3A_3741 : vector<1x16xf32> to vector<16xf32>
      %swap3A_3743 = vector.shape_cast %add3A_3734 : vector<16xf32> to vector<1x16xf32>
      tpu.vector_store %arg8[%swap3A_3739, %swap3A_3740], %swap3A_3743 {strides = array<i32>} : memref<512x32xf32, #tpu.memory_space<vmem>>, vector<1x16xf32>,
      %get3A_3744 = arith.constant 46 : i32
      %get3A_3745 = arith.constant 0 : i32
      %get3A_3746 = arith.constant 0 : i32
      %get3A_3747 = tpu.memref_slice %arg7[%rem3A_170, %get3A_3745, %get3A_3746] : memref<8x96x32xf32, #tpu.memory_space<vmem>> -> memref<1x96x32xf32, #tpu.memory_space<vmem>>
      %get3A_3748 = tpu.memref_squeeze %get3A_3747 : memref<1x96x32xf32, #tpu.memory_space<vmem>> -> memref<96x32xf32, #tpu.memory_space<vmem>>
      %get3A_3749 = arith.index_cast %get3A_3744 : i32 to index
      %get3A_3750 = arith.constant 16 : index
      %get3A_3751 = tpu.vector_load %get3A_3748[%get3A_3749, %get3A_3750] {strides = array<i32>} : memref<96x32xf32, #tpu.memory_space<vmem>>, vector<1x16xf32>,
      %get3A_3752 = vector.shape_cast %get3A_3751 : vector<1x16xf32> to vector<16xf32>
      %get3A_3753 = arith.constant 47 : i32
      %get3A_3754 = arith.constant 0 : i32
      %get3A_3755 = arith.constant 0 : i32
      %get3A_3756 = tpu.memref_slice %arg7[%rem3A_170, %get3A_3754, %get3A_3755] : memref<8x96x32xf32, #tpu.memory_space<vmem>> -> memref<1x96x32xf32, #tpu.memory_space<vmem>>
      %get3A_3757 = tpu.memref_squeeze %get3A_3756 : memref<1x96x32xf32, #tpu.memory_space<vmem>> -> memref<96x32xf32, #tpu.memory_space<vmem>>
      %get3A_3758 = arith.index_cast %get3A_3753 : i32 to index
      %get3A_3759 = arith.constant 16 : index
      %get3A_3760 = tpu.vector_load %get3A_3757[%get3A_3758, %get3A_3759] {strides = array<i32>} : memref<96x32xf32, #tpu.memory_space<vmem>>, vector<1x16xf32>,
      %get3A_3761 = vector.shape_cast %get3A_3760 : vector<1x16xf32> to vector<16xf32>
      %get3A_3762 = arith.constant 48 : i32
      %get3A_3763 = arith.constant 0 : i32
      %get3A_3764 = arith.constant 0 : i32
      %get3A_3765 = tpu.memref_slice %arg7[%rem3A_170, %get3A_3763, %get3A_3764] : memref<8x96x32xf32, #tpu.memory_space<vmem>> -> memref<1x96x32xf32, #tpu.memory_space<vmem>>
      %get3A_3766 = tpu.memref_squeeze %get3A_3765 : memref<1x96x32xf32, #tpu.memory_space<vmem>> -> memref<96x32xf32, #tpu.memory_space<vmem>>
      %get3A_3767 = arith.index_cast %get3A_3762 : i32 to index
      %get3A_3768 = arith.constant 16 : index
      %get3A_3769 = tpu.vector_load %get3A_3766[%get3A_3767, %get3A_3768] {strides = array<i32>} : memref<96x32xf32, #tpu.memory_space<vmem>>, vector<1x16xf32>,
      %get3A_3770 = vector.shape_cast %get3A_3769 : vector<1x16xf32> to vector<16xf32>
      %add3A_3771 = arith.addf %get3A_3752, %get3A_3770 : vector<16xf32>
      %get3A_3772 = arith.constant 49 : i32
      %get3A_3773 = arith.constant 0 : i32
      %get3A_3774 = arith.constant 0 : i32
      %get3A_3775 = tpu.memref_slice %arg7[%rem3A_170, %get3A_3773, %get3A_3774] : memref<8x96x32xf32, #tpu.memory_space<vmem>> -> memref<1x96x32xf32, #tpu.memory_space<vmem>>
      %get3A_3776 = tpu.memref_squeeze %get3A_3775 : memref<1x96x32xf32, #tpu.memory_space<vmem>> -> memref<96x32xf32, #tpu.memory_space<vmem>>
      %get3A_3777 = arith.index_cast %get3A_3772 : i32 to index
      %get3A_3778 = arith.constant 16 : index
      %get3A_3779 = tpu.vector_load %get3A_3776[%get3A_3777, %get3A_3778] {strides = array<i32>} : memref<96x32xf32, #tpu.memory_space<vmem>>, vector<1x16xf32>,
      %get3A_3780 = vector.shape_cast %get3A_3779 : vector<1x16xf32> to vector<16xf32>
      %add3A_3781 = arith.addf %get3A_3761, %get3A_3780 : vector<16xf32>
      %get3A_3782 = arith.constant 50 : i32
      %get3A_3783 = arith.constant 0 : i32
      %get3A_3784 = arith.constant 0 : i32
      %get3A_3785 = tpu.memref_slice %arg7[%rem3A_170, %get3A_3783, %get3A_3784] : memref<8x96x32xf32, #tpu.memory_space<vmem>> -> memref<1x96x32xf32, #tpu.memory_space<vmem>>
      %get3A_3786 = tpu.memref_squeeze %get3A_3785 : memref<1x96x32xf32, #tpu.memory_space<vmem>> -> memref<96x32xf32, #tpu.memory_space<vmem>>
      %get3A_3787 = arith.index_cast %get3A_3782 : i32 to index
      %get3A_3788 = arith.constant 16 : index
      %get3A_3789 = tpu.vector_load %get3A_3786[%get3A_3787, %get3A_3788] {strides = array<i32>} : memref<96x32xf32, #tpu.memory_space<vmem>>, vector<1x16xf32>,
      %get3A_3790 = vector.shape_cast %get3A_3789 : vector<1x16xf32> to vector<16xf32>
      %add3A_3791 = arith.addf %add3A_3771, %get3A_3790 : vector<16xf32>
      %get3A_3792 = arith.constant 51 : i32
      %get3A_3793 = arith.constant 0 : i32
      %get3A_3794 = arith.constant 0 : i32
      %get3A_3795 = tpu.memref_slice %arg7[%rem3A_170, %get3A_3793, %get3A_3794] : memref<8x96x32xf32, #tpu.memory_space<vmem>> -> memref<1x96x32xf32, #tpu.memory_space<vmem>>
      %get3A_3796 = tpu.memref_squeeze %get3A_3795 : memref<1x96x32xf32, #tpu.memory_space<vmem>> -> memref<96x32xf32, #tpu.memory_space<vmem>>
      %get3A_3797 = arith.index_cast %get3A_3792 : i32 to index
      %get3A_3798 = arith.constant 16 : index
      %get3A_3799 = tpu.vector_load %get3A_3796[%get3A_3797, %get3A_3798] {strides = array<i32>} : memref<96x32xf32, #tpu.memory_space<vmem>>, vector<1x16xf32>,
      %get3A_3800 = vector.shape_cast %get3A_3799 : vector<1x16xf32> to vector<16xf32>
      %add3A_3801 = arith.addf %add3A_3781, %get3A_3800 : vector<16xf32>
      %get3A_3802 = arith.constant 52 : i32
      %get3A_3803 = arith.constant 0 : i32
      %get3A_3804 = arith.constant 0 : i32
      %get3A_3805 = tpu.memref_slice %arg7[%rem3A_170, %get3A_3803, %get3A_3804] : memref<8x96x32xf32, #tpu.memory_space<vmem>> -> memref<1x96x32xf32, #tpu.memory_space<vmem>>
      %get3A_3806 = tpu.memref_squeeze %get3A_3805 : memref<1x96x32xf32, #tpu.memory_space<vmem>> -> memref<96x32xf32, #tpu.memory_space<vmem>>
      %get3A_3807 = arith.index_cast %get3A_3802 : i32 to index
      %get3A_3808 = arith.constant 16 : index
      %get3A_3809 = tpu.vector_load %get3A_3806[%get3A_3807, %get3A_3808] {strides = array<i32>} : memref<96x32xf32, #tpu.memory_space<vmem>>, vector<1x16xf32>,
      %get3A_3810 = vector.shape_cast %get3A_3809 : vector<1x16xf32> to vector<16xf32>
      %add3A_3811 = arith.addf %add3A_3791, %get3A_3810 : vector<16xf32>
      %get3A_3812 = arith.constant 53 : i32
      %get3A_3813 = arith.constant 0 : i32
      %get3A_3814 = arith.constant 0 : i32
      %get3A_3815 = tpu.memref_slice %arg7[%rem3A_170, %get3A_3813, %get3A_3814] : memref<8x96x32xf32, #tpu.memory_space<vmem>> -> memref<1x96x32xf32, #tpu.memory_space<vmem>>
      %get3A_3816 = tpu.memref_squeeze %get3A_3815 : memref<1x96x32xf32, #tpu.memory_space<vmem>> -> memref<96x32xf32, #tpu.memory_space<vmem>>
      %get3A_3817 = arith.index_cast %get3A_3812 : i32 to index
      %get3A_3818 = arith.constant 16 : index
      %get3A_3819 = tpu.vector_load %get3A_3816[%get3A_3817, %get3A_3818] {strides = array<i32>} : memref<96x32xf32, #tpu.memory_space<vmem>>, vector<1x16xf32>,
      %get3A_3820 = vector.shape_cast %get3A_3819 : vector<1x16xf32> to vector<16xf32>
      %add3A_3821 = arith.addf %add3A_3801, %get3A_3820 : vector<16xf32>
      %get3A_3822 = arith.constant 54 : i32
      %get3A_3823 = arith.constant 0 : i32
      %get3A_3824 = arith.constant 0 : i32
      %get3A_3825 = tpu.memref_slice %arg7[%rem3A_170, %get3A_3823, %get3A_3824] : memref<8x96x32xf32, #tpu.memory_space<vmem>> -> memref<1x96x32xf32, #tpu.memory_space<vmem>>
      %get3A_3826 = tpu.memref_squeeze %get3A_3825 : memref<1x96x32xf32, #tpu.memory_space<vmem>> -> memref<96x32xf32, #tpu.memory_space<vmem>>
      %get3A_3827 = arith.index_cast %get3A_3822 : i32 to index
      %get3A_3828 = arith.constant 16 : index
      %get3A_3829 = tpu.vector_load %get3A_3826[%get3A_3827, %get3A_3828] {strides = array<i32>} : memref<96x32xf32, #tpu.memory_space<vmem>>, vector<1x16xf32>,
      %get3A_3830 = vector.shape_cast %get3A_3829 : vector<1x16xf32> to vector<16xf32>
      %add3A_3831 = arith.addf %add3A_3811, %get3A_3830 : vector<16xf32>
      %get3A_3832 = arith.constant 55 : i32
      %get3A_3833 = arith.constant 0 : i32
      %get3A_3834 = arith.constant 0 : i32
      %get3A_3835 = tpu.memref_slice %arg7[%rem3A_170, %get3A_3833, %get3A_3834] : memref<8x96x32xf32, #tpu.memory_space<vmem>> -> memref<1x96x32xf32, #tpu.memory_space<vmem>>
      %get3A_3836 = tpu.memref_squeeze %get3A_3835 : memref<1x96x32xf32, #tpu.memory_space<vmem>> -> memref<96x32xf32, #tpu.memory_space<vmem>>
      %get3A_3837 = arith.index_cast %get3A_3832 : i32 to index
      %get3A_3838 = arith.constant 16 : index
      %get3A_3839 = tpu.vector_load %get3A_3836[%get3A_3837, %get3A_3838] {strides = array<i32>} : memref<96x32xf32, #tpu.memory_space<vmem>>, vector<1x16xf32>,
      %get3A_3840 = vector.shape_cast %get3A_3839 : vector<1x16xf32> to vector<16xf32>
      %add3A_3841 = arith.addf %add3A_3821, %get3A_3840 : vector<16xf32>
      %get3A_3842 = arith.constant 56 : i32
      %get3A_3843 = arith.constant 0 : i32
      %get3A_3844 = arith.constant 0 : i32
      %get3A_3845 = tpu.memref_slice %arg7[%rem3A_170, %get3A_3843, %get3A_3844] : memref<8x96x32xf32, #tpu.memory_space<vmem>> -> memref<1x96x32xf32, #tpu.memory_space<vmem>>
      %get3A_3846 = tpu.memref_squeeze %get3A_3845 : memref<1x96x32xf32, #tpu.memory_space<vmem>> -> memref<96x32xf32, #tpu.memory_space<vmem>>
      %get3A_3847 = arith.index_cast %get3A_3842 : i32 to index
      %get3A_3848 = arith.constant 16 : index
      %get3A_3849 = tpu.vector_load %get3A_3846[%get3A_3847, %get3A_3848] {strides = array<i32>} : memref<96x32xf32, #tpu.memory_space<vmem>>, vector<1x16xf32>,
      %get3A_3850 = vector.shape_cast %get3A_3849 : vector<1x16xf32> to vector<16xf32>
      %add3A_3851 = arith.addf %add3A_3831, %get3A_3850 : vector<16xf32>
      %get3A_3852 = arith.constant 57 : i32
      %get3A_3853 = arith.constant 0 : i32
      %get3A_3854 = arith.constant 0 : i32
      %get3A_3855 = tpu.memref_slice %arg7[%rem3A_170, %get3A_3853, %get3A_3854] : memref<8x96x32xf32, #tpu.memory_space<vmem>> -> memref<1x96x32xf32, #tpu.memory_space<vmem>>
      %get3A_3856 = tpu.memref_squeeze %get3A_3855 : memref<1x96x32xf32, #tpu.memory_space<vmem>> -> memref<96x32xf32, #tpu.memory_space<vmem>>
      %get3A_3857 = arith.index_cast %get3A_3852 : i32 to index
      %get3A_3858 = arith.constant 16 : index
      %get3A_3859 = tpu.vector_load %get3A_3856[%get3A_3857, %get3A_3858] {strides = array<i32>} : memref<96x32xf32, #tpu.memory_space<vmem>>, vector<1x16xf32>,
      %get3A_3860 = vector.shape_cast %get3A_3859 : vector<1x16xf32> to vector<16xf32>
      %add3A_3861 = arith.addf %add3A_3841, %get3A_3860 : vector<16xf32>
      %get3A_3862 = arith.constant 58 : i32
      %get3A_3863 = arith.constant 0 : i32
      %get3A_3864 = arith.constant 0 : i32
      %get3A_3865 = tpu.memref_slice %arg7[%rem3A_170, %get3A_3863, %get3A_3864] : memref<8x96x32xf32, #tpu.memory_space<vmem>> -> memref<1x96x32xf32, #tpu.memory_space<vmem>>
      %get3A_3866 = tpu.memref_squeeze %get3A_3865 : memref<1x96x32xf32, #tpu.memory_space<vmem>> -> memref<96x32xf32, #tpu.memory_space<vmem>>
      %get3A_3867 = arith.index_cast %get3A_3862 : i32 to index
      %get3A_3868 = arith.constant 16 : index
      %get3A_3869 = tpu.vector_load %get3A_3866[%get3A_3867, %get3A_3868] {strides = array<i32>} : memref<96x32xf32, #tpu.memory_space<vmem>>, vector<1x16xf32>,
      %get3A_3870 = vector.shape_cast %get3A_3869 : vector<1x16xf32> to vector<16xf32>
      %add3A_3871 = arith.addf %add3A_3851, %get3A_3870 : vector<16xf32>
      %get3A_3872 = arith.constant 59 : i32
      %get3A_3873 = arith.constant 0 : i32
      %get3A_3874 = arith.constant 0 : i32
      %get3A_3875 = tpu.memref_slice %arg7[%rem3A_170, %get3A_3873, %get3A_3874] : memref<8x96x32xf32, #tpu.memory_space<vmem>> -> memref<1x96x32xf32, #tpu.memory_space<vmem>>
      %get3A_3876 = tpu.memref_squeeze %get3A_3875 : memref<1x96x32xf32, #tpu.memory_space<vmem>> -> memref<96x32xf32, #tpu.memory_space<vmem>>
      %get3A_3877 = arith.index_cast %get3A_3872 : i32 to index
      %get3A_3878 = arith.constant 16 : index
      %get3A_3879 = tpu.vector_load %get3A_3876[%get3A_3877, %get3A_3878] {strides = array<i32>} : memref<96x32xf32, #tpu.memory_space<vmem>>, vector<1x16xf32>,
      %get3A_3880 = vector.shape_cast %get3A_3879 : vector<1x16xf32> to vector<16xf32>
      %add3A_3881 = arith.addf %add3A_3861, %get3A_3880 : vector<16xf32>
      %get3A_3882 = arith.constant 60 : i32
      %get3A_3883 = arith.constant 0 : i32
      %get3A_3884 = arith.constant 0 : i32
      %get3A_3885 = tpu.memref_slice %arg7[%rem3A_170, %get3A_3883, %get3A_3884] : memref<8x96x32xf32, #tpu.memory_space<vmem>> -> memref<1x96x32xf32, #tpu.memory_space<vmem>>
      %get3A_3886 = tpu.memref_squeeze %get3A_3885 : memref<1x96x32xf32, #tpu.memory_space<vmem>> -> memref<96x32xf32, #tpu.memory_space<vmem>>
      %get3A_3887 = arith.index_cast %get3A_3882 : i32 to index
      %get3A_3888 = arith.constant 16 : index
      %get3A_3889 = tpu.vector_load %get3A_3886[%get3A_3887, %get3A_3888] {strides = array<i32>} : memref<96x32xf32, #tpu.memory_space<vmem>>, vector<1x16xf32>,
      %get3A_3890 = vector.shape_cast %get3A_3889 : vector<1x16xf32> to vector<16xf32>
      %add3A_3891 = arith.addf %add3A_3871, %get3A_3890 : vector<16xf32>
      %get3A_3892 = arith.constant 61 : i32
      %get3A_3893 = arith.constant 0 : i32
      %get3A_3894 = arith.constant 0 : i32
      %get3A_3895 = tpu.memref_slice %arg7[%rem3A_170, %get3A_3893, %get3A_3894] : memref<8x96x32xf32, #tpu.memory_space<vmem>> -> memref<1x96x32xf32, #tpu.memory_space<vmem>>
      %get3A_3896 = tpu.memref_squeeze %get3A_3895 : memref<1x96x32xf32, #tpu.memory_space<vmem>> -> memref<96x32xf32, #tpu.memory_space<vmem>>
      %get3A_3897 = arith.index_cast %get3A_3892 : i32 to index
      %get3A_3898 = arith.constant 16 : index
      %get3A_3899 = tpu.vector_load %get3A_3896[%get3A_3897, %get3A_3898] {strides = array<i32>} : memref<96x32xf32, #tpu.memory_space<vmem>>, vector<1x16xf32>,
      %get3A_3900 = vector.shape_cast %get3A_3899 : vector<1x16xf32> to vector<16xf32>
      %add3A_3901 = arith.addf %add3A_3881, %get3A_3900 : vector<16xf32>
      %get3A_3902 = arith.constant 62 : i32
      %get3A_3903 = arith.constant 0 : i32
      %get3A_3904 = arith.constant 0 : i32
      %get3A_3905 = tpu.memref_slice %arg7[%rem3A_170, %get3A_3903, %get3A_3904] : memref<8x96x32xf32, #tpu.memory_space<vmem>> -> memref<1x96x32xf32, #tpu.memory_space<vmem>>
      %get3A_3906 = tpu.memref_squeeze %get3A_3905 : memref<1x96x32xf32, #tpu.memory_space<vmem>> -> memref<96x32xf32, #tpu.memory_space<vmem>>
      %get3A_3907 = arith.index_cast %get3A_3902 : i32 to index
      %get3A_3908 = arith.constant 16 : index
      %get3A_3909 = tpu.vector_load %get3A_3906[%get3A_3907, %get3A_3908] {strides = array<i32>} : memref<96x32xf32, #tpu.memory_space<vmem>>, vector<1x16xf32>,
      %get3A_3910 = vector.shape_cast %get3A_3909 : vector<1x16xf32> to vector<16xf32>
      %add3A_3911 = arith.addf %add3A_3891, %get3A_3910 : vector<16xf32>
      %get3A_3912 = arith.constant 63 : i32
      %get3A_3913 = arith.constant 0 : i32
      %get3A_3914 = arith.constant 0 : i32
      %get3A_3915 = tpu.memref_slice %arg7[%rem3A_170, %get3A_3913, %get3A_3914] : memref<8x96x32xf32, #tpu.memory_space<vmem>> -> memref<1x96x32xf32, #tpu.memory_space<vmem>>
      %get3A_3916 = tpu.memref_squeeze %get3A_3915 : memref<1x96x32xf32, #tpu.memory_space<vmem>> -> memref<96x32xf32, #tpu.memory_space<vmem>>
      %get3A_3917 = arith.index_cast %get3A_3912 : i32 to index
      %get3A_3918 = arith.constant 16 : index
      %get3A_3919 = tpu.vector_load %get3A_3916[%get3A_3917, %get3A_3918] {strides = array<i32>} : memref<96x32xf32, #tpu.memory_space<vmem>>, vector<1x16xf32>,
      %get3A_3920 = vector.shape_cast %get3A_3919 : vector<1x16xf32> to vector<16xf32>
      %add3A_3921 = arith.addf %add3A_3901, %get3A_3920 : vector<16xf32>
      %get3A_3922 = arith.constant 64 : i32
      %get3A_3923 = arith.constant 0 : i32
      %get3A_3924 = arith.constant 0 : i32
      %get3A_3925 = tpu.memref_slice %arg7[%rem3A_170, %get3A_3923, %get3A_3924] : memref<8x96x32xf32, #tpu.memory_space<vmem>> -> memref<1x96x32xf32, #tpu.memory_space<vmem>>
      %get3A_3926 = tpu.memref_squeeze %get3A_3925 : memref<1x96x32xf32, #tpu.memory_space<vmem>> -> memref<96x32xf32, #tpu.memory_space<vmem>>
      %get3A_3927 = arith.index_cast %get3A_3922 : i32 to index
      %get3A_3928 = arith.constant 16 : index
      %get3A_3929 = tpu.vector_load %get3A_3926[%get3A_3927, %get3A_3928] {strides = array<i32>} : memref<96x32xf32, #tpu.memory_space<vmem>>, vector<1x16xf32>,
      %get3A_3930 = vector.shape_cast %get3A_3929 : vector<1x16xf32> to vector<16xf32>
      %add3A_3931 = arith.addf %add3A_3911, %get3A_3930 : vector<16xf32>
      %get3A_3932 = arith.constant 65 : i32
      %get3A_3933 = arith.constant 0 : i32
      %get3A_3934 = arith.constant 0 : i32
      %get3A_3935 = tpu.memref_slice %arg7[%rem3A_170, %get3A_3933, %get3A_3934] : memref<8x96x32xf32, #tpu.memory_space<vmem>> -> memref<1x96x32xf32, #tpu.memory_space<vmem>>
      %get3A_3936 = tpu.memref_squeeze %get3A_3935 : memref<1x96x32xf32, #tpu.memory_space<vmem>> -> memref<96x32xf32, #tpu.memory_space<vmem>>
      %get3A_3937 = arith.index_cast %get3A_3932 : i32 to index
      %get3A_3938 = arith.constant 16 : index
      %get3A_3939 = tpu.vector_load %get3A_3936[%get3A_3937, %get3A_3938] {strides = array<i32>} : memref<96x32xf32, #tpu.memory_space<vmem>>, vector<1x16xf32>,
      %get3A_3940 = vector.shape_cast %get3A_3939 : vector<1x16xf32> to vector<16xf32>
      %add3A_3941 = arith.addf %add3A_3921, %get3A_3940 : vector<16xf32>
      %get3A_3942 = arith.constant 66 : i32
      %get3A_3943 = arith.constant 0 : i32
      %get3A_3944 = arith.constant 0 : i32
      %get3A_3945 = tpu.memref_slice %arg7[%rem3A_170, %get3A_3943, %get3A_3944] : memref<8x96x32xf32, #tpu.memory_space<vmem>> -> memref<1x96x32xf32, #tpu.memory_space<vmem>>
      %get3A_3946 = tpu.memref_squeeze %get3A_3945 : memref<1x96x32xf32, #tpu.memory_space<vmem>> -> memref<96x32xf32, #tpu.memory_space<vmem>>
      %get3A_3947 = arith.index_cast %get3A_3942 : i32 to index
      %get3A_3948 = arith.constant 16 : index
      %get3A_3949 = tpu.vector_load %get3A_3946[%get3A_3947, %get3A_3948] {strides = array<i32>} : memref<96x32xf32, #tpu.memory_space<vmem>>, vector<1x16xf32>,
      %get3A_3950 = vector.shape_cast %get3A_3949 : vector<1x16xf32> to vector<16xf32>
      %add3A_3951 = arith.addf %add3A_3931, %get3A_3950 : vector<16xf32>
      %get3A_3952 = arith.constant 67 : i32
      %get3A_3953 = arith.constant 0 : i32
      %get3A_3954 = arith.constant 0 : i32
      %get3A_3955 = tpu.memref_slice %arg7[%rem3A_170, %get3A_3953, %get3A_3954] : memref<8x96x32xf32, #tpu.memory_space<vmem>> -> memref<1x96x32xf32, #tpu.memory_space<vmem>>
      %get3A_3956 = tpu.memref_squeeze %get3A_3955 : memref<1x96x32xf32, #tpu.memory_space<vmem>> -> memref<96x32xf32, #tpu.memory_space<vmem>>
      %get3A_3957 = arith.index_cast %get3A_3952 : i32 to index
      %get3A_3958 = arith.constant 16 : index
      %get3A_3959 = tpu.vector_load %get3A_3956[%get3A_3957, %get3A_3958] {strides = array<i32>} : memref<96x32xf32, #tpu.memory_space<vmem>>, vector<1x16xf32>,
      %get3A_3960 = vector.shape_cast %get3A_3959 : vector<1x16xf32> to vector<16xf32>
      %add3A_3961 = arith.addf %add3A_3941, %get3A_3960 : vector<16xf32>
      %get3A_3962 = arith.constant 68 : i32
      %get3A_3963 = arith.constant 0 : i32
      %get3A_3964 = arith.constant 0 : i32
      %get3A_3965 = tpu.memref_slice %arg7[%rem3A_170, %get3A_3963, %get3A_3964] : memref<8x96x32xf32, #tpu.memory_space<vmem>> -> memref<1x96x32xf32, #tpu.memory_space<vmem>>
      %get3A_3966 = tpu.memref_squeeze %get3A_3965 : memref<1x96x32xf32, #tpu.memory_space<vmem>> -> memref<96x32xf32, #tpu.memory_space<vmem>>
      %get3A_3967 = arith.index_cast %get3A_3962 : i32 to index
      %get3A_3968 = arith.constant 16 : index
      %get3A_3969 = tpu.vector_load %get3A_3966[%get3A_3967, %get3A_3968] {strides = array<i32>} : memref<96x32xf32, #tpu.memory_space<vmem>>, vector<1x16xf32>,
      %get3A_3970 = vector.shape_cast %get3A_3969 : vector<1x16xf32> to vector<16xf32>
      %add3A_3971 = arith.addf %add3A_3951, %get3A_3970 : vector<16xf32>
      %get3A_3972 = arith.constant 69 : i32
      %get3A_3973 = arith.constant 0 : i32
      %get3A_3974 = arith.constant 0 : i32
      %get3A_3975 = tpu.memref_slice %arg7[%rem3A_170, %get3A_3973, %get3A_3974] : memref<8x96x32xf32, #tpu.memory_space<vmem>> -> memref<1x96x32xf32, #tpu.memory_space<vmem>>
      %get3A_3976 = tpu.memref_squeeze %get3A_3975 : memref<1x96x32xf32, #tpu.memory_space<vmem>> -> memref<96x32xf32, #tpu.memory_space<vmem>>
      %get3A_3977 = arith.index_cast %get3A_3972 : i32 to index
      %get3A_3978 = arith.constant 16 : index
      %get3A_3979 = tpu.vector_load %get3A_3976[%get3A_3977, %get3A_3978] {strides = array<i32>} : memref<96x32xf32, #tpu.memory_space<vmem>>, vector<1x16xf32>,
      %get3A_3980 = vector.shape_cast %get3A_3979 : vector<1x16xf32> to vector<16xf32>
      %add3A_3981 = arith.addf %add3A_3961, %get3A_3980 : vector<16xf32>
      %get3A_3982 = arith.constant 70 : i32
      %get3A_3983 = arith.constant 0 : i32
      %get3A_3984 = arith.constant 0 : i32
      %get3A_3985 = tpu.memref_slice %arg7[%rem3A_170, %get3A_3983, %get3A_3984] : memref<8x96x32xf32, #tpu.memory_space<vmem>> -> memref<1x96x32xf32, #tpu.memory_space<vmem>>
      %get3A_3986 = tpu.memref_squeeze %get3A_3985 : memref<1x96x32xf32, #tpu.memory_space<vmem>> -> memref<96x32xf32, #tpu.memory_space<vmem>>
      %get3A_3987 = arith.index_cast %get3A_3982 : i32 to index
      %get3A_3988 = arith.constant 16 : index
      %get3A_3989 = tpu.vector_load %get3A_3986[%get3A_3987, %get3A_3988] {strides = array<i32>} : memref<96x32xf32, #tpu.memory_space<vmem>>, vector<1x16xf32>,
      %get3A_3990 = vector.shape_cast %get3A_3989 : vector<1x16xf32> to vector<16xf32>
      %add3A_3991 = arith.addf %add3A_3971, %get3A_3990 : vector<16xf32>
      %get3A_3992 = arith.constant 71 : i32
      %get3A_3993 = arith.constant 0 : i32
      %get3A_3994 = arith.constant 0 : i32
      %get3A_3995 = tpu.memref_slice %arg7[%rem3A_170, %get3A_3993, %get3A_3994] : memref<8x96x32xf32, #tpu.memory_space<vmem>> -> memref<1x96x32xf32, #tpu.memory_space<vmem>>
      %get3A_3996 = tpu.memref_squeeze %get3A_3995 : memref<1x96x32xf32, #tpu.memory_space<vmem>> -> memref<96x32xf32, #tpu.memory_space<vmem>>
      %get3A_3997 = arith.index_cast %get3A_3992 : i32 to index
      %get3A_3998 = arith.constant 16 : index
      %get3A_3999 = tpu.vector_load %get3A_3996[%get3A_3997, %get3A_3998] {strides = array<i32>} : memref<96x32xf32, #tpu.memory_space<vmem>>, vector<1x16xf32>,
      %get3A_4000 = vector.shape_cast %get3A_3999 : vector<1x16xf32> to vector<16xf32>
      %add3A_4001 = arith.addf %add3A_3981, %get3A_4000 : vector<16xf32>
      %get3A_4002 = arith.constant 72 : i32
      %get3A_4003 = arith.constant 0 : i32
      %get3A_4004 = arith.constant 0 : i32
      %get3A_4005 = tpu.memref_slice %arg7[%rem3A_170, %get3A_4003, %get3A_4004] : memref<8x96x32xf32, #tpu.memory_space<vmem>> -> memref<1x96x32xf32, #tpu.memory_space<vmem>>
      %get3A_4006 = tpu.memref_squeeze %get3A_4005 : memref<1x96x32xf32, #tpu.memory_space<vmem>> -> memref<96x32xf32, #tpu.memory_space<vmem>>
      %get3A_4007 = arith.index_cast %get3A_4002 : i32 to index
      %get3A_4008 = arith.constant 16 : index
      %get3A_4009 = tpu.vector_load %get3A_4006[%get3A_4007, %get3A_4008] {strides = array<i32>} : memref<96x32xf32, #tpu.memory_space<vmem>>, vector<1x16xf32>,
      %get3A_4010 = vector.shape_cast %get3A_4009 : vector<1x16xf32> to vector<16xf32>
      %add3A_4011 = arith.addf %add3A_3991, %get3A_4010 : vector<16xf32>
      %get3A_4012 = arith.constant 73 : i32
      %get3A_4013 = arith.constant 0 : i32
      %get3A_4014 = arith.constant 0 : i32
      %get3A_4015 = tpu.memref_slice %arg7[%rem3A_170, %get3A_4013, %get3A_4014] : memref<8x96x32xf32, #tpu.memory_space<vmem>> -> memref<1x96x32xf32, #tpu.memory_space<vmem>>
      %get3A_4016 = tpu.memref_squeeze %get3A_4015 : memref<1x96x32xf32, #tpu.memory_space<vmem>> -> memref<96x32xf32, #tpu.memory_space<vmem>>
      %get3A_4017 = arith.index_cast %get3A_4012 : i32 to index
      %get3A_4018 = arith.constant 16 : index
      %get3A_4019 = tpu.vector_load %get3A_4016[%get3A_4017, %get3A_4018] {strides = array<i32>} : memref<96x32xf32, #tpu.memory_space<vmem>>, vector<1x16xf32>,
      %get3A_4020 = vector.shape_cast %get3A_4019 : vector<1x16xf32> to vector<16xf32>
      %add3A_4021 = arith.addf %add3A_4001, %get3A_4020 : vector<16xf32>
      %get3A_4022 = arith.constant 74 : i32
      %get3A_4023 = arith.constant 0 : i32
      %get3A_4024 = arith.constant 0 : i32
      %get3A_4025 = tpu.memref_slice %arg7[%rem3A_170, %get3A_4023, %get3A_4024] : memref<8x96x32xf32, #tpu.memory_space<vmem>> -> memref<1x96x32xf32, #tpu.memory_space<vmem>>
      %get3A_4026 = tpu.memref_squeeze %get3A_4025 : memref<1x96x32xf32, #tpu.memory_space<vmem>> -> memref<96x32xf32, #tpu.memory_space<vmem>>
      %get3A_4027 = arith.index_cast %get3A_4022 : i32 to index
      %get3A_4028 = arith.constant 16 : index
      %get3A_4029 = tpu.vector_load %get3A_4026[%get3A_4027, %get3A_4028] {strides = array<i32>} : memref<96x32xf32, #tpu.memory_space<vmem>>, vector<1x16xf32>,
      %get3A_4030 = vector.shape_cast %get3A_4029 : vector<1x16xf32> to vector<16xf32>
      %add3A_4031 = arith.addf %add3A_4011, %get3A_4030 : vector<16xf32>
      %get3A_4032 = arith.constant 75 : i32
      %get3A_4033 = arith.constant 0 : i32
      %get3A_4034 = arith.constant 0 : i32
      %get3A_4035 = tpu.memref_slice %arg7[%rem3A_170, %get3A_4033, %get3A_4034] : memref<8x96x32xf32, #tpu.memory_space<vmem>> -> memref<1x96x32xf32, #tpu.memory_space<vmem>>
      %get3A_4036 = tpu.memref_squeeze %get3A_4035 : memref<1x96x32xf32, #tpu.memory_space<vmem>> -> memref<96x32xf32, #tpu.memory_space<vmem>>
      %get3A_4037 = arith.index_cast %get3A_4032 : i32 to index
      %get3A_4038 = arith.constant 16 : index
      %get3A_4039 = tpu.vector_load %get3A_4036[%get3A_4037, %get3A_4038] {strides = array<i32>} : memref<96x32xf32, #tpu.memory_space<vmem>>, vector<1x16xf32>,
      %get3A_4040 = vector.shape_cast %get3A_4039 : vector<1x16xf32> to vector<16xf32>
      %add3A_4041 = arith.addf %add3A_4021, %get3A_4040 : vector<16xf32>
      %get3A_4042 = arith.constant 76 : i32
      %get3A_4043 = arith.constant 0 : i32
      %get3A_4044 = arith.constant 0 : i32
      %get3A_4045 = tpu.memref_slice %arg7[%rem3A_170, %get3A_4043, %get3A_4044] : memref<8x96x32xf32, #tpu.memory_space<vmem>> -> memref<1x96x32xf32, #tpu.memory_space<vmem>>
      %get3A_4046 = tpu.memref_squeeze %get3A_4045 : memref<1x96x32xf32, #tpu.memory_space<vmem>> -> memref<96x32xf32, #tpu.memory_space<vmem>>
      %get3A_4047 = arith.index_cast %get3A_4042 : i32 to index
      %get3A_4048 = arith.constant 16 : index
      %get3A_4049 = tpu.vector_load %get3A_4046[%get3A_4047, %get3A_4048] {strides = array<i32>} : memref<96x32xf32, #tpu.memory_space<vmem>>, vector<1x16xf32>,
      %get3A_4050 = vector.shape_cast %get3A_4049 : vector<1x16xf32> to vector<16xf32>
      %add3A_4051 = arith.addf %add3A_4031, %get3A_4050 : vector<16xf32>
      %get3A_4052 = arith.constant 77 : i32
      %get3A_4053 = arith.constant 0 : i32
      %get3A_4054 = arith.constant 0 : i32
      %get3A_4055 = tpu.memref_slice %arg7[%rem3A_170, %get3A_4053, %get3A_4054] : memref<8x96x32xf32, #tpu.memory_space<vmem>> -> memref<1x96x32xf32, #tpu.memory_space<vmem>>
      %get3A_4056 = tpu.memref_squeeze %get3A_4055 : memref<1x96x32xf32, #tpu.memory_space<vmem>> -> memref<96x32xf32, #tpu.memory_space<vmem>>
      %get3A_4057 = arith.index_cast %get3A_4052 : i32 to index
      %get3A_4058 = arith.constant 16 : index
      %get3A_4059 = tpu.vector_load %get3A_4056[%get3A_4057, %get3A_4058] {strides = array<i32>} : memref<96x32xf32, #tpu.memory_space<vmem>>, vector<1x16xf32>,
      %get3A_4060 = vector.shape_cast %get3A_4059 : vector<1x16xf32> to vector<16xf32>
      %add3A_4061 = arith.addf %add3A_4041, %get3A_4060 : vector<16xf32>
      %get3A_4062 = arith.constant 78 : i32
      %get3A_4063 = arith.constant 0 : i32
      %get3A_4064 = arith.constant 0 : i32
      %get3A_4065 = tpu.memref_slice %arg7[%rem3A_170, %get3A_4063, %get3A_4064] : memref<8x96x32xf32, #tpu.memory_space<vmem>> -> memref<1x96x32xf32, #tpu.memory_space<vmem>>
      %get3A_4066 = tpu.memref_squeeze %get3A_4065 : memref<1x96x32xf32, #tpu.memory_space<vmem>> -> memref<96x32xf32, #tpu.memory_space<vmem>>
      %get3A_4067 = arith.index_cast %get3A_4062 : i32 to index
      %get3A_4068 = arith.constant 16 : index
      %get3A_4069 = tpu.vector_load %get3A_4066[%get3A_4067, %get3A_4068] {strides = array<i32>} : memref<96x32xf32, #tpu.memory_space<vmem>>, vector<1x16xf32>,
      %get3A_4070 = vector.shape_cast %get3A_4069 : vector<1x16xf32> to vector<16xf32>
      %add3A_4071 = arith.addf %add3A_4051, %get3A_4070 : vector<16xf32>
      %get3A_4072 = arith.constant 79 : i32
      %get3A_4073 = arith.constant 0 : i32
      %get3A_4074 = arith.constant 0 : i32
      %get3A_4075 = tpu.memref_slice %arg7[%rem3A_170, %get3A_4073, %get3A_4074] : memref<8x96x32xf32, #tpu.memory_space<vmem>> -> memref<1x96x32xf32, #tpu.memory_space<vmem>>
      %get3A_4076 = tpu.memref_squeeze %get3A_4075 : memref<1x96x32xf32, #tpu.memory_space<vmem>> -> memref<96x32xf32, #tpu.memory_space<vmem>>
      %get3A_4077 = arith.index_cast %get3A_4072 : i32 to index
      %get3A_4078 = arith.constant 16 : index
      %get3A_4079 = tpu.vector_load %get3A_4076[%get3A_4077, %get3A_4078] {strides = array<i32>} : memref<96x32xf32, #tpu.memory_space<vmem>>, vector<1x16xf32>,
      %get3A_4080 = vector.shape_cast %get3A_4079 : vector<1x16xf32> to vector<16xf32>
      %add3A_4081 = arith.addf %add3A_4061, %get3A_4080 : vector<16xf32>
      %get3A_4082 = arith.constant 80 : i32
      %get3A_4083 = arith.constant 0 : i32
      %get3A_4084 = arith.constant 0 : i32
      %get3A_4085 = tpu.memref_slice %arg7[%rem3A_170, %get3A_4083, %get3A_4084] : memref<8x96x32xf32, #tpu.memory_space<vmem>> -> memref<1x96x32xf32, #tpu.memory_space<vmem>>
      %get3A_4086 = tpu.memref_squeeze %get3A_4085 : memref<1x96x32xf32, #tpu.memory_space<vmem>> -> memref<96x32xf32, #tpu.memory_space<vmem>>
      %get3A_4087 = arith.index_cast %get3A_4082 : i32 to index
      %get3A_4088 = arith.constant 16 : index
      %get3A_4089 = tpu.vector_load %get3A_4086[%get3A_4087, %get3A_4088] {strides = array<i32>} : memref<96x32xf32, #tpu.memory_space<vmem>>, vector<1x16xf32>,
      %get3A_4090 = vector.shape_cast %get3A_4089 : vector<1x16xf32> to vector<16xf32>
      %add3A_4091 = arith.addf %add3A_4071, %get3A_4090 : vector<16xf32>
      %get3A_4092 = arith.constant 81 : i32
      %get3A_4093 = arith.constant 0 : i32
      %get3A_4094 = arith.constant 0 : i32
      %get3A_4095 = tpu.memref_slice %arg7[%rem3A_170, %get3A_4093, %get3A_4094] : memref<8x96x32xf32, #tpu.memory_space<vmem>> -> memref<1x96x32xf32, #tpu.memory_space<vmem>>
      %get3A_4096 = tpu.memref_squeeze %get3A_4095 : memref<1x96x32xf32, #tpu.memory_space<vmem>> -> memref<96x32xf32, #tpu.memory_space<vmem>>
      %get3A_4097 = arith.index_cast %get3A_4092 : i32 to index
      %get3A_4098 = arith.constant 16 : index
      %get3A_4099 = tpu.vector_load %get3A_4096[%get3A_4097, %get3A_4098] {strides = array<i32>} : memref<96x32xf32, #tpu.memory_space<vmem>>, vector<1x16xf32>,
      %get3A_4100 = vector.shape_cast %get3A_4099 : vector<1x16xf32> to vector<16xf32>
      %add3A_4101 = arith.addf %add3A_4081, %get3A_4100 : vector<16xf32>
      %get3A_4102 = arith.constant 82 : i32
      %get3A_4103 = arith.constant 0 : i32
      %get3A_4104 = arith.constant 0 : i32
      %get3A_4105 = tpu.memref_slice %arg7[%rem3A_170, %get3A_4103, %get3A_4104] : memref<8x96x32xf32, #tpu.memory_space<vmem>> -> memref<1x96x32xf32, #tpu.memory_space<vmem>>
      %get3A_4106 = tpu.memref_squeeze %get3A_4105 : memref<1x96x32xf32, #tpu.memory_space<vmem>> -> memref<96x32xf32, #tpu.memory_space<vmem>>
      %get3A_4107 = arith.index_cast %get3A_4102 : i32 to index
      %get3A_4108 = arith.constant 16 : index
      %get3A_4109 = tpu.vector_load %get3A_4106[%get3A_4107, %get3A_4108] {strides = array<i32>} : memref<96x32xf32, #tpu.memory_space<vmem>>, vector<1x16xf32>,
      %get3A_4110 = vector.shape_cast %get3A_4109 : vector<1x16xf32> to vector<16xf32>
      %add3A_4111 = arith.addf %add3A_4091, %get3A_4110 : vector<16xf32>
      %get3A_4112 = arith.constant 83 : i32
      %get3A_4113 = arith.constant 0 : i32
      %get3A_4114 = arith.constant 0 : i32
      %get3A_4115 = tpu.memref_slice %arg7[%rem3A_170, %get3A_4113, %get3A_4114] : memref<8x96x32xf32, #tpu.memory_space<vmem>> -> memref<1x96x32xf32, #tpu.memory_space<vmem>>
      %get3A_4116 = tpu.memref_squeeze %get3A_4115 : memref<1x96x32xf32, #tpu.memory_space<vmem>> -> memref<96x32xf32, #tpu.memory_space<vmem>>
      %get3A_4117 = arith.index_cast %get3A_4112 : i32 to index
      %get3A_4118 = arith.constant 16 : index
      %get3A_4119 = tpu.vector_load %get3A_4116[%get3A_4117, %get3A_4118] {strides = array<i32>} : memref<96x32xf32, #tpu.memory_space<vmem>>, vector<1x16xf32>,
      %get3A_4120 = vector.shape_cast %get3A_4119 : vector<1x16xf32> to vector<16xf32>
      %add3A_4121 = arith.addf %add3A_4101, %get3A_4120 : vector<16xf32>
      %get3A_4122 = arith.constant 84 : i32
      %get3A_4123 = arith.constant 0 : i32
      %get3A_4124 = arith.constant 0 : i32
      %get3A_4125 = tpu.memref_slice %arg7[%rem3A_170, %get3A_4123, %get3A_4124] : memref<8x96x32xf32, #tpu.memory_space<vmem>> -> memref<1x96x32xf32, #tpu.memory_space<vmem>>
      %get3A_4126 = tpu.memref_squeeze %get3A_4125 : memref<1x96x32xf32, #tpu.memory_space<vmem>> -> memref<96x32xf32, #tpu.memory_space<vmem>>
      %get3A_4127 = arith.index_cast %get3A_4122 : i32 to index
      %get3A_4128 = arith.constant 16 : index
      %get3A_4129 = tpu.vector_load %get3A_4126[%get3A_4127, %get3A_4128] {strides = array<i32>} : memref<96x32xf32, #tpu.memory_space<vmem>>, vector<1x16xf32>,
      %get3A_4130 = vector.shape_cast %get3A_4129 : vector<1x16xf32> to vector<16xf32>
      %add3A_4131 = arith.addf %add3A_4111, %get3A_4130 : vector<16xf32>
      %get3A_4132 = arith.constant 85 : i32
      %get3A_4133 = arith.constant 0 : i32
      %get3A_4134 = arith.constant 0 : i32
      %get3A_4135 = tpu.memref_slice %arg7[%rem3A_170, %get3A_4133, %get3A_4134] : memref<8x96x32xf32, #tpu.memory_space<vmem>> -> memref<1x96x32xf32, #tpu.memory_space<vmem>>
      %get3A_4136 = tpu.memref_squeeze %get3A_4135 : memref<1x96x32xf32, #tpu.memory_space<vmem>> -> memref<96x32xf32, #tpu.memory_space<vmem>>
      %get3A_4137 = arith.index_cast %get3A_4132 : i32 to index
      %get3A_4138 = arith.constant 16 : index
      %get3A_4139 = tpu.vector_load %get3A_4136[%get3A_4137, %get3A_4138] {strides = array<i32>} : memref<96x32xf32, #tpu.memory_space<vmem>>, vector<1x16xf32>,
      %get3A_4140 = vector.shape_cast %get3A_4139 : vector<1x16xf32> to vector<16xf32>
      %add3A_4141 = arith.addf %add3A_4121, %get3A_4140 : vector<16xf32>
      %get3A_4142 = arith.constant 86 : i32
      %get3A_4143 = arith.constant 0 : i32
      %get3A_4144 = arith.constant 0 : i32
      %get3A_4145 = tpu.memref_slice %arg7[%rem3A_170, %get3A_4143, %get3A_4144] : memref<8x96x32xf32, #tpu.memory_space<vmem>> -> memref<1x96x32xf32, #tpu.memory_space<vmem>>
      %get3A_4146 = tpu.memref_squeeze %get3A_4145 : memref<1x96x32xf32, #tpu.memory_space<vmem>> -> memref<96x32xf32, #tpu.memory_space<vmem>>
      %get3A_4147 = arith.index_cast %get3A_4142 : i32 to index
      %get3A_4148 = arith.constant 16 : index
      %get3A_4149 = tpu.vector_load %get3A_4146[%get3A_4147, %get3A_4148] {strides = array<i32>} : memref<96x32xf32, #tpu.memory_space<vmem>>, vector<1x16xf32>,
      %get3A_4150 = vector.shape_cast %get3A_4149 : vector<1x16xf32> to vector<16xf32>
      %add3A_4151 = arith.addf %add3A_4131, %get3A_4150 : vector<16xf32>
      %get3A_4152 = arith.constant 87 : i32
      %get3A_4153 = arith.constant 0 : i32
      %get3A_4154 = arith.constant 0 : i32
      %get3A_4155 = tpu.memref_slice %arg7[%rem3A_170, %get3A_4153, %get3A_4154] : memref<8x96x32xf32, #tpu.memory_space<vmem>> -> memref<1x96x32xf32, #tpu.memory_space<vmem>>
      %get3A_4156 = tpu.memref_squeeze %get3A_4155 : memref<1x96x32xf32, #tpu.memory_space<vmem>> -> memref<96x32xf32, #tpu.memory_space<vmem>>
      %get3A_4157 = arith.index_cast %get3A_4152 : i32 to index
      %get3A_4158 = arith.constant 16 : index
      %get3A_4159 = tpu.vector_load %get3A_4156[%get3A_4157, %get3A_4158] {strides = array<i32>} : memref<96x32xf32, #tpu.memory_space<vmem>>, vector<1x16xf32>,
      %get3A_4160 = vector.shape_cast %get3A_4159 : vector<1x16xf32> to vector<16xf32>
      %add3A_4161 = arith.addf %add3A_4141, %get3A_4160 : vector<16xf32>
      %get3A_4162 = arith.constant 88 : i32
      %get3A_4163 = arith.constant 0 : i32
      %get3A_4164 = arith.constant 0 : i32
      %get3A_4165 = tpu.memref_slice %arg7[%rem3A_170, %get3A_4163, %get3A_4164] : memref<8x96x32xf32, #tpu.memory_space<vmem>> -> memref<1x96x32xf32, #tpu.memory_space<vmem>>
      %get3A_4166 = tpu.memref_squeeze %get3A_4165 : memref<1x96x32xf32, #tpu.memory_space<vmem>> -> memref<96x32xf32, #tpu.memory_space<vmem>>
      %get3A_4167 = arith.index_cast %get3A_4162 : i32 to index
      %get3A_4168 = arith.constant 16 : index
      %get3A_4169 = tpu.vector_load %get3A_4166[%get3A_4167, %get3A_4168] {strides = array<i32>} : memref<96x32xf32, #tpu.memory_space<vmem>>, vector<1x16xf32>,
      %get3A_4170 = vector.shape_cast %get3A_4169 : vector<1x16xf32> to vector<16xf32>
      %add3A_4171 = arith.addf %add3A_4151, %get3A_4170 : vector<16xf32>
      %get3A_4172 = arith.constant 89 : i32
      %get3A_4173 = arith.constant 0 : i32
      %get3A_4174 = arith.constant 0 : i32
      %get3A_4175 = tpu.memref_slice %arg7[%rem3A_170, %get3A_4173, %get3A_4174] : memref<8x96x32xf32, #tpu.memory_space<vmem>> -> memref<1x96x32xf32, #tpu.memory_space<vmem>>
      %get3A_4176 = tpu.memref_squeeze %get3A_4175 : memref<1x96x32xf32, #tpu.memory_space<vmem>> -> memref<96x32xf32, #tpu.memory_space<vmem>>
      %get3A_4177 = arith.index_cast %get3A_4172 : i32 to index
      %get3A_4178 = arith.constant 16 : index
      %get3A_4179 = tpu.vector_load %get3A_4176[%get3A_4177, %get3A_4178] {strides = array<i32>} : memref<96x32xf32, #tpu.memory_space<vmem>>, vector<1x16xf32>,
      %get3A_4180 = vector.shape_cast %get3A_4179 : vector<1x16xf32> to vector<16xf32>
      %add3A_4181 = arith.addf %add3A_4161, %get3A_4180 : vector<16xf32>
      %get3A_4182 = arith.constant 90 : i32
      %get3A_4183 = arith.constant 0 : i32
      %get3A_4184 = arith.constant 0 : i32
      %get3A_4185 = tpu.memref_slice %arg7[%rem3A_170, %get3A_4183, %get3A_4184] : memref<8x96x32xf32, #tpu.memory_space<vmem>> -> memref<1x96x32xf32, #tpu.memory_space<vmem>>
      %get3A_4186 = tpu.memref_squeeze %get3A_4185 : memref<1x96x32xf32, #tpu.memory_space<vmem>> -> memref<96x32xf32, #tpu.memory_space<vmem>>
      %get3A_4187 = arith.index_cast %get3A_4182 : i32 to index
      %get3A_4188 = arith.constant 16 : index
      %get3A_4189 = tpu.vector_load %get3A_4186[%get3A_4187, %get3A_4188] {strides = array<i32>} : memref<96x32xf32, #tpu.memory_space<vmem>>, vector<1x16xf32>,
      %get3A_4190 = vector.shape_cast %get3A_4189 : vector<1x16xf32> to vector<16xf32>
      %add3A_4191 = arith.addf %add3A_4171, %get3A_4190 : vector<16xf32>
      %get3A_4192 = arith.constant 91 : i32
      %get3A_4193 = arith.constant 0 : i32
      %get3A_4194 = arith.constant 0 : i32
      %get3A_4195 = tpu.memref_slice %arg7[%rem3A_170, %get3A_4193, %get3A_4194] : memref<8x96x32xf32, #tpu.memory_space<vmem>> -> memref<1x96x32xf32, #tpu.memory_space<vmem>>
      %get3A_4196 = tpu.memref_squeeze %get3A_4195 : memref<1x96x32xf32, #tpu.memory_space<vmem>> -> memref<96x32xf32, #tpu.memory_space<vmem>>
      %get3A_4197 = arith.index_cast %get3A_4192 : i32 to index
      %get3A_4198 = arith.constant 16 : index
      %get3A_4199 = tpu.vector_load %get3A_4196[%get3A_4197, %get3A_4198] {strides = array<i32>} : memref<96x32xf32, #tpu.memory_space<vmem>>, vector<1x16xf32>,
      %get3A_4200 = vector.shape_cast %get3A_4199 : vector<1x16xf32> to vector<16xf32>
      %add3A_4201 = arith.addf %add3A_4181, %get3A_4200 : vector<16xf32>
      %get3A_4202 = arith.constant 92 : i32
      %get3A_4203 = arith.constant 0 : i32
      %get3A_4204 = arith.constant 0 : i32
      %get3A_4205 = tpu.memref_slice %arg7[%rem3A_170, %get3A_4203, %get3A_4204] : memref<8x96x32xf32, #tpu.memory_space<vmem>> -> memref<1x96x32xf32, #tpu.memory_space<vmem>>
      %get3A_4206 = tpu.memref_squeeze %get3A_4205 : memref<1x96x32xf32, #tpu.memory_space<vmem>> -> memref<96x32xf32, #tpu.memory_space<vmem>>
      %get3A_4207 = arith.index_cast %get3A_4202 : i32 to index
      %get3A_4208 = arith.constant 16 : index
      %get3A_4209 = tpu.vector_load %get3A_4206[%get3A_4207, %get3A_4208] {strides = array<i32>} : memref<96x32xf32, #tpu.memory_space<vmem>>, vector<1x16xf32>,
      %get3A_4210 = vector.shape_cast %get3A_4209 : vector<1x16xf32> to vector<16xf32>
      %add3A_4211 = arith.addf %add3A_4191, %get3A_4210 : vector<16xf32>
      %get3A_4212 = arith.constant 93 : i32
      %get3A_4213 = arith.constant 0 : i32
      %get3A_4214 = arith.constant 0 : i32
      %get3A_4215 = tpu.memref_slice %arg7[%rem3A_170, %get3A_4213, %get3A_4214] : memref<8x96x32xf32, #tpu.memory_space<vmem>> -> memref<1x96x32xf32, #tpu.memory_space<vmem>>
      %get3A_4216 = tpu.memref_squeeze %get3A_4215 : memref<1x96x32xf32, #tpu.memory_space<vmem>> -> memref<96x32xf32, #tpu.memory_space<vmem>>
      %get3A_4217 = arith.index_cast %get3A_4212 : i32 to index
      %get3A_4218 = arith.constant 16 : index
      %get3A_4219 = tpu.vector_load %get3A_4216[%get3A_4217, %get3A_4218] {strides = array<i32>} : memref<96x32xf32, #tpu.memory_space<vmem>>, vector<1x16xf32>,
      %get3A_4220 = vector.shape_cast %get3A_4219 : vector<1x16xf32> to vector<16xf32>
      %add3A_4221 = arith.addf %add3A_4201, %get3A_4220 : vector<16xf32>
      %get3A_4222 = arith.constant 94 : i32
      %get3A_4223 = arith.constant 0 : i32
      %get3A_4224 = arith.constant 0 : i32
      %get3A_4225 = tpu.memref_slice %arg7[%rem3A_170, %get3A_4223, %get3A_4224] : memref<8x96x32xf32, #tpu.memory_space<vmem>> -> memref<1x96x32xf32, #tpu.memory_space<vmem>>
      %get3A_4226 = tpu.memref_squeeze %get3A_4225 : memref<1x96x32xf32, #tpu.memory_space<vmem>> -> memref<96x32xf32, #tpu.memory_space<vmem>>
      %get3A_4227 = arith.index_cast %get3A_4222 : i32 to index
      %get3A_4228 = arith.constant 16 : index
      %get3A_4229 = tpu.vector_load %get3A_4226[%get3A_4227, %get3A_4228] {strides = array<i32>} : memref<96x32xf32, #tpu.memory_space<vmem>>, vector<1x16xf32>,
      %get3A_4230 = vector.shape_cast %get3A_4229 : vector<1x16xf32> to vector<16xf32>
      %add3A_4231 = arith.addf %add3A_4211, %get3A_4230 : vector<16xf32>
      %get3A_4232 = arith.constant 95 : i32
      %get3A_4233 = arith.constant 0 : i32
      %get3A_4234 = arith.constant 0 : i32
      %get3A_4235 = tpu.memref_slice %arg7[%rem3A_170, %get3A_4233, %get3A_4234] : memref<8x96x32xf32, #tpu.memory_space<vmem>> -> memref<1x96x32xf32, #tpu.memory_space<vmem>>
      %get3A_4236 = tpu.memref_squeeze %get3A_4235 : memref<1x96x32xf32, #tpu.memory_space<vmem>> -> memref<96x32xf32, #tpu.memory_space<vmem>>
      %get3A_4237 = arith.index_cast %get3A_4232 : i32 to index
      %get3A_4238 = arith.constant 16 : index
      %get3A_4239 = tpu.vector_load %get3A_4236[%get3A_4237, %get3A_4238] {strides = array<i32>} : memref<96x32xf32, #tpu.memory_space<vmem>>, vector<1x16xf32>,
      %get3A_4240 = vector.shape_cast %get3A_4239 : vector<1x16xf32> to vector<16xf32>
      %add3A_4241 = arith.addf %add3A_4221, %get3A_4240 : vector<16xf32>
      %add3A_4242 = arith.addf %add3A_4231, %add3A_4241 : vector<16xf32>
      %mul3A_4243 = arith.constant 4 : i32
      %mul3A_4244 = arith.muli %scan3A_169, %mul3A_4243 : i32
      %add3A_4245 = arith.constant 3 : i32
      %add3A_4246 = arith.addi %mul3A_4244, %add3A_4245 : i32
      %swap3A_4247 = arith.index_cast %add3A_4246 : i32 to index
      %swap3A_4248 = arith.constant 16 : index
      %swap3A_4249 = tpu.vector_load %arg8[%swap3A_4247, %swap3A_4248] {strides = array<i32>} : memref<512x32xf32, #tpu.memory_space<vmem>>, vector<1x16xf32>,
      %swap3A_4250 = vector.shape_cast %swap3A_4249 : vector<1x16xf32> to vector<16xf32>
      %swap3A_4251 = vector.shape_cast %add3A_4242 : vector<16xf32> to vector<1x16xf32>
      tpu.vector_store %arg8[%swap3A_4247, %swap3A_4248], %swap3A_4251 {strides = array<i32>} : memref<512x32xf32, #tpu.memory_space<vmem>>, vector<1x16xf32>,
      %add3A_4252 = arith.constant 8 : i32
      %add3A_4253 = arith.addi %scan3A_169, %add3A_4252 : i32
      %lt3A = arith.constant 128 : i32
      %lt3A_4254 = arith.cmpi slt, %add3A_4253, %lt3A : i32
      %convert_element_type3A = arith.extui %lt3A_4254 : i1 to i32
      %cond3A = arith.constant 0 : i32
      %cond3A_4255 = arith.cmpi ne, %convert_element_type3A, %cond3A : i32
      scf.if %cond3A_4255 {
        %mul3A_4256 = arith.constant 200 : i32
        %mul3A_4257 = arith.muli %add3A_4253, %mul3A_4256 : i32
        %add3A_4258 = arith.constant 104 : i32
        %add3A_4259 = arith.addi %mul3A_4257, %add3A_4258 : i32
        %dma_start3A_4260 = arith.constant 0 : i32
        %dma_start3A_4261 = arith.constant 0 : i32
        %dma_start3A_4262 = tpu.memref_slice %arg6[%rem3A_170, %dma_start3A_4260, %dma_start3A_4261] : memref<8x104x32xf32, #tpu.memory_space<vmem>> -> memref<1x104x32xf32, #tpu.memory_space<vmem>>
        %dma_start3A_4263 = tpu.memref_squeeze %dma_start3A_4262 : memref<1x104x32xf32, #tpu.memory_space<vmem>> -> memref<104x32xf32, #tpu.memory_space<vmem>>
        %dma_start3A_4264 = tpu.memref_slice %arg5[%mul3A_4257] : memref<25600xi32, #tpu.memory_space<vmem>> -> memref<104xi32, #tpu.memory_space<vmem>>
        %dma_start3A_4265 = arith.constant 0 : i32
        %dma_start3A_4266 = arith.constant 0 : i32
        %dma_start3A_4267 = tpu.memref_slice %arg3[%dma_start3A_4265, %dma_start3A_4266] : memref<1000000x32xf32, #tpu.memory_space<hbm>> -> memref<1000000x32xf32, #tpu.memory_space<hbm>>
        tpu.enqueue_indirect_dma source(%dma_start3A_4267 : memref<1000000x32xf32, #tpu.memory_space<hbm>>) target(%dma_start3A_4263 : memref<104x32xf32, #tpu.memory_space<vmem>>) offsets(%dma_start3A_4264 : memref<104xi32, #tpu.memory_space<vmem>>) semaphore(%arg9 : memref<!tpu.dma_semaphore, #tpu.memory_space<semaphore_mem>>)
        %dma_start3A_4268 = arith.constant 0 : i32
        %dma_start3A_4269 = arith.constant 0 : i32
        %dma_start3A_4270 = tpu.memref_slice %arg7[%rem3A_170, %dma_start3A_4268, %dma_start3A_4269] : memref<8x96x32xf32, #tpu.memory_space<vmem>> -> memref<1x96x32xf32, #tpu.memory_space<vmem>>
        %dma_start3A_4271 = tpu.memref_squeeze %dma_start3A_4270 : memref<1x96x32xf32, #tpu.memory_space<vmem>> -> memref<96x32xf32, #tpu.memory_space<vmem>>
        %dma_start3A_4272 = tpu.memref_slice %arg5[%add3A_4259] : memref<25600xi32, #tpu.memory_space<vmem>> -> memref<96xi32, #tpu.memory_space<vmem>>
        %dma_start3A_4273 = arith.constant 0 : i32
        %dma_start3A_4274 = arith.constant 0 : i32
        %dma_start3A_4275 = tpu.memref_slice %arg3[%dma_start3A_4273, %dma_start3A_4274] : memref<1000000x32xf32, #tpu.memory_space<hbm>> -> memref<1000000x32xf32, #tpu.memory_space<hbm>>
        tpu.enqueue_indirect_dma source(%dma_start3A_4275 : memref<1000000x32xf32, #tpu.memory_space<hbm>>) target(%dma_start3A_4271 : memref<96x32xf32, #tpu.memory_space<vmem>>) offsets(%dma_start3A_4272 : memref<96xi32, #tpu.memory_space<vmem>>) semaphore(%arg9 : memref<!tpu.dma_semaphore, #tpu.memory_space<semaphore_mem>>)
      } else {
      }
    }
    %scan3A_166 = arith.constant 128 : i32
    %mul3A_167 = arith.constant 512 : i32
    %mul3A_168 = arith.muli %add3A, %mul3A_167 : i32
    "tpu.region"() ({
      %run_scoped3A = tpu.sem_alloc : memref<!tpu.dma_semaphore, #tpu.memory_space<semaphore_mem>>
      %dma_start3A_169 = arith.constant 0 : i32
      %dma_start3A_170 = tpu.memref_slice %arg4[%mul3A_168, %dma_start3A_169] : memref<16384x32xf32, #tpu.memory_space<hbm>> -> memref<512x32xf32, #tpu.memory_space<hbm>>
      %dma_start3A_171 = arith.constant 0 : i32
      %dma_start3A_172 = tpu.memref_slice %arg4[%mul3A_168, %dma_start3A_171] : memref<16384x32xf32, #tpu.memory_space<hbm>> -> memref<512x32xf32, #tpu.memory_space<hbm>>
      tpu.enqueue_dma source(%arg8 : memref<512x32xf32, #tpu.memory_space<vmem>>) target(%dma_start3A_172 : memref<512x32xf32, #tpu.memory_space<hbm>>) target_semaphore(%run_scoped3A : memref<!tpu.dma_semaphore, #tpu.memory_space<semaphore_mem>>)
      %dma_wait3A = arith.constant 0 : i32
      %dma_wait3A_173 = tpu.memref_slice %arg4[%mul3A_168, %dma_wait3A] : memref<16384x32xf32, #tpu.memory_space<hbm>> -> memref<512x32xf32, #tpu.memory_space<hbm>>
      %dma_wait3A_174 = arith.constant 0 : i32
      %dma_wait3A_175 = tpu.memref_slice %arg4[%mul3A_168, %dma_wait3A_174] : memref<16384x32xf32, #tpu.memory_space<hbm>> -> memref<512x32xf32, #tpu.memory_space<hbm>>
      tpu.wait_dma2 semaphore(%run_scoped3A : memref<!tpu.dma_semaphore, #tpu.memory_space<semaphore_mem>>) src(%arg8 : memref<512x32xf32, #tpu.memory_space<vmem>>) dst(%dma_wait3A_175 : memref<512x32xf32, #tpu.memory_space<hbm>>)
      tpu.yield
    }) : () -> ()
    return
  }
}

module attributes {stable_mosaic.version = 14 : i64} {
  func.func @body(%arg0: i32, %arg1: memref<2048x32xf32, #tpu.memory_space<vmem>>, %arg2: memref<1x32xf32, #tpu.memory_space<vmem>>, %arg3: memref<1x32xf32, #tpu.memory_space<vmem>>, %arg4: memref<16x32xf32, #tpu.memory_space<vmem>>, %arg5: memref<1x16xf32, #tpu.memory_space<vmem>>, %arg6: memref<2048x16xf32, #tpu.memory_space<vmem>>) attributes {dimension_semantics = [#tpu.dimension_semantics<arbitrary>], iteration_bounds = array<i64: 8>, scalar_prefetch = 0 : i64, scratch_operands = 0 : i64, tpu.core_type = #tpu.core_type<tc>, window_params = [{transform_indices = @transform_0, window_bounds = array<i64: 2048, 32>}, {pipeline_mode = #tpu.pipeline_mode<synchronous>, transform_indices = @transform_1, window_bounds = array<i64: 1, 32>}, {pipeline_mode = #tpu.pipeline_mode<synchronous>, transform_indices = @transform_2, window_bounds = array<i64: 1, 32>}, {pipeline_mode = #tpu.pipeline_mode<synchronous>, transform_indices = @transform_3, window_bounds = array<i64: 16, 32>}, {pipeline_mode = #tpu.pipeline_mode<synchronous>, transform_indices = @transform_4, window_bounds = array<i64: 1, 16>}, {transform_indices = @transform_5, window_bounds = array<i64: 2048, 16>}]} {
    %get3A = arith.constant 0 : index
    %get3A_0 = arith.constant 0 : index
    %get3A_1 = vector.load %arg1[%get3A, %get3A_0] : memref<2048x32xf32, #tpu.memory_space<vmem>>, vector<2048x32xf32>
    %mul3A = arith.constant 2.000000e-02 : f32
    %mul3A_2 = vector.broadcast %mul3A : f32 to vector<2048x32xf32>
    %mul3A_3 = arith.mulf %get3A_1, %mul3A_2 : vector<2048x32xf32>
    %reduce_sum3A = arith.constant dense<0.000000e+00> : vector<2048xf32>
    %reduce_sum3A_4 = vector.multi_reduction <add>, %mul3A_3, %reduce_sum3A [1] : vector<2048x32xf32> to vector<2048xf32>
    %broadcast_in_dim3A = vector.shape_cast %reduce_sum3A_4 : vector<2048xf32> to vector<2048x1xf32>
    %div3A = arith.constant 3.200000e+01 : f32
    %div3A_5 = vector.broadcast %div3A : f32 to vector<2048x1xf32>
    %div3A_6 = arith.divf %broadcast_in_dim3A, %div3A_5 : vector<2048x1xf32>
    %sub3A = vector.broadcast %div3A_6 : vector<2048x1xf32> to vector<2048x32xf32>
    %sub3A_7 = arith.subf %mul3A_3, %sub3A : vector<2048x32xf32>
    %mul3A_8 = arith.mulf %sub3A_7, %sub3A_7 : vector<2048x32xf32>
    %reduce_sum3A_9 = arith.constant dense<0.000000e+00> : vector<2048xf32>
    %reduce_sum3A_10 = vector.multi_reduction <add>, %mul3A_8, %reduce_sum3A_9 [1] : vector<2048x32xf32> to vector<2048xf32>
    %broadcast_in_dim3A_11 = vector.shape_cast %reduce_sum3A_10 : vector<2048xf32> to vector<2048x1xf32>
    %div3A_12 = arith.constant 3.200000e+01 : f32
    %div3A_13 = vector.broadcast %div3A_12 : f32 to vector<2048x1xf32>
    %div3A_14 = arith.divf %broadcast_in_dim3A_11, %div3A_13 : vector<2048x1xf32>
    %add3A = arith.constant 9.99999974E-6 : f32
    %add3A_15 = vector.broadcast %add3A : f32 to vector<2048x1xf32>
    %add3A_16 = arith.addf %div3A_14, %add3A_15 : vector<2048x1xf32>
    %rsqrt3A = math.rsqrt %add3A_16 : vector<2048x1xf32>
    %mul3A_17 = vector.broadcast %rsqrt3A : vector<2048x1xf32> to vector<2048x32xf32>
    %mul3A_18 = arith.mulf %sub3A_7, %mul3A_17 : vector<2048x32xf32>
    %get3A_19 = arith.constant 0 : index
    %get3A_20 = arith.constant 0 : index
    %get3A_21 = vector.load %arg2[%get3A_19, %get3A_20] : memref<1x32xf32, #tpu.memory_space<vmem>>, vector<1x32xf32>
    %mul3A_22 = vector.broadcast %get3A_21 : vector<1x32xf32> to vector<2048x32xf32>
    %mul3A_23 = arith.mulf %mul3A_18, %mul3A_22 : vector<2048x32xf32>
    %get3A_24 = arith.constant 0 : index
    %get3A_25 = arith.constant 0 : index
    %get3A_26 = vector.load %arg3[%get3A_24, %get3A_25] : memref<1x32xf32, #tpu.memory_space<vmem>>, vector<1x32xf32>
    %add3A_27 = vector.broadcast %get3A_26 : vector<1x32xf32> to vector<2048x32xf32>
    %add3A_28 = arith.addf %mul3A_23, %add3A_27 : vector<2048x32xf32>
    %max3A = arith.constant 0.000000e+00 : f32
    %max3A_29 = vector.broadcast %max3A : f32 to vector<2048x32xf32>
    %max3A_30 = arith.maximumf %add3A_28, %max3A_29 : vector<2048x32xf32>
    %get3A_31 = arith.constant 0 : index
    %get3A_32 = arith.constant 0 : index
    %get3A_33 = vector.load %arg4[%get3A_31, %get3A_32] : memref<16x32xf32, #tpu.memory_space<vmem>>, vector<16x32xf32>
    %dot_general3A = arith.constant dense<0.000000e+00> : vector<2048x16xf32>
    %dot_general3A_34 = tpu.matmul %max3A_30, %get3A_33, %dot_general3A {dimension_numbers = #tpu.dot_dimension_numbers<[1], [1], [0], [0], [0, 0, 1, 0], [], []>, transpose_lhs_hint = false} : vector<2048x32xf32>, vector<16x32xf32>, vector<2048x16xf32> -> vector<2048x16xf32>
    %get3A_35 = arith.constant 0 : index
    %get3A_36 = arith.constant 0 : index
    %get3A_37 = vector.load %arg5[%get3A_35, %get3A_36] : memref<1x16xf32, #tpu.memory_space<vmem>>, vector<1x16xf32>
    %add3A_38 = vector.broadcast %get3A_37 : vector<1x16xf32> to vector<2048x16xf32>
    %add3A_39 = arith.addf %dot_general3A_34, %add3A_38 : vector<2048x16xf32>
    %swap3A = arith.constant 0 : index
    %swap3A_40 = arith.constant 0 : index
    %swap3A_41 = vector.load %arg6[%swap3A, %swap3A_40] : memref<2048x16xf32, #tpu.memory_space<vmem>>, vector<2048x16xf32>
    tpu.vector_store %arg6[%swap3A, %swap3A_40], %add3A_39 {strides = array<i32>} : memref<2048x16xf32, #tpu.memory_space<vmem>>, vector<2048x16xf32>,
    return
  }
  func.func @transform_0(%arg0: i32) -> (i32, i32) {
    %c0_i32 = arith.constant 0 : i32
    %c0_i32_0 = arith.constant 0 : i32
    return %arg0, %c0_i32 : i32, i32
  }
  func.func @transform_1(%arg0: i32) -> (i32, i32) {
    %c0_i32 = arith.constant 0 : i32
    %c0_i32_0 = arith.constant 0 : i32
    %c0_i32_1 = arith.constant 0 : i32
    return %c0_i32, %c0_i32_0 : i32, i32
  }
  func.func @transform_2(%arg0: i32) -> (i32, i32) {
    %c0_i32 = arith.constant 0 : i32
    %c0_i32_0 = arith.constant 0 : i32
    %c0_i32_1 = arith.constant 0 : i32
    return %c0_i32, %c0_i32_0 : i32, i32
  }
  func.func @transform_3(%arg0: i32) -> (i32, i32) {
    %c0_i32 = arith.constant 0 : i32
    %c0_i32_0 = arith.constant 0 : i32
    %c0_i32_1 = arith.constant 0 : i32
    return %c0_i32, %c0_i32_0 : i32, i32
  }
  func.func @transform_4(%arg0: i32) -> (i32, i32) {
    %c0_i32 = arith.constant 0 : i32
    %c0_i32_0 = arith.constant 0 : i32
    %c0_i32_1 = arith.constant 0 : i32
    return %c0_i32, %c0_i32_0 : i32, i32
  }
  func.func @transform_5(%arg0: i32) -> (i32, i32) {
    %c0_i32 = arith.constant 0 : i32
    %c0_i32_0 = arith.constant 0 : i32
    return %arg0, %c0_i32 : i32, i32
  }
}

</mosaic_0001>

<sc_bundles>
// kernel: kernel.4.cloned.1.call-start
scs
__scs_entry_jumppad:
0x0: {  	(pc) =	sbr.rel $0x88, $3  }
0x1: {  	(tag) =	ssettag $0x0;
	lr =	simm.s32 $0x1  }
0x2: {  	[smem:$0x3F9B] =	sst lr;
	_ =	strace $0xD0000000  }
0x3: {  	_ = 	snop  }
0x4: {  	_ = 	snop  }
0x5: {  	_ = 	snop  }
0x6: {  	_ = 	snop  }
0x7: {  	_ = 	snop  }
__scs_overlays_trampoline_lowered:
0x8: {  	[smem:$0x3FAA] =	sst s0  }
0x9: {  	[smem:$0x3FAB] =	sst s1  }
0xa: {  	[smem:$0x3FAC] =	sst s2  }
0xb: {  	[smem:$0x3FAD] =	sst s3  }
0xc: {  	[smem:$0x3FAE] =	sst s4  }
0xd: {  	[smem:$0x3FAF] =	sst s5  }
0xe: {  	[smem:$0x3FB0] =	sst s6  }
0xf: {  	[smem:$0x3FB1] =	sst s7  }
0x10: {  	[smem:$0x3FB2] =	sst s8  }
0x11: {  	[smem:$0x3FB3] =	sst s9;
	s0 =	simm.s32 @!p0 $0x0  }
0x12: {  	s1 =	sld [smem:$0x3F99];
	s0 =	simm.s32 @p0 $0x1  }
0x13: {  	[smem:$0x3FB4] =	sst s0;
	s0 =	simm.s32 @!p1 $0x0  }
0x14: {  	s2 =	sld [smem:$0x3F98];
	s0 =	simm.s32 @p1 $0x1  }
0x15: {  	[smem:$0x3FB5] =	sst s0;
	s0 =	simm.s32 @!p2 $0x0  }
0x16: {  	s3 =	sld [smem:$0x3FDB];
	s0 =	simm.s32 @p2 $0x1  }
0x17: {  	s4 =	simm.s32 $0x1BF5;
	[smem:$0x3FB7] =	sst s0  }
0x18: {  	s0 =	sld [smem:$0x3F9A];
	_ =	swait.ge [sflag:s4], $0x0  }
0x19: {  	s7 =	sld [smem:$0x3F9B]  }
0x1a: {  	s8 =	sadd.s32 $0xFFFFE003, lr  }
0x1b: {  	s9 =	sadd.s32 $0xFFFFFEF7, lr;
	s5 =	simm.s32 $0xFFFFFFFF;
	p2 =	slt.u32 s8, $0xFFFFF086  }
0x1c: {  	p1 =	slt.u32 s9, $0xF7A;
	s5 =	simm.s32 @!p2 $0x0  }
0x1d: {  	s5 =	simm.s32 @p1 $0x1;
	p0 =	seq.s32 s7, s2  }
0x1e: {  	s7 =	smul.u32 @!p0 $0xF7A, s2;
	p2 =	seq.s32 @!p0 s5, $0x0  }
0x1f: {  	s9 =	smul.u32 $0xF7A, s1;
	s8 =	simm.s32 @!p0 $0x1BF5;
	p2 =	por !p2, p0  }
0x20: {  	[sflag:s8] =	ssyncset.s32 @!p0 $0xFFFFF086;
	s6 =	sadd.s32 @!p0 s3, s7;
	s7 =	simm.s32 @!p0 $0x108  }
0x21: {  	s3 =	sadd.s32 s3, s9;
	s6 =	sadd.s32 @!p0 $0x88, s6;
	s7 =	simm.s32 @p2 $0x1082  }
0x22: {  	[simem:s7], [sflag:s8] =	dma.local @!p0 [hbm:s6], $0xF7A  }
0x23: {  	s9 =	sor.u32 $0xD0000000, s2;
	s6 =	simm.s32 $0x108;
	_ =	swait.ge @!p0 [sflag:s8], $0x0  }
0x24: {  	s3 =	sadd.s32 $0x88, s3;
	s6 =	simm.s32 @!p1 $0x1082;
	[sflag:s4] =	ssyncset.s32 $0xFFFFF086  }
0x25: {  	[simem:s6], [sflag:s4] =	dma.local [hbm:s3], $0xF7A  }
0x26: {  	[smem:$0x3F9B] =	sst s1;
	(tag) =	ssettag s2;
	_ =	strace s9  }
0x27: {  	s1 =	sld [smem:$0x3FAB]  }
0x28: {  	s2 =	sld [smem:$0x3FAC]  }
0x29: {  	s4 =	sld [smem:$0x3FAE]  }
0x2a: {  	p0 =	seq.s32 s5, $0x0;
	s5 =	sld [smem:$0x3FAF]  }
0x2b: {  	s6 =	sld [smem:$0x3FB0]  }
0x2c: {  	s7 =	sld [smem:$0x3FB1]  }
0x2d: {  	s3 =	simm.s32 $0x108;
	s8 =	sld [smem:$0x3FB2]  }
0x2e: {  	s3 =	simm.s32 @!p0 $0x1082;
	s9 =	sld [smem:$0x3FB3]  }
0x2f: {  	lr =	sadd.s32 s0, s3;
	s0 =	sld [smem:$0x3FAA]  }
0x30: {  	s3 =	sld [smem:$0x3FAD]  }
0x31: {  	[smem:$0x3FB6] =	sst s10  }
0x32: {  	s10 =	sld [smem:$0x3FB4];
	_ =	sdelay $0x3  }
0x33: {  	p0 =	seq.s32 s10, $0x1;
	s10 =	sld [smem:$0x3FB6];
	_ =	sdelay $0x3  }
0x34: {  	[smem:$0x3FB6] =	sst s10  }
0x35: {  	s10 =	sld [smem:$0x3FB5];
	_ =	sdelay $0x3  }
0x36: {  	p1 =	seq.s32 s10, $0x1;
	s10 =	sld [smem:$0x3FB6];
	_ =	sdelay $0x3  }
0x37: {  	[smem:$0x3FB6] =	sst s10  }
0x38: {  	s10 =	sld [smem:$0x3FB7]  }
0x39: {  	_ = 	snop;
	(pc) =	sbr.ind lr, $3  }
0x3a: {  	_ = 	snop  }
0x3b: {  	_ = 	snop  }
0x3c: {  	p2 =	seq.s32 s10, $0x1;
	s10 =	sld [smem:$0x3FB6]  }
0x3d: {  	_ =	shalt  }
0x3e: {  	_ =	shalt  }
0x3f: {  	_ =	shalt  }
0x40: {  	_ =	shalt  }
0x41: {  	_ =	shalt  }
0x42: {  	_ =	shalt  }
0x43: {  	_ =	shalt  }
0x44: {  	_ =	shalt  }
0x45: {  	_ =	shalt  }
0x46: {  	_ =	shalt  }
0x47: {  	_ =	shalt  }
0x48: {  	_ =	shalt  }
0x49: {  	_ =	shalt  }
0x4a: {  	_ =	shalt  }
0x4b: {  	_ =	shalt  }
0x4c: {  	_ =	shalt  }
0x4d: {  	_ =	shalt  }
0x4e: {  	_ =	shalt  }
0x4f: {  	_ =	shalt  }
0x50: {  	_ =	shalt  }
0x51: {  	_ =	shalt  }
0x52: {  	_ =	shalt  }
0x53: {  	_ =	shalt  }
0x54: {  	_ =	shalt  }
0x55: {  	_ =	shalt  }
0x56: {  	_ =	shalt  }
0x57: {  	_ =	shalt  }
0x58: {  	_ =	shalt  }
0x59: {  	_ =	shalt  }
0x5a: {  	_ =	shalt  }
0x5b: {  	_ =	shalt  }
0x5c: {  	_ =	shalt  }
0x5d: {  	_ =	shalt  }
0x5e: {  	_ =	shalt  }
0x5f: {  	_ =	shalt  }
0x60: {  	_ =	shalt  }
0x61: {  	_ =	shalt  }
0x62: {  	_ =	shalt  }
0x63: {  	_ =	shalt  }
0x64: {  	_ =	shalt  }
0x65: {  	_ =	shalt  }
0x66: {  	_ =	shalt  }
0x67: {  	_ =	shalt  }
0x68: {  	_ =	shalt  }
0x69: {  	_ =	shalt  }
0x6a: {  	_ =	shalt  }
0x6b: {  	_ =	shalt  }
0x6c: {  	_ =	shalt  }
0x6d: {  	_ =	shalt  }
0x6e: {  	_ =	shalt  }
0x6f: {  	_ =	shalt  }
0x70: {  	_ =	shalt  }
0x71: {  	_ =	shalt  }
0x72: {  	_ =	shalt  }
0x73: {  	_ =	shalt  }
0x74: {  	_ =	shalt  }
0x75: {  	_ =	shalt  }
0x76: {  	_ =	shalt  }
0x77: {  	_ =	shalt  }
0x78: {  	_ =	shalt  }
0x79: {  	_ =	shalt  }
0x7a: {  	_ =	shalt  }
0x7b: {  	_ =	shalt  }
0x7c: {  	_ =	shalt  }
0x7d: {  	_ =	shalt  }
0x7e: {  	_ =	shalt  }
0x7f: {  	_ =	shalt  }
0x80: {  	_ =	shalt  }
0x81: {  	_ =	shalt  }
0x82: {  	_ =	shalt  }
0x83: {  	_ =	shalt  }
0x84: {  	_ =	shalt  }
0x85: {  	_ =	shalt  }
0x86: {  	_ =	shalt  }
0x87: {  	_ =	shalt  }
.Lfunc_end0:
.L_simem_size_0:
called_computation_lowered:
.L_overlay_start_0:
0x88: {  	s2 =	sld [smem:$0x3FD9]  }
0x89: {  	s3 =	sld [smem:$0x3FFE];
	_ =	sdelay $0x1  }
0x8a: {  	s1 =	srdreg.scid  }
0x8b: {  	s0 =	sand.u32 $0x1, s1  }
0x8c: {  	s16 =	sshll.u32 s0, $0xA;
	s2 =	sadd.s32 s3, s2  }
0x8d: {  	s2 =	sadd.s32 s2, s16  }
0x8e: {  	[smem:$0x3FC2] =	sst s2  }
0x8f: {  	_ = 	snop  }
0x90: {  	(tm) =	ssettm $0x1  }
0x91: {  	s17 =	sld [smem:$0x3FFB];
	_ =	sdelay $0x3  }
0x92: {  	_ =	strace s17  }
0x93: {  	s2 =	sld [smem:$0x3FFC];
	_ =	sdelay $0x3  }
0x94: {  	_ =	strace s2  }
0x95: {  	s2 =	sld [smem:$0x3FFD];
	_ =	sdelay $0x3  }
0x96: {  	_ =	strace s2  }
0x97: {  	_ =	strace $0x8FFFFFFF  }
0x98: {  	s18 =	sld [smem:$0x3FDB];
	_ =	sdelay $0x1  }
0x99: {  	s19 =	simm.s32 $_scs_section_size  }
0x9a: {  	s4 =	simm.s32 $_size__tile_overlayer_lowered;
	s5 =	simm.s32 $_tile_overlayer_lowered  }
0x9b: {  	s22 =	simm.s32 $0x1BFF;
	s21 =	sshll.u32 s5, $0x1;
	s2 =	sadd.s32 s19, s18  }
0x9c: {  	s6 =	simm.s32 $0x0;
	s20 =	sshll.u32 s4, $0x1;
	s4 =	sadd.s32 s21, s2  }
0x9d: {  	[timem:s6], [sflag:s22] =	dma.local [hbm:s4], s20  }
0x9e: {  	_ =	swait.ge [sflag:s22], s20  }
0x9f: {  	s3 =	ssub.s32 $0x0, s20;
	[sflag:s22] =	ssyncset.done $0x0  }
0xa0: {  	[sflag:s22] =	ssyncadd.s32 s3;
	_ =	sdelay $0x1  }
0xa1: {  	s23 =	simm.s32 $0x1B8B  }
0xa2: {  	_ =	swait.ge [sflag:s23], $0x1  }
0xa3: {  	[sflag:s23] =	ssyncset.done $0x0  }
0xa4: {  	s25 =	simm.s32 $0x1B8E;
	s24 =	sld [smem:$0x3FFE];
	[sflag:s23] =	ssyncadd.s32 $0xFFFFFFFF  }
0xa5: {  	s26 =	simm.s32 $execute0_lowered;
	[smem:$0x3FD2] =	sst s25  }
0xa6: {  	s4 =	sshll.u32 s26, $0x1;
	_ =	strace $0x80000046;
	[dreg:$0x1] =	wrdreg $0xFFFFFFFF  }
0xa7: {  	s28 =	simm.s32 $_size_execute0_lowered;
	s2 =	sadd.s32 s2, s4;
	[dreg:$0x0] =	wrdreg $0x0  }
0xa8: {  	s4 =	sshll.u32 s28, $0x1;
	[dreg:$0x2] =	wrdreg s2  }
0xa9: {  	[dreg:$0x3] =	wrdreg s4  }
0xaa: {  	[dreg:$0x4] =	wrdreg $0xC0  }
0xab: {  	_ =	task [dreg:s6], $0x5FFFF  }
0xac: {  	[dreg:$0x1] =	wrdreg $0xFFFFFFFF  }
0xad: {  	[dreg:$0x0] =	wrdreg $0x60  }
0xae: {  	[dreg:$0x2] =	wrdreg s24  }
0xaf: {  	[dreg:$0x3] =	wrdreg $0x9  }
0xb0: {  	_ =	task.clear_ibuf [dreg:s6], $0x4FFFF;
	_ =	strace $0x90000046  }
0xb1: {  	s29 =	simm.s32 $0x9;
	_ =	strace $0x80000048  }
0xb2: {  	_ =	swait.ge [sflag:s29], $0x1  }
0xb3: {  	[sflag:s29] =	ssyncadd.s32 $0xFFFFFFFF  }
0xb4: {  	_ =	strace $0x90000048  }
0xb5: {  	_ =	sfence  }
0xb6: {  	s30 =	sld [smem:$0x0];
	_ =	sdelay $0x2  }
0xb7: {  	s31 =	sshll.u32 s1, $0xD;
	s1 =	sshrl.u32 s1, $0x2  }
0xb8: {  	s3 =	sand.u32 $0x4000, s31;
	s1 =	sadd.s32 s1, s30  }
0xb9: {  	s0 =	sor.u32 s3, s0;
	s1 =	sshll.u32 s1, $0x11  }
0xba: {  	s0 =	sor.u32 s1, s0  }
0xbb: {  	s0 =	sadd.s32 $0x8F2B, s0  }
0xbc: {  	[sflag:s0] =	ssyncadd.remote.s32 $0x1  }
0xbd: {  	_ =	sfence.sel $0xFFFF  }
0xbe: {  	[dreg:$0x0] =	wrdreg $0xFFFFFFFF;
	(pc) =	sbr.abs _section_cstart, $3  }
0xbf: {  	[dreg:$0x1] =	wrdreg $0xFFFFFFFF  }
0xc0: {  	_ =	task.clear_ibuf [dreg:s6], $0x2FFFF;
	_ =	strace $0x9FFFFFFF  }
0xc1: {  	(tm) =	ssettm $0x7FFFFFFF  }
tec
execute0_lowered:
.L_overlay_start_1:
0x0: {  	(tag) =	ssettag $0x1  }
0x1: {  	s0 =	srdreg.scid  }
0x2: {  	s2 =	stileid.u32;
	s1 =	rddreg [dreg:$0x0]  }
0x3: {  	s7 =	simm.s32 $0x2;
	s8 =	simm.s32 $0x68;
	s10 =	simm.s32 $0x60  }
0x4: {  	s28 =	simm.s32 $0xFC00;
	s29 =	simm.s32 $0x3E8;
	s30 =	simm.s32 $0xA500  }
0x5: {  	s31 =	simm.s32 $0x450;
	s9 =	simm.s32 $0xB200;
	s11 =	simm.s32 $0x518  }
0x6: {  	s12 =	simm.s32 $0x11400;
	s13 =	simm.s32 $0x578;
	s14 =	simm.s32 $0xBF00  }
0x7: {  	s15 =	simm.s32 $0x5E0;
	s16 =	simm.s32 $0x12000;
	s17 =	simm.s32 $0x1  }
0x8: {  	s18 =	simm.s32 $0x12C00;
	s0 =	sand.u32 $0x1, s0;
	s3 =	sshll.u32 s2, $0x1  }
0x9: {  	s19 =	simm.s32 $0x0;
	s2 =	simm.s32 $0x0;
	s3 =	sor.u32 s0, s3  }
0xa: {  	[smem:$0x7FF] =	sst s2;
	s0 =	ssub.s32 $0x2, s0;
	s4 =	smul.u32 $0xC80, s3  }
0xb: {  	_ =	strace $0x80000047;
	s5 =	sshll.u32 s3, $0xB;
	s6 =	sshrl.u32 s0, $0x1  }
0xc: {  	s3 =	sadd.s32 $0xF43200, s1;
	s0 =	ssub.s32 s0, s6;
	s4 =	sadd.s32 s4, s1  }
0xd: {  	s1 =	sadd.s32 s5, s1;
	s6 =	smax.u32 s0, $0x1;
	s0 =	simm.s32 $0x4B0  }
0xe: {  	s4 =	sadd.s32 $0xE00, s4;
	s5 =	sadd.s32 $0x19E00, s1;
	s1 =	simm.s32 $0x10800  }
.LBB2_1:
0xf: {  	[tilespmem:s2], [sflag:$0x2] =	stream.linear.gather [hbm4b:s4+s2], $0x6400, $0x38;
	[tilespmem:$0x16C00] =	vst v63  }
0x10: {  	_ =	swait.ge [sflag:s7], $0x6400  }
0x11: {  	[sflag:s7] =	ssyncset.done $0x0  }
0x12: {  	s20 =	simm.s32 $0x6400;
	[sflag:s7] =	ssyncadd.s32 $0xFFFF9C00  }
0x13: {  	[tilespmem:s20], [sflag:$0x1] =	stream.indirect.gather [hbm4b:s3+s8], $0x20, s2, s8, $0xb8;
	[tilespmem:$0x16C00] =	vst v63  }
0x14: {  	s23 =	simm.s32 $0xCC00  }
0x15: {  	[tilespmem:s23], [sflag:$0x1] =	stream.indirect.gather [hbm4b:s3+s10], $0x20, s8, s10, $0xb8;
	[tilespmem:$0x16C00] =	vst v63  }
0x16: {  	s24 =	simm.s32 $0xC8;
	s21 =	simm.s32 $0x7100  }
0x17: {  	[tilespmem:s21], [sflag:$0x1] =	stream.indirect.gather [hbm4b:s3+s8], $0x20, s24, s8, $0xb8;
	[tilespmem:$0x16C00] =	vst v63  }
0x18: {  	s25 =	simm.s32 $0x130;
	s26 =	simm.s32 $0xD800  }
0x19: {  	[tilespmem:s26], [sflag:$0x1] =	stream.indirect.gather [hbm4b:s3+s10], $0x20, s25, s10, $0xb8;
	[tilespmem:$0x16C00] =	vst v63  }
0x1a: {  	s22 =	simm.s32 $0x7E00;
	s21 =	simm.s32 $0x190  }
0x1b: {  	[tilespmem:s22], [sflag:$0x1] =	stream.indirect.gather [hbm4b:s3+s8], $0x20, s21, s8, $0xb8;
	[tilespmem:$0x16C00] =	vst v63  }
0x1c: {  	s23 =	simm.s32 $0x1F8;
	s24 =	simm.s32 $0xE400  }
0x1d: {  	[tilespmem:s24], [sflag:$0x1] =	stream.indirect.gather [hbm4b:s3+s10], $0x20, s23, s10, $0xb8;
	[tilespmem:$0x16C00] =	vst v63  }
0x1e: {  	s25 =	simm.s32 $0x258;
	s26 =	simm.s32 $0x8B00  }
0x1f: {  	[tilespmem:s26], [sflag:$0x1] =	stream.indirect.gather [hbm4b:s3+s8], $0x20, s25, s8, $0xb8;
	[tilespmem:$0x16C00] =	vst v63  }
0x20: {  	s22 =	simm.s32 $0x2C0;
	s23 =	simm.s32 $0xF000  }
0x21: {  	[tilespmem:s23], [sflag:$0x1] =	stream.indirect.gather [hbm4b:s3+s10], $0x20, s22, s10, $0xb8;
	[tilespmem:$0x16C00] =	vst v63  }
0x22: {  	s24 =	simm.s32 $0x320;
	s25 =	simm.s32 $0x9800  }
0x23: {  	[tilespmem:s25], [sflag:$0x1] =	stream.indirect.gather [hbm4b:s3+s8], $0x20, s24, s8, $0xb8;
	[tilespmem:$0x16C00] =	vst v63  }
0x24: {  	s26 =	simm.s32 $0x388  }
0x25: {  	[tilespmem:s28], [sflag:$0x1] =	stream.indirect.gather [hbm4b:s3+s10], $0x20, s26, s10, $0xb8;
	[tilespmem:$0x16C00] =	vst v63  }
0x26: {  	_ = 	snop  }
0x27: {  	[tilespmem:s30], [sflag:$0x1] =	stream.indirect.gather [hbm4b:s3+s8], $0x20, s29, s8, $0xb8;
	[tilespmem:$0x16C00] =	vst v63  }
0x28: {  	_ = 	snop  }
0x29: {  	[tilespmem:s1], [sflag:$0x1] =	stream.indirect.gather [hbm4b:s3+s10], $0x20, s31, s10, $0xb8;
	[tilespmem:$0x16C00] =	vst v63  }
0x2a: {  	_ = 	snop  }
0x2b: {  	[tilespmem:s9], [sflag:$0x1] =	stream.indirect.gather [hbm4b:s3+s8], $0x20, s0, s8, $0xb8;
	[tilespmem:$0x16C00] =	vst v63  }
0x2c: {  	_ = 	snop  }
0x2d: {  	[tilespmem:s12], [sflag:$0x1] =	stream.indirect.gather [hbm4b:s3+s10], $0x20, s11, s10, $0xb8;
	[tilespmem:$0x16C00] =	vst v63  }
0x2e: {  	_ = 	snop  }
0x2f: {  	[tilespmem:s14], [sflag:$0x1] =	stream.indirect.gather [hbm4b:s3+s8], $0x20, s13, s8, $0xb8;
	[tilespmem:$0x16C00] =	vst v63  }
0x30: {  	s20 =	simm.s32 $0x6A8;
	s21 =	simm.s32 $0x12C40;
	s22 =	simm.s32 $0x0  }
0x31: {  	[tilespmem:s16], [sflag:$0x1] =	stream.indirect.gather [hbm4b:s3+s10], $0x20, s15, s10, $0xb8;
	[tilespmem:$0x16C00] =	vst v63  }
.LBB2_2:
0x32: {  	_ =	swait.ge [sflag:s17], $0xD00  }
0x33: {  	[sflag:s17] =	ssyncset.done $0x0  }
0x34: {  	s24 =	sand.u32 $0x7, s22;
	[sflag:s17] =	ssyncadd.s32 $0xFFFFF300  }
0x35: {  	s23 =	smul.u32 $0x3400, s24;
	_ =	swait.ge [sflag:s17], $0xC00  }
0x36: {  	[sflag:s17] =	ssyncset.done $0x0  }
0x37: {  	s23 =	sshrl.u32 s23, $0x2;
	[sflag:s17] =	ssyncadd.s32 $0xFFFFF400  }
0x38: {  	v0 =	vld [tilespmem:s23+$0x6400]  }
0x39: {  	v1 =	vld [tilespmem:s23+$0x6420]  }
0x3a: {  	v2 =	vld [tilespmem:s23+$0x6440]  }
0x3b: {  	v3 =	vld [tilespmem:s23+$0x6460]  }
0x3c: {  	v4 =	vld [tilespmem:s23+$0x6480]  }
0x3d: {  	v5 =	vld [tilespmem:s23+$0x64A0]  }
0x3e: {  	v6 =	vld [tilespmem:s23+$0x64C0]  }
0x3f: {  	v7 =	vld [tilespmem:s23+$0x64E0]  }
0x40: {  	v9 =	vld [tilespmem:s23+$0x6500];
	v0 =	vadd.f32 v2, v0;
	v1 =	vadd.f32 v3, v1  }
0x41: {  	v10 =	vld [tilespmem:s23+$0x6520]  }
0x42: {  	v11 =	vld [tilespmem:s23+$0x6540];
	v0 =	vadd.f32 v4, v0;
	v1 =	vadd.f32 v5, v1  }
0x43: {  	v12 =	vld [tilespmem:s23+$0x6560]  }
0x44: {  	v13 =	vld [tilespmem:s23+$0x6580];
	v0 =	vadd.f32 v6, v0;
	v1 =	vadd.f32 v7, v1  }
0x45: {  	v14 =	vld [tilespmem:s23+$0x65A0]  }
0x46: {  	v15 =	vld [tilespmem:s23+$0x65C0];
	v0 =	vadd.f32 v9, v0;
	v1 =	vadd.f32 v10, v1  }
0x47: {  	v16 =	vld [tilespmem:s23+$0x65E0]  }
0x48: {  	v17 =	vld [tilespmem:s23+$0x6600];
	v0 =	vadd.f32 v11, v0;
	v1 =	vadd.f32 v12, v1  }
0x49: {  	v18 =	vld [tilespmem:s23+$0x6620]  }
0x4a: {  	v19 =	vld [tilespmem:s23+$0x6640];
	v0 =	vadd.f32 v13, v0;
	v1 =	vadd.f32 v14, v1  }
0x4b: {  	v20 =	vld [tilespmem:s23+$0x6660]  }
0x4c: {  	v21 =	vld [tilespmem:s23+$0x6680];
	v0 =	vadd.f32 v15, v0;
	v1 =	vadd.f32 v16, v1  }
0x4d: {  	v22 =	vld [tilespmem:s23+$0x66A0]  }
0x4e: {  	v23 =	vld [tilespmem:s23+$0x66C0];
	v0 =	vadd.f32 v17, v0;
	v1 =	vadd.f32 v18, v1  }
0x4f: {  	v24 =	vld [tilespmem:s23+$0x66E0]  }
0x50: {  	v25 =	vld [tilespmem:s23+$0x6700];
	v0 =	vadd.f32 v19, v0;
	v1 =	vadd.f32 v20, v1  }
0x51: {  	v26 =	vld [tilespmem:s23+$0x6720]  }
0x52: {  	v27 =	vld [tilespmem:s23+$0x6740];
	v0 =	vadd.f32 v21, v0;
	v1 =	vadd.f32 v22, v1  }
0x53: {  	v28 =	vld [tilespmem:s23+$0x6760]  }
0x54: {  	v29 =	vld [tilespmem:s23+$0x6780];
	v0 =	vadd.f32 v23, v0;
	v1 =	vadd.f32 v24, v1  }
0x55: {  	v30 =	vld [tilespmem:s23+$0x67A0]  }
0x56: {  	v31 =	vld [tilespmem:s23+$0x67C0];
	v0 =	vadd.f32 v25, v0;
	v1 =	vadd.f32 v26, v1  }
0x57: {  	v32 =	vld [tilespmem:s23+$0x67E0]  }
0x58: {  	v33 =	vld [tilespmem:s23+$0x6800];
	v0 =	vadd.f32 v27, v0;
	v1 =	vadd.f32 v28, v1  }
0x59: {  	v34 =	vld [tilespmem:s23+$0x6820]  }
0x5a: {  	v35 =	vld [tilespmem:s23+$0x6840];
	v0 =	vadd.f32 v29, v0;
	v1 =	vadd.f32 v30, v1  }
0x5b: {  	v36 =	vld [tilespmem:s23+$0x6860]  }
0x5c: {  	v37 =	vld [tilespmem:s23+$0x6880];
	v0 =	vadd.f32 v31, v0;
	v1 =	vadd.f32 v32, v1  }
0x5d: {  	v38 =	vld [tilespmem:s23+$0x68A0]  }
0x5e: {  	v39 =	vld [tilespmem:s23+$0x68C0];
	v0 =	vadd.f32 v33, v0;
	v1 =	vadd.f32 v34, v1  }
0x5f: {  	v40 =	vld [tilespmem:s23+$0x68E0]  }
0x60: {  	v41 =	vld [tilespmem:s23+$0x6900];
	v0 =	vadd.f32 v35, v0;
	v1 =	vadd.f32 v36, v1  }
0x61: {  	v42 =	vld [tilespmem:s23+$0x6920]  }
0x62: {  	v43 =	vld [tilespmem:s23+$0x6940];
	v0 =	vadd.f32 v37, v0;
	v1 =	vadd.f32 v38, v1  }
0x63: {  	v44 =	vld [tilespmem:s23+$0x6960]  }
0x64: {  	v45 =	vld [tilespmem:s23+$0x6980];
	v0 =	vadd.f32 v39, v0;
	v1 =	vadd.f32 v40, v1  }
0x65: {  	v46 =	vld [tilespmem:s23+$0x69A0]  }
0x66: {  	v47 =	vld [tilespmem:s23+$0x69C0];
	v0 =	vadd.f32 v41, v0;
	v1 =	vadd.f32 v42, v1  }
0x67: {  	v48 =	vld [tilespmem:s23+$0x69E0]  }
0x68: {  	v49 =	vld [tilespmem:s23+$0x6A00];
	v0 =	vadd.f32 v43, v0;
	v1 =	vadd.f32 v44, v1  }
0x69: {  	v50 =	vld [tilespmem:s23+$0x6A20]  }
0x6a: {  	v0 =	vadd.f32 v45, v0;
	v1 =	vadd.f32 v46, v1;
	_ =	sdelay $0x1  }
0x6b: {  	v0 =	vadd.f32 v47, v0;
	v1 =	vadd.f32 v48, v1;
	_ =	sdelay $0x1  }
0x6c: {  	v0 =	vadd.f32 v49, v0;
	v1 =	vadd.f32 v50, v1;
	_ =	sdelay $0x1  }
0x6d: {  	v0 =	vadd.f32 v1, v0;
	_ =	sdelay $0x1  }
0x6e: {  	[tilespmem:s21+$0xFFFFFFC0] =	vst v0  }
0x6f: {  	v0 =	vld [tilespmem:s23+$0x6410]  }
0x70: {  	v51 =	vld [tilespmem:s23+$0x6430]  }
0x71: {  	v52 =	vld [tilespmem:s23+$0x6450]  }
0x72: {  	v53 =	vld [tilespmem:s23+$0x6470]  }
0x73: {  	v54 =	vld [tilespmem:s23+$0x6490]  }
0x74: {  	v55 =	vld [tilespmem:s23+$0x64B0]  }
0x75: {  	v56 =	vld [tilespmem:s23+$0x64D0]  }
0x76: {  	v57 =	vld [tilespmem:s23+$0x64F0]  }
0x77: {  	v58 =	vld [tilespmem:s23+$0x6510];
	v0 =	vadd.f32 v52, v0;
	v1 =	vadd.f32 v53, v51  }
0x78: {  	v59 =	vld [tilespmem:s23+$0x6530]  }
0x79: {  	v60 =	vld [tilespmem:s23+$0x6550];
	v0 =	vadd.f32 v54, v0;
	v1 =	vadd.f32 v55, v1  }
0x7a: {  	v61 =	vld [tilespmem:s23+$0x6570]  }
0x7b: {  	v62 =	vld [tilespmem:s23+$0x6590];
	v0 =	vadd.f32 v56, v0;
	v1 =	vadd.f32 v57, v1  }
0x7c: {  	v63 =	vld [tilespmem:s23+$0x65B0]  }
0x7d: {  	v9 =	vld [tilespmem:s23+$0x65D0];
	v0 =	vadd.f32 v58, v0;
	v1 =	vadd.f32 v59, v1  }
0x7e: {  	v10 =	vld [tilespmem:s23+$0x65F0]  }
0x7f: {  	v11 =	vld [tilespmem:s23+$0x6610];
	v0 =	vadd.f32 v60, v0;
	v1 =	vadd.f32 v61, v1  }
0x80: {  	v12 =	vld [tilespmem:s23+$0x6630]  }
0x81: {  	v13 =	vld [tilespmem:s23+$0x6650];
	v0 =	vadd.f32 v62, v0;
	v1 =	vadd.f32 v63, v1  }
0x82: {  	v14 =	vld [tilespmem:s23+$0x6670]  }
0x83: {  	v15 =	vld [tilespmem:s23+$0x6690];
	v0 =	vadd.f32 v9, v0;
	v1 =	vadd.f32 v10, v1  }
0x84: {  	v16 =	vld [tilespmem:s23+$0x66B0]  }
0x85: {  	v17 =	vld [tilespmem:s23+$0x66D0];
	v0 =	vadd.f32 v11, v0;
	v1 =	vadd.f32 v12, v1  }
0x86: {  	v18 =	vld [tilespmem:s23+$0x66F0]  }
0x87: {  	v19 =	vld [tilespmem:s23+$0x6710];
	v0 =	vadd.f32 v13, v0;
	v1 =	vadd.f32 v14, v1  }
0x88: {  	v20 =	vld [tilespmem:s23+$0x6730]  }
0x89: {  	v21 =	vld [tilespmem:s23+$0x6750];
	v0 =	vadd.f32 v15, v0;
	v1 =	vadd.f32 v16, v1  }
0x8a: {  	v22 =	vld [tilespmem:s23+$0x6770]  }
0x8b: {  	v23 =	vld [tilespmem:s23+$0x6790];
	v0 =	vadd.f32 v17, v0;
	v1 =	vadd.f32 v18, v1  }
0x8c: {  	v24 =	vld [tilespmem:s23+$0x67B0]  }
0x8d: {  	v25 =	vld [tilespmem:s23+$0x67D0];
	v0 =	vadd.f32 v19, v0;
	v1 =	vadd.f32 v20, v1  }
0x8e: {  	v26 =	vld [tilespmem:s23+$0x67F0]  }
0x8f: {  	v27 =	vld [tilespmem:s23+$0x6810];
	v0 =	vadd.f32 v21, v0;
	v1 =	vadd.f32 v22, v1  }
0x90: {  	v28 =	vld [tilespmem:s23+$0x6830]  }
0x91: {  	v29 =	vld [tilespmem:s23+$0x6850];
	v0 =	vadd.f32 v23, v0;
	v1 =	vadd.f32 v24, v1  }
0x92: {  	v30 =	vld [tilespmem:s23+$0x6870]  }
0x93: {  	v31 =	vld [tilespmem:s23+$0x6890];
	v0 =	vadd.f32 v25, v0;
	v1 =	vadd.f32 v26, v1  }
0x94: {  	v32 =	vld [tilespmem:s23+$0x68B0]  }
0x95: {  	v33 =	vld [tilespmem:s23+$0x68D0];
	v0 =	vadd.f32 v27, v0;
	v1 =	vadd.f32 v28, v1  }
0x96: {  	v34 =	vld [tilespmem:s23+$0x68F0]  }
0x97: {  	v35 =	vld [tilespmem:s23+$0x6910];
	v0 =	vadd.f32 v29, v0;
	v1 =	vadd.f32 v30, v1  }
0x98: {  	v36 =	vld [tilespmem:s23+$0x6930]  }
0x99: {  	v37 =	vld [tilespmem:s23+$0x6950];
	v0 =	vadd.f32 v31, v0;
	v1 =	vadd.f32 v32, v1  }
0x9a: {  	v38 =	vld [tilespmem:s23+$0x6970]  }
0x9b: {  	v39 =	vld [tilespmem:s23+$0x6990];
	v0 =	vadd.f32 v33, v0;
	v1 =	vadd.f32 v34, v1  }
0x9c: {  	v40 =	vld [tilespmem:s23+$0x69B0]  }
0x9d: {  	v41 =	vld [tilespmem:s23+$0x69D0];
	v0 =	vadd.f32 v35, v0;
	v1 =	vadd.f32 v36, v1  }
0x9e: {  	v42 =	vld [tilespmem:s23+$0x69F0]  }
0x9f: {  	v43 =	vld [tilespmem:s23+$0x6A10];
	v0 =	vadd.f32 v37, v0;
	v1 =	vadd.f32 v38, v1  }
0xa0: {  	v44 =	vld [tilespmem:s23+$0x6A30]  }
0xa1: {  	v0 =	vadd.f32 v39, v0;
	v1 =	vadd.f32 v40, v1;
	_ =	sdelay $0x1  }
0xa2: {  	v0 =	vadd.f32 v41, v0;
	v1 =	vadd.f32 v42, v1;
	_ =	sdelay $0x1  }
0xa3: {  	v0 =	vadd.f32 v43, v0;
	v1 =	vadd.f32 v44, v1;
	_ =	sdelay $0x1  }
0xa4: {  	v0 =	vadd.f32 v1, v0;
	_ =	sdelay $0x1  }
0xa5: {  	[tilespmem:s21+$0xFFFFFFD0] =	vst v0  }
0xa6: {  	v0 =	vld [tilespmem:s23+$0x6A40]  }
0xa7: {  	v45 =	vld [tilespmem:s23+$0x6A60]  }
0xa8: {  	v46 =	vld [tilespmem:s23+$0x6A80]  }
0xa9: {  	v47 =	vld [tilespmem:s23+$0x6AA0]  }
0xaa: {  	v48 =	vld [tilespmem:s23+$0x6AC0]  }
0xab: {  	v49 =	vld [tilespmem:s23+$0x6AE0]  }
0xac: {  	v50 =	vld [tilespmem:s23+$0x6B00]  }
0xad: {  	v51 =	vld [tilespmem:s23+$0x6B20]  }
0xae: {  	v52 =	vld [tilespmem:s23+$0x6B40];
	v0 =	vadd.f32 v46, v0;
	v1 =	vadd.f32 v47, v45  }
0xaf: {  	v53 =	vld [tilespmem:s23+$0x6B60]  }
0xb0: {  	v54 =	vld [tilespmem:s23+$0x6B80];
	v0 =	vadd.f32 v48, v0;
	v1 =	vadd.f32 v49, v1  }
0xb1: {  	v55 =	vld [tilespmem:s23+$0x6BA0]  }
0xb2: {  	v56 =	vld [tilespmem:s23+$0x6BC0];
	v0 =	vadd.f32 v50, v0;
	v1 =	vadd.f32 v51, v1  }
0xb3: {  	v57 =	vld [tilespmem:s23+$0x6BE0]  }
0xb4: {  	v58 =	vld [tilespmem:s23+$0x6C00];
	v0 =	vadd.f32 v52, v0;
	v1 =	vadd.f32 v53, v1  }
0xb5: {  	v59 =	vld [tilespmem:s23+$0x6C20]  }
0xb6: {  	v60 =	vld [tilespmem:s23+$0x6C40];
	v0 =	vadd.f32 v54, v0;
	v1 =	vadd.f32 v55, v1  }
0xb7: {  	v61 =	vld [tilespmem:s23+$0x6C60]  }
0xb8: {  	v62 =	vld [tilespmem:s23+$0x6C80];
	v0 =	vadd.f32 v56, v0;
	v1 =	vadd.f32 v57, v1  }
0xb9: {  	v63 =	vld [tilespmem:s23+$0x6CA0]  }
0xba: {  	v9 =	vld [tilespmem:s23+$0x6CC0];
	v0 =	vadd.f32 v58, v0;
	v1 =	vadd.f32 v59, v1  }
0xbb: {  	v10 =	vld [tilespmem:s23+$0x6CE0]  }
0xbc: {  	v11 =	vld [tilespmem:s23+$0x6D00];
	v0 =	vadd.f32 v60, v0;
	v1 =	vadd.f32 v61, v1  }
0xbd: {  	v12 =	vld [tilespmem:s23+$0x6D20]  }
0xbe: {  	v13 =	vld [tilespmem:s23+$0x6D40];
	v0 =	vadd.f32 v62, v0;
	v1 =	vadd.f32 v63, v1  }
0xbf: {  	v14 =	vld [tilespmem:s23+$0x6D60]  }
0xc0: {  	v15 =	vld [tilespmem:s23+$0x6D80];
	v0 =	vadd.f32 v9, v0;
	v1 =	vadd.f32 v10, v1  }
0xc1: {  	v16 =	vld [tilespmem:s23+$0x6DA0]  }
0xc2: {  	v17 =	vld [tilespmem:s23+$0x6DC0];
	v0 =	vadd.f32 v11, v0;
	v1 =	vadd.f32 v12, v1  }
0xc3: {  	v18 =	vld [tilespmem:s23+$0x6DE0]  }
0xc4: {  	v19 =	vld [tilespmem:s23+$0x6E00];
	v0 =	vadd.f32 v13, v0;
	v1 =	vadd.f32 v14, v1  }
0xc5: {  	v20 =	vld [tilespmem:s23+$0x6E20]  }
0xc6: {  	v21 =	vld [tilespmem:s23+$0x6E40];
	v0 =	vadd.f32 v15, v0;
	v1 =	vadd.f32 v16, v1  }
0xc7: {  	v22 =	vld [tilespmem:s23+$0x6E60]  }
0xc8: {  	v23 =	vld [tilespmem:s23+$0x6E80];
	v0 =	vadd.f32 v17, v0;
	v1 =	vadd.f32 v18, v1  }
0xc9: {  	v24 =	vld [tilespmem:s23+$0x6EA0]  }
0xca: {  	v25 =	vld [tilespmem:s23+$0x6EC0];
	v0 =	vadd.f32 v19, v0;
	v1 =	vadd.f32 v20, v1  }
0xcb: {  	v26 =	vld [tilespmem:s23+$0x6EE0]  }
0xcc: {  	v27 =	vld [tilespmem:s23+$0x6F00];
	v0 =	vadd.f32 v21, v0;
	v1 =	vadd.f32 v22, v1  }
0xcd: {  	v28 =	vld [tilespmem:s23+$0x6F20]  }
0xce: {  	v29 =	vld [tilespmem:s23+$0x6F40];
	v0 =	vadd.f32 v23, v0;
	v1 =	vadd.f32 v24, v1  }
0xcf: {  	v30 =	vld [tilespmem:s23+$0x6F60]  }
0xd0: {  	v31 =	vld [tilespmem:s23+$0x6F80];
	v0 =	vadd.f32 v25, v0;
	v1 =	vadd.f32 v26, v1  }
0xd1: {  	v32 =	vld [tilespmem:s23+$0x6FA0]  }
0xd2: {  	v33 =	vld [tilespmem:s23+$0x6FC0];
	v0 =	vadd.f32 v27, v0;
	v1 =	vadd.f32 v28, v1  }
0xd3: {  	v34 =	vld [tilespmem:s23+$0x6FE0]  }
0xd4: {  	v35 =	vld [tilespmem:s23+$0x7000];
	v0 =	vadd.f32 v29, v0;
	v1 =	vadd.f32 v30, v1  }
0xd5: {  	v36 =	vld [tilespmem:s23+$0x7020]  }
0xd6: {  	v37 =	vld [tilespmem:s23+$0x7040];
	v0 =	vadd.f32 v31, v0;
	v1 =	vadd.f32 v32, v1  }
0xd7: {  	v38 =	vld [tilespmem:s23+$0x7060]  }
0xd8: {  	v0 =	vadd.f32 v33, v0;
	v1 =	vadd.f32 v34, v1;
	_ =	sdelay $0x1  }
0xd9: {  	v0 =	vadd.f32 v35, v0;
	v1 =	vadd.f32 v36, v1;
	_ =	sdelay $0x1  }
0xda: {  	v0 =	vadd.f32 v37, v0;
	v1 =	vadd.f32 v38, v1;
	_ =	sdelay $0x1  }
0xdb: {  	v0 =	vadd.f32 v1, v0;
	_ =	sdelay $0x1  }
0xdc: {  	[tilespmem:s21+$0xFFFFFFE0] =	vst v0  }
0xdd: {  	v0 =	vld [tilespmem:s23+$0x6A50]  }
0xde: {  	v39 =	vld [tilespmem:s23+$0x6A70]  }
0xdf: {  	v40 =	vld [tilespmem:s23+$0x6A90]  }
0xe0: {  	v41 =	vld [tilespmem:s23+$0x6AB0]  }
0xe1: {  	v42 =	vld [tilespmem:s23+$0x6AD0]  }
0xe2: {  	v43 =	vld [tilespmem:s23+$0x6AF0]  }
0xe3: {  	v44 =	vld [tilespmem:s23+$0x6B10]  }
0xe4: {  	v45 =	vld [tilespmem:s23+$0x6B30]  }
0xe5: {  	v46 =	vld [tilespmem:s23+$0x6B50];
	v0 =	vadd.f32 v40, v0;
	v1 =	vadd.f32 v41, v39  }
0xe6: {  	v47 =	vld [tilespmem:s23+$0x6B70]  }
0xe7: {  	v48 =	vld [tilespmem:s23+$0x6B90];
	v0 =	vadd.f32 v42, v0;
	v1 =	vadd.f32 v43, v1  }
0xe8: {  	v49 =	vld [tilespmem:s23+$0x6BB0]  }
0xe9: {  	v50 =	vld [tilespmem:s23+$0x6BD0];
	v0 =	vadd.f32 v44, v0;
	v1 =	vadd.f32 v45, v1  }
0xea: {  	v51 =	vld [tilespmem:s23+$0x6BF0]  }
0xeb: {  	v52 =	vld [tilespmem:s23+$0x6C10];
	v0 =	vadd.f32 v46, v0;
	v1 =	vadd.f32 v47, v1  }
0xec: {  	v53 =	vld [tilespmem:s23+$0x6C30]  }
0xed: {  	v54 =	vld [tilespmem:s23+$0x6C50];
	v0 =	vadd.f32 v48, v0;
	v1 =	vadd.f32 v49, v1  }
0xee: {  	v55 =	vld [tilespmem:s23+$0x6C70]  }
0xef: {  	v56 =	vld [tilespmem:s23+$0x6C90];
	v0 =	vadd.f32 v50, v0;
	v1 =	vadd.f32 v51, v1  }
0xf0: {  	v57 =	vld [tilespmem:s23+$0x6CB0]  }
0xf1: {  	v58 =	vld [tilespmem:s23+$0x6CD0];
	v0 =	vadd.f32 v52, v0;
	v1 =	vadd.f32 v53, v1  }
0xf2: {  	v59 =	vld [tilespmem:s23+$0x6CF0]  }
0xf3: {  	v60 =	vld [tilespmem:s23+$0x6D10];
	v0 =	vadd.f32 v54, v0;
	v1 =	vadd.f32 v55, v1  }
0xf4: {  	v61 =	vld [tilespmem:s23+$0x6D30]  }
0xf5: {  	v62 =	vld [tilespmem:s23+$0x6D50];
	v0 =	vadd.f32 v56, v0;
	v1 =	vadd.f32 v57, v1  }
0xf6: {  	v63 =	vld [tilespmem:s23+$0x6D70]  }
0xf7: {  	v9 =	vld [tilespmem:s23+$0x6D90];
	v0 =	vadd.f32 v58, v0;
	v1 =	vadd.f32 v59, v1  }
0xf8: {  	v10 =	vld [tilespmem:s23+$0x6DB0]  }
0xf9: {  	v11 =	vld [tilespmem:s23+$0x6DD0];
	v0 =	vadd.f32 v60, v0;
	v1 =	vadd.f32 v61, v1  }
0xfa: {  	v12 =	vld [tilespmem:s23+$0x6DF0]  }
0xfb: {  	v13 =	vld [tilespmem:s23+$0x6E10];
	v0 =	vadd.f32 v62, v0;
	v1 =	vadd.f32 v63, v1  }
0xfc: {  	v14 =	vld [tilespmem:s23+$0x6E30]  }
0xfd: {  	v15 =	vld [tilespmem:s23+$0x6E50];
	v0 =	vadd.f32 v9, v0;
	v1 =	vadd.f32 v10, v1  }
0xfe: {  	v16 =	vld [tilespmem:s23+$0x6E70]  }
0xff: {  	v17 =	vld [tilespmem:s23+$0x6E90];
	v0 =	vadd.f32 v11, v0;
	v1 =	vadd.f32 v12, v1  }
0x100: {  	v18 =	vld [tilespmem:s23+$0x6EB0]  }
0x101: {  	v19 =	vld [tilespmem:s23+$0x6ED0];
	v0 =	vadd.f32 v13, v0;
	v1 =	vadd.f32 v14, v1  }
0x102: {  	v20 =	vld [tilespmem:s23+$0x6EF0]  }
0x103: {  	v21 =	vld [tilespmem:s23+$0x6F10];
	v0 =	vadd.f32 v15, v0;
	v1 =	vadd.f32 v16, v1  }
0x104: {  	v22 =	vld [tilespmem:s23+$0x6F30]  }
0x105: {  	v23 =	vld [tilespmem:s23+$0x6F50];
	v0 =	vadd.f32 v17, v0;
	v1 =	vadd.f32 v18, v1  }
0x106: {  	v24 =	vld [tilespmem:s23+$0x6F70]  }
0x107: {  	v25 =	vld [tilespmem:s23+$0x6F90];
	v0 =	vadd.f32 v19, v0;
	v1 =	vadd.f32 v20, v1  }
0x108: {  	v26 =	vld [tilespmem:s23+$0x6FB0]  }
0x109: {  	v27 =	vld [tilespmem:s23+$0x6FD0];
	v0 =	vadd.f32 v21, v0;
	v1 =	vadd.f32 v22, v1  }
0x10a: {  	v28 =	vld [tilespmem:s23+$0x6FF0]  }
0x10b: {  	v29 =	vld [tilespmem:s23+$0x7010];
	v0 =	vadd.f32 v23, v0;
	v1 =	vadd.f32 v24, v1  }
0x10c: {  	v30 =	vld [tilespmem:s23+$0x7030]  }
0x10d: {  	v31 =	vld [tilespmem:s23+$0x7050];
	v0 =	vadd.f32 v25, v0;
	v1 =	vadd.f32 v26, v1  }
0x10e: {  	v32 =	vld [tilespmem:s23+$0x7070]  }
0x10f: {  	v0 =	vadd.f32 v27, v0;
	v1 =	vadd.f32 v28, v1;
	_ =	sdelay $0x1  }
0x110: {  	v0 =	vadd.f32 v29, v0;
	v1 =	vadd.f32 v30, v1;
	_ =	sdelay $0x1  }
0x111: {  	v0 =	vadd.f32 v31, v0;
	v1 =	vadd.f32 v32, v1;
	_ =	sdelay $0x1  }
0x112: {  	v0 =	vadd.f32 v1, v0;
	_ =	sdelay $0x1  }
0x113: {  	[tilespmem:s21+$0xFFFFFFF0] =	vst v0  }
0x114: {  	v0 =	vld [tilespmem:s23+$0x7080]  }
0x115: {  	s24 =	smul.u32 $0x3000, s24;
	v33 =	vld [tilespmem:s23+$0x70A0]  }
0x116: {  	v34 =	vld [tilespmem:s23+$0x70C0]  }
0x117: {  	s24 =	sshrl.u32 s24, $0x2;
	v35 =	vld [tilespmem:s23+$0x70E0]  }
0x118: {  	v36 =	vld [tilespmem:s24+$0xCC00]  }
0x119: {  	v37 =	vld [tilespmem:s24+$0xCC20]  }
0x11a: {  	v38 =	vld [tilespmem:s24+$0xCC40]  }
0x11b: {  	v39 =	vld [tilespmem:s24+$0xCC60]  }
0x11c: {  	v40 =	vld [tilespmem:s24+$0xCC80];
	v0 =	vadd.f32 v34, v0;
	v1 =	vadd.f32 v35, v33  }
0x11d: {  	v41 =	vld [tilespmem:s24+$0xCCA0]  }
0x11e: {  	v42 =	vld [tilespmem:s24+$0xCCC0];
	v0 =	vadd.f32 v36, v0;
	v1 =	vadd.f32 v37, v1  }
0x11f: {  	v43 =	vld [tilespmem:s24+$0xCCE0]  }
0x120: {  	v44 =	vld [tilespmem:s24+$0xCD00];
	v0 =	vadd.f32 v38, v0;
	v1 =	vadd.f32 v39, v1  }
0x121: {  	v45 =	vld [tilespmem:s24+$0xCD20]  }
0x122: {  	v46 =	vld [tilespmem:s24+$0xCD40];
	v0 =	vadd.f32 v40, v0;
	v1 =	vadd.f32 v41, v1  }
0x123: {  	v47 =	vld [tilespmem:s24+$0xCD60]  }
0x124: {  	v48 =	vld [tilespmem:s24+$0xCD80];
	v0 =	vadd.f32 v42, v0;
	v1 =	vadd.f32 v43, v1  }
0x125: {  	v49 =	vld [tilespmem:s24+$0xCDA0]  }
0x126: {  	v50 =	vld [tilespmem:s24+$0xCDC0];
	v0 =	vadd.f32 v44, v0;
	v1 =	vadd.f32 v45, v1  }
0x127: {  	v51 =	vld [tilespmem:s24+$0xCDE0]  }
0x128: {  	v52 =	vld [tilespmem:s24+$0xCE00];
	v0 =	vadd.f32 v46, v0;
	v1 =	vadd.f32 v47, v1  }
0x129: {  	v53 =	vld [tilespmem:s24+$0xCE20]  }
0x12a: {  	v54 =	vld [tilespmem:s24+$0xCE40];
	v0 =	vadd.f32 v48, v0;
	v1 =	vadd.f32 v49, v1  }
0x12b: {  	v55 =	vld [tilespmem:s24+$0xCE60]  }
0x12c: {  	v56 =	vld [tilespmem:s24+$0xCE80];
	v0 =	vadd.f32 v50, v0;
	v1 =	vadd.f32 v51, v1  }
0x12d: {  	v57 =	vld [tilespmem:s24+$0xCEA0]  }
0x12e: {  	v58 =	vld [tilespmem:s24+$0xCEC0];
	v0 =	vadd.f32 v52, v0;
	v1 =	vadd.f32 v53, v1  }
0x12f: {  	v59 =	vld [tilespmem:s24+$0xCEE0]  }
0x130: {  	v60 =	vld [tilespmem:s24+$0xCF00];
	v0 =	vadd.f32 v54, v0;
	v1 =	vadd.f32 v55, v1  }
0x131: {  	v61 =	vld [tilespmem:s24+$0xCF20]  }
0x132: {  	v62 =	vld [tilespmem:s24+$0xCF40];
	v0 =	vadd.f32 v56, v0;
	v1 =	vadd.f32 v57, v1  }
0x133: {  	v63 =	vld [tilespmem:s24+$0xCF60]  }
0x134: {  	v9 =	vld [tilespmem:s24+$0xCF80];
	v0 =	vadd.f32 v58, v0;
	v1 =	vadd.f32 v59, v1  }
0x135: {  	v10 =	vld [tilespmem:s24+$0xCFA0]  }
0x136: {  	v11 =	vld [tilespmem:s24+$0xCFC0];
	v0 =	vadd.f32 v60, v0;
	v1 =	vadd.f32 v61, v1  }
0x137: {  	v12 =	vld [tilespmem:s24+$0xCFE0]  }
0x138: {  	v13 =	vld [tilespmem:s24+$0xD000];
	v0 =	vadd.f32 v62, v0;
	v1 =	vadd.f32 v63, v1  }
0x139: {  	v14 =	vld [tilespmem:s24+$0xD020]  }
0x13a: {  	v15 =	vld [tilespmem:s24+$0xD040];
	v0 =	vadd.f32 v9, v0;
	v1 =	vadd.f32 v10, v1  }
0x13b: {  	v16 =	vld [tilespmem:s24+$0xD060]  }
0x13c: {  	v17 =	vld [tilespmem:s24+$0xD080];
	v0 =	vadd.f32 v11, v0;
	v1 =	vadd.f32 v12, v1  }
0x13d: {  	v18 =	vld [tilespmem:s24+$0xD0A0]  }
0x13e: {  	v19 =	vld [tilespmem:s24+$0xD0C0];
	v0 =	vadd.f32 v13, v0;
	v1 =	vadd.f32 v14, v1  }
0x13f: {  	v20 =	vld [tilespmem:s24+$0xD0E0]  }
0x140: {  	v21 =	vld [tilespmem:s24+$0xD100];
	v0 =	vadd.f32 v15, v0;
	v1 =	vadd.f32 v16, v1  }
0x141: {  	v22 =	vld [tilespmem:s24+$0xD120]  }
0x142: {  	v23 =	vld [tilespmem:s24+$0xD140];
	v0 =	vadd.f32 v17, v0;
	v1 =	vadd.f32 v18, v1  }
0x143: {  	v24 =	vld [tilespmem:s24+$0xD160]  }
0x144: {  	v25 =	vld [tilespmem:s24+$0xD180];
	v0 =	vadd.f32 v19, v0;
	v1 =	vadd.f32 v20, v1  }
0x145: {  	v26 =	vld [tilespmem:s24+$0xD1A0]  }
0x146: {  	v0 =	vadd.f32 v21, v0;
	v1 =	vadd.f32 v22, v1;
	_ =	sdelay $0x1  }
0x147: {  	v0 =	vadd.f32 v23, v0;
	v1 =	vadd.f32 v24, v1;
	_ =	sdelay $0x1  }
0x148: {  	v0 =	vadd.f32 v25, v0;
	v1 =	vadd.f32 v26, v1;
	_ =	sdelay $0x1  }
0x149: {  	v0 =	vadd.f32 v1, v0;
	_ =	sdelay $0x1  }
0x14a: {  	[tilespmem:s21+$0x0] =	vst v0  }
0x14b: {  	v0 =	vld [tilespmem:s23+$0x7090]  }
0x14c: {  	v27 =	vld [tilespmem:s23+$0x70B0]  }
0x14d: {  	v28 =	vld [tilespmem:s23+$0x70D0]  }
0x14e: {  	v29 =	vld [tilespmem:s23+$0x70F0]  }
0x14f: {  	v30 =	vld [tilespmem:s24+$0xCC10]  }
0x150: {  	v31 =	vld [tilespmem:s24+$0xCC30]  }
0x151: {  	v32 =	vld [tilespmem:s24+$0xCC50]  }
0x152: {  	v33 =	vld [tilespmem:s24+$0xCC70]  }
0x153: {  	v34 =	vld [tilespmem:s24+$0xCC90];
	v0 =	vadd.f32 v28, v0;
	v1 =	vadd.f32 v29, v27  }
0x154: {  	v35 =	vld [tilespmem:s24+$0xCCB0]  }
0x155: {  	v36 =	vld [tilespmem:s24+$0xCCD0];
	v0 =	vadd.f32 v30, v0;
	v1 =	vadd.f32 v31, v1  }
0x156: {  	v37 =	vld [tilespmem:s24+$0xCCF0]  }
0x157: {  	v38 =	vld [tilespmem:s24+$0xCD10];
	v0 =	vadd.f32 v32, v0;
	v1 =	vadd.f32 v33, v1  }
0x158: {  	v39 =	vld [tilespmem:s24+$0xCD30]  }
0x159: {  	v40 =	vld [tilespmem:s24+$0xCD50];
	v0 =	vadd.f32 v34, v0;
	v1 =	vadd.f32 v35, v1  }
0x15a: {  	v41 =	vld [tilespmem:s24+$0xCD70]  }
0x15b: {  	v42 =	vld [tilespmem:s24+$0xCD90];
	v0 =	vadd.f32 v36, v0;
	v1 =	vadd.f32 v37, v1  }
0x15c: {  	v43 =	vld [tilespmem:s24+$0xCDB0]  }
0x15d: {  	v44 =	vld [tilespmem:s24+$0xCDD0];
	v0 =	vadd.f32 v38, v0;
	v1 =	vadd.f32 v39, v1  }
0x15e: {  	v45 =	vld [tilespmem:s24+$0xCDF0]  }
0x15f: {  	v46 =	vld [tilespmem:s24+$0xCE10];
	v0 =	vadd.f32 v40, v0;
	v1 =	vadd.f32 v41, v1  }
0x160: {  	v47 =	vld [tilespmem:s24+$0xCE30]  }
0x161: {  	v48 =	vld [tilespmem:s24+$0xCE50];
	v0 =	vadd.f32 v42, v0;
	v1 =	vadd.f32 v43, v1  }
0x162: {  	v49 =	vld [tilespmem:s24+$0xCE70]  }
0x163: {  	v50 =	vld [tilespmem:s24+$0xCE90];
	v0 =	vadd.f32 v44, v0;
	v1 =	vadd.f32 v45, v1  }
0x164: {  	v51 =	vld [tilespmem:s24+$0xCEB0]  }
0x165: {  	v52 =	vld [tilespmem:s24+$0xCED0];
	v0 =	vadd.f32 v46, v0;
	v1 =	vadd.f32 v47, v1  }
0x166: {  	v53 =	vld [tilespmem:s24+$0xCEF0]  }
0x167: {  	v54 =	vld [tilespmem:s24+$0xCF10];
	v0 =	vadd.f32 v48, v0;
	v1 =	vadd.f32 v49, v1  }
0x168: {  	v55 =	vld [tilespmem:s24+$0xCF30]  }
0x169: {  	v56 =	vld [tilespmem:s24+$0xCF50];
	v0 =	vadd.f32 v50, v0;
	v1 =	vadd.f32 v51, v1  }
0x16a: {  	v57 =	vld [tilespmem:s24+$0xCF70]  }
0x16b: {  	v58 =	vld [tilespmem:s24+$0xCF90];
	v0 =	vadd.f32 v52, v0;
	v1 =	vadd.f32 v53, v1  }
0x16c: {  	v59 =	vld [tilespmem:s24+$0xCFB0]  }
0x16d: {  	v60 =	vld [tilespmem:s24+$0xCFD0];
	v0 =	vadd.f32 v54, v0;
	v1 =	vadd.f32 v55, v1  }
0x16e: {  	v61 =	vld [tilespmem:s24+$0xCFF0]  }
0x16f: {  	v62 =	vld [tilespmem:s24+$0xD010];
	v0 =	vadd.f32 v56, v0;
	v1 =	vadd.f32 v57, v1  }
0x170: {  	v63 =	vld [tilespmem:s24+$0xD030]  }
0x171: {  	v9 =	vld [tilespmem:s24+$0xD050];
	v0 =	vadd.f32 v58, v0;
	v1 =	vadd.f32 v59, v1  }
0x172: {  	v10 =	vld [tilespmem:s24+$0xD070]  }
0x173: {  	v11 =	vld [tilespmem:s24+$0xD090];
	v0 =	vadd.f32 v60, v0;
	v1 =	vadd.f32 v61, v1  }
0x174: {  	v12 =	vld [tilespmem:s24+$0xD0B0]  }
0x175: {  	v13 =	vld [tilespmem:s24+$0xD0D0];
	v0 =	vadd.f32 v62, v0;
	v1 =	vadd.f32 v63, v1  }
0x176: {  	v14 =	vld [tilespmem:s24+$0xD0F0]  }
0x177: {  	v15 =	vld [tilespmem:s24+$0xD110];
	v0 =	vadd.f32 v9, v0;
	v1 =	vadd.f32 v10, v1  }
0x178: {  	v16 =	vld [tilespmem:s24+$0xD130]  }
0x179: {  	v17 =	vld [tilespmem:s24+$0xD150];
	v0 =	vadd.f32 v11, v0;
	v1 =	vadd.f32 v12, v1  }
0x17a: {  	v18 =	vld [tilespmem:s24+$0xD170]  }
0x17b: {  	v19 =	vld [tilespmem:s24+$0xD190];
	v0 =	vadd.f32 v13, v0;
	v1 =	vadd.f32 v14, v1  }
0x17c: {  	v20 =	vld [tilespmem:s24+$0xD1B0]  }
0x17d: {  	v0 =	vadd.f32 v15, v0;
	v1 =	vadd.f32 v16, v1;
	_ =	sdelay $0x1  }
0x17e: {  	v0 =	vadd.f32 v17, v0;
	v1 =	vadd.f32 v18, v1;
	_ =	sdelay $0x1  }
0x17f: {  	v0 =	vadd.f32 v19, v0;
	v1 =	vadd.f32 v20, v1;
	_ =	sdelay $0x1  }
0x180: {  	v0 =	vadd.f32 v1, v0;
	_ =	sdelay $0x1  }
0x181: {  	[tilespmem:s21+$0x10] =	vst v0  }
0x182: {  	v0 =	vld [tilespmem:s24+$0xD1C0]  }
0x183: {  	v21 =	vld [tilespmem:s24+$0xD1E0]  }
0x184: {  	v22 =	vld [tilespmem:s24+$0xD200]  }
0x185: {  	v23 =	vld [tilespmem:s24+$0xD220]  }
0x186: {  	v24 =	vld [tilespmem:s24+$0xD240]  }
0x187: {  	v25 =	vld [tilespmem:s24+$0xD260]  }
0x188: {  	v26 =	vld [tilespmem:s24+$0xD280]  }
0x189: {  	v27 =	vld [tilespmem:s24+$0xD2A0]  }
0x18a: {  	v28 =	vld [tilespmem:s24+$0xD2C0];
	v0 =	vadd.f32 v22, v0;
	v1 =	vadd.f32 v23, v21  }
0x18b: {  	v29 =	vld [tilespmem:s24+$0xD2E0]  }
0x18c: {  	v30 =	vld [tilespmem:s24+$0xD300];
	v0 =	vadd.f32 v24, v0;
	v1 =	vadd.f32 v25, v1  }
0x18d: {  	v31 =	vld [tilespmem:s24+$0xD320]  }
0x18e: {  	v32 =	vld [tilespmem:s24+$0xD340];
	v0 =	vadd.f32 v26, v0;
	v1 =	vadd.f32 v27, v1  }
0x18f: {  	v33 =	vld [tilespmem:s24+$0xD360]  }
0x190: {  	v34 =	vld [tilespmem:s24+$0xD380];
	v0 =	vadd.f32 v28, v0;
	v1 =	vadd.f32 v29, v1  }
0x191: {  	v35 =	vld [tilespmem:s24+$0xD3A0]  }
0x192: {  	v36 =	vld [tilespmem:s24+$0xD3C0];
	v0 =	vadd.f32 v30, v0;
	v1 =	vadd.f32 v31, v1  }
0x193: {  	v37 =	vld [tilespmem:s24+$0xD3E0]  }
0x194: {  	v38 =	vld [tilespmem:s24+$0xD400];
	v0 =	vadd.f32 v32, v0;
	v1 =	vadd.f32 v33, v1  }
0x195: {  	v39 =	vld [tilespmem:s24+$0xD420]  }
0x196: {  	v40 =	vld [tilespmem:s24+$0xD440];
	v0 =	vadd.f32 v34, v0;
	v1 =	vadd.f32 v35, v1  }
0x197: {  	v41 =	vld [tilespmem:s24+$0xD460]  }
0x198: {  	v42 =	vld [tilespmem:s24+$0xD480];
	v0 =	vadd.f32 v36, v0;
	v1 =	vadd.f32 v37, v1  }
0x199: {  	v43 =	vld [tilespmem:s24+$0xD4A0]  }
0x19a: {  	v44 =	vld [tilespmem:s24+$0xD4C0];
	v0 =	vadd.f32 v38, v0;
	v1 =	vadd.f32 v39, v1  }
0x19b: {  	v45 =	vld [tilespmem:s24+$0xD4E0]  }
0x19c: {  	v46 =	vld [tilespmem:s24+$0xD500];
	v0 =	vadd.f32 v40, v0;
	v1 =	vadd.f32 v41, v1  }
0x19d: {  	v47 =	vld [tilespmem:s24+$0xD520]  }
0x19e: {  	v48 =	vld [tilespmem:s24+$0xD540];
	v0 =	vadd.f32 v42, v0;
	v1 =	vadd.f32 v43, v1  }
0x19f: {  	v49 =	vld [tilespmem:s24+$0xD560]  }
0x1a0: {  	v50 =	vld [tilespmem:s24+$0xD580];
	v0 =	vadd.f32 v44, v0;
	v1 =	vadd.f32 v45, v1  }
0x1a1: {  	v51 =	vld [tilespmem:s24+$0xD5A0]  }
0x1a2: {  	v52 =	vld [tilespmem:s24+$0xD5C0];
	v0 =	vadd.f32 v46, v0;
	v1 =	vadd.f32 v47, v1  }
0x1a3: {  	v53 =	vld [tilespmem:s24+$0xD5E0]  }
0x1a4: {  	v54 =	vld [tilespmem:s24+$0xD600];
	v0 =	vadd.f32 v48, v0;
	v1 =	vadd.f32 v49, v1  }
0x1a5: {  	v55 =	vld [tilespmem:s24+$0xD620]  }
0x1a6: {  	v56 =	vld [tilespmem:s24+$0xD640];
	v0 =	vadd.f32 v50, v0;
	v1 =	vadd.f32 v51, v1  }
0x1a7: {  	v57 =	vld [tilespmem:s24+$0xD660]  }
0x1a8: {  	v58 =	vld [tilespmem:s24+$0xD680];
	v0 =	vadd.f32 v52, v0;
	v1 =	vadd.f32 v53, v1  }
0x1a9: {  	v59 =	vld [tilespmem:s24+$0xD6A0]  }
0x1aa: {  	v60 =	vld [tilespmem:s24+$0xD6C0];
	v0 =	vadd.f32 v54, v0;
	v1 =	vadd.f32 v55, v1  }
0x1ab: {  	v61 =	vld [tilespmem:s24+$0xD6E0]  }
0x1ac: {  	v62 =	vld [tilespmem:s24+$0xD700];
	v0 =	vadd.f32 v56, v0;
	v1 =	vadd.f32 v57, v1  }
0x1ad: {  	v63 =	vld [tilespmem:s24+$0xD720]  }
0x1ae: {  	v9 =	vld [tilespmem:s24+$0xD740];
	v0 =	vadd.f32 v58, v0;
	v1 =	vadd.f32 v59, v1  }
0x1af: {  	v10 =	vld [tilespmem:s24+$0xD760]  }
0x1b0: {  	v11 =	vld [tilespmem:s24+$0xD780];
	v0 =	vadd.f32 v60, v0;
	v1 =	vadd.f32 v61, v1  }
0x1b1: {  	v12 =	vld [tilespmem:s24+$0xD7A0]  }
0x1b2: {  	v13 =	vld [tilespmem:s24+$0xD7C0];
	v0 =	vadd.f32 v62, v0;
	v1 =	vadd.f32 v63, v1  }
0x1b3: {  	v14 =	vld [tilespmem:s24+$0xD7E0]  }
0x1b4: {  	v0 =	vadd.f32 v9, v0;
	v1 =	vadd.f32 v10, v1;
	_ =	sdelay $0x1  }
0x1b5: {  	v0 =	vadd.f32 v11, v0;
	v1 =	vadd.f32 v12, v1;
	_ =	sdelay $0x1  }
0x1b6: {  	v0 =	vadd.f32 v13, v0;
	v1 =	vadd.f32 v14, v1;
	_ =	sdelay $0x1  }
0x1b7: {  	v0 =	vadd.f32 v1, v0;
	_ =	sdelay $0x1  }
0x1b8: {  	[tilespmem:s21+$0x20] =	vst v0  }
0x1b9: {  	v0 =	vld [tilespmem:s24+$0xD1D0]  }
0x1ba: {  	v15 =	vld [tilespmem:s24+$0xD1F0]  }
0x1bb: {  	v16 =	vld [tilespmem:s24+$0xD210]  }
0x1bc: {  	v17 =	vld [tilespmem:s24+$0xD230]  }
0x1bd: {  	v18 =	vld [tilespmem:s24+$0xD250]  }
0x1be: {  	v19 =	vld [tilespmem:s24+$0xD270]  }
0x1bf: {  	v20 =	vld [tilespmem:s24+$0xD290]  }
0x1c0: {  	v21 =	vld [tilespmem:s24+$0xD2B0]  }
0x1c1: {  	v22 =	vld [tilespmem:s24+$0xD2D0];
	v0 =	vadd.f32 v16, v0;
	v1 =	vadd.f32 v17, v15  }
0x1c2: {  	v23 =	vld [tilespmem:s24+$0xD2F0]  }
0x1c3: {  	v24 =	vld [tilespmem:s24+$0xD310];
	v0 =	vadd.f32 v18, v0;
	v1 =	vadd.f32 v19, v1  }
0x1c4: {  	v25 =	vld [tilespmem:s24+$0xD330]  }
0x1c5: {  	v26 =	vld [tilespmem:s24+$0xD350];
	v0 =	vadd.f32 v20, v0;
	v1 =	vadd.f32 v21, v1  }
0x1c6: {  	v27 =	vld [tilespmem:s24+$0xD370]  }
0x1c7: {  	v28 =	vld [tilespmem:s24+$0xD390];
	v0 =	vadd.f32 v22, v0;
	v1 =	vadd.f32 v23, v1  }
0x1c8: {  	v29 =	vld [tilespmem:s24+$0xD3B0]  }
0x1c9: {  	v30 =	vld [tilespmem:s24+$0xD3D0];
	v0 =	vadd.f32 v24, v0;
	v1 =	vadd.f32 v25, v1  }
0x1ca: {  	v31 =	vld [tilespmem:s24+$0xD3F0]  }
0x1cb: {  	v32 =	vld [tilespmem:s24+$0xD410];
	v0 =	vadd.f32 v26, v0;
	v1 =	vadd.f32 v27, v1  }
0x1cc: {  	v33 =	vld [tilespmem:s24+$0xD430]  }
0x1cd: {  	v34 =	vld [tilespmem:s24+$0xD450];
	v0 =	vadd.f32 v28, v0;
	v1 =	vadd.f32 v29, v1  }
0x1ce: {  	v35 =	vld [tilespmem:s24+$0xD470]  }
0x1cf: {  	v36 =	vld [tilespmem:s24+$0xD490];
	v0 =	vadd.f32 v30, v0;
	v1 =	vadd.f32 v31, v1  }
0x1d0: {  	v37 =	vld [tilespmem:s24+$0xD4B0]  }
0x1d1: {  	v38 =	vld [tilespmem:s24+$0xD4D0];
	v0 =	vadd.f32 v32, v0;
	v1 =	vadd.f32 v33, v1  }
0x1d2: {  	v39 =	vld [tilespmem:s24+$0xD4F0]  }
0x1d3: {  	v40 =	vld [tilespmem:s24+$0xD510];
	v0 =	vadd.f32 v34, v0;
	v1 =	vadd.f32 v35, v1  }
0x1d4: {  	v41 =	vld [tilespmem:s24+$0xD530]  }
0x1d5: {  	v42 =	vld [tilespmem:s24+$0xD550];
	v0 =	vadd.f32 v36, v0;
	v1 =	vadd.f32 v37, v1  }
0x1d6: {  	v43 =	vld [tilespmem:s24+$0xD570]  }
0x1d7: {  	v44 =	vld [tilespmem:s24+$0xD590];
	v0 =	vadd.f32 v38, v0;
	v1 =	vadd.f32 v39, v1  }
0x1d8: {  	v45 =	vld [tilespmem:s24+$0xD5B0]  }
0x1d9: {  	v46 =	vld [tilespmem:s24+$0xD5D0];
	v0 =	vadd.f32 v40, v0;
	v1 =	vadd.f32 v41, v1  }
0x1da: {  	v47 =	vld [tilespmem:s24+$0xD5F0]  }
0x1db: {  	v48 =	vld [tilespmem:s24+$0xD610];
	v0 =	vadd.f32 v42, v0;
	v1 =	vadd.f32 v43, v1  }
0x1dc: {  	v49 =	vld [tilespmem:s24+$0xD630]  }
0x1dd: {  	v50 =	vld [tilespmem:s24+$0xD650];
	v0 =	vadd.f32 v44, v0;
	v1 =	vadd.f32 v45, v1  }
0x1de: {  	v51 =	vld [tilespmem:s24+$0xD670]  }
0x1df: {  	v52 =	vld [tilespmem:s24+$0xD690];
	v0 =	vadd.f32 v46, v0;
	v1 =	vadd.f32 v47, v1  }
0x1e0: {  	v53 =	vld [tilespmem:s24+$0xD6B0]  }
0x1e1: {  	v54 =	vld [tilespmem:s24+$0xD6D0];
	v0 =	vadd.f32 v48, v0;
	v1 =	vadd.f32 v49, v1  }
0x1e2: {  	v55 =	vld [tilespmem:s24+$0xD6F0]  }
0x1e3: {  	v56 =	vld [tilespmem:s24+$0xD710];
	v0 =	vadd.f32 v50, v0;
	v1 =	vadd.f32 v51, v1  }
0x1e4: {  	v57 =	vld [tilespmem:s24+$0xD730]  }
0x1e5: {  	v58 =	vld [tilespmem:s24+$0xD750];
	v0 =	vadd.f32 v52, v0;
	v1 =	vadd.f32 v53, v1  }
0x1e6: {  	v59 =	vld [tilespmem:s24+$0xD770]  }
0x1e7: {  	v60 =	vld [tilespmem:s24+$0xD790];
	v0 =	vadd.f32 v54, v0;
	v1 =	vadd.f32 v55, v1  }
0x1e8: {  	v61 =	vld [tilespmem:s24+$0xD7B0]  }
0x1e9: {  	v62 =	vld [tilespmem:s24+$0xD7D0];
	v0 =	vadd.f32 v56, v0;
	v1 =	vadd.f32 v57, v1  }
0x1ea: {  	v63 =	vld [tilespmem:s24+$0xD7F0]  }
0x1eb: {  	v0 =	vadd.f32 v58, v0;
	v1 =	vadd.f32 v59, v1;
	_ =	sdelay $0x1  }
0x1ec: {  	v0 =	vadd.f32 v60, v0;
	v1 =	vadd.f32 v61, v1;
	_ =	sdelay $0x1  }
0x1ed: {  	v0 =	vadd.f32 v62, v0;
	v1 =	vadd.f32 v63, v1;
	_ =	sdelay $0x1  }
0x1ee: {  	v0 =	vadd.f32 v1, v0  }
0x1ef: {  	p0 =	sgt.u32 s22, $0x77  }
0x1f0: {  	s25 =	sadd.s32 @!p0 $0xFFFFFF98, s20;
	s26 =	simm.s32 @!p0 $0x68;
	s23 =	sadd.s32 $0x6400, s23;
	[tilespmem:s21+$0x30] =	vst v0  }
0x1f1: {  	[tilespmem:s23], [sflag:$0x1] =	stream.indirect.gather @!p0 [hbm4b:s3+s26], $0x20, s25, s26, $0xb8;
	[tilespmem:$0x16C00] =	vst v63  }
0x1f2: {  	s22 =	sadd.s32 $0x1, s22;
	s23 =	sadd.s32 $0xCC00, s24;
	s24 =	simm.s32 @!p0 $0x60  }
0x1f3: {  	[tilespmem:s23], [sflag:$0x1] =	stream.indirect.gather @!p0 [hbm4b:s3+s24], $0x20, s20, s24, $0xb8;
	[tilespmem:$0x16C00] =	vst v63  }
0x1f4: {  	p0 =	sne.s32 s22, $0x80  }
.Ltmp0:
0x1f5: {  	_ = 	snop;
	(pc) =	sbr.rel @p0 .LBB2_2-.Ltmp0, $2  }
0x1f6: {  	_ =	sdelay $0x2  }
0x1f7: {  	s21 =	sadd.s32 $0x80, s21;
	s20 =	sadd.s32 $0xC8, s20  }
0x1f8: {  	s19 =	sadd.s32 $0x1, s19  }
0x1f9: {  	p0 =	sne.s32 s19, s6  }
.Ltmp1:
0x1fa: {  	_ = 	snop;
	(pc) =	sbr.rel @p0 .LBB2_1-.Ltmp1, $4  }
0x1fb: {  	[hbm4b:s5+s2] =	stream.linear.scatter [tilespmem:s18], [sflag:$0x2], $0x4000, $0x38;
	[tilespmem:$0x16C00] =	vst v63  }
0x1fc: {  	_ =	swait.ge [sflag:s7], $0x4000  }
0x1fd: {  	[sflag:s7] =	ssyncset.done $0x0  }
0x1fe: {  	[sflag:s7] =	ssyncadd.s32 $0xFFFFC000  }
0x1ff: {  	_ =	sfence.sel $0x180000  }
0x200: {  	[bflag:$0x0] =	sbarrier.arrive $0xFFFF  }
0x201: {  	_ =	strace $0x90000047  }
0x202: {  	s0 =	stileid.u32;
	[bflag:$0x2] =	sbarrier.arrive $0xFFFF  }
0x203: {  	p0 =	sne.s32 s0, $0x0;
	s0 =	rddreg [dreg:$0x1]  }
0x204: {  	s0 =	sadd.s32 @!p0 $0x100000, s0  }
0x205: {  	[sflag:s0] =	ssyncadd.tile.s32 @!p0 $0x1;
	_ =	shalt  }
.Lfunc_end2:
_tile_overlayer_lowered:
.L_overlay_start_2:
0x206: {  	(tag) =	ssettag $0x2  }
0x207: {  	s0 =	rddreg [dreg:$0x0];
	s2 =	stileid.u32  }
0x208: {  	s1 =	rddreg [dreg:$0x1];
	p0 =	sne.s32 s2, $0x0  }
0x209: {  	s3 =	rddreg [dreg:$0x2];
	[bflag:$0x3] =	sbarrier.arrive $0xFFFF;
	s2 =	simm.s32 @!p0 $0x1C02  }
0x20a: {  	[timem:s3], [sflag:s2] =	dma.local @!p0 [hbm:s0], s1  }
0x20b: {  	s0 =	simm.s32 @!p0 $0x2  }
0x20c: {  	_ =	swait.ge @!p0 [sflag:s0], s1  }
0x20d: {  	s1 =	ssub.s32 @!p0 $0x0, s1;
	[sflag:s0] =	ssyncset.done @!p0 $0x0  }
0x20e: {  	[sflag:s0] =	ssyncadd.s32 @!p0 s1  }
0x20f: {  	[bflag:$0x3] =	sbarrier.arrive $0xFFFF  }
0x210: {  	_ =	shalt  }

</sc_bundles>
